<compile_context>
chip_gen: v7x
topology: tpu7x:2x2x1
jax: 0.10.2.dev20260603
libtpu: 0.0.44.dev20260713+nightly
codegen_flags: <defaults>
</compile_context>

<pallas_src>
import functools

import jax
import jax.numpy as jnp
from jax import lax
from jax.experimental import pallas as pl
from jax.experimental.pallas import tpu as pltpu
from jax.experimental.pallas import tpu_sc as plsc

_L = 16
_C = 16
_NW = 32


def _sc_body(x_hbm, g_hbm, w_hbm, m_hbm, y_hbm, out_hbm,
             xbuf0, xbuf1, gbuf0, gbuf1, wtab, mtab, ytab,
             sem_tab, sem_in0, sem_in1, sem_out0, sem_out1):
    xbufs = (xbuf0, xbuf1)
    gbufs = (gbuf0, gbuf1)
    wid = lax.axis_index("s") * 2 + lax.axis_index("c")
    n_rows = x_hbm.shape[0]
    rows_per_w = n_rows // _NW
    s_len = n_rows // 4
    base = wid * rows_per_w
    s0 = base % s_len
    n_chunks = rows_per_w // _C

    wn = w_hbm.shape[0]
    mn = m_hbm.shape[0]
    yn = y_hbm.shape[0]
    d_g = g_hbm.shape[1]

    sems_in = (sem_in0, sem_in1)
    sems_out = (sem_out0, sem_out1)

    cw = pltpu.async_copy(w_hbm, wtab, sem_tab)
    cm = pltpu.async_copy(m_hbm, mtab, sem_tab)
    cy = pltpu.async_copy(y_hbm, ytab, sem_tab)

    def issue_in(g, sl):
        row0 = base + g * _C
        sb = s0 + g * _C
        sem = sems_in[sl]
        pltpu.async_copy(x_hbm.at[pl.ds(row0, _C)], xbufs[sl], sem)
        pltpu.async_copy(g_hbm.at[pl.ds(sb, _C)], gbufs[sl], sem)

    def wait_in(sl):
        sem = sems_in[sl]
        pltpu.make_async_copy(x_hbm.at[pl.ds(0, _C)], xbufs[sl], sem).wait()
        pltpu.make_async_copy(g_hbm.at[pl.ds(0, _C)], gbufs[sl], sem).wait()

    def wait_out(sl):
        pltpu.make_async_copy(
            xbufs[sl], out_hbm.at[pl.ds(0, _C)], sems_out[sl]
        ).wait()

    def compute(sl, sb):
        @plsc.parallel_loop(0, _C)
        def row(j):
            s = sb + j
            widx = s % wn
            midx = s % mn
            yidx = s % yn
            for k in range(d_g // _L):
                c = pl.ds(k * _L, _L)
                xbufs[sl][j, pl.ds(0 * d_g + k * _L, _L)] = (
                    xbufs[sl][j, pl.ds(0 * d_g + k * _L, _L)] + gbufs[sl][j, c]
                )
                xbufs[sl][j, pl.ds(1 * d_g + k * _L, _L)] = (
                    xbufs[sl][j, pl.ds(1 * d_g + k * _L, _L)] + wtab[widx, c]
                )
                xbufs[sl][j, pl.ds(2 * d_g + k * _L, _L)] = (
                    xbufs[sl][j, pl.ds(2 * d_g + k * _L, _L)] + mtab[midx, c]
                )
                xbufs[sl][j, pl.ds(3 * d_g + k * _L, _L)] = (
                    xbufs[sl][j, pl.ds(3 * d_g + k * _L, _L)] + ytab[yidx, c]
                )

    issue_in(0, 0)
    cw.wait()
    cm.wait()
    cy.wait()

    def pair(p, _):
        for sl in (0, 1):
            g = 2 * p + sl
            nxt = g + 1
            nsl = 1 - sl

            @pl.when(jnp.logical_and(nxt < n_chunks, nxt >= 2))
            def _():
                wait_out(nsl)

            @pl.when(nxt < n_chunks)
            def _():
                issue_in(nxt, nsl)

            wait_in(sl)
            compute(sl, s0 + g * _C)
            pltpu.async_copy(
                xbufs[sl], out_hbm.at[pl.ds(base + g * _C, _C)], sems_out[sl]
            )
        return 0

    lax.fori_loop(0, n_chunks // 2, pair, 0, unroll=False)
    wait_out(0)
    wait_out(1)


@jax.jit
def kernel(x, global_pe, week_pe, month_pe, year_pe):
    B, S, D = x.shape
    d_g = global_pe.shape[1]
    x2 = x.reshape(B * S, D)
    mesh = plsc.VectorSubcoreMesh(core_axis_name="c", subcore_axis_name="s")
    k = functools.partial(
        pl.kernel,
        mesh=mesh,
        out_type=jax.ShapeDtypeStruct((B * S, D), jnp.float32),
        scratch_types=[
            pltpu.VMEM((_C, D), jnp.float32),
            pltpu.VMEM((_C, D), jnp.float32),
            pltpu.VMEM((_C, d_g), jnp.float32),
            pltpu.VMEM((_C, d_g), jnp.float32),
            pltpu.VMEM(week_pe.shape, jnp.float32),
            pltpu.VMEM(month_pe.shape, jnp.float32),
            pltpu.VMEM(year_pe.shape, jnp.float32),
            pltpu.SemaphoreType.DMA,
            pltpu.SemaphoreType.DMA,
            pltpu.SemaphoreType.DMA,
            pltpu.SemaphoreType.DMA,
            pltpu.SemaphoreType.DMA,
        ],
    )(_sc_body)
    out = k(x2, global_pe, week_pe, month_pe, year_pe)
    return out.reshape(B, S, D)

# --- scband reference (transcript-rebuilt; emitter-appended) ---
"""Pipeline reference for scband-learned-cyclic-positional-encoding-13451837571201 (READ-ONLY COPY).

The authoritative reference and input builder live on the scoring server;
editing this copy changes nothing except your own understanding.
"""

import jax, jax.numpy as jnp
import numpy as np

B, S, D = 4, 4096, 1024
MAX_LEN, WEEK, MONTH, YEAR = 5000, 5, 25, 252
D_PART = D // 4
D_GLOBAL = D - 3 * D_PART


def setup_inputs(seed: int = 0) -> dict:
    key = jax.random.key(seed)
    ks = jax.random.split(key, 5)
    x = jax.random.normal(ks[0], (B, S, D), dtype=jnp.float32)
    global_pe = jax.random.uniform(ks[1], (MAX_LEN, D_GLOBAL), minval=-0.1, maxval=0.1, dtype=jnp.float32)
    week_pe = jax.random.uniform(ks[2], (WEEK, D_PART), minval=-0.1, maxval=0.1, dtype=jnp.float32)
    month_pe = jax.random.uniform(ks[3], (MONTH, D_PART), minval=-0.1, maxval=0.1, dtype=jnp.float32)
    year_pe = jax.random.uniform(ks[4], (YEAR, D_PART), minval=-0.1, maxval=0.1, dtype=jnp.float32)
    return {"x": x, "global_pe": global_pe, "week_pe": week_pe, "month_pe": month_pe, "year_pe": year_pe}


def reference(x, global_pe, week_pe, month_pe, year_pe):
    b, s, d = x.shape
    pos = jnp.arange(s)
    global_emb = jnp.take(global_pe, pos, axis=0)
    week_emb = jnp.take(week_pe, pos % week_pe.shape[0], axis=0)
    month_emb = jnp.take(month_pe, pos % month_pe.shape[0], axis=0)
    year_emb = jnp.take(year_pe, pos % year_pe.shape[0], axis=0)
    pe_total = jnp.concatenate([global_emb, week_emb, month_emb, year_emb], axis=-1)
    pe_total = jnp.broadcast_to(pe_total[None, :, :], (b, s, d))
    # dropout in eval mode is identity
    return x + pe_total

if __name__ == "__main__":
    import jax
    _d = setup_inputs()
    print(jax.jit(kernel)(*tuple(_d.values())))

</pallas_src>

<mosaic_0001>
#map = affine_map<(d0, d1) -> (0, 0)>
module attributes {stable_mosaic.version = 14 : i64} {
  func.func @_sc_body(%arg0: i32, %arg1: i32, %arg2: memref<16384x1024xf32, #tpu.memory_space<hbm>>, %arg3: memref<5000x256xf32, #tpu.memory_space<hbm>>, %arg4: memref<5x256xf32, #tpu.memory_space<hbm>>, %arg5: memref<25x256xf32, #tpu.memory_space<hbm>>, %arg6: memref<252x256xf32, #tpu.memory_space<hbm>>, %arg7: memref<16384x1024xf32, #tpu.memory_space<hbm>>, %arg8: memref<16x1024xf32, #tpu.memory_space<vmem>>, %arg9: memref<16x1024xf32, #tpu.memory_space<vmem>>, %arg10: memref<16x256xf32, #tpu.memory_space<vmem>>, %arg11: memref<16x256xf32, #tpu.memory_space<vmem>>, %arg12: memref<5x256xf32, #tpu.memory_space<vmem>>, %arg13: memref<25x256xf32, #tpu.memory_space<vmem>>, %arg14: memref<252x256xf32, #tpu.memory_space<vmem>>, %arg15: memref<!tpu.dma_semaphore, #tpu.memory_space<semaphore_mem>>, %arg16: memref<!tpu.dma_semaphore, #tpu.memory_space<semaphore_mem>>, %arg17: memref<!tpu.dma_semaphore, #tpu.memory_space<semaphore_mem>>, %arg18: memref<!tpu.dma_semaphore, #tpu.memory_space<semaphore_mem>>, %arg19: memref<!tpu.dma_semaphore, #tpu.memory_space<semaphore_mem>>) attributes {dimension_semantics = [#tpu.dimension_semantics<core_parallel>, #tpu.dimension_semantics<subcore_parallel>], iteration_bounds = array<i64: 2, 16>, scalar_prefetch = 0 : i64, scratch_operands = 12 : i64, tpu.core_type = #tpu.core_type<sc_vector_subcore>, window_params = [{transform_indices = #map}, {transform_indices = #map}, {transform_indices = #map}, {transform_indices = #map}, {transform_indices = #map}, {transform_indices = #map}]} {
    %mul3A = arith.constant 2 : i32
    %mul3A_0 = arith.muli %arg1, %mul3A : i32
    %add3A = arith.addi %mul3A_0, %arg0 : i32
    %mul3A_1 = arith.constant 512 : i32
    %mul3A_2 = arith.muli %add3A, %mul3A_1 : i32
    %jit3A = arith.constant 4096 : i32
    %eq3A = arith.constant 0 : i32
    %eq3A_3 = arith.cmpi eq, %jit3A, %eq3A : i32
    %jit3A_4 = arith.constant 1 : i32
    %select_n3A = arith.select %eq3A_3, %jit3A_4, %jit3A : i32
    %rem3A = arith.remsi %mul3A_2, %select_n3A : i32
    %ne3A = arith.constant 0 : i32
    %ne3A_5 = arith.cmpi ne, %rem3A, %ne3A : i32
    %lt3A = arith.constant 0 : i32
    %lt3A_6 = arith.cmpi slt, %rem3A, %lt3A : i32
    %lt3A_7 = arith.constant 0 : i32
    %lt3A_8 = arith.cmpi slt, %select_n3A, %lt3A_7 : i32
    %ne3A_9 = arith.xori %lt3A_6, %lt3A_8 : i1
    %and3A = arith.andi %ne3A_9, %ne3A_5 : i1
    %add3A_10 = arith.addi %rem3A, %select_n3A : i32
    %select_n3A_11 = arith.select %and3A, %add3A_10, %rem3A : i32
    tpu.enqueue_dma source(%arg4 : memref<5x256xf32, #tpu.memory_space<hbm>>) target(%arg12 : memref<5x256xf32, #tpu.memory_space<vmem>>) target_semaphore(%arg15 : memref<!tpu.dma_semaphore, #tpu.memory_space<semaphore_mem>>)
    tpu.enqueue_dma source(%arg5 : memref<25x256xf32, #tpu.memory_space<hbm>>) target(%arg13 : memref<25x256xf32, #tpu.memory_space<vmem>>) target_semaphore(%arg15 : memref<!tpu.dma_semaphore, #tpu.memory_space<semaphore_mem>>)
    tpu.enqueue_dma source(%arg6 : memref<252x256xf32, #tpu.memory_space<hbm>>) target(%arg14 : memref<252x256xf32, #tpu.memory_space<vmem>>) target_semaphore(%arg15 : memref<!tpu.dma_semaphore, #tpu.memory_space<semaphore_mem>>)
    %add3A_12 = arith.constant 0 : i32
    %add3A_13 = arith.addi %mul3A_2, %add3A_12 : i32
    %add3A_14 = arith.constant 0 : i32
    %add3A_15 = arith.addi %select_n3A_11, %add3A_14 : i32
    %dma_start3A = arith.constant 0 : i32
    %dma_start3A_16 = tpu.memref_slice %arg2[%add3A_13, %dma_start3A] : memref<16384x1024xf32, #tpu.memory_space<hbm>> -> memref<16x1024xf32, #tpu.memory_space<hbm>>
    %dma_start3A_17 = arith.constant 0 : i32
    %dma_start3A_18 = tpu.memref_slice %arg2[%add3A_13, %dma_start3A_17] : memref<16384x1024xf32, #tpu.memory_space<hbm>> -> memref<16x1024xf32, #tpu.memory_space<hbm>>
    tpu.enqueue_dma source(%dma_start3A_18 : memref<16x1024xf32, #tpu.memory_space<hbm>>) target(%arg8 : memref<16x1024xf32, #tpu.memory_space<vmem>>) target_semaphore(%arg16 : memref<!tpu.dma_semaphore, #tpu.memory_space<semaphore_mem>>)
    %dma_start3A_19 = arith.constant 0 : i32
    %dma_start3A_20 = tpu.memref_slice %arg3[%add3A_15, %dma_start3A_19] : memref<5000x256xf32, #tpu.memory_space<hbm>> -> memref<16x256xf32, #tpu.memory_space<hbm>>
    %dma_start3A_21 = arith.constant 0 : i32
    %dma_start3A_22 = tpu.memref_slice %arg3[%add3A_15, %dma_start3A_21] : memref<5000x256xf32, #tpu.memory_space<hbm>> -> memref<16x256xf32, #tpu.memory_space<hbm>>
    tpu.enqueue_dma source(%dma_start3A_22 : memref<16x256xf32, #tpu.memory_space<hbm>>) target(%arg10 : memref<16x256xf32, #tpu.memory_space<vmem>>) target_semaphore(%arg16 : memref<!tpu.dma_semaphore, #tpu.memory_space<semaphore_mem>>)
    tpu.wait_dma2 semaphore(%arg15 : memref<!tpu.dma_semaphore, #tpu.memory_space<semaphore_mem>>) src(%arg4 : memref<5x256xf32, #tpu.memory_space<hbm>>) dst(%arg12 : memref<5x256xf32, #tpu.memory_space<vmem>>)
    tpu.wait_dma2 semaphore(%arg15 : memref<!tpu.dma_semaphore, #tpu.memory_space<semaphore_mem>>) src(%arg5 : memref<25x256xf32, #tpu.memory_space<hbm>>) dst(%arg13 : memref<25x256xf32, #tpu.memory_space<vmem>>)
    tpu.wait_dma2 semaphore(%arg15 : memref<!tpu.dma_semaphore, #tpu.memory_space<semaphore_mem>>) src(%arg6 : memref<252x256xf32, #tpu.memory_space<hbm>>) dst(%arg14 : memref<252x256xf32, #tpu.memory_space<vmem>>)
    %scan3A = arith.constant 0 : i32
    %scan3A_23 = arith.constant 0 : i32
    %scan3A_24 = arith.constant 16 : i32
    %scan3A_25 = arith.addi %scan3A_23, %scan3A_24 : i32
    %scan3A_26 = arith.constant 1 : i32
    %scan3A_27 = scf.for %scan3A_40 = %scan3A_23 to %scan3A_25 step %scan3A_26 iter_args(%scan3A_41 = %scan3A) -> (i32)  : i32 {
      %mul3A_42 = arith.constant 2 : i32
      %mul3A_43 = arith.muli %mul3A_42, %scan3A_40 : i32
      %add3A_44 = arith.constant 0 : i32
      %add3A_45 = arith.addi %mul3A_43, %add3A_44 : i32
      %add3A_46 = arith.constant 1 : i32
      %add3A_47 = arith.addi %add3A_45, %add3A_46 : i32
      %lt3A_48 = arith.constant 32 : i32
      %lt3A_49 = arith.cmpi slt, %add3A_47, %lt3A_48 : i32
      %ge3A = arith.constant 2 : i32
      %ge3A_50 = arith.cmpi sge, %add3A_47, %ge3A : i32
      %and3A_51 = arith.andi %lt3A_49, %ge3A_50 : i1
      %convert_element_type3A = arith.extui %and3A_51 : i1 to i32
      %cond3A = arith.constant 0 : i32
      %cond3A_52 = arith.cmpi ne, %convert_element_type3A, %cond3A : i32
      scf.if %cond3A_52 {
        %dma_wait3A_127 = arith.constant 0 : i32
        %dma_wait3A_128 = arith.constant 0 : i32
        %dma_wait3A_129 = tpu.memref_slice %arg7[%dma_wait3A_127, %dma_wait3A_128] : memref<16384x1024xf32, #tpu.memory_space<hbm>> -> memref<16x1024xf32, #tpu.memory_space<hbm>>
        %dma_wait3A_130 = arith.constant 0 : i32
        %dma_wait3A_131 = arith.constant 0 : i32
        %dma_wait3A_132 = tpu.memref_slice %arg7[%dma_wait3A_130, %dma_wait3A_131] : memref<16384x1024xf32, #tpu.memory_space<hbm>> -> memref<16x1024xf32, #tpu.memory_space<hbm>>
        tpu.wait_dma2 semaphore(%arg19 : memref<!tpu.dma_semaphore, #tpu.memory_space<semaphore_mem>>) src(%arg9 : memref<16x1024xf32, #tpu.memory_space<vmem>>) dst(%dma_wait3A_132 : memref<16x1024xf32, #tpu.memory_space<hbm>>)
      } else {
      }
      %lt3A_53 = arith.constant 32 : i32
      %lt3A_54 = arith.cmpi slt, %add3A_47, %lt3A_53 : i32
      %convert_element_type3A_55 = arith.extui %lt3A_54 : i1 to i32
      %cond3A_56 = arith.constant 0 : i32
      %cond3A_57 = arith.cmpi ne, %convert_element_type3A_55, %cond3A_56 : i32
      scf.if %cond3A_57 {
        %mul3A_127 = arith.constant 16 : i32
        %mul3A_128 = arith.muli %add3A_47, %mul3A_127 : i32
        %add3A_129 = arith.addi %mul3A_2, %mul3A_128 : i32
        %mul3A_130 = arith.constant 16 : i32
        %mul3A_131 = arith.muli %add3A_47, %mul3A_130 : i32
        %add3A_132 = arith.addi %select_n3A_11, %mul3A_131 : i32
        %dma_start3A_133 = arith.constant 0 : i32
        %dma_start3A_134 = tpu.memref_slice %arg2[%add3A_129, %dma_start3A_133] : memref<16384x1024xf32, #tpu.memory_space<hbm>> -> memref<16x1024xf32, #tpu.memory_space<hbm>>
        %dma_start3A_135 = arith.constant 0 : i32
        %dma_start3A_136 = tpu.memref_slice %arg2[%add3A_129, %dma_start3A_135] : memref<16384x1024xf32, #tpu.memory_space<hbm>> -> memref<16x1024xf32, #tpu.memory_space<hbm>>
        tpu.enqueue_dma source(%dma_start3A_136 : memref<16x1024xf32, #tpu.memory_space<hbm>>) target(%arg9 : memref<16x1024xf32, #tpu.memory_space<vmem>>) target_semaphore(%arg17 : memref<!tpu.dma_semaphore, #tpu.memory_space<semaphore_mem>>)
        %dma_start3A_137 = arith.constant 0 : i32
        %dma_start3A_138 = tpu.memref_slice %arg3[%add3A_132, %dma_start3A_137] : memref<5000x256xf32, #tpu.memory_space<hbm>> -> memref<16x256xf32, #tpu.memory_space<hbm>>
        %dma_start3A_139 = arith.constant 0 : i32
        %dma_start3A_140 = tpu.memref_slice %arg3[%add3A_132, %dma_start3A_139] : memref<5000x256xf32, #tpu.memory_space<hbm>> -> memref<16x256xf32, #tpu.memory_space<hbm>>
        tpu.enqueue_dma source(%dma_start3A_140 : memref<16x256xf32, #tpu.memory_space<hbm>>) target(%arg11 : memref<16x256xf32, #tpu.memory_space<vmem>>) target_semaphore(%arg17 : memref<!tpu.dma_semaphore, #tpu.memory_space<semaphore_mem>>)
      } else {
      }
      %dma_wait3A_58 = arith.constant 0 : i32
      %dma_wait3A_59 = arith.constant 0 : i32
      %dma_wait3A_60 = tpu.memref_slice %arg2[%dma_wait3A_58, %dma_wait3A_59] : memref<16384x1024xf32, #tpu.memory_space<hbm>> -> memref<16x1024xf32, #tpu.memory_space<hbm>>
      %dma_wait3A_61 = arith.constant 0 : i32
      %dma_wait3A_62 = arith.constant 0 : i32
      %dma_wait3A_63 = tpu.memref_slice %arg2[%dma_wait3A_61, %dma_wait3A_62] : memref<16384x1024xf32, #tpu.memory_space<hbm>> -> memref<16x1024xf32, #tpu.memory_space<hbm>>
      tpu.wait_dma2 semaphore(%arg16 : memref<!tpu.dma_semaphore, #tpu.memory_space<semaphore_mem>>) src(%dma_wait3A_63 : memref<16x1024xf32, #tpu.memory_space<hbm>>) dst(%arg8 : memref<16x1024xf32, #tpu.memory_space<vmem>>)
      %dma_wait3A_64 = arith.constant 0 : i32
      %dma_wait3A_65 = arith.constant 0 : i32
      %dma_wait3A_66 = tpu.memref_slice %arg3[%dma_wait3A_64, %dma_wait3A_65] : memref<5000x256xf32, #tpu.memory_space<hbm>> -> memref<16x256xf32, #tpu.memory_space<hbm>>
      %dma_wait3A_67 = arith.constant 0 : i32
      %dma_wait3A_68 = arith.constant 0 : i32
      %dma_wait3A_69 = tpu.memref_slice %arg3[%dma_wait3A_67, %dma_wait3A_68] : memref<5000x256xf32, #tpu.memory_space<hbm>> -> memref<16x256xf32, #tpu.memory_space<hbm>>
      tpu.wait_dma2 semaphore(%arg16 : memref<!tpu.dma_semaphore, #tpu.memory_space<semaphore_mem>>) src(%dma_wait3A_69 : memref<16x256xf32, #tpu.memory_space<hbm>>) dst(%arg10 : memref<16x256xf32, #tpu.memory_space<vmem>>)
      %mul3A_70 = arith.constant 16 : i32
      %mul3A_71 = arith.muli %add3A_45, %mul3A_70 : i32
      %add3A_72 = arith.addi %select_n3A_11, %mul3A_71 : i32
      %parallel_loop3A = arith.constant 0 : i32
      %parallel_loop3A_73 = arith.constant 16 : i32
      %parallel_loop3A_74 = arith.constant 1 : i32
      scf.for %parallel_loop3A_127 = %parallel_loop3A to %parallel_loop3A_73 step %parallel_loop3A_74  : i32 {
        %parallel_loop3A_128 = arith.addi %add3A_72, %parallel_loop3A_127 : i32
        %parallel_loop3A_129 = arith.constant 5 : i32
        %parallel_loop3A_130 = arith.constant 0 : i32
        %parallel_loop3A_131 = arith.cmpi eq, %parallel_loop3A_129, %parallel_loop3A_130 : i32
        %parallel_loop3A_132 = arith.constant 1 : i32
        %parallel_loop3A_133 = arith.select %parallel_loop3A_131, %parallel_loop3A_132, %parallel_loop3A_129 : i32
        %parallel_loop3A_134 = arith.remsi %parallel_loop3A_128, %parallel_loop3A_133 : i32
        %parallel_loop3A_135 = arith.constant 0 : i32
        %parallel_loop3A_136 = arith.cmpi ne, %parallel_loop3A_134, %parallel_loop3A_135 : i32
        %parallel_loop3A_137 = arith.constant 0 : i32
        %parallel_loop3A_138 = arith.cmpi slt, %parallel_loop3A_134, %parallel_loop3A_137 : i32
        %parallel_loop3A_139 = arith.constant 0 : i32
        %parallel_loop3A_140 = arith.cmpi slt, %parallel_loop3A_133, %parallel_loop3A_139 : i32
        %parallel_loop3A_141 = arith.xori %parallel_loop3A_138, %parallel_loop3A_140 : i1
        %parallel_loop3A_142 = arith.andi %parallel_loop3A_141, %parallel_loop3A_136 : i1
        %parallel_loop3A_143 = arith.addi %parallel_loop3A_134, %parallel_loop3A_133 : i32
        %parallel_loop3A_144 = arith.select %parallel_loop3A_142, %parallel_loop3A_143, %parallel_loop3A_134 : i32
        %parallel_loop3A_145 = arith.constant 25 : i32
        %parallel_loop3A_146 = arith.constant 0 : i32
        %parallel_loop3A_147 = arith.cmpi eq, %parallel_loop3A_145, %parallel_loop3A_146 : i32
        %parallel_loop3A_148 = arith.constant 1 : i32
        %parallel_loop3A_149 = arith.select %parallel_loop3A_147, %parallel_loop3A_148, %parallel_loop3A_145 : i32
        %parallel_loop3A_150 = arith.remsi %parallel_loop3A_128, %parallel_loop3A_149 : i32
        %parallel_loop3A_151 = arith.constant 0 : i32
        %parallel_loop3A_152 = arith.cmpi ne, %parallel_loop3A_150, %parallel_loop3A_151 : i32
        %parallel_loop3A_153 = arith.constant 0 : i32
        %parallel_loop3A_154 = arith.cmpi slt, %parallel_loop3A_150, %parallel_loop3A_153 : i32
        %parallel_loop3A_155 = arith.constant 0 : i32
        %parallel_loop3A_156 = arith.cmpi slt, %parallel_loop3A_149, %parallel_loop3A_155 : i32
        %parallel_loop3A_157 = arith.xori %parallel_loop3A_154, %parallel_loop3A_156 : i1
        %parallel_loop3A_158 = arith.andi %parallel_loop3A_157, %parallel_loop3A_152 : i1
        %parallel_loop3A_159 = arith.addi %parallel_loop3A_150, %parallel_loop3A_149 : i32
        %parallel_loop3A_160 = arith.select %parallel_loop3A_158, %parallel_loop3A_159, %parallel_loop3A_150 : i32
        %parallel_loop3A_161 = arith.constant 252 : i32
        %parallel_loop3A_162 = arith.constant 0 : i32
        %parallel_loop3A_163 = arith.cmpi eq, %parallel_loop3A_161, %parallel_loop3A_162 : i32
        %parallel_loop3A_164 = arith.constant 1 : i32
        %parallel_loop3A_165 = arith.select %parallel_loop3A_163, %parallel_loop3A_164, %parallel_loop3A_161 : i32
        %parallel_loop3A_166 = arith.remsi %parallel_loop3A_128, %parallel_loop3A_165 : i32
        %parallel_loop3A_167 = arith.constant 0 : i32
        %parallel_loop3A_168 = arith.cmpi ne, %parallel_loop3A_166, %parallel_loop3A_167 : i32
        %parallel_loop3A_169 = arith.constant 0 : i32
        %parallel_loop3A_170 = arith.cmpi slt, %parallel_loop3A_166, %parallel_loop3A_169 : i32
        %parallel_loop3A_171 = arith.constant 0 : i32
        %parallel_loop3A_172 = arith.cmpi slt, %parallel_loop3A_165, %parallel_loop3A_171 : i32
        %parallel_loop3A_173 = arith.xori %parallel_loop3A_170, %parallel_loop3A_172 : i1
        %parallel_loop3A_174 = arith.andi %parallel_loop3A_173, %parallel_loop3A_168 : i1
        %parallel_loop3A_175 = arith.addi %parallel_loop3A_166, %parallel_loop3A_165 : i32
        %parallel_loop3A_176 = arith.select %parallel_loop3A_174, %parallel_loop3A_175, %parallel_loop3A_166 : i32
        %parallel_loop3A_177 = arith.index_cast %parallel_loop3A_127 : i32 to index
        %parallel_loop3A_178 = arith.constant 0 : index
        %parallel_loop3A_179 = tpu.vector_load %arg8[%parallel_loop3A_177, %parallel_loop3A_178] {strides = array<i32>} : memref<16x1024xf32, #tpu.memory_space<vmem>>, vector<1x16xf32>,
        %parallel_loop3A_180 = vector.shape_cast %parallel_loop3A_179 : vector<1x16xf32> to vector<16xf32>
        %parallel_loop3A_181 = arith.index_cast %parallel_loop3A_127 : i32 to index
        %parallel_loop3A_182 = arith.constant 0 : index
        %parallel_loop3A_183 = tpu.vector_load %arg10[%parallel_loop3A_181, %parallel_loop3A_182] {strides = array<i32>} : memref<16x256xf32, #tpu.memory_space<vmem>>, vector<1x16xf32>,
        %parallel_loop3A_184 = vector.shape_cast %parallel_loop3A_183 : vector<1x16xf32> to vector<16xf32>
        %parallel_loop3A_185 = arith.addf %parallel_loop3A_180, %parallel_loop3A_184 : vector<16xf32>
        %parallel_loop3A_186 = arith.index_cast %parallel_loop3A_127 : i32 to index
        %parallel_loop3A_187 = arith.constant 0 : index
        %parallel_loop3A_188 = tpu.vector_load %arg8[%parallel_loop3A_186, %parallel_loop3A_187] {strides = array<i32>} : memref<16x1024xf32, #tpu.memory_space<vmem>>, vector<1x16xf32>,
        %parallel_loop3A_189 = vector.shape_cast %parallel_loop3A_188 : vector<1x16xf32> to vector<16xf32>
        %parallel_loop3A_190 = vector.shape_cast %parallel_loop3A_185 : vector<16xf32> to vector<1x16xf32>
        tpu.vector_store %arg8[%parallel_loop3A_186, %parallel_loop3A_187], %parallel_loop3A_190 {strides = array<i32>} : memref<16x1024xf32, #tpu.memory_space<vmem>>, vector<1x16xf32>,
        %parallel_loop3A_191 = arith.index_cast %parallel_loop3A_127 : i32 to index
        %parallel_loop3A_192 = arith.constant 256 : index
        %parallel_loop3A_193 = tpu.vector_load %arg8[%parallel_loop3A_191, %parallel_loop3A_192] {strides = array<i32>} : memref<16x1024xf32, #tpu.memory_space<vmem>>, vector<1x16xf32>,
        %parallel_loop3A_194 = vector.shape_cast %parallel_loop3A_193 : vector<1x16xf32> to vector<16xf32>
        %parallel_loop3A_195 = arith.index_cast %parallel_loop3A_144 : i32 to index
        %parallel_loop3A_196 = arith.constant 0 : index
        %parallel_loop3A_197 = tpu.vector_load %arg12[%parallel_loop3A_195, %parallel_loop3A_196] {strides = array<i32>} : memref<5x256xf32, #tpu.memory_space<vmem>>, vector<1x16xf32>,
        %parallel_loop3A_198 = vector.shape_cast %parallel_loop3A_197 : vector<1x16xf32> to vector<16xf32>
        %parallel_loop3A_199 = arith.addf %parallel_loop3A_194, %parallel_loop3A_198 : vector<16xf32>
        %parallel_loop3A_200 = arith.index_cast %parallel_loop3A_127 : i32 to index
        %parallel_loop3A_201 = arith.constant 256 : index
        %parallel_loop3A_202 = tpu.vector_load %arg8[%parallel_loop3A_200, %parallel_loop3A_201] {strides = array<i32>} : memref<16x1024xf32, #tpu.memory_space<vmem>>, vector<1x16xf32>,
        %parallel_loop3A_203 = vector.shape_cast %parallel_loop3A_202 : vector<1x16xf32> to vector<16xf32>
        %parallel_loop3A_204 = vector.shape_cast %parallel_loop3A_199 : vector<16xf32> to vector<1x16xf32>
        tpu.vector_store %arg8[%parallel_loop3A_200, %parallel_loop3A_201], %parallel_loop3A_204 {strides = array<i32>} : memref<16x1024xf32, #tpu.memory_space<vmem>>, vector<1x16xf32>,
        %parallel_loop3A_205 = arith.index_cast %parallel_loop3A_127 : i32 to index
        %parallel_loop3A_206 = arith.constant 512 : index
        %parallel_loop3A_207 = tpu.vector_load %arg8[%parallel_loop3A_205, %parallel_loop3A_206] {strides = array<i32>} : memref<16x1024xf32, #tpu.memory_space<vmem>>, vector<1x16xf32>,
        %parallel_loop3A_208 = vector.shape_cast %parallel_loop3A_207 : vector<1x16xf32> to vector<16xf32>
        %parallel_loop3A_209 = arith.index_cast %parallel_loop3A_160 : i32 to index
        %parallel_loop3A_210 = arith.constant 0 : index
        %parallel_loop3A_211 = tpu.vector_load %arg13[%parallel_loop3A_209, %parallel_loop3A_210] {strides = array<i32>} : memref<25x256xf32, #tpu.memory_space<vmem>>, vector<1x16xf32>,
        %parallel_loop3A_212 = vector.shape_cast %parallel_loop3A_211 : vector<1x16xf32> to vector<16xf32>
        %parallel_loop3A_213 = arith.addf %parallel_loop3A_208, %parallel_loop3A_212 : vector<16xf32>
        %parallel_loop3A_214 = arith.index_cast %parallel_loop3A_127 : i32 to index
        %parallel_loop3A_215 = arith.constant 512 : index
        %parallel_loop3A_216 = tpu.vector_load %arg8[%parallel_loop3A_214, %parallel_loop3A_215] {strides = array<i32>} : memref<16x1024xf32, #tpu.memory_space<vmem>>, vector<1x16xf32>,
        %parallel_loop3A_217 = vector.shape_cast %parallel_loop3A_216 : vector<1x16xf32> to vector<16xf32>
        %parallel_loop3A_218 = vector.shape_cast %parallel_loop3A_213 : vector<16xf32> to vector<1x16xf32>
        tpu.vector_store %arg8[%parallel_loop3A_214, %parallel_loop3A_215], %parallel_loop3A_218 {strides = array<i32>} : memref<16x1024xf32, #tpu.memory_space<vmem>>, vector<1x16xf32>,
        %parallel_loop3A_219 = arith.index_cast %parallel_loop3A_127 : i32 to index
        %parallel_loop3A_220 = arith.constant 768 : index
        %parallel_loop3A_221 = tpu.vector_load %arg8[%parallel_loop3A_219, %parallel_loop3A_220] {strides = array<i32>} : memref<16x1024xf32, #tpu.memory_space<vmem>>, vector<1x16xf32>,
        %parallel_loop3A_222 = vector.shape_cast %parallel_loop3A_221 : vector<1x16xf32> to vector<16xf32>
        %parallel_loop3A_223 = arith.index_cast %parallel_loop3A_176 : i32 to index
        %parallel_loop3A_224 = arith.constant 0 : index
        %parallel_loop3A_225 = tpu.vector_load %arg14[%parallel_loop3A_223, %parallel_loop3A_224] {strides = array<i32>} : memref<252x256xf32, #tpu.memory_space<vmem>>, vector<1x16xf32>,
        %parallel_loop3A_226 = vector.shape_cast %parallel_loop3A_225 : vector<1x16xf32> to vector<16xf32>
        %parallel_loop3A_227 = arith.addf %parallel_loop3A_222, %parallel_loop3A_226 : vector<16xf32>
        %parallel_loop3A_228 = arith.index_cast %parallel_loop3A_127 : i32 to index
        %parallel_loop3A_229 = arith.constant 768 : index
        %parallel_loop3A_230 = tpu.vector_load %arg8[%parallel_loop3A_228, %parallel_loop3A_229] {strides = array<i32>} : memref<16x1024xf32, #tpu.memory_space<vmem>>, vector<1x16xf32>,
        %parallel_loop3A_231 = vector.shape_cast %parallel_loop3A_230 : vector<1x16xf32> to vector<16xf32>
        %parallel_loop3A_232 = vector.shape_cast %parallel_loop3A_227 : vector<16xf32> to vector<1x16xf32>
        tpu.vector_store %arg8[%parallel_loop3A_228, %parallel_loop3A_229], %parallel_loop3A_232 {strides = array<i32>} : memref<16x1024xf32, #tpu.memory_space<vmem>>, vector<1x16xf32>,
        %parallel_loop3A_233 = arith.index_cast %parallel_loop3A_127 : i32 to index
        %parallel_loop3A_234 = arith.constant 16 : index
        %parallel_loop3A_235 = tpu.vector_load %arg8[%parallel_loop3A_233, %parallel_loop3A_234] {strides = array<i32>} : memref<16x1024xf32, #tpu.memory_space<vmem>>, vector<1x16xf32>,
        %parallel_loop3A_236 = vector.shape_cast %parallel_loop3A_235 : vector<1x16xf32> to vector<16xf32>
        %parallel_loop3A_237 = arith.index_cast %parallel_loop3A_127 : i32 to index
        %parallel_loop3A_238 = arith.constant 16 : index
        %parallel_loop3A_239 = tpu.vector_load %arg10[%parallel_loop3A_237, %parallel_loop3A_238] {strides = array<i32>} : memref<16x256xf32, #tpu.memory_space<vmem>>, vector<1x16xf32>,
        %parallel_loop3A_240 = vector.shape_cast %parallel_loop3A_239 : vector<1x16xf32> to vector<16xf32>
        %parallel_loop3A_241 = arith.addf %parallel_loop3A_236, %parallel_loop3A_240 : vector<16xf32>
        %parallel_loop3A_242 = arith.index_cast %parallel_loop3A_127 : i32 to index
        %parallel_loop3A_243 = arith.constant 16 : index
        %parallel_loop3A_244 = tpu.vector_load %arg8[%parallel_loop3A_242, %parallel_loop3A_243] {strides = array<i32>} : memref<16x1024xf32, #tpu.memory_space<vmem>>, vector<1x16xf32>,
        %parallel_loop3A_245 = vector.shape_cast %parallel_loop3A_244 : vector<1x16xf32> to vector<16xf32>
        %parallel_loop3A_246 = vector.shape_cast %parallel_loop3A_241 : vector<16xf32> to vector<1x16xf32>
        tpu.vector_store %arg8[%parallel_loop3A_242, %parallel_loop3A_243], %parallel_loop3A_246 {strides = array<i32>} : memref<16x1024xf32, #tpu.memory_space<vmem>>, vector<1x16xf32>,
        %parallel_loop3A_247 = arith.index_cast %parallel_loop3A_127 : i32 to index
        %parallel_loop3A_248 = arith.constant 272 : index
        %parallel_loop3A_249 = tpu.vector_load %arg8[%parallel_loop3A_247, %parallel_loop3A_248] {strides = array<i32>} : memref<16x1024xf32, #tpu.memory_space<vmem>>, vector<1x16xf32>,
        %parallel_loop3A_250 = vector.shape_cast %parallel_loop3A_249 : vector<1x16xf32> to vector<16xf32>
        %parallel_loop3A_251 = arith.index_cast %parallel_loop3A_144 : i32 to index
        %parallel_loop3A_252 = arith.constant 16 : index
        %parallel_loop3A_253 = tpu.vector_load %arg12[%parallel_loop3A_251, %parallel_loop3A_252] {strides = array<i32>} : memref<5x256xf32, #tpu.memory_space<vmem>>, vector<1x16xf32>,
        %parallel_loop3A_254 = vector.shape_cast %parallel_loop3A_253 : vector<1x16xf32> to vector<16xf32>
        %parallel_loop3A_255 = arith.addf %parallel_loop3A_250, %parallel_loop3A_254 : vector<16xf32>
        %parallel_loop3A_256 = arith.index_cast %parallel_loop3A_127 : i32 to index
        %parallel_loop3A_257 = arith.constant 272 : index
        %parallel_loop3A_258 = tpu.vector_load %arg8[%parallel_loop3A_256, %parallel_loop3A_257] {strides = array<i32>} : memref<16x1024xf32, #tpu.memory_space<vmem>>, vector<1x16xf32>,
        %parallel_loop3A_259 = vector.shape_cast %parallel_loop3A_258 : vector<1x16xf32> to vector<16xf32>
        %parallel_loop3A_260 = vector.shape_cast %parallel_loop3A_255 : vector<16xf32> to vector<1x16xf32>
        tpu.vector_store %arg8[%parallel_loop3A_256, %parallel_loop3A_257], %parallel_loop3A_260 {strides = array<i32>} : memref<16x1024xf32, #tpu.memory_space<vmem>>, vector<1x16xf32>,
        %parallel_loop3A_261 = arith.index_cast %parallel_loop3A_127 : i32 to index
        %parallel_loop3A_262 = arith.constant 528 : index
        %parallel_loop3A_263 = tpu.vector_load %arg8[%parallel_loop3A_261, %parallel_loop3A_262] {strides = array<i32>} : memref<16x1024xf32, #tpu.memory_space<vmem>>, vector<1x16xf32>,
        %parallel_loop3A_264 = vector.shape_cast %parallel_loop3A_263 : vector<1x16xf32> to vector<16xf32>
        %parallel_loop3A_265 = arith.index_cast %parallel_loop3A_160 : i32 to index
        %parallel_loop3A_266 = arith.constant 16 : index
        %parallel_loop3A_267 = tpu.vector_load %arg13[%parallel_loop3A_265, %parallel_loop3A_266] {strides = array<i32>} : memref<25x256xf32, #tpu.memory_space<vmem>>, vector<1x16xf32>,
        %parallel_loop3A_268 = vector.shape_cast %parallel_loop3A_267 : vector<1x16xf32> to vector<16xf32>
        %parallel_loop3A_269 = arith.addf %parallel_loop3A_264, %parallel_loop3A_268 : vector<16xf32>
        %parallel_loop3A_270 = arith.index_cast %parallel_loop3A_127 : i32 to index
        %parallel_loop3A_271 = arith.constant 528 : index
        %parallel_loop3A_272 = tpu.vector_load %arg8[%parallel_loop3A_270, %parallel_loop3A_271] {strides = array<i32>} : memref<16x1024xf32, #tpu.memory_space<vmem>>, vector<1x16xf32>,
        %parallel_loop3A_273 = vector.shape_cast %parallel_loop3A_272 : vector<1x16xf32> to vector<16xf32>
        %parallel_loop3A_274 = vector.shape_cast %parallel_loop3A_269 : vector<16xf32> to vector<1x16xf32>
        tpu.vector_store %arg8[%parallel_loop3A_270, %parallel_loop3A_271], %parallel_loop3A_274 {strides = array<i32>} : memref<16x1024xf32, #tpu.memory_space<vmem>>, vector<1x16xf32>,
        %parallel_loop3A_275 = arith.index_cast %parallel_loop3A_127 : i32 to index
        %parallel_loop3A_276 = arith.constant 784 : index
        %parallel_loop3A_277 = tpu.vector_load %arg8[%parallel_loop3A_275, %parallel_loop3A_276] {strides = array<i32>} : memref<16x1024xf32, #tpu.memory_space<vmem>>, vector<1x16xf32>,
        %parallel_loop3A_278 = vector.shape_cast %parallel_loop3A_277 : vector<1x16xf32> to vector<16xf32>
        %parallel_loop3A_279 = arith.index_cast %parallel_loop3A_176 : i32 to index
        %parallel_loop3A_280 = arith.constant 16 : index
        %parallel_loop3A_281 = tpu.vector_load %arg14[%parallel_loop3A_279, %parallel_loop3A_280] {strides = array<i32>} : memref<252x256xf32, #tpu.memory_space<vmem>>, vector<1x16xf32>,
        %parallel_loop3A_282 = vector.shape_cast %parallel_loop3A_281 : vector<1x16xf32> to vector<16xf32>
        %parallel_loop3A_283 = arith.addf %parallel_loop3A_278, %parallel_loop3A_282 : vector<16xf32>
        %parallel_loop3A_284 = arith.index_cast %parallel_loop3A_127 : i32 to index
        %parallel_loop3A_285 = arith.constant 784 : index
        %parallel_loop3A_286 = tpu.vector_load %arg8[%parallel_loop3A_284, %parallel_loop3A_285] {strides = array<i32>} : memref<16x1024xf32, #tpu.memory_space<vmem>>, vector<1x16xf32>,
        %parallel_loop3A_287 = vector.shape_cast %parallel_loop3A_286 : vector<1x16xf32> to vector<16xf32>
        %parallel_loop3A_288 = vector.shape_cast %parallel_loop3A_283 : vector<16xf32> to vector<1x16xf32>
        tpu.vector_store %arg8[%parallel_loop3A_284, %parallel_loop3A_285], %parallel_loop3A_288 {strides = array<i32>} : memref<16x1024xf32, #tpu.memory_space<vmem>>, vector<1x16xf32>,
        %parallel_loop3A_289 = arith.index_cast %parallel_loop3A_127 : i32 to index
        %parallel_loop3A_290 = arith.constant 32 : index
        %parallel_loop3A_291 = tpu.vector_load %arg8[%parallel_loop3A_289, %parallel_loop3A_290] {strides = array<i32>} : memref<16x1024xf32, #tpu.memory_space<vmem>>, vector<1x16xf32>,
        %parallel_loop3A_292 = vector.shape_cast %parallel_loop3A_291 : vector<1x16xf32> to vector<16xf32>
        %parallel_loop3A_293 = arith.index_cast %parallel_loop3A_127 : i32 to index
        %parallel_loop3A_294 = arith.constant 32 : index
        %parallel_loop3A_295 = tpu.vector_load %arg10[%parallel_loop3A_293, %parallel_loop3A_294] {strides = array<i32>} : memref<16x256xf32, #tpu.memory_space<vmem>>, vector<1x16xf32>,
        %parallel_loop3A_296 = vector.shape_cast %parallel_loop3A_295 : vector<1x16xf32> to vector<16xf32>
        %parallel_loop3A_297 = arith.addf %parallel_loop3A_292, %parallel_loop3A_296 : vector<16xf32>
        %parallel_loop3A_298 = arith.index_cast %parallel_loop3A_127 : i32 to index
        %parallel_loop3A_299 = arith.constant 32 : index
        %parallel_loop3A_300 = tpu.vector_load %arg8[%parallel_loop3A_298, %parallel_loop3A_299] {strides = array<i32>} : memref<16x1024xf32, #tpu.memory_space<vmem>>, vector<1x16xf32>,
        %parallel_loop3A_301 = vector.shape_cast %parallel_loop3A_300 : vector<1x16xf32> to vector<16xf32>
        %parallel_loop3A_302 = vector.shape_cast %parallel_loop3A_297 : vector<16xf32> to vector<1x16xf32>
        tpu.vector_store %arg8[%parallel_loop3A_298, %parallel_loop3A_299], %parallel_loop3A_302 {strides = array<i32>} : memref<16x1024xf32, #tpu.memory_space<vmem>>, vector<1x16xf32>,
        %parallel_loop3A_303 = arith.index_cast %parallel_loop3A_127 : i32 to index
        %parallel_loop3A_304 = arith.constant 288 : index
        %parallel_loop3A_305 = tpu.vector_load %arg8[%parallel_loop3A_303, %parallel_loop3A_304] {strides = array<i32>} : memref<16x1024xf32, #tpu.memory_space<vmem>>, vector<1x16xf32>,
        %parallel_loop3A_306 = vector.shape_cast %parallel_loop3A_305 : vector<1x16xf32> to vector<16xf32>
        %parallel_loop3A_307 = arith.index_cast %parallel_loop3A_144 : i32 to index
        %parallel_loop3A_308 = arith.constant 32 : index
        %parallel_loop3A_309 = tpu.vector_load %arg12[%parallel_loop3A_307, %parallel_loop3A_308] {strides = array<i32>} : memref<5x256xf32, #tpu.memory_space<vmem>>, vector<1x16xf32>,
        %parallel_loop3A_310 = vector.shape_cast %parallel_loop3A_309 : vector<1x16xf32> to vector<16xf32>
        %parallel_loop3A_311 = arith.addf %parallel_loop3A_306, %parallel_loop3A_310 : vector<16xf32>
        %parallel_loop3A_312 = arith.index_cast %parallel_loop3A_127 : i32 to index
        %parallel_loop3A_313 = arith.constant 288 : index
        %parallel_loop3A_314 = tpu.vector_load %arg8[%parallel_loop3A_312, %parallel_loop3A_313] {strides = array<i32>} : memref<16x1024xf32, #tpu.memory_space<vmem>>, vector<1x16xf32>,
        %parallel_loop3A_315 = vector.shape_cast %parallel_loop3A_314 : vector<1x16xf32> to vector<16xf32>
        %parallel_loop3A_316 = vector.shape_cast %parallel_loop3A_311 : vector<16xf32> to vector<1x16xf32>
        tpu.vector_store %arg8[%parallel_loop3A_312, %parallel_loop3A_313], %parallel_loop3A_316 {strides = array<i32>} : memref<16x1024xf32, #tpu.memory_space<vmem>>, vector<1x16xf32>,
        %parallel_loop3A_317 = arith.index_cast %parallel_loop3A_127 : i32 to index
        %parallel_loop3A_318 = arith.constant 544 : index
        %parallel_loop3A_319 = tpu.vector_load %arg8[%parallel_loop3A_317, %parallel_loop3A_318] {strides = array<i32>} : memref<16x1024xf32, #tpu.memory_space<vmem>>, vector<1x16xf32>,
        %parallel_loop3A_320 = vector.shape_cast %parallel_loop3A_319 : vector<1x16xf32> to vector<16xf32>
        %parallel_loop3A_321 = arith.index_cast %parallel_loop3A_160 : i32 to index
        %parallel_loop3A_322 = arith.constant 32 : index
        %parallel_loop3A_323 = tpu.vector_load %arg13[%parallel_loop3A_321, %parallel_loop3A_322] {strides = array<i32>} : memref<25x256xf32, #tpu.memory_space<vmem>>, vector<1x16xf32>,
        %parallel_loop3A_324 = vector.shape_cast %parallel_loop3A_323 : vector<1x16xf32> to vector<16xf32>
        %parallel_loop3A_325 = arith.addf %parallel_loop3A_320, %parallel_loop3A_324 : vector<16xf32>
        %parallel_loop3A_326 = arith.index_cast %parallel_loop3A_127 : i32 to index
        %parallel_loop3A_327 = arith.constant 544 : index
        %parallel_loop3A_328 = tpu.vector_load %arg8[%parallel_loop3A_326, %parallel_loop3A_327] {strides = array<i32>} : memref<16x1024xf32, #tpu.memory_space<vmem>>, vector<1x16xf32>,
        %parallel_loop3A_329 = vector.shape_cast %parallel_loop3A_328 : vector<1x16xf32> to vector<16xf32>
        %parallel_loop3A_330 = vector.shape_cast %parallel_loop3A_325 : vector<16xf32> to vector<1x16xf32>
        tpu.vector_store %arg8[%parallel_loop3A_326, %parallel_loop3A_327], %parallel_loop3A_330 {strides = array<i32>} : memref<16x1024xf32, #tpu.memory_space<vmem>>, vector<1x16xf32>,
        %parallel_loop3A_331 = arith.index_cast %parallel_loop3A_127 : i32 to index
        %parallel_loop3A_332 = arith.constant 800 : index
        %parallel_loop3A_333 = tpu.vector_load %arg8[%parallel_loop3A_331, %parallel_loop3A_332] {strides = array<i32>} : memref<16x1024xf32, #tpu.memory_space<vmem>>, vector<1x16xf32>,
        %parallel_loop3A_334 = vector.shape_cast %parallel_loop3A_333 : vector<1x16xf32> to vector<16xf32>
        %parallel_loop3A_335 = arith.index_cast %parallel_loop3A_176 : i32 to index
        %parallel_loop3A_336 = arith.constant 32 : index
        %parallel_loop3A_337 = tpu.vector_load %arg14[%parallel_loop3A_335, %parallel_loop3A_336] {strides = array<i32>} : memref<252x256xf32, #tpu.memory_space<vmem>>, vector<1x16xf32>,
        %parallel_loop3A_338 = vector.shape_cast %parallel_loop3A_337 : vector<1x16xf32> to vector<16xf32>
        %parallel_loop3A_339 = arith.addf %parallel_loop3A_334, %parallel_loop3A_338 : vector<16xf32>
        %parallel_loop3A_340 = arith.index_cast %parallel_loop3A_127 : i32 to index
        %parallel_loop3A_341 = arith.constant 800 : index
        %parallel_loop3A_342 = tpu.vector_load %arg8[%parallel_loop3A_340, %parallel_loop3A_341] {strides = array<i32>} : memref<16x1024xf32, #tpu.memory_space<vmem>>, vector<1x16xf32>,
        %parallel_loop3A_343 = vector.shape_cast %parallel_loop3A_342 : vector<1x16xf32> to vector<16xf32>
        %parallel_loop3A_344 = vector.shape_cast %parallel_loop3A_339 : vector<16xf32> to vector<1x16xf32>
        tpu.vector_store %arg8[%parallel_loop3A_340, %parallel_loop3A_341], %parallel_loop3A_344 {strides = array<i32>} : memref<16x1024xf32, #tpu.memory_space<vmem>>, vector<1x16xf32>,
        %parallel_loop3A_345 = arith.index_cast %parallel_loop3A_127 : i32 to index
        %parallel_loop3A_346 = arith.constant 48 : index
        %parallel_loop3A_347 = tpu.vector_load %arg8[%parallel_loop3A_345, %parallel_loop3A_346] {strides = array<i32>} : memref<16x1024xf32, #tpu.memory_space<vmem>>, vector<1x16xf32>,
        %parallel_loop3A_348 = vector.shape_cast %parallel_loop3A_347 : vector<1x16xf32> to vector<16xf32>
        %parallel_loop3A_349 = arith.index_cast %parallel_loop3A_127 : i32 to index
        %parallel_loop3A_350 = arith.constant 48 : index
        %parallel_loop3A_351 = tpu.vector_load %arg10[%parallel_loop3A_349, %parallel_loop3A_350] {strides = array<i32>} : memref<16x256xf32, #tpu.memory_space<vmem>>, vector<1x16xf32>,
        %parallel_loop3A_352 = vector.shape_cast %parallel_loop3A_351 : vector<1x16xf32> to vector<16xf32>
        %parallel_loop3A_353 = arith.addf %parallel_loop3A_348, %parallel_loop3A_352 : vector<16xf32>
        %parallel_loop3A_354 = arith.index_cast %parallel_loop3A_127 : i32 to index
        %parallel_loop3A_355 = arith.constant 48 : index
        %parallel_loop3A_356 = tpu.vector_load %arg8[%parallel_loop3A_354, %parallel_loop3A_355] {strides = array<i32>} : memref<16x1024xf32, #tpu.memory_space<vmem>>, vector<1x16xf32>,
        %parallel_loop3A_357 = vector.shape_cast %parallel_loop3A_356 : vector<1x16xf32> to vector<16xf32>
        %parallel_loop3A_358 = vector.shape_cast %parallel_loop3A_353 : vector<16xf32> to vector<1x16xf32>
        tpu.vector_store %arg8[%parallel_loop3A_354, %parallel_loop3A_355], %parallel_loop3A_358 {strides = array<i32>} : memref<16x1024xf32, #tpu.memory_space<vmem>>, vector<1x16xf32>,
        %parallel_loop3A_359 = arith.index_cast %parallel_loop3A_127 : i32 to index
        %parallel_loop3A_360 = arith.constant 304 : index
        %parallel_loop3A_361 = tpu.vector_load %arg8[%parallel_loop3A_359, %parallel_loop3A_360] {strides = array<i32>} : memref<16x1024xf32, #tpu.memory_space<vmem>>, vector<1x16xf32>,
        %parallel_loop3A_362 = vector.shape_cast %parallel_loop3A_361 : vector<1x16xf32> to vector<16xf32>
        %parallel_loop3A_363 = arith.index_cast %parallel_loop3A_144 : i32 to index
        %parallel_loop3A_364 = arith.constant 48 : index
        %parallel_loop3A_365 = tpu.vector_load %arg12[%parallel_loop3A_363, %parallel_loop3A_364] {strides = array<i32>} : memref<5x256xf32, #tpu.memory_space<vmem>>, vector<1x16xf32>,
        %parallel_loop3A_366 = vector.shape_cast %parallel_loop3A_365 : vector<1x16xf32> to vector<16xf32>
        %parallel_loop3A_367 = arith.addf %parallel_loop3A_362, %parallel_loop3A_366 : vector<16xf32>
        %parallel_loop3A_368 = arith.index_cast %parallel_loop3A_127 : i32 to index
        %parallel_loop3A_369 = arith.constant 304 : index
        %parallel_loop3A_370 = tpu.vector_load %arg8[%parallel_loop3A_368, %parallel_loop3A_369] {strides = array<i32>} : memref<16x1024xf32, #tpu.memory_space<vmem>>, vector<1x16xf32>,
        %parallel_loop3A_371 = vector.shape_cast %parallel_loop3A_370 : vector<1x16xf32> to vector<16xf32>
        %parallel_loop3A_372 = vector.shape_cast %parallel_loop3A_367 : vector<16xf32> to vector<1x16xf32>
        tpu.vector_store %arg8[%parallel_loop3A_368, %parallel_loop3A_369], %parallel_loop3A_372 {strides = array<i32>} : memref<16x1024xf32, #tpu.memory_space<vmem>>, vector<1x16xf32>,
        %parallel_loop3A_373 = arith.index_cast %parallel_loop3A_127 : i32 to index
        %parallel_loop3A_374 = arith.constant 560 : index
        %parallel_loop3A_375 = tpu.vector_load %arg8[%parallel_loop3A_373, %parallel_loop3A_374] {strides = array<i32>} : memref<16x1024xf32, #tpu.memory_space<vmem>>, vector<1x16xf32>,
        %parallel_loop3A_376 = vector.shape_cast %parallel_loop3A_375 : vector<1x16xf32> to vector<16xf32>
        %parallel_loop3A_377 = arith.index_cast %parallel_loop3A_160 : i32 to index
        %parallel_loop3A_378 = arith.constant 48 : index
        %parallel_loop3A_379 = tpu.vector_load %arg13[%parallel_loop3A_377, %parallel_loop3A_378] {strides = array<i32>} : memref<25x256xf32, #tpu.memory_space<vmem>>, vector<1x16xf32>,
        %parallel_loop3A_380 = vector.shape_cast %parallel_loop3A_379 : vector<1x16xf32> to vector<16xf32>
        %parallel_loop3A_381 = arith.addf %parallel_loop3A_376, %parallel_loop3A_380 : vector<16xf32>
        %parallel_loop3A_382 = arith.index_cast %parallel_loop3A_127 : i32 to index
        %parallel_loop3A_383 = arith.constant 560 : index
        %parallel_loop3A_384 = tpu.vector_load %arg8[%parallel_loop3A_382, %parallel_loop3A_383] {strides = array<i32>} : memref<16x1024xf32, #tpu.memory_space<vmem>>, vector<1x16xf32>,
        %parallel_loop3A_385 = vector.shape_cast %parallel_loop3A_384 : vector<1x16xf32> to vector<16xf32>
        %parallel_loop3A_386 = vector.shape_cast %parallel_loop3A_381 : vector<16xf32> to vector<1x16xf32>
        tpu.vector_store %arg8[%parallel_loop3A_382, %parallel_loop3A_383], %parallel_loop3A_386 {strides = array<i32>} : memref<16x1024xf32, #tpu.memory_space<vmem>>, vector<1x16xf32>,
        %parallel_loop3A_387 = arith.index_cast %parallel_loop3A_127 : i32 to index
        %parallel_loop3A_388 = arith.constant 816 : index
        %parallel_loop3A_389 = tpu.vector_load %arg8[%parallel_loop3A_387, %parallel_loop3A_388] {strides = array<i32>} : memref<16x1024xf32, #tpu.memory_space<vmem>>, vector<1x16xf32>,
        %parallel_loop3A_390 = vector.shape_cast %parallel_loop3A_389 : vector<1x16xf32> to vector<16xf32>
        %parallel_loop3A_391 = arith.index_cast %parallel_loop3A_176 : i32 to index
        %parallel_loop3A_392 = arith.constant 48 : index
        %parallel_loop3A_393 = tpu.vector_load %arg14[%parallel_loop3A_391, %parallel_loop3A_392] {strides = array<i32>} : memref<252x256xf32, #tpu.memory_space<vmem>>, vector<1x16xf32>,
        %parallel_loop3A_394 = vector.shape_cast %parallel_loop3A_393 : vector<1x16xf32> to vector<16xf32>
        %parallel_loop3A_395 = arith.addf %parallel_loop3A_390, %parallel_loop3A_394 : vector<16xf32>
        %parallel_loop3A_396 = arith.index_cast %parallel_loop3A_127 : i32 to index
        %parallel_loop3A_397 = arith.constant 816 : index
        %parallel_loop3A_398 = tpu.vector_load %arg8[%parallel_loop3A_396, %parallel_loop3A_397] {strides = array<i32>} : memref<16x1024xf32, #tpu.memory_space<vmem>>, vector<1x16xf32>,
        %parallel_loop3A_399 = vector.shape_cast %parallel_loop3A_398 : vector<1x16xf32> to vector<16xf32>
        %parallel_loop3A_400 = vector.shape_cast %parallel_loop3A_395 : vector<16xf32> to vector<1x16xf32>
        tpu.vector_store %arg8[%parallel_loop3A_396, %parallel_loop3A_397], %parallel_loop3A_400 {strides = array<i32>} : memref<16x1024xf32, #tpu.memory_space<vmem>>, vector<1x16xf32>,
        %parallel_loop3A_401 = arith.index_cast %parallel_loop3A_127 : i32 to index
        %parallel_loop3A_402 = arith.constant 64 : index
        %parallel_loop3A_403 = tpu.vector_load %arg8[%parallel_loop3A_401, %parallel_loop3A_402] {strides = array<i32>} : memref<16x1024xf32, #tpu.memory_space<vmem>>, vector<1x16xf32>,
        %parallel_loop3A_404 = vector.shape_cast %parallel_loop3A_403 : vector<1x16xf32> to vector<16xf32>
        %parallel_loop3A_405 = arith.index_cast %parallel_loop3A_127 : i32 to index
        %parallel_loop3A_406 = arith.constant 64 : index
        %parallel_loop3A_407 = tpu.vector_load %arg10[%parallel_loop3A_405, %parallel_loop3A_406] {strides = array<i32>} : memref<16x256xf32, #tpu.memory_space<vmem>>, vector<1x16xf32>,
        %parallel_loop3A_408 = vector.shape_cast %parallel_loop3A_407 : vector<1x16xf32> to vector<16xf32>
        %parallel_loop3A_409 = arith.addf %parallel_loop3A_404, %parallel_loop3A_408 : vector<16xf32>
        %parallel_loop3A_410 = arith.index_cast %parallel_loop3A_127 : i32 to index
        %parallel_loop3A_411 = arith.constant 64 : index
        %parallel_loop3A_412 = tpu.vector_load %arg8[%parallel_loop3A_410, %parallel_loop3A_411] {strides = array<i32>} : memref<16x1024xf32, #tpu.memory_space<vmem>>, vector<1x16xf32>,
        %parallel_loop3A_413 = vector.shape_cast %parallel_loop3A_412 : vector<1x16xf32> to vector<16xf32>
        %parallel_loop3A_414 = vector.shape_cast %parallel_loop3A_409 : vector<16xf32> to vector<1x16xf32>
        tpu.vector_store %arg8[%parallel_loop3A_410, %parallel_loop3A_411], %parallel_loop3A_414 {strides = array<i32>} : memref<16x1024xf32, #tpu.memory_space<vmem>>, vector<1x16xf32>,
        %parallel_loop3A_415 = arith.index_cast %parallel_loop3A_127 : i32 to index
        %parallel_loop3A_416 = arith.constant 320 : index
        %parallel_loop3A_417 = tpu.vector_load %arg8[%parallel_loop3A_415, %parallel_loop3A_416] {strides = array<i32>} : memref<16x1024xf32, #tpu.memory_space<vmem>>, vector<1x16xf32>,
        %parallel_loop3A_418 = vector.shape_cast %parallel_loop3A_417 : vector<1x16xf32> to vector<16xf32>
        %parallel_loop3A_419 = arith.index_cast %parallel_loop3A_144 : i32 to index
        %parallel_loop3A_420 = arith.constant 64 : index
        %parallel_loop3A_421 = tpu.vector_load %arg12[%parallel_loop3A_419, %parallel_loop3A_420] {strides = array<i32>} : memref<5x256xf32, #tpu.memory_space<vmem>>, vector<1x16xf32>,
        %parallel_loop3A_422 = vector.shape_cast %parallel_loop3A_421 : vector<1x16xf32> to vector<16xf32>
        %parallel_loop3A_423 = arith.addf %parallel_loop3A_418, %parallel_loop3A_422 : vector<16xf32>
        %parallel_loop3A_424 = arith.index_cast %parallel_loop3A_127 : i32 to index
        %parallel_loop3A_425 = arith.constant 320 : index
        %parallel_loop3A_426 = tpu.vector_load %arg8[%parallel_loop3A_424, %parallel_loop3A_425] {strides = array<i32>} : memref<16x1024xf32, #tpu.memory_space<vmem>>, vector<1x16xf32>,
        %parallel_loop3A_427 = vector.shape_cast %parallel_loop3A_426 : vector<1x16xf32> to vector<16xf32>
        %parallel_loop3A_428 = vector.shape_cast %parallel_loop3A_423 : vector<16xf32> to vector<1x16xf32>
        tpu.vector_store %arg8[%parallel_loop3A_424, %parallel_loop3A_425], %parallel_loop3A_428 {strides = array<i32>} : memref<16x1024xf32, #tpu.memory_space<vmem>>, vector<1x16xf32>,
        %parallel_loop3A_429 = arith.index_cast %parallel_loop3A_127 : i32 to index
        %parallel_loop3A_430 = arith.constant 576 : index
        %parallel_loop3A_431 = tpu.vector_load %arg8[%parallel_loop3A_429, %parallel_loop3A_430] {strides = array<i32>} : memref<16x1024xf32, #tpu.memory_space<vmem>>, vector<1x16xf32>,
        %parallel_loop3A_432 = vector.shape_cast %parallel_loop3A_431 : vector<1x16xf32> to vector<16xf32>
        %parallel_loop3A_433 = arith.index_cast %parallel_loop3A_160 : i32 to index
        %parallel_loop3A_434 = arith.constant 64 : index
        %parallel_loop3A_435 = tpu.vector_load %arg13[%parallel_loop3A_433, %parallel_loop3A_434] {strides = array<i32>} : memref<25x256xf32, #tpu.memory_space<vmem>>, vector<1x16xf32>,
        %parallel_loop3A_436 = vector.shape_cast %parallel_loop3A_435 : vector<1x16xf32> to vector<16xf32>
        %parallel_loop3A_437 = arith.addf %parallel_loop3A_432, %parallel_loop3A_436 : vector<16xf32>
        %parallel_loop3A_438 = arith.index_cast %parallel_loop3A_127 : i32 to index
        %parallel_loop3A_439 = arith.constant 576 : index
        %parallel_loop3A_440 = tpu.vector_load %arg8[%parallel_loop3A_438, %parallel_loop3A_439] {strides = array<i32>} : memref<16x1024xf32, #tpu.memory_space<vmem>>, vector<1x16xf32>,
        %parallel_loop3A_441 = vector.shape_cast %parallel_loop3A_440 : vector<1x16xf32> to vector<16xf32>
        %parallel_loop3A_442 = vector.shape_cast %parallel_loop3A_437 : vector<16xf32> to vector<1x16xf32>
        tpu.vector_store %arg8[%parallel_loop3A_438, %parallel_loop3A_439], %parallel_loop3A_442 {strides = array<i32>} : memref<16x1024xf32, #tpu.memory_space<vmem>>, vector<1x16xf32>,
        %parallel_loop3A_443 = arith.index_cast %parallel_loop3A_127 : i32 to index
        %parallel_loop3A_444 = arith.constant 832 : index
        %parallel_loop3A_445 = tpu.vector_load %arg8[%parallel_loop3A_443, %parallel_loop3A_444] {strides = array<i32>} : memref<16x1024xf32, #tpu.memory_space<vmem>>, vector<1x16xf32>,
        %parallel_loop3A_446 = vector.shape_cast %parallel_loop3A_445 : vector<1x16xf32> to vector<16xf32>
        %parallel_loop3A_447 = arith.index_cast %parallel_loop3A_176 : i32 to index
        %parallel_loop3A_448 = arith.constant 64 : index
        %parallel_loop3A_449 = tpu.vector_load %arg14[%parallel_loop3A_447, %parallel_loop3A_448] {strides = array<i32>} : memref<252x256xf32, #tpu.memory_space<vmem>>, vector<1x16xf32>,
        %parallel_loop3A_450 = vector.shape_cast %parallel_loop3A_449 : vector<1x16xf32> to vector<16xf32>
        %parallel_loop3A_451 = arith.addf %parallel_loop3A_446, %parallel_loop3A_450 : vector<16xf32>
        %parallel_loop3A_452 = arith.index_cast %parallel_loop3A_127 : i32 to index
        %parallel_loop3A_453 = arith.constant 832 : index
        %parallel_loop3A_454 = tpu.vector_load %arg8[%parallel_loop3A_452, %parallel_loop3A_453] {strides = array<i32>} : memref<16x1024xf32, #tpu.memory_space<vmem>>, vector<1x16xf32>,
        %parallel_loop3A_455 = vector.shape_cast %parallel_loop3A_454 : vector<1x16xf32> to vector<16xf32>
        %parallel_loop3A_456 = vector.shape_cast %parallel_loop3A_451 : vector<16xf32> to vector<1x16xf32>
        tpu.vector_store %arg8[%parallel_loop3A_452, %parallel_loop3A_453], %parallel_loop3A_456 {strides = array<i32>} : memref<16x1024xf32, #tpu.memory_space<vmem>>, vector<1x16xf32>,
        %parallel_loop3A_457 = arith.index_cast %parallel_loop3A_127 : i32 to index
        %parallel_loop3A_458 = arith.constant 80 : index
        %parallel_loop3A_459 = tpu.vector_load %arg8[%parallel_loop3A_457, %parallel_loop3A_458] {strides = array<i32>} : memref<16x1024xf32, #tpu.memory_space<vmem>>, vector<1x16xf32>,
        %parallel_loop3A_460 = vector.shape_cast %parallel_loop3A_459 : vector<1x16xf32> to vector<16xf32>
        %parallel_loop3A_461 = arith.index_cast %parallel_loop3A_127 : i32 to index
        %parallel_loop3A_462 = arith.constant 80 : index
        %parallel_loop3A_463 = tpu.vector_load %arg10[%parallel_loop3A_461, %parallel_loop3A_462] {strides = array<i32>} : memref<16x256xf32, #tpu.memory_space<vmem>>, vector<1x16xf32>,
        %parallel_loop3A_464 = vector.shape_cast %parallel_loop3A_463 : vector<1x16xf32> to vector<16xf32>
        %parallel_loop3A_465 = arith.addf %parallel_loop3A_460, %parallel_loop3A_464 : vector<16xf32>
        %parallel_loop3A_466 = arith.index_cast %parallel_loop3A_127 : i32 to index
        %parallel_loop3A_467 = arith.constant 80 : index
        %parallel_loop3A_468 = tpu.vector_load %arg8[%parallel_loop3A_466, %parallel_loop3A_467] {strides = array<i32>} : memref<16x1024xf32, #tpu.memory_space<vmem>>, vector<1x16xf32>,
        %parallel_loop3A_469 = vector.shape_cast %parallel_loop3A_468 : vector<1x16xf32> to vector<16xf32>
        %parallel_loop3A_470 = vector.shape_cast %parallel_loop3A_465 : vector<16xf32> to vector<1x16xf32>
        tpu.vector_store %arg8[%parallel_loop3A_466, %parallel_loop3A_467], %parallel_loop3A_470 {strides = array<i32>} : memref<16x1024xf32, #tpu.memory_space<vmem>>, vector<1x16xf32>,
        %parallel_loop3A_471 = arith.index_cast %parallel_loop3A_127 : i32 to index
        %parallel_loop3A_472 = arith.constant 336 : index
        %parallel_loop3A_473 = tpu.vector_load %arg8[%parallel_loop3A_471, %parallel_loop3A_472] {strides = array<i32>} : memref<16x1024xf32, #tpu.memory_space<vmem>>, vector<1x16xf32>,
        %parallel_loop3A_474 = vector.shape_cast %parallel_loop3A_473 : vector<1x16xf32> to vector<16xf32>
        %parallel_loop3A_475 = arith.index_cast %parallel_loop3A_144 : i32 to index
        %parallel_loop3A_476 = arith.constant 80 : index
        %parallel_loop3A_477 = tpu.vector_load %arg12[%parallel_loop3A_475, %parallel_loop3A_476] {strides = array<i32>} : memref<5x256xf32, #tpu.memory_space<vmem>>, vector<1x16xf32>,
        %parallel_loop3A_478 = vector.shape_cast %parallel_loop3A_477 : vector<1x16xf32> to vector<16xf32>
        %parallel_loop3A_479 = arith.addf %parallel_loop3A_474, %parallel_loop3A_478 : vector<16xf32>
        %parallel_loop3A_480 = arith.index_cast %parallel_loop3A_127 : i32 to index
        %parallel_loop3A_481 = arith.constant 336 : index
        %parallel_loop3A_482 = tpu.vector_load %arg8[%parallel_loop3A_480, %parallel_loop3A_481] {strides = array<i32>} : memref<16x1024xf32, #tpu.memory_space<vmem>>, vector<1x16xf32>,
        %parallel_loop3A_483 = vector.shape_cast %parallel_loop3A_482 : vector<1x16xf32> to vector<16xf32>
        %parallel_loop3A_484 = vector.shape_cast %parallel_loop3A_479 : vector<16xf32> to vector<1x16xf32>
        tpu.vector_store %arg8[%parallel_loop3A_480, %parallel_loop3A_481], %parallel_loop3A_484 {strides = array<i32>} : memref<16x1024xf32, #tpu.memory_space<vmem>>, vector<1x16xf32>,
        %parallel_loop3A_485 = arith.index_cast %parallel_loop3A_127 : i32 to index
        %parallel_loop3A_486 = arith.constant 592 : index
        %parallel_loop3A_487 = tpu.vector_load %arg8[%parallel_loop3A_485, %parallel_loop3A_486] {strides = array<i32>} : memref<16x1024xf32, #tpu.memory_space<vmem>>, vector<1x16xf32>,
        %parallel_loop3A_488 = vector.shape_cast %parallel_loop3A_487 : vector<1x16xf32> to vector<16xf32>
        %parallel_loop3A_489 = arith.index_cast %parallel_loop3A_160 : i32 to index
        %parallel_loop3A_490 = arith.constant 80 : index
        %parallel_loop3A_491 = tpu.vector_load %arg13[%parallel_loop3A_489, %parallel_loop3A_490] {strides = array<i32>} : memref<25x256xf32, #tpu.memory_space<vmem>>, vector<1x16xf32>,
        %parallel_loop3A_492 = vector.shape_cast %parallel_loop3A_491 : vector<1x16xf32> to vector<16xf32>
        %parallel_loop3A_493 = arith.addf %parallel_loop3A_488, %parallel_loop3A_492 : vector<16xf32>
        %parallel_loop3A_494 = arith.index_cast %parallel_loop3A_127 : i32 to index
        %parallel_loop3A_495 = arith.constant 592 : index
        %parallel_loop3A_496 = tpu.vector_load %arg8[%parallel_loop3A_494, %parallel_loop3A_495] {strides = array<i32>} : memref<16x1024xf32, #tpu.memory_space<vmem>>, vector<1x16xf32>,
        %parallel_loop3A_497 = vector.shape_cast %parallel_loop3A_496 : vector<1x16xf32> to vector<16xf32>
        %parallel_loop3A_498 = vector.shape_cast %parallel_loop3A_493 : vector<16xf32> to vector<1x16xf32>
        tpu.vector_store %arg8[%parallel_loop3A_494, %parallel_loop3A_495], %parallel_loop3A_498 {strides = array<i32>} : memref<16x1024xf32, #tpu.memory_space<vmem>>, vector<1x16xf32>,
        %parallel_loop3A_499 = arith.index_cast %parallel_loop3A_127 : i32 to index
        %parallel_loop3A_500 = arith.constant 848 : index
        %parallel_loop3A_501 = tpu.vector_load %arg8[%parallel_loop3A_499, %parallel_loop3A_500] {strides = array<i32>} : memref<16x1024xf32, #tpu.memory_space<vmem>>, vector<1x16xf32>,
        %parallel_loop3A_502 = vector.shape_cast %parallel_loop3A_501 : vector<1x16xf32> to vector<16xf32>
        %parallel_loop3A_503 = arith.index_cast %parallel_loop3A_176 : i32 to index
        %parallel_loop3A_504 = arith.constant 80 : index
        %parallel_loop3A_505 = tpu.vector_load %arg14[%parallel_loop3A_503, %parallel_loop3A_504] {strides = array<i32>} : memref<252x256xf32, #tpu.memory_space<vmem>>, vector<1x16xf32>,
        %parallel_loop3A_506 = vector.shape_cast %parallel_loop3A_505 : vector<1x16xf32> to vector<16xf32>
        %parallel_loop3A_507 = arith.addf %parallel_loop3A_502, %parallel_loop3A_506 : vector<16xf32>
        %parallel_loop3A_508 = arith.index_cast %parallel_loop3A_127 : i32 to index
        %parallel_loop3A_509 = arith.constant 848 : index
        %parallel_loop3A_510 = tpu.vector_load %arg8[%parallel_loop3A_508, %parallel_loop3A_509] {strides = array<i32>} : memref<16x1024xf32, #tpu.memory_space<vmem>>, vector<1x16xf32>,
        %parallel_loop3A_511 = vector.shape_cast %parallel_loop3A_510 : vector<1x16xf32> to vector<16xf32>
        %parallel_loop3A_512 = vector.shape_cast %parallel_loop3A_507 : vector<16xf32> to vector<1x16xf32>
        tpu.vector_store %arg8[%parallel_loop3A_508, %parallel_loop3A_509], %parallel_loop3A_512 {strides = array<i32>} : memref<16x1024xf32, #tpu.memory_space<vmem>>, vector<1x16xf32>,
        %parallel_loop3A_513 = arith.index_cast %parallel_loop3A_127 : i32 to index
        %parallel_loop3A_514 = arith.constant 96 : index
        %parallel_loop3A_515 = tpu.vector_load %arg8[%parallel_loop3A_513, %parallel_loop3A_514] {strides = array<i32>} : memref<16x1024xf32, #tpu.memory_space<vmem>>, vector<1x16xf32>,
        %parallel_loop3A_516 = vector.shape_cast %parallel_loop3A_515 : vector<1x16xf32> to vector<16xf32>
        %parallel_loop3A_517 = arith.index_cast %parallel_loop3A_127 : i32 to index
        %parallel_loop3A_518 = arith.constant 96 : index
        %parallel_loop3A_519 = tpu.vector_load %arg10[%parallel_loop3A_517, %parallel_loop3A_518] {strides = array<i32>} : memref<16x256xf32, #tpu.memory_space<vmem>>, vector<1x16xf32>,
        %parallel_loop3A_520 = vector.shape_cast %parallel_loop3A_519 : vector<1x16xf32> to vector<16xf32>
        %parallel_loop3A_521 = arith.addf %parallel_loop3A_516, %parallel_loop3A_520 : vector<16xf32>
        %parallel_loop3A_522 = arith.index_cast %parallel_loop3A_127 : i32 to index
        %parallel_loop3A_523 = arith.constant 96 : index
        %parallel_loop3A_524 = tpu.vector_load %arg8[%parallel_loop3A_522, %parallel_loop3A_523] {strides = array<i32>} : memref<16x1024xf32, #tpu.memory_space<vmem>>, vector<1x16xf32>,
        %parallel_loop3A_525 = vector.shape_cast %parallel_loop3A_524 : vector<1x16xf32> to vector<16xf32>
        %parallel_loop3A_526 = vector.shape_cast %parallel_loop3A_521 : vector<16xf32> to vector<1x16xf32>
        tpu.vector_store %arg8[%parallel_loop3A_522, %parallel_loop3A_523], %parallel_loop3A_526 {strides = array<i32>} : memref<16x1024xf32, #tpu.memory_space<vmem>>, vector<1x16xf32>,
        %parallel_loop3A_527 = arith.index_cast %parallel_loop3A_127 : i32 to index
        %parallel_loop3A_528 = arith.constant 352 : index
        %parallel_loop3A_529 = tpu.vector_load %arg8[%parallel_loop3A_527, %parallel_loop3A_528] {strides = array<i32>} : memref<16x1024xf32, #tpu.memory_space<vmem>>, vector<1x16xf32>,
        %parallel_loop3A_530 = vector.shape_cast %parallel_loop3A_529 : vector<1x16xf32> to vector<16xf32>
        %parallel_loop3A_531 = arith.index_cast %parallel_loop3A_144 : i32 to index
        %parallel_loop3A_532 = arith.constant 96 : index
        %parallel_loop3A_533 = tpu.vector_load %arg12[%parallel_loop3A_531, %parallel_loop3A_532] {strides = array<i32>} : memref<5x256xf32, #tpu.memory_space<vmem>>, vector<1x16xf32>,
        %parallel_loop3A_534 = vector.shape_cast %parallel_loop3A_533 : vector<1x16xf32> to vector<16xf32>
        %parallel_loop3A_535 = arith.addf %parallel_loop3A_530, %parallel_loop3A_534 : vector<16xf32>
        %parallel_loop3A_536 = arith.index_cast %parallel_loop3A_127 : i32 to index
        %parallel_loop3A_537 = arith.constant 352 : index
        %parallel_loop3A_538 = tpu.vector_load %arg8[%parallel_loop3A_536, %parallel_loop3A_537] {strides = array<i32>} : memref<16x1024xf32, #tpu.memory_space<vmem>>, vector<1x16xf32>,
        %parallel_loop3A_539 = vector.shape_cast %parallel_loop3A_538 : vector<1x16xf32> to vector<16xf32>
        %parallel_loop3A_540 = vector.shape_cast %parallel_loop3A_535 : vector<16xf32> to vector<1x16xf32>
        tpu.vector_store %arg8[%parallel_loop3A_536, %parallel_loop3A_537], %parallel_loop3A_540 {strides = array<i32>} : memref<16x1024xf32, #tpu.memory_space<vmem>>, vector<1x16xf32>,
        %parallel_loop3A_541 = arith.index_cast %parallel_loop3A_127 : i32 to index
        %parallel_loop3A_542 = arith.constant 608 : index
        %parallel_loop3A_543 = tpu.vector_load %arg8[%parallel_loop3A_541, %parallel_loop3A_542] {strides = array<i32>} : memref<16x1024xf32, #tpu.memory_space<vmem>>, vector<1x16xf32>,
        %parallel_loop3A_544 = vector.shape_cast %parallel_loop3A_543 : vector<1x16xf32> to vector<16xf32>
        %parallel_loop3A_545 = arith.index_cast %parallel_loop3A_160 : i32 to index
        %parallel_loop3A_546 = arith.constant 96 : index
        %parallel_loop3A_547 = tpu.vector_load %arg13[%parallel_loop3A_545, %parallel_loop3A_546] {strides = array<i32>} : memref<25x256xf32, #tpu.memory_space<vmem>>, vector<1x16xf32>,
        %parallel_loop3A_548 = vector.shape_cast %parallel_loop3A_547 : vector<1x16xf32> to vector<16xf32>
        %parallel_loop3A_549 = arith.addf %parallel_loop3A_544, %parallel_loop3A_548 : vector<16xf32>
        %parallel_loop3A_550 = arith.index_cast %parallel_loop3A_127 : i32 to index
        %parallel_loop3A_551 = arith.constant 608 : index
        %parallel_loop3A_552 = tpu.vector_load %arg8[%parallel_loop3A_550, %parallel_loop3A_551] {strides = array<i32>} : memref<16x1024xf32, #tpu.memory_space<vmem>>, vector<1x16xf32>,
        %parallel_loop3A_553 = vector.shape_cast %parallel_loop3A_552 : vector<1x16xf32> to vector<16xf32>
        %parallel_loop3A_554 = vector.shape_cast %parallel_loop3A_549 : vector<16xf32> to vector<1x16xf32>
        tpu.vector_store %arg8[%parallel_loop3A_550, %parallel_loop3A_551], %parallel_loop3A_554 {strides = array<i32>} : memref<16x1024xf32, #tpu.memory_space<vmem>>, vector<1x16xf32>,
        %parallel_loop3A_555 = arith.index_cast %parallel_loop3A_127 : i32 to index
        %parallel_loop3A_556 = arith.constant 864 : index
        %parallel_loop3A_557 = tpu.vector_load %arg8[%parallel_loop3A_555, %parallel_loop3A_556] {strides = array<i32>} : memref<16x1024xf32, #tpu.memory_space<vmem>>, vector<1x16xf32>,
        %parallel_loop3A_558 = vector.shape_cast %parallel_loop3A_557 : vector<1x16xf32> to vector<16xf32>
        %parallel_loop3A_559 = arith.index_cast %parallel_loop3A_176 : i32 to index
        %parallel_loop3A_560 = arith.constant 96 : index
        %parallel_loop3A_561 = tpu.vector_load %arg14[%parallel_loop3A_559, %parallel_loop3A_560] {strides = array<i32>} : memref<252x256xf32, #tpu.memory_space<vmem>>, vector<1x16xf32>,
        %parallel_loop3A_562 = vector.shape_cast %parallel_loop3A_561 : vector<1x16xf32> to vector<16xf32>
        %parallel_loop3A_563 = arith.addf %parallel_loop3A_558, %parallel_loop3A_562 : vector<16xf32>
        %parallel_loop3A_564 = arith.index_cast %parallel_loop3A_127 : i32 to index
        %parallel_loop3A_565 = arith.constant 864 : index
        %parallel_loop3A_566 = tpu.vector_load %arg8[%parallel_loop3A_564, %parallel_loop3A_565] {strides = array<i32>} : memref<16x1024xf32, #tpu.memory_space<vmem>>, vector<1x16xf32>,
        %parallel_loop3A_567 = vector.shape_cast %parallel_loop3A_566 : vector<1x16xf32> to vector<16xf32>
        %parallel_loop3A_568 = vector.shape_cast %parallel_loop3A_563 : vector<16xf32> to vector<1x16xf32>
        tpu.vector_store %arg8[%parallel_loop3A_564, %parallel_loop3A_565], %parallel_loop3A_568 {strides = array<i32>} : memref<16x1024xf32, #tpu.memory_space<vmem>>, vector<1x16xf32>,
        %parallel_loop3A_569 = arith.index_cast %parallel_loop3A_127 : i32 to index
        %parallel_loop3A_570 = arith.constant 112 : index
        %parallel_loop3A_571 = tpu.vector_load %arg8[%parallel_loop3A_569, %parallel_loop3A_570] {strides = array<i32>} : memref<16x1024xf32, #tpu.memory_space<vmem>>, vector<1x16xf32>,
        %parallel_loop3A_572 = vector.shape_cast %parallel_loop3A_571 : vector<1x16xf32> to vector<16xf32>
        %parallel_loop3A_573 = arith.index_cast %parallel_loop3A_127 : i32 to index
        %parallel_loop3A_574 = arith.constant 112 : index
        %parallel_loop3A_575 = tpu.vector_load %arg10[%parallel_loop3A_573, %parallel_loop3A_574] {strides = array<i32>} : memref<16x256xf32, #tpu.memory_space<vmem>>, vector<1x16xf32>,
        %parallel_loop3A_576 = vector.shape_cast %parallel_loop3A_575 : vector<1x16xf32> to vector<16xf32>
        %parallel_loop3A_577 = arith.addf %parallel_loop3A_572, %parallel_loop3A_576 : vector<16xf32>
        %parallel_loop3A_578 = arith.index_cast %parallel_loop3A_127 : i32 to index
        %parallel_loop3A_579 = arith.constant 112 : index
        %parallel_loop3A_580 = tpu.vector_load %arg8[%parallel_loop3A_578, %parallel_loop3A_579] {strides = array<i32>} : memref<16x1024xf32, #tpu.memory_space<vmem>>, vector<1x16xf32>,
        %parallel_loop3A_581 = vector.shape_cast %parallel_loop3A_580 : vector<1x16xf32> to vector<16xf32>
        %parallel_loop3A_582 = vector.shape_cast %parallel_loop3A_577 : vector<16xf32> to vector<1x16xf32>
        tpu.vector_store %arg8[%parallel_loop3A_578, %parallel_loop3A_579], %parallel_loop3A_582 {strides = array<i32>} : memref<16x1024xf32, #tpu.memory_space<vmem>>, vector<1x16xf32>,
        %parallel_loop3A_583 = arith.index_cast %parallel_loop3A_127 : i32 to index
        %parallel_loop3A_584 = arith.constant 368 : index
        %parallel_loop3A_585 = tpu.vector_load %arg8[%parallel_loop3A_583, %parallel_loop3A_584] {strides = array<i32>} : memref<16x1024xf32, #tpu.memory_space<vmem>>, vector<1x16xf32>,
        %parallel_loop3A_586 = vector.shape_cast %parallel_loop3A_585 : vector<1x16xf32> to vector<16xf32>
        %parallel_loop3A_587 = arith.index_cast %parallel_loop3A_144 : i32 to index
        %parallel_loop3A_588 = arith.constant 112 : index
        %parallel_loop3A_589 = tpu.vector_load %arg12[%parallel_loop3A_587, %parallel_loop3A_588] {strides = array<i32>} : memref<5x256xf32, #tpu.memory_space<vmem>>, vector<1x16xf32>,
        %parallel_loop3A_590 = vector.shape_cast %parallel_loop3A_589 : vector<1x16xf32> to vector<16xf32>
        %parallel_loop3A_591 = arith.addf %parallel_loop3A_586, %parallel_loop3A_590 : vector<16xf32>
        %parallel_loop3A_592 = arith.index_cast %parallel_loop3A_127 : i32 to index
        %parallel_loop3A_593 = arith.constant 368 : index
        %parallel_loop3A_594 = tpu.vector_load %arg8[%parallel_loop3A_592, %parallel_loop3A_593] {strides = array<i32>} : memref<16x1024xf32, #tpu.memory_space<vmem>>, vector<1x16xf32>,
        %parallel_loop3A_595 = vector.shape_cast %parallel_loop3A_594 : vector<1x16xf32> to vector<16xf32>
        %parallel_loop3A_596 = vector.shape_cast %parallel_loop3A_591 : vector<16xf32> to vector<1x16xf32>
        tpu.vector_store %arg8[%parallel_loop3A_592, %parallel_loop3A_593], %parallel_loop3A_596 {strides = array<i32>} : memref<16x1024xf32, #tpu.memory_space<vmem>>, vector<1x16xf32>,
        %parallel_loop3A_597 = arith.index_cast %parallel_loop3A_127 : i32 to index
        %parallel_loop3A_598 = arith.constant 624 : index
        %parallel_loop3A_599 = tpu.vector_load %arg8[%parallel_loop3A_597, %parallel_loop3A_598] {strides = array<i32>} : memref<16x1024xf32, #tpu.memory_space<vmem>>, vector<1x16xf32>,
        %parallel_loop3A_600 = vector.shape_cast %parallel_loop3A_599 : vector<1x16xf32> to vector<16xf32>
        %parallel_loop3A_601 = arith.index_cast %parallel_loop3A_160 : i32 to index
        %parallel_loop3A_602 = arith.constant 112 : index
        %parallel_loop3A_603 = tpu.vector_load %arg13[%parallel_loop3A_601, %parallel_loop3A_602] {strides = array<i32>} : memref<25x256xf32, #tpu.memory_space<vmem>>, vector<1x16xf32>,
        %parallel_loop3A_604 = vector.shape_cast %parallel_loop3A_603 : vector<1x16xf32> to vector<16xf32>
        %parallel_loop3A_605 = arith.addf %parallel_loop3A_600, %parallel_loop3A_604 : vector<16xf32>
        %parallel_loop3A_606 = arith.index_cast %parallel_loop3A_127 : i32 to index
        %parallel_loop3A_607 = arith.constant 624 : index
        %parallel_loop3A_608 = tpu.vector_load %arg8[%parallel_loop3A_606, %parallel_loop3A_607] {strides = array<i32>} : memref<16x1024xf32, #tpu.memory_space<vmem>>, vector<1x16xf32>,
        %parallel_loop3A_609 = vector.shape_cast %parallel_loop3A_608 : vector<1x16xf32> to vector<16xf32>
        %parallel_loop3A_610 = vector.shape_cast %parallel_loop3A_605 : vector<16xf32> to vector<1x16xf32>
        tpu.vector_store %arg8[%parallel_loop3A_606, %parallel_loop3A_607], %parallel_loop3A_610 {strides = array<i32>} : memref<16x1024xf32, #tpu.memory_space<vmem>>, vector<1x16xf32>,
        %parallel_loop3A_611 = arith.index_cast %parallel_loop3A_127 : i32 to index
        %parallel_loop3A_612 = arith.constant 880 : index
        %parallel_loop3A_613 = tpu.vector_load %arg8[%parallel_loop3A_611, %parallel_loop3A_612] {strides = array<i32>} : memref<16x1024xf32, #tpu.memory_space<vmem>>, vector<1x16xf32>,
        %parallel_loop3A_614 = vector.shape_cast %parallel_loop3A_613 : vector<1x16xf32> to vector<16xf32>
        %parallel_loop3A_615 = arith.index_cast %parallel_loop3A_176 : i32 to index
        %parallel_loop3A_616 = arith.constant 112 : index
        %parallel_loop3A_617 = tpu.vector_load %arg14[%parallel_loop3A_615, %parallel_loop3A_616] {strides = array<i32>} : memref<252x256xf32, #tpu.memory_space<vmem>>, vector<1x16xf32>,
        %parallel_loop3A_618 = vector.shape_cast %parallel_loop3A_617 : vector<1x16xf32> to vector<16xf32>
        %parallel_loop3A_619 = arith.addf %parallel_loop3A_614, %parallel_loop3A_618 : vector<16xf32>
        %parallel_loop3A_620 = arith.index_cast %parallel_loop3A_127 : i32 to index
        %parallel_loop3A_621 = arith.constant 880 : index
        %parallel_loop3A_622 = tpu.vector_load %arg8[%parallel_loop3A_620, %parallel_loop3A_621] {strides = array<i32>} : memref<16x1024xf32, #tpu.memory_space<vmem>>, vector<1x16xf32>,
        %parallel_loop3A_623 = vector.shape_cast %parallel_loop3A_622 : vector<1x16xf32> to vector<16xf32>
        %parallel_loop3A_624 = vector.shape_cast %parallel_loop3A_619 : vector<16xf32> to vector<1x16xf32>
        tpu.vector_store %arg8[%parallel_loop3A_620, %parallel_loop3A_621], %parallel_loop3A_624 {strides = array<i32>} : memref<16x1024xf32, #tpu.memory_space<vmem>>, vector<1x16xf32>,
        %parallel_loop3A_625 = arith.index_cast %parallel_loop3A_127 : i32 to index
        %parallel_loop3A_626 = arith.constant 128 : index
        %parallel_loop3A_627 = tpu.vector_load %arg8[%parallel_loop3A_625, %parallel_loop3A_626] {strides = array<i32>} : memref<16x1024xf32, #tpu.memory_space<vmem>>, vector<1x16xf32>,
        %parallel_loop3A_628 = vector.shape_cast %parallel_loop3A_627 : vector<1x16xf32> to vector<16xf32>
        %parallel_loop3A_629 = arith.index_cast %parallel_loop3A_127 : i32 to index
        %parallel_loop3A_630 = arith.constant 128 : index
        %parallel_loop3A_631 = tpu.vector_load %arg10[%parallel_loop3A_629, %parallel_loop3A_630] {strides = array<i32>} : memref<16x256xf32, #tpu.memory_space<vmem>>, vector<1x16xf32>,
        %parallel_loop3A_632 = vector.shape_cast %parallel_loop3A_631 : vector<1x16xf32> to vector<16xf32>
        %parallel_loop3A_633 = arith.addf %parallel_loop3A_628, %parallel_loop3A_632 : vector<16xf32>
        %parallel_loop3A_634 = arith.index_cast %parallel_loop3A_127 : i32 to index
        %parallel_loop3A_635 = arith.constant 128 : index
        %parallel_loop3A_636 = tpu.vector_load %arg8[%parallel_loop3A_634, %parallel_loop3A_635] {strides = array<i32>} : memref<16x1024xf32, #tpu.memory_space<vmem>>, vector<1x16xf32>,
        %parallel_loop3A_637 = vector.shape_cast %parallel_loop3A_636 : vector<1x16xf32> to vector<16xf32>
        %parallel_loop3A_638 = vector.shape_cast %parallel_loop3A_633 : vector<16xf32> to vector<1x16xf32>
        tpu.vector_store %arg8[%parallel_loop3A_634, %parallel_loop3A_635], %parallel_loop3A_638 {strides = array<i32>} : memref<16x1024xf32, #tpu.memory_space<vmem>>, vector<1x16xf32>,
        %parallel_loop3A_639 = arith.index_cast %parallel_loop3A_127 : i32 to index
        %parallel_loop3A_640 = arith.constant 384 : index
        %parallel_loop3A_641 = tpu.vector_load %arg8[%parallel_loop3A_639, %parallel_loop3A_640] {strides = array<i32>} : memref<16x1024xf32, #tpu.memory_space<vmem>>, vector<1x16xf32>,
        %parallel_loop3A_642 = vector.shape_cast %parallel_loop3A_641 : vector<1x16xf32> to vector<16xf32>
        %parallel_loop3A_643 = arith.index_cast %parallel_loop3A_144 : i32 to index
        %parallel_loop3A_644 = arith.constant 128 : index
        %parallel_loop3A_645 = tpu.vector_load %arg12[%parallel_loop3A_643, %parallel_loop3A_644] {strides = array<i32>} : memref<5x256xf32, #tpu.memory_space<vmem>>, vector<1x16xf32>,
        %parallel_loop3A_646 = vector.shape_cast %parallel_loop3A_645 : vector<1x16xf32> to vector<16xf32>
        %parallel_loop3A_647 = arith.addf %parallel_loop3A_642, %parallel_loop3A_646 : vector<16xf32>
        %parallel_loop3A_648 = arith.index_cast %parallel_loop3A_127 : i32 to index
        %parallel_loop3A_649 = arith.constant 384 : index
        %parallel_loop3A_650 = tpu.vector_load %arg8[%parallel_loop3A_648, %parallel_loop3A_649] {strides = array<i32>} : memref<16x1024xf32, #tpu.memory_space<vmem>>, vector<1x16xf32>,
        %parallel_loop3A_651 = vector.shape_cast %parallel_loop3A_650 : vector<1x16xf32> to vector<16xf32>
        %parallel_loop3A_652 = vector.shape_cast %parallel_loop3A_647 : vector<16xf32> to vector<1x16xf32>
        tpu.vector_store %arg8[%parallel_loop3A_648, %parallel_loop3A_649], %parallel_loop3A_652 {strides = array<i32>} : memref<16x1024xf32, #tpu.memory_space<vmem>>, vector<1x16xf32>,
        %parallel_loop3A_653 = arith.index_cast %parallel_loop3A_127 : i32 to index
        %parallel_loop3A_654 = arith.constant 640 : index
        %parallel_loop3A_655 = tpu.vector_load %arg8[%parallel_loop3A_653, %parallel_loop3A_654] {strides = array<i32>} : memref<16x1024xf32, #tpu.memory_space<vmem>>, vector<1x16xf32>,
        %parallel_loop3A_656 = vector.shape_cast %parallel_loop3A_655 : vector<1x16xf32> to vector<16xf32>
        %parallel_loop3A_657 = arith.index_cast %parallel_loop3A_160 : i32 to index
        %parallel_loop3A_658 = arith.constant 128 : index
        %parallel_loop3A_659 = tpu.vector_load %arg13[%parallel_loop3A_657, %parallel_loop3A_658] {strides = array<i32>} : memref<25x256xf32, #tpu.memory_space<vmem>>, vector<1x16xf32>,
        %parallel_loop3A_660 = vector.shape_cast %parallel_loop3A_659 : vector<1x16xf32> to vector<16xf32>
        %parallel_loop3A_661 = arith.addf %parallel_loop3A_656, %parallel_loop3A_660 : vector<16xf32>
        %parallel_loop3A_662 = arith.index_cast %parallel_loop3A_127 : i32 to index
        %parallel_loop3A_663 = arith.constant 640 : index
        %parallel_loop3A_664 = tpu.vector_load %arg8[%parallel_loop3A_662, %parallel_loop3A_663] {strides = array<i32>} : memref<16x1024xf32, #tpu.memory_space<vmem>>, vector<1x16xf32>,
        %parallel_loop3A_665 = vector.shape_cast %parallel_loop3A_664 : vector<1x16xf32> to vector<16xf32>
        %parallel_loop3A_666 = vector.shape_cast %parallel_loop3A_661 : vector<16xf32> to vector<1x16xf32>
        tpu.vector_store %arg8[%parallel_loop3A_662, %parallel_loop3A_663], %parallel_loop3A_666 {strides = array<i32>} : memref<16x1024xf32, #tpu.memory_space<vmem>>, vector<1x16xf32>,
        %parallel_loop3A_667 = arith.index_cast %parallel_loop3A_127 : i32 to index
        %parallel_loop3A_668 = arith.constant 896 : index
        %parallel_loop3A_669 = tpu.vector_load %arg8[%parallel_loop3A_667, %parallel_loop3A_668] {strides = array<i32>} : memref<16x1024xf32, #tpu.memory_space<vmem>>, vector<1x16xf32>,
        %parallel_loop3A_670 = vector.shape_cast %parallel_loop3A_669 : vector<1x16xf32> to vector<16xf32>
        %parallel_loop3A_671 = arith.index_cast %parallel_loop3A_176 : i32 to index
        %parallel_loop3A_672 = arith.constant 128 : index
        %parallel_loop3A_673 = tpu.vector_load %arg14[%parallel_loop3A_671, %parallel_loop3A_672] {strides = array<i32>} : memref<252x256xf32, #tpu.memory_space<vmem>>, vector<1x16xf32>,
        %parallel_loop3A_674 = vector.shape_cast %parallel_loop3A_673 : vector<1x16xf32> to vector<16xf32>
        %parallel_loop3A_675 = arith.addf %parallel_loop3A_670, %parallel_loop3A_674 : vector<16xf32>
        %parallel_loop3A_676 = arith.index_cast %parallel_loop3A_127 : i32 to index
        %parallel_loop3A_677 = arith.constant 896 : index
        %parallel_loop3A_678 = tpu.vector_load %arg8[%parallel_loop3A_676, %parallel_loop3A_677] {strides = array<i32>} : memref<16x1024xf32, #tpu.memory_space<vmem>>, vector<1x16xf32>,
        %parallel_loop3A_679 = vector.shape_cast %parallel_loop3A_678 : vector<1x16xf32> to vector<16xf32>
        %parallel_loop3A_680 = vector.shape_cast %parallel_loop3A_675 : vector<16xf32> to vector<1x16xf32>
        tpu.vector_store %arg8[%parallel_loop3A_676, %parallel_loop3A_677], %parallel_loop3A_680 {strides = array<i32>} : memref<16x1024xf32, #tpu.memory_space<vmem>>, vector<1x16xf32>,
        %parallel_loop3A_681 = arith.index_cast %parallel_loop3A_127 : i32 to index
        %parallel_loop3A_682 = arith.constant 144 : index
        %parallel_loop3A_683 = tpu.vector_load %arg8[%parallel_loop3A_681, %parallel_loop3A_682] {strides = array<i32>} : memref<16x1024xf32, #tpu.memory_space<vmem>>, vector<1x16xf32>,
        %parallel_loop3A_684 = vector.shape_cast %parallel_loop3A_683 : vector<1x16xf32> to vector<16xf32>
        %parallel_loop3A_685 = arith.index_cast %parallel_loop3A_127 : i32 to index
        %parallel_loop3A_686 = arith.constant 144 : index
        %parallel_loop3A_687 = tpu.vector_load %arg10[%parallel_loop3A_685, %parallel_loop3A_686] {strides = array<i32>} : memref<16x256xf32, #tpu.memory_space<vmem>>, vector<1x16xf32>,
        %parallel_loop3A_688 = vector.shape_cast %parallel_loop3A_687 : vector<1x16xf32> to vector<16xf32>
        %parallel_loop3A_689 = arith.addf %parallel_loop3A_684, %parallel_loop3A_688 : vector<16xf32>
        %parallel_loop3A_690 = arith.index_cast %parallel_loop3A_127 : i32 to index
        %parallel_loop3A_691 = arith.constant 144 : index
        %parallel_loop3A_692 = tpu.vector_load %arg8[%parallel_loop3A_690, %parallel_loop3A_691] {strides = array<i32>} : memref<16x1024xf32, #tpu.memory_space<vmem>>, vector<1x16xf32>,
        %parallel_loop3A_693 = vector.shape_cast %parallel_loop3A_692 : vector<1x16xf32> to vector<16xf32>
        %parallel_loop3A_694 = vector.shape_cast %parallel_loop3A_689 : vector<16xf32> to vector<1x16xf32>
        tpu.vector_store %arg8[%parallel_loop3A_690, %parallel_loop3A_691], %parallel_loop3A_694 {strides = array<i32>} : memref<16x1024xf32, #tpu.memory_space<vmem>>, vector<1x16xf32>,
        %parallel_loop3A_695 = arith.index_cast %parallel_loop3A_127 : i32 to index
        %parallel_loop3A_696 = arith.constant 400 : index
        %parallel_loop3A_697 = tpu.vector_load %arg8[%parallel_loop3A_695, %parallel_loop3A_696] {strides = array<i32>} : memref<16x1024xf32, #tpu.memory_space<vmem>>, vector<1x16xf32>,
        %parallel_loop3A_698 = vector.shape_cast %parallel_loop3A_697 : vector<1x16xf32> to vector<16xf32>
        %parallel_loop3A_699 = arith.index_cast %parallel_loop3A_144 : i32 to index
        %parallel_loop3A_700 = arith.constant 144 : index
        %parallel_loop3A_701 = tpu.vector_load %arg12[%parallel_loop3A_699, %parallel_loop3A_700] {strides = array<i32>} : memref<5x256xf32, #tpu.memory_space<vmem>>, vector<1x16xf32>,
        %parallel_loop3A_702 = vector.shape_cast %parallel_loop3A_701 : vector<1x16xf32> to vector<16xf32>
        %parallel_loop3A_703 = arith.addf %parallel_loop3A_698, %parallel_loop3A_702 : vector<16xf32>
        %parallel_loop3A_704 = arith.index_cast %parallel_loop3A_127 : i32 to index
        %parallel_loop3A_705 = arith.constant 400 : index
        %parallel_loop3A_706 = tpu.vector_load %arg8[%parallel_loop3A_704, %parallel_loop3A_705] {strides = array<i32>} : memref<16x1024xf32, #tpu.memory_space<vmem>>, vector<1x16xf32>,
        %parallel_loop3A_707 = vector.shape_cast %parallel_loop3A_706 : vector<1x16xf32> to vector<16xf32>
        %parallel_loop3A_708 = vector.shape_cast %parallel_loop3A_703 : vector<16xf32> to vector<1x16xf32>
        tpu.vector_store %arg8[%parallel_loop3A_704, %parallel_loop3A_705], %parallel_loop3A_708 {strides = array<i32>} : memref<16x1024xf32, #tpu.memory_space<vmem>>, vector<1x16xf32>,
        %parallel_loop3A_709 = arith.index_cast %parallel_loop3A_127 : i32 to index
        %parallel_loop3A_710 = arith.constant 656 : index
        %parallel_loop3A_711 = tpu.vector_load %arg8[%parallel_loop3A_709, %parallel_loop3A_710] {strides = array<i32>} : memref<16x1024xf32, #tpu.memory_space<vmem>>, vector<1x16xf32>,
        %parallel_loop3A_712 = vector.shape_cast %parallel_loop3A_711 : vector<1x16xf32> to vector<16xf32>
        %parallel_loop3A_713 = arith.index_cast %parallel_loop3A_160 : i32 to index
        %parallel_loop3A_714 = arith.constant 144 : index
        %parallel_loop3A_715 = tpu.vector_load %arg13[%parallel_loop3A_713, %parallel_loop3A_714] {strides = array<i32>} : memref<25x256xf32, #tpu.memory_space<vmem>>, vector<1x16xf32>,
        %parallel_loop3A_716 = vector.shape_cast %parallel_loop3A_715 : vector<1x16xf32> to vector<16xf32>
        %parallel_loop3A_717 = arith.addf %parallel_loop3A_712, %parallel_loop3A_716 : vector<16xf32>
        %parallel_loop3A_718 = arith.index_cast %parallel_loop3A_127 : i32 to index
        %parallel_loop3A_719 = arith.constant 656 : index
        %parallel_loop3A_720 = tpu.vector_load %arg8[%parallel_loop3A_718, %parallel_loop3A_719] {strides = array<i32>} : memref<16x1024xf32, #tpu.memory_space<vmem>>, vector<1x16xf32>,
        %parallel_loop3A_721 = vector.shape_cast %parallel_loop3A_720 : vector<1x16xf32> to vector<16xf32>
        %parallel_loop3A_722 = vector.shape_cast %parallel_loop3A_717 : vector<16xf32> to vector<1x16xf32>
        tpu.vector_store %arg8[%parallel_loop3A_718, %parallel_loop3A_719], %parallel_loop3A_722 {strides = array<i32>} : memref<16x1024xf32, #tpu.memory_space<vmem>>, vector<1x16xf32>,
        %parallel_loop3A_723 = arith.index_cast %parallel_loop3A_127 : i32 to index
        %parallel_loop3A_724 = arith.constant 912 : index
        %parallel_loop3A_725 = tpu.vector_load %arg8[%parallel_loop3A_723, %parallel_loop3A_724] {strides = array<i32>} : memref<16x1024xf32, #tpu.memory_space<vmem>>, vector<1x16xf32>,
        %parallel_loop3A_726 = vector.shape_cast %parallel_loop3A_725 : vector<1x16xf32> to vector<16xf32>
        %parallel_loop3A_727 = arith.index_cast %parallel_loop3A_176 : i32 to index
        %parallel_loop3A_728 = arith.constant 144 : index
        %parallel_loop3A_729 = tpu.vector_load %arg14[%parallel_loop3A_727, %parallel_loop3A_728] {strides = array<i32>} : memref<252x256xf32, #tpu.memory_space<vmem>>, vector<1x16xf32>,
        %parallel_loop3A_730 = vector.shape_cast %parallel_loop3A_729 : vector<1x16xf32> to vector<16xf32>
        %parallel_loop3A_731 = arith.addf %parallel_loop3A_726, %parallel_loop3A_730 : vector<16xf32>
        %parallel_loop3A_732 = arith.index_cast %parallel_loop3A_127 : i32 to index
        %parallel_loop3A_733 = arith.constant 912 : index
        %parallel_loop3A_734 = tpu.vector_load %arg8[%parallel_loop3A_732, %parallel_loop3A_733] {strides = array<i32>} : memref<16x1024xf32, #tpu.memory_space<vmem>>, vector<1x16xf32>,
        %parallel_loop3A_735 = vector.shape_cast %parallel_loop3A_734 : vector<1x16xf32> to vector<16xf32>
        %parallel_loop3A_736 = vector.shape_cast %parallel_loop3A_731 : vector<16xf32> to vector<1x16xf32>
        tpu.vector_store %arg8[%parallel_loop3A_732, %parallel_loop3A_733], %parallel_loop3A_736 {strides = array<i32>} : memref<16x1024xf32, #tpu.memory_space<vmem>>, vector<1x16xf32>,
        %parallel_loop3A_737 = arith.index_cast %parallel_loop3A_127 : i32 to index
        %parallel_loop3A_738 = arith.constant 160 : index
        %parallel_loop3A_739 = tpu.vector_load %arg8[%parallel_loop3A_737, %parallel_loop3A_738] {strides = array<i32>} : memref<16x1024xf32, #tpu.memory_space<vmem>>, vector<1x16xf32>,
        %parallel_loop3A_740 = vector.shape_cast %parallel_loop3A_739 : vector<1x16xf32> to vector<16xf32>
        %parallel_loop3A_741 = arith.index_cast %parallel_loop3A_127 : i32 to index
        %parallel_loop3A_742 = arith.constant 160 : index
        %parallel_loop3A_743 = tpu.vector_load %arg10[%parallel_loop3A_741, %parallel_loop3A_742] {strides = array<i32>} : memref<16x256xf32, #tpu.memory_space<vmem>>, vector<1x16xf32>,
        %parallel_loop3A_744 = vector.shape_cast %parallel_loop3A_743 : vector<1x16xf32> to vector<16xf32>
        %parallel_loop3A_745 = arith.addf %parallel_loop3A_740, %parallel_loop3A_744 : vector<16xf32>
        %parallel_loop3A_746 = arith.index_cast %parallel_loop3A_127 : i32 to index
        %parallel_loop3A_747 = arith.constant 160 : index
        %parallel_loop3A_748 = tpu.vector_load %arg8[%parallel_loop3A_746, %parallel_loop3A_747] {strides = array<i32>} : memref<16x1024xf32, #tpu.memory_space<vmem>>, vector<1x16xf32>,
        %parallel_loop3A_749 = vector.shape_cast %parallel_loop3A_748 : vector<1x16xf32> to vector<16xf32>
        %parallel_loop3A_750 = vector.shape_cast %parallel_loop3A_745 : vector<16xf32> to vector<1x16xf32>
        tpu.vector_store %arg8[%parallel_loop3A_746, %parallel_loop3A_747], %parallel_loop3A_750 {strides = array<i32>} : memref<16x1024xf32, #tpu.memory_space<vmem>>, vector<1x16xf32>,
        %parallel_loop3A_751 = arith.index_cast %parallel_loop3A_127 : i32 to index
        %parallel_loop3A_752 = arith.constant 416 : index
        %parallel_loop3A_753 = tpu.vector_load %arg8[%parallel_loop3A_751, %parallel_loop3A_752] {strides = array<i32>} : memref<16x1024xf32, #tpu.memory_space<vmem>>, vector<1x16xf32>,
        %parallel_loop3A_754 = vector.shape_cast %parallel_loop3A_753 : vector<1x16xf32> to vector<16xf32>
        %parallel_loop3A_755 = arith.index_cast %parallel_loop3A_144 : i32 to index
        %parallel_loop3A_756 = arith.constant 160 : index
        %parallel_loop3A_757 = tpu.vector_load %arg12[%parallel_loop3A_755, %parallel_loop3A_756] {strides = array<i32>} : memref<5x256xf32, #tpu.memory_space<vmem>>, vector<1x16xf32>,
        %parallel_loop3A_758 = vector.shape_cast %parallel_loop3A_757 : vector<1x16xf32> to vector<16xf32>
        %parallel_loop3A_759 = arith.addf %parallel_loop3A_754, %parallel_loop3A_758 : vector<16xf32>
        %parallel_loop3A_760 = arith.index_cast %parallel_loop3A_127 : i32 to index
        %parallel_loop3A_761 = arith.constant 416 : index
        %parallel_loop3A_762 = tpu.vector_load %arg8[%parallel_loop3A_760, %parallel_loop3A_761] {strides = array<i32>} : memref<16x1024xf32, #tpu.memory_space<vmem>>, vector<1x16xf32>,
        %parallel_loop3A_763 = vector.shape_cast %parallel_loop3A_762 : vector<1x16xf32> to vector<16xf32>
        %parallel_loop3A_764 = vector.shape_cast %parallel_loop3A_759 : vector<16xf32> to vector<1x16xf32>
        tpu.vector_store %arg8[%parallel_loop3A_760, %parallel_loop3A_761], %parallel_loop3A_764 {strides = array<i32>} : memref<16x1024xf32, #tpu.memory_space<vmem>>, vector<1x16xf32>,
        %parallel_loop3A_765 = arith.index_cast %parallel_loop3A_127 : i32 to index
        %parallel_loop3A_766 = arith.constant 672 : index
        %parallel_loop3A_767 = tpu.vector_load %arg8[%parallel_loop3A_765, %parallel_loop3A_766] {strides = array<i32>} : memref<16x1024xf32, #tpu.memory_space<vmem>>, vector<1x16xf32>,
        %parallel_loop3A_768 = vector.shape_cast %parallel_loop3A_767 : vector<1x16xf32> to vector<16xf32>
        %parallel_loop3A_769 = arith.index_cast %parallel_loop3A_160 : i32 to index
        %parallel_loop3A_770 = arith.constant 160 : index
        %parallel_loop3A_771 = tpu.vector_load %arg13[%parallel_loop3A_769, %parallel_loop3A_770] {strides = array<i32>} : memref<25x256xf32, #tpu.memory_space<vmem>>, vector<1x16xf32>,
        %parallel_loop3A_772 = vector.shape_cast %parallel_loop3A_771 : vector<1x16xf32> to vector<16xf32>
        %parallel_loop3A_773 = arith.addf %parallel_loop3A_768, %parallel_loop3A_772 : vector<16xf32>
        %parallel_loop3A_774 = arith.index_cast %parallel_loop3A_127 : i32 to index
        %parallel_loop3A_775 = arith.constant 672 : index
        %parallel_loop3A_776 = tpu.vector_load %arg8[%parallel_loop3A_774, %parallel_loop3A_775] {strides = array<i32>} : memref<16x1024xf32, #tpu.memory_space<vmem>>, vector<1x16xf32>,
        %parallel_loop3A_777 = vector.shape_cast %parallel_loop3A_776 : vector<1x16xf32> to vector<16xf32>
        %parallel_loop3A_778 = vector.shape_cast %parallel_loop3A_773 : vector<16xf32> to vector<1x16xf32>
        tpu.vector_store %arg8[%parallel_loop3A_774, %parallel_loop3A_775], %parallel_loop3A_778 {strides = array<i32>} : memref<16x1024xf32, #tpu.memory_space<vmem>>, vector<1x16xf32>,
        %parallel_loop3A_779 = arith.index_cast %parallel_loop3A_127 : i32 to index
        %parallel_loop3A_780 = arith.constant 928 : index
        %parallel_loop3A_781 = tpu.vector_load %arg8[%parallel_loop3A_779, %parallel_loop3A_780] {strides = array<i32>} : memref<16x1024xf32, #tpu.memory_space<vmem>>, vector<1x16xf32>,
        %parallel_loop3A_782 = vector.shape_cast %parallel_loop3A_781 : vector<1x16xf32> to vector<16xf32>
        %parallel_loop3A_783 = arith.index_cast %parallel_loop3A_176 : i32 to index
        %parallel_loop3A_784 = arith.constant 160 : index
        %parallel_loop3A_785 = tpu.vector_load %arg14[%parallel_loop3A_783, %parallel_loop3A_784] {strides = array<i32>} : memref<252x256xf32, #tpu.memory_space<vmem>>, vector<1x16xf32>,
        %parallel_loop3A_786 = vector.shape_cast %parallel_loop3A_785 : vector<1x16xf32> to vector<16xf32>
        %parallel_loop3A_787 = arith.addf %parallel_loop3A_782, %parallel_loop3A_786 : vector<16xf32>
        %parallel_loop3A_788 = arith.index_cast %parallel_loop3A_127 : i32 to index
        %parallel_loop3A_789 = arith.constant 928 : index
        %parallel_loop3A_790 = tpu.vector_load %arg8[%parallel_loop3A_788, %parallel_loop3A_789] {strides = array<i32>} : memref<16x1024xf32, #tpu.memory_space<vmem>>, vector<1x16xf32>,
        %parallel_loop3A_791 = vector.shape_cast %parallel_loop3A_790 : vector<1x16xf32> to vector<16xf32>
        %parallel_loop3A_792 = vector.shape_cast %parallel_loop3A_787 : vector<16xf32> to vector<1x16xf32>
        tpu.vector_store %arg8[%parallel_loop3A_788, %parallel_loop3A_789], %parallel_loop3A_792 {strides = array<i32>} : memref<16x1024xf32, #tpu.memory_space<vmem>>, vector<1x16xf32>,
        %parallel_loop3A_793 = arith.index_cast %parallel_loop3A_127 : i32 to index
        %parallel_loop3A_794 = arith.constant 176 : index
        %parallel_loop3A_795 = tpu.vector_load %arg8[%parallel_loop3A_793, %parallel_loop3A_794] {strides = array<i32>} : memref<16x1024xf32, #tpu.memory_space<vmem>>, vector<1x16xf32>,
        %parallel_loop3A_796 = vector.shape_cast %parallel_loop3A_795 : vector<1x16xf32> to vector<16xf32>
        %parallel_loop3A_797 = arith.index_cast %parallel_loop3A_127 : i32 to index
        %parallel_loop3A_798 = arith.constant 176 : index
        %parallel_loop3A_799 = tpu.vector_load %arg10[%parallel_loop3A_797, %parallel_loop3A_798] {strides = array<i32>} : memref<16x256xf32, #tpu.memory_space<vmem>>, vector<1x16xf32>,
        %parallel_loop3A_800 = vector.shape_cast %parallel_loop3A_799 : vector<1x16xf32> to vector<16xf32>
        %parallel_loop3A_801 = arith.addf %parallel_loop3A_796, %parallel_loop3A_800 : vector<16xf32>
        %parallel_loop3A_802 = arith.index_cast %parallel_loop3A_127 : i32 to index
        %parallel_loop3A_803 = arith.constant 176 : index
        %parallel_loop3A_804 = tpu.vector_load %arg8[%parallel_loop3A_802, %parallel_loop3A_803] {strides = array<i32>} : memref<16x1024xf32, #tpu.memory_space<vmem>>, vector<1x16xf32>,
        %parallel_loop3A_805 = vector.shape_cast %parallel_loop3A_804 : vector<1x16xf32> to vector<16xf32>
        %parallel_loop3A_806 = vector.shape_cast %parallel_loop3A_801 : vector<16xf32> to vector<1x16xf32>
        tpu.vector_store %arg8[%parallel_loop3A_802, %parallel_loop3A_803], %parallel_loop3A_806 {strides = array<i32>} : memref<16x1024xf32, #tpu.memory_space<vmem>>, vector<1x16xf32>,
        %parallel_loop3A_807 = arith.index_cast %parallel_loop3A_127 : i32 to index
        %parallel_loop3A_808 = arith.constant 432 : index
        %parallel_loop3A_809 = tpu.vector_load %arg8[%parallel_loop3A_807, %parallel_loop3A_808] {strides = array<i32>} : memref<16x1024xf32, #tpu.memory_space<vmem>>, vector<1x16xf32>,
        %parallel_loop3A_810 = vector.shape_cast %parallel_loop3A_809 : vector<1x16xf32> to vector<16xf32>
        %parallel_loop3A_811 = arith.index_cast %parallel_loop3A_144 : i32 to index
        %parallel_loop3A_812 = arith.constant 176 : index
        %parallel_loop3A_813 = tpu.vector_load %arg12[%parallel_loop3A_811, %parallel_loop3A_812] {strides = array<i32>} : memref<5x256xf32, #tpu.memory_space<vmem>>, vector<1x16xf32>,
        %parallel_loop3A_814 = vector.shape_cast %parallel_loop3A_813 : vector<1x16xf32> to vector<16xf32>
        %parallel_loop3A_815 = arith.addf %parallel_loop3A_810, %parallel_loop3A_814 : vector<16xf32>
        %parallel_loop3A_816 = arith.index_cast %parallel_loop3A_127 : i32 to index
        %parallel_loop3A_817 = arith.constant 432 : index
        %parallel_loop3A_818 = tpu.vector_load %arg8[%parallel_loop3A_816, %parallel_loop3A_817] {strides = array<i32>} : memref<16x1024xf32, #tpu.memory_space<vmem>>, vector<1x16xf32>,
        %parallel_loop3A_819 = vector.shape_cast %parallel_loop3A_818 : vector<1x16xf32> to vector<16xf32>
        %parallel_loop3A_820 = vector.shape_cast %parallel_loop3A_815 : vector<16xf32> to vector<1x16xf32>
        tpu.vector_store %arg8[%parallel_loop3A_816, %parallel_loop3A_817], %parallel_loop3A_820 {strides = array<i32>} : memref<16x1024xf32, #tpu.memory_space<vmem>>, vector<1x16xf32>,
        %parallel_loop3A_821 = arith.index_cast %parallel_loop3A_127 : i32 to index
        %parallel_loop3A_822 = arith.constant 688 : index
        %parallel_loop3A_823 = tpu.vector_load %arg8[%parallel_loop3A_821, %parallel_loop3A_822] {strides = array<i32>} : memref<16x1024xf32, #tpu.memory_space<vmem>>, vector<1x16xf32>,
        %parallel_loop3A_824 = vector.shape_cast %parallel_loop3A_823 : vector<1x16xf32> to vector<16xf32>
        %parallel_loop3A_825 = arith.index_cast %parallel_loop3A_160 : i32 to index
        %parallel_loop3A_826 = arith.constant 176 : index
        %parallel_loop3A_827 = tpu.vector_load %arg13[%parallel_loop3A_825, %parallel_loop3A_826] {strides = array<i32>} : memref<25x256xf32, #tpu.memory_space<vmem>>, vector<1x16xf32>,
        %parallel_loop3A_828 = vector.shape_cast %parallel_loop3A_827 : vector<1x16xf32> to vector<16xf32>
        %parallel_loop3A_829 = arith.addf %parallel_loop3A_824, %parallel_loop3A_828 : vector<16xf32>
        %parallel_loop3A_830 = arith.index_cast %parallel_loop3A_127 : i32 to index
        %parallel_loop3A_831 = arith.constant 688 : index
        %parallel_loop3A_832 = tpu.vector_load %arg8[%parallel_loop3A_830, %parallel_loop3A_831] {strides = array<i32>} : memref<16x1024xf32, #tpu.memory_space<vmem>>, vector<1x16xf32>,
        %parallel_loop3A_833 = vector.shape_cast %parallel_loop3A_832 : vector<1x16xf32> to vector<16xf32>
        %parallel_loop3A_834 = vector.shape_cast %parallel_loop3A_829 : vector<16xf32> to vector<1x16xf32>
        tpu.vector_store %arg8[%parallel_loop3A_830, %parallel_loop3A_831], %parallel_loop3A_834 {strides = array<i32>} : memref<16x1024xf32, #tpu.memory_space<vmem>>, vector<1x16xf32>,
        %parallel_loop3A_835 = arith.index_cast %parallel_loop3A_127 : i32 to index
        %parallel_loop3A_836 = arith.constant 944 : index
        %parallel_loop3A_837 = tpu.vector_load %arg8[%parallel_loop3A_835, %parallel_loop3A_836] {strides = array<i32>} : memref<16x1024xf32, #tpu.memory_space<vmem>>, vector<1x16xf32>,
        %parallel_loop3A_838 = vector.shape_cast %parallel_loop3A_837 : vector<1x16xf32> to vector<16xf32>
        %parallel_loop3A_839 = arith.index_cast %parallel_loop3A_176 : i32 to index
        %parallel_loop3A_840 = arith.constant 176 : index
        %parallel_loop3A_841 = tpu.vector_load %arg14[%parallel_loop3A_839, %parallel_loop3A_840] {strides = array<i32>} : memref<252x256xf32, #tpu.memory_space<vmem>>, vector<1x16xf32>,
        %parallel_loop3A_842 = vector.shape_cast %parallel_loop3A_841 : vector<1x16xf32> to vector<16xf32>
        %parallel_loop3A_843 = arith.addf %parallel_loop3A_838, %parallel_loop3A_842 : vector<16xf32>
        %parallel_loop3A_844 = arith.index_cast %parallel_loop3A_127 : i32 to index
        %parallel_loop3A_845 = arith.constant 944 : index
        %parallel_loop3A_846 = tpu.vector_load %arg8[%parallel_loop3A_844, %parallel_loop3A_845] {strides = array<i32>} : memref<16x1024xf32, #tpu.memory_space<vmem>>, vector<1x16xf32>,
        %parallel_loop3A_847 = vector.shape_cast %parallel_loop3A_846 : vector<1x16xf32> to vector<16xf32>
        %parallel_loop3A_848 = vector.shape_cast %parallel_loop3A_843 : vector<16xf32> to vector<1x16xf32>
        tpu.vector_store %arg8[%parallel_loop3A_844, %parallel_loop3A_845], %parallel_loop3A_848 {strides = array<i32>} : memref<16x1024xf32, #tpu.memory_space<vmem>>, vector<1x16xf32>,
        %parallel_loop3A_849 = arith.index_cast %parallel_loop3A_127 : i32 to index
        %parallel_loop3A_850 = arith.constant 192 : index
        %parallel_loop3A_851 = tpu.vector_load %arg8[%parallel_loop3A_849, %parallel_loop3A_850] {strides = array<i32>} : memref<16x1024xf32, #tpu.memory_space<vmem>>, vector<1x16xf32>,
        %parallel_loop3A_852 = vector.shape_cast %parallel_loop3A_851 : vector<1x16xf32> to vector<16xf32>
        %parallel_loop3A_853 = arith.index_cast %parallel_loop3A_127 : i32 to index
        %parallel_loop3A_854 = arith.constant 192 : index
        %parallel_loop3A_855 = tpu.vector_load %arg10[%parallel_loop3A_853, %parallel_loop3A_854] {strides = array<i32>} : memref<16x256xf32, #tpu.memory_space<vmem>>, vector<1x16xf32>,
        %parallel_loop3A_856 = vector.shape_cast %parallel_loop3A_855 : vector<1x16xf32> to vector<16xf32>
        %parallel_loop3A_857 = arith.addf %parallel_loop3A_852, %parallel_loop3A_856 : vector<16xf32>
        %parallel_loop3A_858 = arith.index_cast %parallel_loop3A_127 : i32 to index
        %parallel_loop3A_859 = arith.constant 192 : index
        %parallel_loop3A_860 = tpu.vector_load %arg8[%parallel_loop3A_858, %parallel_loop3A_859] {strides = array<i32>} : memref<16x1024xf32, #tpu.memory_space<vmem>>, vector<1x16xf32>,
        %parallel_loop3A_861 = vector.shape_cast %parallel_loop3A_860 : vector<1x16xf32> to vector<16xf32>
        %parallel_loop3A_862 = vector.shape_cast %parallel_loop3A_857 : vector<16xf32> to vector<1x16xf32>
        tpu.vector_store %arg8[%parallel_loop3A_858, %parallel_loop3A_859], %parallel_loop3A_862 {strides = array<i32>} : memref<16x1024xf32, #tpu.memory_space<vmem>>, vector<1x16xf32>,
        %parallel_loop3A_863 = arith.index_cast %parallel_loop3A_127 : i32 to index
        %parallel_loop3A_864 = arith.constant 448 : index
        %parallel_loop3A_865 = tpu.vector_load %arg8[%parallel_loop3A_863, %parallel_loop3A_864] {strides = array<i32>} : memref<16x1024xf32, #tpu.memory_space<vmem>>, vector<1x16xf32>,
        %parallel_loop3A_866 = vector.shape_cast %parallel_loop3A_865 : vector<1x16xf32> to vector<16xf32>
        %parallel_loop3A_867 = arith.index_cast %parallel_loop3A_144 : i32 to index
        %parallel_loop3A_868 = arith.constant 192 : index
        %parallel_loop3A_869 = tpu.vector_load %arg12[%parallel_loop3A_867, %parallel_loop3A_868] {strides = array<i32>} : memref<5x256xf32, #tpu.memory_space<vmem>>, vector<1x16xf32>,
        %parallel_loop3A_870 = vector.shape_cast %parallel_loop3A_869 : vector<1x16xf32> to vector<16xf32>
        %parallel_loop3A_871 = arith.addf %parallel_loop3A_866, %parallel_loop3A_870 : vector<16xf32>
        %parallel_loop3A_872 = arith.index_cast %parallel_loop3A_127 : i32 to index
        %parallel_loop3A_873 = arith.constant 448 : index
        %parallel_loop3A_874 = tpu.vector_load %arg8[%parallel_loop3A_872, %parallel_loop3A_873] {strides = array<i32>} : memref<16x1024xf32, #tpu.memory_space<vmem>>, vector<1x16xf32>,
        %parallel_loop3A_875 = vector.shape_cast %parallel_loop3A_874 : vector<1x16xf32> to vector<16xf32>
        %parallel_loop3A_876 = vector.shape_cast %parallel_loop3A_871 : vector<16xf32> to vector<1x16xf32>
        tpu.vector_store %arg8[%parallel_loop3A_872, %parallel_loop3A_873], %parallel_loop3A_876 {strides = array<i32>} : memref<16x1024xf32, #tpu.memory_space<vmem>>, vector<1x16xf32>,
        %parallel_loop3A_877 = arith.index_cast %parallel_loop3A_127 : i32 to index
        %parallel_loop3A_878 = arith.constant 704 : index
        %parallel_loop3A_879 = tpu.vector_load %arg8[%parallel_loop3A_877, %parallel_loop3A_878] {strides = array<i32>} : memref<16x1024xf32, #tpu.memory_space<vmem>>, vector<1x16xf32>,
        %parallel_loop3A_880 = vector.shape_cast %parallel_loop3A_879 : vector<1x16xf32> to vector<16xf32>
        %parallel_loop3A_881 = arith.index_cast %parallel_loop3A_160 : i32 to index
        %parallel_loop3A_882 = arith.constant 192 : index
        %parallel_loop3A_883 = tpu.vector_load %arg13[%parallel_loop3A_881, %parallel_loop3A_882] {strides = array<i32>} : memref<25x256xf32, #tpu.memory_space<vmem>>, vector<1x16xf32>,
        %parallel_loop3A_884 = vector.shape_cast %parallel_loop3A_883 : vector<1x16xf32> to vector<16xf32>
        %parallel_loop3A_885 = arith.addf %parallel_loop3A_880, %parallel_loop3A_884 : vector<16xf32>
        %parallel_loop3A_886 = arith.index_cast %parallel_loop3A_127 : i32 to index
        %parallel_loop3A_887 = arith.constant 704 : index
        %parallel_loop3A_888 = tpu.vector_load %arg8[%parallel_loop3A_886, %parallel_loop3A_887] {strides = array<i32>} : memref<16x1024xf32, #tpu.memory_space<vmem>>, vector<1x16xf32>,
        %parallel_loop3A_889 = vector.shape_cast %parallel_loop3A_888 : vector<1x16xf32> to vector<16xf32>
        %parallel_loop3A_890 = vector.shape_cast %parallel_loop3A_885 : vector<16xf32> to vector<1x16xf32>
        tpu.vector_store %arg8[%parallel_loop3A_886, %parallel_loop3A_887], %parallel_loop3A_890 {strides = array<i32>} : memref<16x1024xf32, #tpu.memory_space<vmem>>, vector<1x16xf32>,
        %parallel_loop3A_891 = arith.index_cast %parallel_loop3A_127 : i32 to index
        %parallel_loop3A_892 = arith.constant 960 : index
        %parallel_loop3A_893 = tpu.vector_load %arg8[%parallel_loop3A_891, %parallel_loop3A_892] {strides = array<i32>} : memref<16x1024xf32, #tpu.memory_space<vmem>>, vector<1x16xf32>,
        %parallel_loop3A_894 = vector.shape_cast %parallel_loop3A_893 : vector<1x16xf32> to vector<16xf32>
        %parallel_loop3A_895 = arith.index_cast %parallel_loop3A_176 : i32 to index
        %parallel_loop3A_896 = arith.constant 192 : index
        %parallel_loop3A_897 = tpu.vector_load %arg14[%parallel_loop3A_895, %parallel_loop3A_896] {strides = array<i32>} : memref<252x256xf32, #tpu.memory_space<vmem>>, vector<1x16xf32>,
        %parallel_loop3A_898 = vector.shape_cast %parallel_loop3A_897 : vector<1x16xf32> to vector<16xf32>
        %parallel_loop3A_899 = arith.addf %parallel_loop3A_894, %parallel_loop3A_898 : vector<16xf32>
        %parallel_loop3A_900 = arith.index_cast %parallel_loop3A_127 : i32 to index
        %parallel_loop3A_901 = arith.constant 960 : index
        %parallel_loop3A_902 = tpu.vector_load %arg8[%parallel_loop3A_900, %parallel_loop3A_901] {strides = array<i32>} : memref<16x1024xf32, #tpu.memory_space<vmem>>, vector<1x16xf32>,
        %parallel_loop3A_903 = vector.shape_cast %parallel_loop3A_902 : vector<1x16xf32> to vector<16xf32>
        %parallel_loop3A_904 = vector.shape_cast %parallel_loop3A_899 : vector<16xf32> to vector<1x16xf32>
        tpu.vector_store %arg8[%parallel_loop3A_900, %parallel_loop3A_901], %parallel_loop3A_904 {strides = array<i32>} : memref<16x1024xf32, #tpu.memory_space<vmem>>, vector<1x16xf32>,
        %parallel_loop3A_905 = arith.index_cast %parallel_loop3A_127 : i32 to index
        %parallel_loop3A_906 = arith.constant 208 : index
        %parallel_loop3A_907 = tpu.vector_load %arg8[%parallel_loop3A_905, %parallel_loop3A_906] {strides = array<i32>} : memref<16x1024xf32, #tpu.memory_space<vmem>>, vector<1x16xf32>,
        %parallel_loop3A_908 = vector.shape_cast %parallel_loop3A_907 : vector<1x16xf32> to vector<16xf32>
        %parallel_loop3A_909 = arith.index_cast %parallel_loop3A_127 : i32 to index
        %parallel_loop3A_910 = arith.constant 208 : index
        %parallel_loop3A_911 = tpu.vector_load %arg10[%parallel_loop3A_909, %parallel_loop3A_910] {strides = array<i32>} : memref<16x256xf32, #tpu.memory_space<vmem>>, vector<1x16xf32>,
        %parallel_loop3A_912 = vector.shape_cast %parallel_loop3A_911 : vector<1x16xf32> to vector<16xf32>
        %parallel_loop3A_913 = arith.addf %parallel_loop3A_908, %parallel_loop3A_912 : vector<16xf32>
        %parallel_loop3A_914 = arith.index_cast %parallel_loop3A_127 : i32 to index
        %parallel_loop3A_915 = arith.constant 208 : index
        %parallel_loop3A_916 = tpu.vector_load %arg8[%parallel_loop3A_914, %parallel_loop3A_915] {strides = array<i32>} : memref<16x1024xf32, #tpu.memory_space<vmem>>, vector<1x16xf32>,
        %parallel_loop3A_917 = vector.shape_cast %parallel_loop3A_916 : vector<1x16xf32> to vector<16xf32>
        %parallel_loop3A_918 = vector.shape_cast %parallel_loop3A_913 : vector<16xf32> to vector<1x16xf32>
        tpu.vector_store %arg8[%parallel_loop3A_914, %parallel_loop3A_915], %parallel_loop3A_918 {strides = array<i32>} : memref<16x1024xf32, #tpu.memory_space<vmem>>, vector<1x16xf32>,
        %parallel_loop3A_919 = arith.index_cast %parallel_loop3A_127 : i32 to index
        %parallel_loop3A_920 = arith.constant 464 : index
        %parallel_loop3A_921 = tpu.vector_load %arg8[%parallel_loop3A_919, %parallel_loop3A_920] {strides = array<i32>} : memref<16x1024xf32, #tpu.memory_space<vmem>>, vector<1x16xf32>,
        %parallel_loop3A_922 = vector.shape_cast %parallel_loop3A_921 : vector<1x16xf32> to vector<16xf32>
        %parallel_loop3A_923 = arith.index_cast %parallel_loop3A_144 : i32 to index
        %parallel_loop3A_924 = arith.constant 208 : index
        %parallel_loop3A_925 = tpu.vector_load %arg12[%parallel_loop3A_923, %parallel_loop3A_924] {strides = array<i32>} : memref<5x256xf32, #tpu.memory_space<vmem>>, vector<1x16xf32>,
        %parallel_loop3A_926 = vector.shape_cast %parallel_loop3A_925 : vector<1x16xf32> to vector<16xf32>
        %parallel_loop3A_927 = arith.addf %parallel_loop3A_922, %parallel_loop3A_926 : vector<16xf32>
        %parallel_loop3A_928 = arith.index_cast %parallel_loop3A_127 : i32 to index
        %parallel_loop3A_929 = arith.constant 464 : index
        %parallel_loop3A_930 = tpu.vector_load %arg8[%parallel_loop3A_928, %parallel_loop3A_929] {strides = array<i32>} : memref<16x1024xf32, #tpu.memory_space<vmem>>, vector<1x16xf32>,
        %parallel_loop3A_931 = vector.shape_cast %parallel_loop3A_930 : vector<1x16xf32> to vector<16xf32>
        %parallel_loop3A_932 = vector.shape_cast %parallel_loop3A_927 : vector<16xf32> to vector<1x16xf32>
        tpu.vector_store %arg8[%parallel_loop3A_928, %parallel_loop3A_929], %parallel_loop3A_932 {strides = array<i32>} : memref<16x1024xf32, #tpu.memory_space<vmem>>, vector<1x16xf32>,
        %parallel_loop3A_933 = arith.index_cast %parallel_loop3A_127 : i32 to index
        %parallel_loop3A_934 = arith.constant 720 : index
        %parallel_loop3A_935 = tpu.vector_load %arg8[%parallel_loop3A_933, %parallel_loop3A_934] {strides = array<i32>} : memref<16x1024xf32, #tpu.memory_space<vmem>>, vector<1x16xf32>,
        %parallel_loop3A_936 = vector.shape_cast %parallel_loop3A_935 : vector<1x16xf32> to vector<16xf32>
        %parallel_loop3A_937 = arith.index_cast %parallel_loop3A_160 : i32 to index
        %parallel_loop3A_938 = arith.constant 208 : index
        %parallel_loop3A_939 = tpu.vector_load %arg13[%parallel_loop3A_937, %parallel_loop3A_938] {strides = array<i32>} : memref<25x256xf32, #tpu.memory_space<vmem>>, vector<1x16xf32>,
        %parallel_loop3A_940 = vector.shape_cast %parallel_loop3A_939 : vector<1x16xf32> to vector<16xf32>
        %parallel_loop3A_941 = arith.addf %parallel_loop3A_936, %parallel_loop3A_940 : vector<16xf32>
        %parallel_loop3A_942 = arith.index_cast %parallel_loop3A_127 : i32 to index
        %parallel_loop3A_943 = arith.constant 720 : index
        %parallel_loop3A_944 = tpu.vector_load %arg8[%parallel_loop3A_942, %parallel_loop3A_943] {strides = array<i32>} : memref<16x1024xf32, #tpu.memory_space<vmem>>, vector<1x16xf32>,
        %parallel_loop3A_945 = vector.shape_cast %parallel_loop3A_944 : vector<1x16xf32> to vector<16xf32>
        %parallel_loop3A_946 = vector.shape_cast %parallel_loop3A_941 : vector<16xf32> to vector<1x16xf32>
        tpu.vector_store %arg8[%parallel_loop3A_942, %parallel_loop3A_943], %parallel_loop3A_946 {strides = array<i32>} : memref<16x1024xf32, #tpu.memory_space<vmem>>, vector<1x16xf32>,
        %parallel_loop3A_947 = arith.index_cast %parallel_loop3A_127 : i32 to index
        %parallel_loop3A_948 = arith.constant 976 : index
        %parallel_loop3A_949 = tpu.vector_load %arg8[%parallel_loop3A_947, %parallel_loop3A_948] {strides = array<i32>} : memref<16x1024xf32, #tpu.memory_space<vmem>>, vector<1x16xf32>,
        %parallel_loop3A_950 = vector.shape_cast %parallel_loop3A_949 : vector<1x16xf32> to vector<16xf32>
        %parallel_loop3A_951 = arith.index_cast %parallel_loop3A_176 : i32 to index
        %parallel_loop3A_952 = arith.constant 208 : index
        %parallel_loop3A_953 = tpu.vector_load %arg14[%parallel_loop3A_951, %parallel_loop3A_952] {strides = array<i32>} : memref<252x256xf32, #tpu.memory_space<vmem>>, vector<1x16xf32>,
        %parallel_loop3A_954 = vector.shape_cast %parallel_loop3A_953 : vector<1x16xf32> to vector<16xf32>
        %parallel_loop3A_955 = arith.addf %parallel_loop3A_950, %parallel_loop3A_954 : vector<16xf32>
        %parallel_loop3A_956 = arith.index_cast %parallel_loop3A_127 : i32 to index
        %parallel_loop3A_957 = arith.constant 976 : index
        %parallel_loop3A_958 = tpu.vector_load %arg8[%parallel_loop3A_956, %parallel_loop3A_957] {strides = array<i32>} : memref<16x1024xf32, #tpu.memory_space<vmem>>, vector<1x16xf32>,
        %parallel_loop3A_959 = vector.shape_cast %parallel_loop3A_958 : vector<1x16xf32> to vector<16xf32>
        %parallel_loop3A_960 = vector.shape_cast %parallel_loop3A_955 : vector<16xf32> to vector<1x16xf32>
        tpu.vector_store %arg8[%parallel_loop3A_956, %parallel_loop3A_957], %parallel_loop3A_960 {strides = array<i32>} : memref<16x1024xf32, #tpu.memory_space<vmem>>, vector<1x16xf32>,
        %parallel_loop3A_961 = arith.index_cast %parallel_loop3A_127 : i32 to index
        %parallel_loop3A_962 = arith.constant 224 : index
        %parallel_loop3A_963 = tpu.vector_load %arg8[%parallel_loop3A_961, %parallel_loop3A_962] {strides = array<i32>} : memref<16x1024xf32, #tpu.memory_space<vmem>>, vector<1x16xf32>,
        %parallel_loop3A_964 = vector.shape_cast %parallel_loop3A_963 : vector<1x16xf32> to vector<16xf32>
        %parallel_loop3A_965 = arith.index_cast %parallel_loop3A_127 : i32 to index
        %parallel_loop3A_966 = arith.constant 224 : index
        %parallel_loop3A_967 = tpu.vector_load %arg10[%parallel_loop3A_965, %parallel_loop3A_966] {strides = array<i32>} : memref<16x256xf32, #tpu.memory_space<vmem>>, vector<1x16xf32>,
        %parallel_loop3A_968 = vector.shape_cast %parallel_loop3A_967 : vector<1x16xf32> to vector<16xf32>
        %parallel_loop3A_969 = arith.addf %parallel_loop3A_964, %parallel_loop3A_968 : vector<16xf32>
        %parallel_loop3A_970 = arith.index_cast %parallel_loop3A_127 : i32 to index
        %parallel_loop3A_971 = arith.constant 224 : index
        %parallel_loop3A_972 = tpu.vector_load %arg8[%parallel_loop3A_970, %parallel_loop3A_971] {strides = array<i32>} : memref<16x1024xf32, #tpu.memory_space<vmem>>, vector<1x16xf32>,
        %parallel_loop3A_973 = vector.shape_cast %parallel_loop3A_972 : vector<1x16xf32> to vector<16xf32>
        %parallel_loop3A_974 = vector.shape_cast %parallel_loop3A_969 : vector<16xf32> to vector<1x16xf32>
        tpu.vector_store %arg8[%parallel_loop3A_970, %parallel_loop3A_971], %parallel_loop3A_974 {strides = array<i32>} : memref<16x1024xf32, #tpu.memory_space<vmem>>, vector<1x16xf32>,
        %parallel_loop3A_975 = arith.index_cast %parallel_loop3A_127 : i32 to index
        %parallel_loop3A_976 = arith.constant 480 : index
        %parallel_loop3A_977 = tpu.vector_load %arg8[%parallel_loop3A_975, %parallel_loop3A_976] {strides = array<i32>} : memref<16x1024xf32, #tpu.memory_space<vmem>>, vector<1x16xf32>,
        %parallel_loop3A_978 = vector.shape_cast %parallel_loop3A_977 : vector<1x16xf32> to vector<16xf32>
        %parallel_loop3A_979 = arith.index_cast %parallel_loop3A_144 : i32 to index
        %parallel_loop3A_980 = arith.constant 224 : index
        %parallel_loop3A_981 = tpu.vector_load %arg12[%parallel_loop3A_979, %parallel_loop3A_980] {strides = array<i32>} : memref<5x256xf32, #tpu.memory_space<vmem>>, vector<1x16xf32>,
        %parallel_loop3A_982 = vector.shape_cast %parallel_loop3A_981 : vector<1x16xf32> to vector<16xf32>
        %parallel_loop3A_983 = arith.addf %parallel_loop3A_978, %parallel_loop3A_982 : vector<16xf32>
        %parallel_loop3A_984 = arith.index_cast %parallel_loop3A_127 : i32 to index
        %parallel_loop3A_985 = arith.constant 480 : index
        %parallel_loop3A_986 = tpu.vector_load %arg8[%parallel_loop3A_984, %parallel_loop3A_985] {strides = array<i32>} : memref<16x1024xf32, #tpu.memory_space<vmem>>, vector<1x16xf32>,
        %parallel_loop3A_987 = vector.shape_cast %parallel_loop3A_986 : vector<1x16xf32> to vector<16xf32>
        %parallel_loop3A_988 = vector.shape_cast %parallel_loop3A_983 : vector<16xf32> to vector<1x16xf32>
        tpu.vector_store %arg8[%parallel_loop3A_984, %parallel_loop3A_985], %parallel_loop3A_988 {strides = array<i32>} : memref<16x1024xf32, #tpu.memory_space<vmem>>, vector<1x16xf32>,
        %parallel_loop3A_989 = arith.index_cast %parallel_loop3A_127 : i32 to index
        %parallel_loop3A_990 = arith.constant 736 : index
        %parallel_loop3A_991 = tpu.vector_load %arg8[%parallel_loop3A_989, %parallel_loop3A_990] {strides = array<i32>} : memref<16x1024xf32, #tpu.memory_space<vmem>>, vector<1x16xf32>,
        %parallel_loop3A_992 = vector.shape_cast %parallel_loop3A_991 : vector<1x16xf32> to vector<16xf32>
        %parallel_loop3A_993 = arith.index_cast %parallel_loop3A_160 : i32 to index
        %parallel_loop3A_994 = arith.constant 224 : index
        %parallel_loop3A_995 = tpu.vector_load %arg13[%parallel_loop3A_993, %parallel_loop3A_994] {strides = array<i32>} : memref<25x256xf32, #tpu.memory_space<vmem>>, vector<1x16xf32>,
        %parallel_loop3A_996 = vector.shape_cast %parallel_loop3A_995 : vector<1x16xf32> to vector<16xf32>
        %parallel_loop3A_997 = arith.addf %parallel_loop3A_992, %parallel_loop3A_996 : vector<16xf32>
        %parallel_loop3A_998 = arith.index_cast %parallel_loop3A_127 : i32 to index
        %parallel_loop3A_999 = arith.constant 736 : index
        %parallel_loop3A_1000 = tpu.vector_load %arg8[%parallel_loop3A_998, %parallel_loop3A_999] {strides = array<i32>} : memref<16x1024xf32, #tpu.memory_space<vmem>>, vector<1x16xf32>,
        %parallel_loop3A_1001 = vector.shape_cast %parallel_loop3A_1000 : vector<1x16xf32> to vector<16xf32>
        %parallel_loop3A_1002 = vector.shape_cast %parallel_loop3A_997 : vector<16xf32> to vector<1x16xf32>
        tpu.vector_store %arg8[%parallel_loop3A_998, %parallel_loop3A_999], %parallel_loop3A_1002 {strides = array<i32>} : memref<16x1024xf32, #tpu.memory_space<vmem>>, vector<1x16xf32>,
        %parallel_loop3A_1003 = arith.index_cast %parallel_loop3A_127 : i32 to index
        %parallel_loop3A_1004 = arith.constant 992 : index
        %parallel_loop3A_1005 = tpu.vector_load %arg8[%parallel_loop3A_1003, %parallel_loop3A_1004] {strides = array<i32>} : memref<16x1024xf32, #tpu.memory_space<vmem>>, vector<1x16xf32>,
        %parallel_loop3A_1006 = vector.shape_cast %parallel_loop3A_1005 : vector<1x16xf32> to vector<16xf32>
        %parallel_loop3A_1007 = arith.index_cast %parallel_loop3A_176 : i32 to index
        %parallel_loop3A_1008 = arith.constant 224 : index
        %parallel_loop3A_1009 = tpu.vector_load %arg14[%parallel_loop3A_1007, %parallel_loop3A_1008] {strides = array<i32>} : memref<252x256xf32, #tpu.memory_space<vmem>>, vector<1x16xf32>,
        %parallel_loop3A_1010 = vector.shape_cast %parallel_loop3A_1009 : vector<1x16xf32> to vector<16xf32>
        %parallel_loop3A_1011 = arith.addf %parallel_loop3A_1006, %parallel_loop3A_1010 : vector<16xf32>
        %parallel_loop3A_1012 = arith.index_cast %parallel_loop3A_127 : i32 to index
        %parallel_loop3A_1013 = arith.constant 992 : index
        %parallel_loop3A_1014 = tpu.vector_load %arg8[%parallel_loop3A_1012, %parallel_loop3A_1013] {strides = array<i32>} : memref<16x1024xf32, #tpu.memory_space<vmem>>, vector<1x16xf32>,
        %parallel_loop3A_1015 = vector.shape_cast %parallel_loop3A_1014 : vector<1x16xf32> to vector<16xf32>
        %parallel_loop3A_1016 = vector.shape_cast %parallel_loop3A_1011 : vector<16xf32> to vector<1x16xf32>
        tpu.vector_store %arg8[%parallel_loop3A_1012, %parallel_loop3A_1013], %parallel_loop3A_1016 {strides = array<i32>} : memref<16x1024xf32, #tpu.memory_space<vmem>>, vector<1x16xf32>,
        %parallel_loop3A_1017 = arith.index_cast %parallel_loop3A_127 : i32 to index
        %parallel_loop3A_1018 = arith.constant 240 : index
        %parallel_loop3A_1019 = tpu.vector_load %arg8[%parallel_loop3A_1017, %parallel_loop3A_1018] {strides = array<i32>} : memref<16x1024xf32, #tpu.memory_space<vmem>>, vector<1x16xf32>,
        %parallel_loop3A_1020 = vector.shape_cast %parallel_loop3A_1019 : vector<1x16xf32> to vector<16xf32>
        %parallel_loop3A_1021 = arith.index_cast %parallel_loop3A_127 : i32 to index
        %parallel_loop3A_1022 = arith.constant 240 : index
        %parallel_loop3A_1023 = tpu.vector_load %arg10[%parallel_loop3A_1021, %parallel_loop3A_1022] {strides = array<i32>} : memref<16x256xf32, #tpu.memory_space<vmem>>, vector<1x16xf32>,
        %parallel_loop3A_1024 = vector.shape_cast %parallel_loop3A_1023 : vector<1x16xf32> to vector<16xf32>
        %parallel_loop3A_1025 = arith.addf %parallel_loop3A_1020, %parallel_loop3A_1024 : vector<16xf32>
        %parallel_loop3A_1026 = arith.index_cast %parallel_loop3A_127 : i32 to index
        %parallel_loop3A_1027 = arith.constant 240 : index
        %parallel_loop3A_1028 = tpu.vector_load %arg8[%parallel_loop3A_1026, %parallel_loop3A_1027] {strides = array<i32>} : memref<16x1024xf32, #tpu.memory_space<vmem>>, vector<1x16xf32>,
        %parallel_loop3A_1029 = vector.shape_cast %parallel_loop3A_1028 : vector<1x16xf32> to vector<16xf32>
        %parallel_loop3A_1030 = vector.shape_cast %parallel_loop3A_1025 : vector<16xf32> to vector<1x16xf32>
        tpu.vector_store %arg8[%parallel_loop3A_1026, %parallel_loop3A_1027], %parallel_loop3A_1030 {strides = array<i32>} : memref<16x1024xf32, #tpu.memory_space<vmem>>, vector<1x16xf32>,
        %parallel_loop3A_1031 = arith.index_cast %parallel_loop3A_127 : i32 to index
        %parallel_loop3A_1032 = arith.constant 496 : index
        %parallel_loop3A_1033 = tpu.vector_load %arg8[%parallel_loop3A_1031, %parallel_loop3A_1032] {strides = array<i32>} : memref<16x1024xf32, #tpu.memory_space<vmem>>, vector<1x16xf32>,
        %parallel_loop3A_1034 = vector.shape_cast %parallel_loop3A_1033 : vector<1x16xf32> to vector<16xf32>
        %parallel_loop3A_1035 = arith.index_cast %parallel_loop3A_144 : i32 to index
        %parallel_loop3A_1036 = arith.constant 240 : index
        %parallel_loop3A_1037 = tpu.vector_load %arg12[%parallel_loop3A_1035, %parallel_loop3A_1036] {strides = array<i32>} : memref<5x256xf32, #tpu.memory_space<vmem>>, vector<1x16xf32>,
        %parallel_loop3A_1038 = vector.shape_cast %parallel_loop3A_1037 : vector<1x16xf32> to vector<16xf32>
        %parallel_loop3A_1039 = arith.addf %parallel_loop3A_1034, %parallel_loop3A_1038 : vector<16xf32>
        %parallel_loop3A_1040 = arith.index_cast %parallel_loop3A_127 : i32 to index
        %parallel_loop3A_1041 = arith.constant 496 : index
        %parallel_loop3A_1042 = tpu.vector_load %arg8[%parallel_loop3A_1040, %parallel_loop3A_1041] {strides = array<i32>} : memref<16x1024xf32, #tpu.memory_space<vmem>>, vector<1x16xf32>,
        %parallel_loop3A_1043 = vector.shape_cast %parallel_loop3A_1042 : vector<1x16xf32> to vector<16xf32>
        %parallel_loop3A_1044 = vector.shape_cast %parallel_loop3A_1039 : vector<16xf32> to vector<1x16xf32>
        tpu.vector_store %arg8[%parallel_loop3A_1040, %parallel_loop3A_1041], %parallel_loop3A_1044 {strides = array<i32>} : memref<16x1024xf32, #tpu.memory_space<vmem>>, vector<1x16xf32>,
        %parallel_loop3A_1045 = arith.index_cast %parallel_loop3A_127 : i32 to index
        %parallel_loop3A_1046 = arith.constant 752 : index
        %parallel_loop3A_1047 = tpu.vector_load %arg8[%parallel_loop3A_1045, %parallel_loop3A_1046] {strides = array<i32>} : memref<16x1024xf32, #tpu.memory_space<vmem>>, vector<1x16xf32>,
        %parallel_loop3A_1048 = vector.shape_cast %parallel_loop3A_1047 : vector<1x16xf32> to vector<16xf32>
        %parallel_loop3A_1049 = arith.index_cast %parallel_loop3A_160 : i32 to index
        %parallel_loop3A_1050 = arith.constant 240 : index
        %parallel_loop3A_1051 = tpu.vector_load %arg13[%parallel_loop3A_1049, %parallel_loop3A_1050] {strides = array<i32>} : memref<25x256xf32, #tpu.memory_space<vmem>>, vector<1x16xf32>,
        %parallel_loop3A_1052 = vector.shape_cast %parallel_loop3A_1051 : vector<1x16xf32> to vector<16xf32>
        %parallel_loop3A_1053 = arith.addf %parallel_loop3A_1048, %parallel_loop3A_1052 : vector<16xf32>
        %parallel_loop3A_1054 = arith.index_cast %parallel_loop3A_127 : i32 to index
        %parallel_loop3A_1055 = arith.constant 752 : index
        %parallel_loop3A_1056 = tpu.vector_load %arg8[%parallel_loop3A_1054, %parallel_loop3A_1055] {strides = array<i32>} : memref<16x1024xf32, #tpu.memory_space<vmem>>, vector<1x16xf32>,
        %parallel_loop3A_1057 = vector.shape_cast %parallel_loop3A_1056 : vector<1x16xf32> to vector<16xf32>
        %parallel_loop3A_1058 = vector.shape_cast %parallel_loop3A_1053 : vector<16xf32> to vector<1x16xf32>
        tpu.vector_store %arg8[%parallel_loop3A_1054, %parallel_loop3A_1055], %parallel_loop3A_1058 {strides = array<i32>} : memref<16x1024xf32, #tpu.memory_space<vmem>>, vector<1x16xf32>,
        %parallel_loop3A_1059 = arith.index_cast %parallel_loop3A_127 : i32 to index
        %parallel_loop3A_1060 = arith.constant 1008 : index
        %parallel_loop3A_1061 = tpu.vector_load %arg8[%parallel_loop3A_1059, %parallel_loop3A_1060] {strides = array<i32>} : memref<16x1024xf32, #tpu.memory_space<vmem>>, vector<1x16xf32>,
        %parallel_loop3A_1062 = vector.shape_cast %parallel_loop3A_1061 : vector<1x16xf32> to vector<16xf32>
        %parallel_loop3A_1063 = arith.index_cast %parallel_loop3A_176 : i32 to index
        %parallel_loop3A_1064 = arith.constant 240 : index
        %parallel_loop3A_1065 = tpu.vector_load %arg14[%parallel_loop3A_1063, %parallel_loop3A_1064] {strides = array<i32>} : memref<252x256xf32, #tpu.memory_space<vmem>>, vector<1x16xf32>,
        %parallel_loop3A_1066 = vector.shape_cast %parallel_loop3A_1065 : vector<1x16xf32> to vector<16xf32>
        %parallel_loop3A_1067 = arith.addf %parallel_loop3A_1062, %parallel_loop3A_1066 : vector<16xf32>
        %parallel_loop3A_1068 = arith.index_cast %parallel_loop3A_127 : i32 to index
        %parallel_loop3A_1069 = arith.constant 1008 : index
        %parallel_loop3A_1070 = tpu.vector_load %arg8[%parallel_loop3A_1068, %parallel_loop3A_1069] {strides = array<i32>} : memref<16x1024xf32, #tpu.memory_space<vmem>>, vector<1x16xf32>,
        %parallel_loop3A_1071 = vector.shape_cast %parallel_loop3A_1070 : vector<1x16xf32> to vector<16xf32>
        %parallel_loop3A_1072 = vector.shape_cast %parallel_loop3A_1067 : vector<16xf32> to vector<1x16xf32>
        tpu.vector_store %arg8[%parallel_loop3A_1068, %parallel_loop3A_1069], %parallel_loop3A_1072 {strides = array<i32>} : memref<16x1024xf32, #tpu.memory_space<vmem>>, vector<1x16xf32>,
      } {sc.loop_unroll_factor = 1 : i64, sc.parallel_access}
      %mul3A_75 = arith.constant 16 : i32
      %mul3A_76 = arith.muli %add3A_45, %mul3A_75 : i32
      %add3A_77 = arith.addi %mul3A_2, %mul3A_76 : i32
      %dma_start3A_78 = arith.constant 0 : i32
      %dma_start3A_79 = tpu.memref_slice %arg7[%add3A_77, %dma_start3A_78] : memref<16384x1024xf32, #tpu.memory_space<hbm>> -> memref<16x1024xf32, #tpu.memory_space<hbm>>
      %dma_start3A_80 = arith.constant 0 : i32
      %dma_start3A_81 = tpu.memref_slice %arg7[%add3A_77, %dma_start3A_80] : memref<16384x1024xf32, #tpu.memory_space<hbm>> -> memref<16x1024xf32, #tpu.memory_space<hbm>>
      tpu.enqueue_dma source(%arg8 : memref<16x1024xf32, #tpu.memory_space<vmem>>) target(%dma_start3A_81 : memref<16x1024xf32, #tpu.memory_space<hbm>>) target_semaphore(%arg18 : memref<!tpu.dma_semaphore, #tpu.memory_space<semaphore_mem>>)
      %mul3A_82 = arith.constant 2 : i32
      %mul3A_83 = arith.muli %mul3A_82, %scan3A_40 : i32
      %add3A_84 = arith.constant 1 : i32
      %add3A_85 = arith.addi %mul3A_83, %add3A_84 : i32
      %add3A_86 = arith.constant 1 : i32
      %add3A_87 = arith.addi %add3A_85, %add3A_86 : i32
      %lt3A_88 = arith.constant 32 : i32
      %lt3A_89 = arith.cmpi slt, %add3A_87, %lt3A_88 : i32
      %ge3A_90 = arith.constant 2 : i32
      %ge3A_91 = arith.cmpi sge, %add3A_87, %ge3A_90 : i32
      %and3A_92 = arith.andi %lt3A_89, %ge3A_91 : i1
      %convert_element_type3A_93 = arith.extui %and3A_92 : i1 to i32
      %cond3A_94 = arith.constant 0 : i32
      %cond3A_95 = arith.cmpi ne, %convert_element_type3A_93, %cond3A_94 : i32
      scf.if %cond3A_95 {
        %dma_wait3A_127 = arith.constant 0 : i32
        %dma_wait3A_128 = arith.constant 0 : i32
        %dma_wait3A_129 = tpu.memref_slice %arg7[%dma_wait3A_127, %dma_wait3A_128] : memref<16384x1024xf32, #tpu.memory_space<hbm>> -> memref<16x1024xf32, #tpu.memory_space<hbm>>
        %dma_wait3A_130 = arith.constant 0 : i32
        %dma_wait3A_131 = arith.constant 0 : i32
        %dma_wait3A_132 = tpu.memref_slice %arg7[%dma_wait3A_130, %dma_wait3A_131] : memref<16384x1024xf32, #tpu.memory_space<hbm>> -> memref<16x1024xf32, #tpu.memory_space<hbm>>
        tpu.wait_dma2 semaphore(%arg18 : memref<!tpu.dma_semaphore, #tpu.memory_space<semaphore_mem>>) src(%arg8 : memref<16x1024xf32, #tpu.memory_space<vmem>>) dst(%dma_wait3A_132 : memref<16x1024xf32, #tpu.memory_space<hbm>>)
      } else {
      }
      %lt3A_96 = arith.constant 32 : i32
      %lt3A_97 = arith.cmpi slt, %add3A_87, %lt3A_96 : i32
      %convert_element_type3A_98 = arith.extui %lt3A_97 : i1 to i32
      %cond3A_99 = arith.constant 0 : i32
      %cond3A_100 = arith.cmpi ne, %convert_element_type3A_98, %cond3A_99 : i32
      scf.if %cond3A_100 {
        %mul3A_127 = arith.constant 16 : i32
        %mul3A_128 = arith.muli %add3A_87, %mul3A_127 : i32
        %add3A_129 = arith.addi %mul3A_2, %mul3A_128 : i32
        %mul3A_130 = arith.constant 16 : i32
        %mul3A_131 = arith.muli %add3A_87, %mul3A_130 : i32
        %add3A_132 = arith.addi %select_n3A_11, %mul3A_131 : i32
        %dma_start3A_133 = arith.constant 0 : i32
        %dma_start3A_134 = tpu.memref_slice %arg2[%add3A_129, %dma_start3A_133] : memref<16384x1024xf32, #tpu.memory_space<hbm>> -> memref<16x1024xf32, #tpu.memory_space<hbm>>
        %dma_start3A_135 = arith.constant 0 : i32
        %dma_start3A_136 = tpu.memref_slice %arg2[%add3A_129, %dma_start3A_135] : memref<16384x1024xf32, #tpu.memory_space<hbm>> -> memref<16x1024xf32, #tpu.memory_space<hbm>>
        tpu.enqueue_dma source(%dma_start3A_136 : memref<16x1024xf32, #tpu.memory_space<hbm>>) target(%arg8 : memref<16x1024xf32, #tpu.memory_space<vmem>>) target_semaphore(%arg16 : memref<!tpu.dma_semaphore, #tpu.memory_space<semaphore_mem>>)
        %dma_start3A_137 = arith.constant 0 : i32
        %dma_start3A_138 = tpu.memref_slice %arg3[%add3A_132, %dma_start3A_137] : memref<5000x256xf32, #tpu.memory_space<hbm>> -> memref<16x256xf32, #tpu.memory_space<hbm>>
        %dma_start3A_139 = arith.constant 0 : i32
        %dma_start3A_140 = tpu.memref_slice %arg3[%add3A_132, %dma_start3A_139] : memref<5000x256xf32, #tpu.memory_space<hbm>> -> memref<16x256xf32, #tpu.memory_space<hbm>>
        tpu.enqueue_dma source(%dma_start3A_140 : memref<16x256xf32, #tpu.memory_space<hbm>>) target(%arg10 : memref<16x256xf32, #tpu.memory_space<vmem>>) target_semaphore(%arg16 : memref<!tpu.dma_semaphore, #tpu.memory_space<semaphore_mem>>)
      } else {
      }
      %dma_wait3A_101 = arith.constant 0 : i32
      %dma_wait3A_102 = arith.constant 0 : i32
      %dma_wait3A_103 = tpu.memref_slice %arg2[%dma_wait3A_101, %dma_wait3A_102] : memref<16384x1024xf32, #tpu.memory_space<hbm>> -> memref<16x1024xf32, #tpu.memory_space<hbm>>
      %dma_wait3A_104 = arith.constant 0 : i32
      %dma_wait3A_105 = arith.constant 0 : i32
      %dma_wait3A_106 = tpu.memref_slice %arg2[%dma_wait3A_104, %dma_wait3A_105] : memref<16384x1024xf32, #tpu.memory_space<hbm>> -> memref<16x1024xf32, #tpu.memory_space<hbm>>
      tpu.wait_dma2 semaphore(%arg17 : memref<!tpu.dma_semaphore, #tpu.memory_space<semaphore_mem>>) src(%dma_wait3A_106 : memref<16x1024xf32, #tpu.memory_space<hbm>>) dst(%arg9 : memref<16x1024xf32, #tpu.memory_space<vmem>>)
      %dma_wait3A_107 = arith.constant 0 : i32
      %dma_wait3A_108 = arith.constant 0 : i32
      %dma_wait3A_109 = tpu.memref_slice %arg3[%dma_wait3A_107, %dma_wait3A_108] : memref<5000x256xf32, #tpu.memory_space<hbm>> -> memref<16x256xf32, #tpu.memory_space<hbm>>
      %dma_wait3A_110 = arith.constant 0 : i32
      %dma_wait3A_111 = arith.constant 0 : i32
      %dma_wait3A_112 = tpu.memref_slice %arg3[%dma_wait3A_110, %dma_wait3A_111] : memref<5000x256xf32, #tpu.memory_space<hbm>> -> memref<16x256xf32, #tpu.memory_space<hbm>>
      tpu.wait_dma2 semaphore(%arg17 : memref<!tpu.dma_semaphore, #tpu.memory_space<semaphore_mem>>) src(%dma_wait3A_112 : memref<16x256xf32, #tpu.memory_space<hbm>>) dst(%arg11 : memref<16x256xf32, #tpu.memory_space<vmem>>)
      %mul3A_113 = arith.constant 16 : i32
      %mul3A_114 = arith.muli %add3A_85, %mul3A_113 : i32
      %add3A_115 = arith.addi %select_n3A_11, %mul3A_114 : i32
      %parallel_loop3A_116 = arith.constant 0 : i32
      %parallel_loop3A_117 = arith.constant 16 : i32
      %parallel_loop3A_118 = arith.constant 1 : i32
      scf.for %parallel_loop3A_127 = %parallel_loop3A_116 to %parallel_loop3A_117 step %parallel_loop3A_118  : i32 {
        %parallel_loop3A_128 = arith.addi %add3A_115, %parallel_loop3A_127 : i32
        %parallel_loop3A_129 = arith.constant 5 : i32
        %parallel_loop3A_130 = arith.constant 0 : i32
        %parallel_loop3A_131 = arith.cmpi eq, %parallel_loop3A_129, %parallel_loop3A_130 : i32
        %parallel_loop3A_132 = arith.constant 1 : i32
        %parallel_loop3A_133 = arith.select %parallel_loop3A_131, %parallel_loop3A_132, %parallel_loop3A_129 : i32
        %parallel_loop3A_134 = arith.remsi %parallel_loop3A_128, %parallel_loop3A_133 : i32
        %parallel_loop3A_135 = arith.constant 0 : i32
        %parallel_loop3A_136 = arith.cmpi ne, %parallel_loop3A_134, %parallel_loop3A_135 : i32
        %parallel_loop3A_137 = arith.constant 0 : i32
        %parallel_loop3A_138 = arith.cmpi slt, %parallel_loop3A_134, %parallel_loop3A_137 : i32
        %parallel_loop3A_139 = arith.constant 0 : i32
        %parallel_loop3A_140 = arith.cmpi slt, %parallel_loop3A_133, %parallel_loop3A_139 : i32
        %parallel_loop3A_141 = arith.xori %parallel_loop3A_138, %parallel_loop3A_140 : i1
        %parallel_loop3A_142 = arith.andi %parallel_loop3A_141, %parallel_loop3A_136 : i1
        %parallel_loop3A_143 = arith.addi %parallel_loop3A_134, %parallel_loop3A_133 : i32
        %parallel_loop3A_144 = arith.select %parallel_loop3A_142, %parallel_loop3A_143, %parallel_loop3A_134 : i32
        %parallel_loop3A_145 = arith.constant 25 : i32
        %parallel_loop3A_146 = arith.constant 0 : i32
        %parallel_loop3A_147 = arith.cmpi eq, %parallel_loop3A_145, %parallel_loop3A_146 : i32
        %parallel_loop3A_148 = arith.constant 1 : i32
        %parallel_loop3A_149 = arith.select %parallel_loop3A_147, %parallel_loop3A_148, %parallel_loop3A_145 : i32
        %parallel_loop3A_150 = arith.remsi %parallel_loop3A_128, %parallel_loop3A_149 : i32
        %parallel_loop3A_151 = arith.constant 0 : i32
        %parallel_loop3A_152 = arith.cmpi ne, %parallel_loop3A_150, %parallel_loop3A_151 : i32
        %parallel_loop3A_153 = arith.constant 0 : i32
        %parallel_loop3A_154 = arith.cmpi slt, %parallel_loop3A_150, %parallel_loop3A_153 : i32
        %parallel_loop3A_155 = arith.constant 0 : i32
        %parallel_loop3A_156 = arith.cmpi slt, %parallel_loop3A_149, %parallel_loop3A_155 : i32
        %parallel_loop3A_157 = arith.xori %parallel_loop3A_154, %parallel_loop3A_156 : i1
        %parallel_loop3A_158 = arith.andi %parallel_loop3A_157, %parallel_loop3A_152 : i1
        %parallel_loop3A_159 = arith.addi %parallel_loop3A_150, %parallel_loop3A_149 : i32
        %parallel_loop3A_160 = arith.select %parallel_loop3A_158, %parallel_loop3A_159, %parallel_loop3A_150 : i32
        %parallel_loop3A_161 = arith.constant 252 : i32
        %parallel_loop3A_162 = arith.constant 0 : i32
        %parallel_loop3A_163 = arith.cmpi eq, %parallel_loop3A_161, %parallel_loop3A_162 : i32
        %parallel_loop3A_164 = arith.constant 1 : i32
        %parallel_loop3A_165 = arith.select %parallel_loop3A_163, %parallel_loop3A_164, %parallel_loop3A_161 : i32
        %parallel_loop3A_166 = arith.remsi %parallel_loop3A_128, %parallel_loop3A_165 : i32
        %parallel_loop3A_167 = arith.constant 0 : i32
        %parallel_loop3A_168 = arith.cmpi ne, %parallel_loop3A_166, %parallel_loop3A_167 : i32
        %parallel_loop3A_169 = arith.constant 0 : i32
        %parallel_loop3A_170 = arith.cmpi slt, %parallel_loop3A_166, %parallel_loop3A_169 : i32
        %parallel_loop3A_171 = arith.constant 0 : i32
        %parallel_loop3A_172 = arith.cmpi slt, %parallel_loop3A_165, %parallel_loop3A_171 : i32
        %parallel_loop3A_173 = arith.xori %parallel_loop3A_170, %parallel_loop3A_172 : i1
        %parallel_loop3A_174 = arith.andi %parallel_loop3A_173, %parallel_loop3A_168 : i1
        %parallel_loop3A_175 = arith.addi %parallel_loop3A_166, %parallel_loop3A_165 : i32
        %parallel_loop3A_176 = arith.select %parallel_loop3A_174, %parallel_loop3A_175, %parallel_loop3A_166 : i32
        %parallel_loop3A_177 = arith.index_cast %parallel_loop3A_127 : i32 to index
        %parallel_loop3A_178 = arith.constant 0 : index
        %parallel_loop3A_179 = tpu.vector_load %arg9[%parallel_loop3A_177, %parallel_loop3A_178] {strides = array<i32>} : memref<16x1024xf32, #tpu.memory_space<vmem>>, vector<1x16xf32>,
        %parallel_loop3A_180 = vector.shape_cast %parallel_loop3A_179 : vector<1x16xf32> to vector<16xf32>
        %parallel_loop3A_181 = arith.index_cast %parallel_loop3A_127 : i32 to index
        %parallel_loop3A_182 = arith.constant 0 : index
        %parallel_loop3A_183 = tpu.vector_load %arg11[%parallel_loop3A_181, %parallel_loop3A_182] {strides = array<i32>} : memref<16x256xf32, #tpu.memory_space<vmem>>, vector<1x16xf32>,
        %parallel_loop3A_184 = vector.shape_cast %parallel_loop3A_183 : vector<1x16xf32> to vector<16xf32>
        %parallel_loop3A_185 = arith.addf %parallel_loop3A_180, %parallel_loop3A_184 : vector<16xf32>
        %parallel_loop3A_186 = arith.index_cast %parallel_loop3A_127 : i32 to index
        %parallel_loop3A_187 = arith.constant 0 : index
        %parallel_loop3A_188 = tpu.vector_load %arg9[%parallel_loop3A_186, %parallel_loop3A_187] {strides = array<i32>} : memref<16x1024xf32, #tpu.memory_space<vmem>>, vector<1x16xf32>,
        %parallel_loop3A_189 = vector.shape_cast %parallel_loop3A_188 : vector<1x16xf32> to vector<16xf32>
        %parallel_loop3A_190 = vector.shape_cast %parallel_loop3A_185 : vector<16xf32> to vector<1x16xf32>
        tpu.vector_store %arg9[%parallel_loop3A_186, %parallel_loop3A_187], %parallel_loop3A_190 {strides = array<i32>} : memref<16x1024xf32, #tpu.memory_space<vmem>>, vector<1x16xf32>,
        %parallel_loop3A_191 = arith.index_cast %parallel_loop3A_127 : i32 to index
        %parallel_loop3A_192 = arith.constant 256 : index
        %parallel_loop3A_193 = tpu.vector_load %arg9[%parallel_loop3A_191, %parallel_loop3A_192] {strides = array<i32>} : memref<16x1024xf32, #tpu.memory_space<vmem>>, vector<1x16xf32>,
        %parallel_loop3A_194 = vector.shape_cast %parallel_loop3A_193 : vector<1x16xf32> to vector<16xf32>
        %parallel_loop3A_195 = arith.index_cast %parallel_loop3A_144 : i32 to index
        %parallel_loop3A_196 = arith.constant 0 : index
        %parallel_loop3A_197 = tpu.vector_load %arg12[%parallel_loop3A_195, %parallel_loop3A_196] {strides = array<i32>} : memref<5x256xf32, #tpu.memory_space<vmem>>, vector<1x16xf32>,
        %parallel_loop3A_198 = vector.shape_cast %parallel_loop3A_197 : vector<1x16xf32> to vector<16xf32>
        %parallel_loop3A_199 = arith.addf %parallel_loop3A_194, %parallel_loop3A_198 : vector<16xf32>
        %parallel_loop3A_200 = arith.index_cast %parallel_loop3A_127 : i32 to index
        %parallel_loop3A_201 = arith.constant 256 : index
        %parallel_loop3A_202 = tpu.vector_load %arg9[%parallel_loop3A_200, %parallel_loop3A_201] {strides = array<i32>} : memref<16x1024xf32, #tpu.memory_space<vmem>>, vector<1x16xf32>,
        %parallel_loop3A_203 = vector.shape_cast %parallel_loop3A_202 : vector<1x16xf32> to vector<16xf32>
        %parallel_loop3A_204 = vector.shape_cast %parallel_loop3A_199 : vector<16xf32> to vector<1x16xf32>
        tpu.vector_store %arg9[%parallel_loop3A_200, %parallel_loop3A_201], %parallel_loop3A_204 {strides = array<i32>} : memref<16x1024xf32, #tpu.memory_space<vmem>>, vector<1x16xf32>,
        %parallel_loop3A_205 = arith.index_cast %parallel_loop3A_127 : i32 to index
        %parallel_loop3A_206 = arith.constant 512 : index
        %parallel_loop3A_207 = tpu.vector_load %arg9[%parallel_loop3A_205, %parallel_loop3A_206] {strides = array<i32>} : memref<16x1024xf32, #tpu.memory_space<vmem>>, vector<1x16xf32>,
        %parallel_loop3A_208 = vector.shape_cast %parallel_loop3A_207 : vector<1x16xf32> to vector<16xf32>
        %parallel_loop3A_209 = arith.index_cast %parallel_loop3A_160 : i32 to index
        %parallel_loop3A_210 = arith.constant 0 : index
        %parallel_loop3A_211 = tpu.vector_load %arg13[%parallel_loop3A_209, %parallel_loop3A_210] {strides = array<i32>} : memref<25x256xf32, #tpu.memory_space<vmem>>, vector<1x16xf32>,
        %parallel_loop3A_212 = vector.shape_cast %parallel_loop3A_211 : vector<1x16xf32> to vector<16xf32>
        %parallel_loop3A_213 = arith.addf %parallel_loop3A_208, %parallel_loop3A_212 : vector<16xf32>
        %parallel_loop3A_214 = arith.index_cast %parallel_loop3A_127 : i32 to index
        %parallel_loop3A_215 = arith.constant 512 : index
        %parallel_loop3A_216 = tpu.vector_load %arg9[%parallel_loop3A_214, %parallel_loop3A_215] {strides = array<i32>} : memref<16x1024xf32, #tpu.memory_space<vmem>>, vector<1x16xf32>,
        %parallel_loop3A_217 = vector.shape_cast %parallel_loop3A_216 : vector<1x16xf32> to vector<16xf32>
        %parallel_loop3A_218 = vector.shape_cast %parallel_loop3A_213 : vector<16xf32> to vector<1x16xf32>
        tpu.vector_store %arg9[%parallel_loop3A_214, %parallel_loop3A_215], %parallel_loop3A_218 {strides = array<i32>} : memref<16x1024xf32, #tpu.memory_space<vmem>>, vector<1x16xf32>,
        %parallel_loop3A_219 = arith.index_cast %parallel_loop3A_127 : i32 to index
        %parallel_loop3A_220 = arith.constant 768 : index
        %parallel_loop3A_221 = tpu.vector_load %arg9[%parallel_loop3A_219, %parallel_loop3A_220] {strides = array<i32>} : memref<16x1024xf32, #tpu.memory_space<vmem>>, vector<1x16xf32>,
        %parallel_loop3A_222 = vector.shape_cast %parallel_loop3A_221 : vector<1x16xf32> to vector<16xf32>
        %parallel_loop3A_223 = arith.index_cast %parallel_loop3A_176 : i32 to index
        %parallel_loop3A_224 = arith.constant 0 : index
        %parallel_loop3A_225 = tpu.vector_load %arg14[%parallel_loop3A_223, %parallel_loop3A_224] {strides = array<i32>} : memref<252x256xf32, #tpu.memory_space<vmem>>, vector<1x16xf32>,
        %parallel_loop3A_226 = vector.shape_cast %parallel_loop3A_225 : vector<1x16xf32> to vector<16xf32>
        %parallel_loop3A_227 = arith.addf %parallel_loop3A_222, %parallel_loop3A_226 : vector<16xf32>
        %parallel_loop3A_228 = arith.index_cast %parallel_loop3A_127 : i32 to index
        %parallel_loop3A_229 = arith.constant 768 : index
        %parallel_loop3A_230 = tpu.vector_load %arg9[%parallel_loop3A_228, %parallel_loop3A_229] {strides = array<i32>} : memref<16x1024xf32, #tpu.memory_space<vmem>>, vector<1x16xf32>,
        %parallel_loop3A_231 = vector.shape_cast %parallel_loop3A_230 : vector<1x16xf32> to vector<16xf32>
        %parallel_loop3A_232 = vector.shape_cast %parallel_loop3A_227 : vector<16xf32> to vector<1x16xf32>
        tpu.vector_store %arg9[%parallel_loop3A_228, %parallel_loop3A_229], %parallel_loop3A_232 {strides = array<i32>} : memref<16x1024xf32, #tpu.memory_space<vmem>>, vector<1x16xf32>,
        %parallel_loop3A_233 = arith.index_cast %parallel_loop3A_127 : i32 to index
        %parallel_loop3A_234 = arith.constant 16 : index
        %parallel_loop3A_235 = tpu.vector_load %arg9[%parallel_loop3A_233, %parallel_loop3A_234] {strides = array<i32>} : memref<16x1024xf32, #tpu.memory_space<vmem>>, vector<1x16xf32>,
        %parallel_loop3A_236 = vector.shape_cast %parallel_loop3A_235 : vector<1x16xf32> to vector<16xf32>
        %parallel_loop3A_237 = arith.index_cast %parallel_loop3A_127 : i32 to index
        %parallel_loop3A_238 = arith.constant 16 : index
        %parallel_loop3A_239 = tpu.vector_load %arg11[%parallel_loop3A_237, %parallel_loop3A_238] {strides = array<i32>} : memref<16x256xf32, #tpu.memory_space<vmem>>, vector<1x16xf32>,
        %parallel_loop3A_240 = vector.shape_cast %parallel_loop3A_239 : vector<1x16xf32> to vector<16xf32>
        %parallel_loop3A_241 = arith.addf %parallel_loop3A_236, %parallel_loop3A_240 : vector<16xf32>
        %parallel_loop3A_242 = arith.index_cast %parallel_loop3A_127 : i32 to index
        %parallel_loop3A_243 = arith.constant 16 : index
        %parallel_loop3A_244 = tpu.vector_load %arg9[%parallel_loop3A_242, %parallel_loop3A_243] {strides = array<i32>} : memref<16x1024xf32, #tpu.memory_space<vmem>>, vector<1x16xf32>,
        %parallel_loop3A_245 = vector.shape_cast %parallel_loop3A_244 : vector<1x16xf32> to vector<16xf32>
        %parallel_loop3A_246 = vector.shape_cast %parallel_loop3A_241 : vector<16xf32> to vector<1x16xf32>
        tpu.vector_store %arg9[%parallel_loop3A_242, %parallel_loop3A_243], %parallel_loop3A_246 {strides = array<i32>} : memref<16x1024xf32, #tpu.memory_space<vmem>>, vector<1x16xf32>,
        %parallel_loop3A_247 = arith.index_cast %parallel_loop3A_127 : i32 to index
        %parallel_loop3A_248 = arith.constant 272 : index
        %parallel_loop3A_249 = tpu.vector_load %arg9[%parallel_loop3A_247, %parallel_loop3A_248] {strides = array<i32>} : memref<16x1024xf32, #tpu.memory_space<vmem>>, vector<1x16xf32>,
        %parallel_loop3A_250 = vector.shape_cast %parallel_loop3A_249 : vector<1x16xf32> to vector<16xf32>
        %parallel_loop3A_251 = arith.index_cast %parallel_loop3A_144 : i32 to index
        %parallel_loop3A_252 = arith.constant 16 : index
        %parallel_loop3A_253 = tpu.vector_load %arg12[%parallel_loop3A_251, %parallel_loop3A_252] {strides = array<i32>} : memref<5x256xf32, #tpu.memory_space<vmem>>, vector<1x16xf32>,
        %parallel_loop3A_254 = vector.shape_cast %parallel_loop3A_253 : vector<1x16xf32> to vector<16xf32>
        %parallel_loop3A_255 = arith.addf %parallel_loop3A_250, %parallel_loop3A_254 : vector<16xf32>
        %parallel_loop3A_256 = arith.index_cast %parallel_loop3A_127 : i32 to index
        %parallel_loop3A_257 = arith.constant 272 : index
        %parallel_loop3A_258 = tpu.vector_load %arg9[%parallel_loop3A_256, %parallel_loop3A_257] {strides = array<i32>} : memref<16x1024xf32, #tpu.memory_space<vmem>>, vector<1x16xf32>,
        %parallel_loop3A_259 = vector.shape_cast %parallel_loop3A_258 : vector<1x16xf32> to vector<16xf32>
        %parallel_loop3A_260 = vector.shape_cast %parallel_loop3A_255 : vector<16xf32> to vector<1x16xf32>
        tpu.vector_store %arg9[%parallel_loop3A_256, %parallel_loop3A_257], %parallel_loop3A_260 {strides = array<i32>} : memref<16x1024xf32, #tpu.memory_space<vmem>>, vector<1x16xf32>,
        %parallel_loop3A_261 = arith.index_cast %parallel_loop3A_127 : i32 to index
        %parallel_loop3A_262 = arith.constant 528 : index
        %parallel_loop3A_263 = tpu.vector_load %arg9[%parallel_loop3A_261, %parallel_loop3A_262] {strides = array<i32>} : memref<16x1024xf32, #tpu.memory_space<vmem>>, vector<1x16xf32>,
        %parallel_loop3A_264 = vector.shape_cast %parallel_loop3A_263 : vector<1x16xf32> to vector<16xf32>
        %parallel_loop3A_265 = arith.index_cast %parallel_loop3A_160 : i32 to index
        %parallel_loop3A_266 = arith.constant 16 : index
        %parallel_loop3A_267 = tpu.vector_load %arg13[%parallel_loop3A_265, %parallel_loop3A_266] {strides = array<i32>} : memref<25x256xf32, #tpu.memory_space<vmem>>, vector<1x16xf32>,
        %parallel_loop3A_268 = vector.shape_cast %parallel_loop3A_267 : vector<1x16xf32> to vector<16xf32>
        %parallel_loop3A_269 = arith.addf %parallel_loop3A_264, %parallel_loop3A_268 : vector<16xf32>
        %parallel_loop3A_270 = arith.index_cast %parallel_loop3A_127 : i32 to index
        %parallel_loop3A_271 = arith.constant 528 : index
        %parallel_loop3A_272 = tpu.vector_load %arg9[%parallel_loop3A_270, %parallel_loop3A_271] {strides = array<i32>} : memref<16x1024xf32, #tpu.memory_space<vmem>>, vector<1x16xf32>,
        %parallel_loop3A_273 = vector.shape_cast %parallel_loop3A_272 : vector<1x16xf32> to vector<16xf32>
        %parallel_loop3A_274 = vector.shape_cast %parallel_loop3A_269 : vector<16xf32> to vector<1x16xf32>
        tpu.vector_store %arg9[%parallel_loop3A_270, %parallel_loop3A_271], %parallel_loop3A_274 {strides = array<i32>} : memref<16x1024xf32, #tpu.memory_space<vmem>>, vector<1x16xf32>,
        %parallel_loop3A_275 = arith.index_cast %parallel_loop3A_127 : i32 to index
        %parallel_loop3A_276 = arith.constant 784 : index
        %parallel_loop3A_277 = tpu.vector_load %arg9[%parallel_loop3A_275, %parallel_loop3A_276] {strides = array<i32>} : memref<16x1024xf32, #tpu.memory_space<vmem>>, vector<1x16xf32>,
        %parallel_loop3A_278 = vector.shape_cast %parallel_loop3A_277 : vector<1x16xf32> to vector<16xf32>
        %parallel_loop3A_279 = arith.index_cast %parallel_loop3A_176 : i32 to index
        %parallel_loop3A_280 = arith.constant 16 : index
        %parallel_loop3A_281 = tpu.vector_load %arg14[%parallel_loop3A_279, %parallel_loop3A_280] {strides = array<i32>} : memref<252x256xf32, #tpu.memory_space<vmem>>, vector<1x16xf32>,
        %parallel_loop3A_282 = vector.shape_cast %parallel_loop3A_281 : vector<1x16xf32> to vector<16xf32>
        %parallel_loop3A_283 = arith.addf %parallel_loop3A_278, %parallel_loop3A_282 : vector<16xf32>
        %parallel_loop3A_284 = arith.index_cast %parallel_loop3A_127 : i32 to index
        %parallel_loop3A_285 = arith.constant 784 : index
        %parallel_loop3A_286 = tpu.vector_load %arg9[%parallel_loop3A_284, %parallel_loop3A_285] {strides = array<i32>} : memref<16x1024xf32, #tpu.memory_space<vmem>>, vector<1x16xf32>,
        %parallel_loop3A_287 = vector.shape_cast %parallel_loop3A_286 : vector<1x16xf32> to vector<16xf32>
        %parallel_loop3A_288 = vector.shape_cast %parallel_loop3A_283 : vector<16xf32> to vector<1x16xf32>
        tpu.vector_store %arg9[%parallel_loop3A_284, %parallel_loop3A_285], %parallel_loop3A_288 {strides = array<i32>} : memref<16x1024xf32, #tpu.memory_space<vmem>>, vector<1x16xf32>,
        %parallel_loop3A_289 = arith.index_cast %parallel_loop3A_127 : i32 to index
        %parallel_loop3A_290 = arith.constant 32 : index
        %parallel_loop3A_291 = tpu.vector_load %arg9[%parallel_loop3A_289, %parallel_loop3A_290] {strides = array<i32>} : memref<16x1024xf32, #tpu.memory_space<vmem>>, vector<1x16xf32>,
        %parallel_loop3A_292 = vector.shape_cast %parallel_loop3A_291 : vector<1x16xf32> to vector<16xf32>
        %parallel_loop3A_293 = arith.index_cast %parallel_loop3A_127 : i32 to index
        %parallel_loop3A_294 = arith.constant 32 : index
        %parallel_loop3A_295 = tpu.vector_load %arg11[%parallel_loop3A_293, %parallel_loop3A_294] {strides = array<i32>} : memref<16x256xf32, #tpu.memory_space<vmem>>, vector<1x16xf32>,
        %parallel_loop3A_296 = vector.shape_cast %parallel_loop3A_295 : vector<1x16xf32> to vector<16xf32>
        %parallel_loop3A_297 = arith.addf %parallel_loop3A_292, %parallel_loop3A_296 : vector<16xf32>
        %parallel_loop3A_298 = arith.index_cast %parallel_loop3A_127 : i32 to index
        %parallel_loop3A_299 = arith.constant 32 : index
        %parallel_loop3A_300 = tpu.vector_load %arg9[%parallel_loop3A_298, %parallel_loop3A_299] {strides = array<i32>} : memref<16x1024xf32, #tpu.memory_space<vmem>>, vector<1x16xf32>,
        %parallel_loop3A_301 = vector.shape_cast %parallel_loop3A_300 : vector<1x16xf32> to vector<16xf32>
        %parallel_loop3A_302 = vector.shape_cast %parallel_loop3A_297 : vector<16xf32> to vector<1x16xf32>
        tpu.vector_store %arg9[%parallel_loop3A_298, %parallel_loop3A_299], %parallel_loop3A_302 {strides = array<i32>} : memref<16x1024xf32, #tpu.memory_space<vmem>>, vector<1x16xf32>,
        %parallel_loop3A_303 = arith.index_cast %parallel_loop3A_127 : i32 to index
        %parallel_loop3A_304 = arith.constant 288 : index
        %parallel_loop3A_305 = tpu.vector_load %arg9[%parallel_loop3A_303, %parallel_loop3A_304] {strides = array<i32>} : memref<16x1024xf32, #tpu.memory_space<vmem>>, vector<1x16xf32>,
        %parallel_loop3A_306 = vector.shape_cast %parallel_loop3A_305 : vector<1x16xf32> to vector<16xf32>
        %parallel_loop3A_307 = arith.index_cast %parallel_loop3A_144 : i32 to index
        %parallel_loop3A_308 = arith.constant 32 : index
        %parallel_loop3A_309 = tpu.vector_load %arg12[%parallel_loop3A_307, %parallel_loop3A_308] {strides = array<i32>} : memref<5x256xf32, #tpu.memory_space<vmem>>, vector<1x16xf32>,
        %parallel_loop3A_310 = vector.shape_cast %parallel_loop3A_309 : vector<1x16xf32> to vector<16xf32>
        %parallel_loop3A_311 = arith.addf %parallel_loop3A_306, %parallel_loop3A_310 : vector<16xf32>
        %parallel_loop3A_312 = arith.index_cast %parallel_loop3A_127 : i32 to index
        %parallel_loop3A_313 = arith.constant 288 : index
        %parallel_loop3A_314 = tpu.vector_load %arg9[%parallel_loop3A_312, %parallel_loop3A_313] {strides = array<i32>} : memref<16x1024xf32, #tpu.memory_space<vmem>>, vector<1x16xf32>,
        %parallel_loop3A_315 = vector.shape_cast %parallel_loop3A_314 : vector<1x16xf32> to vector<16xf32>
        %parallel_loop3A_316 = vector.shape_cast %parallel_loop3A_311 : vector<16xf32> to vector<1x16xf32>
        tpu.vector_store %arg9[%parallel_loop3A_312, %parallel_loop3A_313], %parallel_loop3A_316 {strides = array<i32>} : memref<16x1024xf32, #tpu.memory_space<vmem>>, vector<1x16xf32>,
        %parallel_loop3A_317 = arith.index_cast %parallel_loop3A_127 : i32 to index
        %parallel_loop3A_318 = arith.constant 544 : index
        %parallel_loop3A_319 = tpu.vector_load %arg9[%parallel_loop3A_317, %parallel_loop3A_318] {strides = array<i32>} : memref<16x1024xf32, #tpu.memory_space<vmem>>, vector<1x16xf32>,
        %parallel_loop3A_320 = vector.shape_cast %parallel_loop3A_319 : vector<1x16xf32> to vector<16xf32>
        %parallel_loop3A_321 = arith.index_cast %parallel_loop3A_160 : i32 to index
        %parallel_loop3A_322 = arith.constant 32 : index
        %parallel_loop3A_323 = tpu.vector_load %arg13[%parallel_loop3A_321, %parallel_loop3A_322] {strides = array<i32>} : memref<25x256xf32, #tpu.memory_space<vmem>>, vector<1x16xf32>,
        %parallel_loop3A_324 = vector.shape_cast %parallel_loop3A_323 : vector<1x16xf32> to vector<16xf32>
        %parallel_loop3A_325 = arith.addf %parallel_loop3A_320, %parallel_loop3A_324 : vector<16xf32>
        %parallel_loop3A_326 = arith.index_cast %parallel_loop3A_127 : i32 to index
        %parallel_loop3A_327 = arith.constant 544 : index
        %parallel_loop3A_328 = tpu.vector_load %arg9[%parallel_loop3A_326, %parallel_loop3A_327] {strides = array<i32>} : memref<16x1024xf32, #tpu.memory_space<vmem>>, vector<1x16xf32>,
        %parallel_loop3A_329 = vector.shape_cast %parallel_loop3A_328 : vector<1x16xf32> to vector<16xf32>
        %parallel_loop3A_330 = vector.shape_cast %parallel_loop3A_325 : vector<16xf32> to vector<1x16xf32>
        tpu.vector_store %arg9[%parallel_loop3A_326, %parallel_loop3A_327], %parallel_loop3A_330 {strides = array<i32>} : memref<16x1024xf32, #tpu.memory_space<vmem>>, vector<1x16xf32>,
        %parallel_loop3A_331 = arith.index_cast %parallel_loop3A_127 : i32 to index
        %parallel_loop3A_332 = arith.constant 800 : index
        %parallel_loop3A_333 = tpu.vector_load %arg9[%parallel_loop3A_331, %parallel_loop3A_332] {strides = array<i32>} : memref<16x1024xf32, #tpu.memory_space<vmem>>, vector<1x16xf32>,
        %parallel_loop3A_334 = vector.shape_cast %parallel_loop3A_333 : vector<1x16xf32> to vector<16xf32>
        %parallel_loop3A_335 = arith.index_cast %parallel_loop3A_176 : i32 to index
        %parallel_loop3A_336 = arith.constant 32 : index
        %parallel_loop3A_337 = tpu.vector_load %arg14[%parallel_loop3A_335, %parallel_loop3A_336] {strides = array<i32>} : memref<252x256xf32, #tpu.memory_space<vmem>>, vector<1x16xf32>,
        %parallel_loop3A_338 = vector.shape_cast %parallel_loop3A_337 : vector<1x16xf32> to vector<16xf32>
        %parallel_loop3A_339 = arith.addf %parallel_loop3A_334, %parallel_loop3A_338 : vector<16xf32>
        %parallel_loop3A_340 = arith.index_cast %parallel_loop3A_127 : i32 to index
        %parallel_loop3A_341 = arith.constant 800 : index
        %parallel_loop3A_342 = tpu.vector_load %arg9[%parallel_loop3A_340, %parallel_loop3A_341] {strides = array<i32>} : memref<16x1024xf32, #tpu.memory_space<vmem>>, vector<1x16xf32>,
        %parallel_loop3A_343 = vector.shape_cast %parallel_loop3A_342 : vector<1x16xf32> to vector<16xf32>
        %parallel_loop3A_344 = vector.shape_cast %parallel_loop3A_339 : vector<16xf32> to vector<1x16xf32>
        tpu.vector_store %arg9[%parallel_loop3A_340, %parallel_loop3A_341], %parallel_loop3A_344 {strides = array<i32>} : memref<16x1024xf32, #tpu.memory_space<vmem>>, vector<1x16xf32>,
        %parallel_loop3A_345 = arith.index_cast %parallel_loop3A_127 : i32 to index
        %parallel_loop3A_346 = arith.constant 48 : index
        %parallel_loop3A_347 = tpu.vector_load %arg9[%parallel_loop3A_345, %parallel_loop3A_346] {strides = array<i32>} : memref<16x1024xf32, #tpu.memory_space<vmem>>, vector<1x16xf32>,
        %parallel_loop3A_348 = vector.shape_cast %parallel_loop3A_347 : vector<1x16xf32> to vector<16xf32>
        %parallel_loop3A_349 = arith.index_cast %parallel_loop3A_127 : i32 to index
        %parallel_loop3A_350 = arith.constant 48 : index
        %parallel_loop3A_351 = tpu.vector_load %arg11[%parallel_loop3A_349, %parallel_loop3A_350] {strides = array<i32>} : memref<16x256xf32, #tpu.memory_space<vmem>>, vector<1x16xf32>,
        %parallel_loop3A_352 = vector.shape_cast %parallel_loop3A_351 : vector<1x16xf32> to vector<16xf32>
        %parallel_loop3A_353 = arith.addf %parallel_loop3A_348, %parallel_loop3A_352 : vector<16xf32>
        %parallel_loop3A_354 = arith.index_cast %parallel_loop3A_127 : i32 to index
        %parallel_loop3A_355 = arith.constant 48 : index
        %parallel_loop3A_356 = tpu.vector_load %arg9[%parallel_loop3A_354, %parallel_loop3A_355] {strides = array<i32>} : memref<16x1024xf32, #tpu.memory_space<vmem>>, vector<1x16xf32>,
        %parallel_loop3A_357 = vector.shape_cast %parallel_loop3A_356 : vector<1x16xf32> to vector<16xf32>
        %parallel_loop3A_358 = vector.shape_cast %parallel_loop3A_353 : vector<16xf32> to vector<1x16xf32>
        tpu.vector_store %arg9[%parallel_loop3A_354, %parallel_loop3A_355], %parallel_loop3A_358 {strides = array<i32>} : memref<16x1024xf32, #tpu.memory_space<vmem>>, vector<1x16xf32>,
        %parallel_loop3A_359 = arith.index_cast %parallel_loop3A_127 : i32 to index
        %parallel_loop3A_360 = arith.constant 304 : index
        %parallel_loop3A_361 = tpu.vector_load %arg9[%parallel_loop3A_359, %parallel_loop3A_360] {strides = array<i32>} : memref<16x1024xf32, #tpu.memory_space<vmem>>, vector<1x16xf32>,
        %parallel_loop3A_362 = vector.shape_cast %parallel_loop3A_361 : vector<1x16xf32> to vector<16xf32>
        %parallel_loop3A_363 = arith.index_cast %parallel_loop3A_144 : i32 to index
        %parallel_loop3A_364 = arith.constant 48 : index
        %parallel_loop3A_365 = tpu.vector_load %arg12[%parallel_loop3A_363, %parallel_loop3A_364] {strides = array<i32>} : memref<5x256xf32, #tpu.memory_space<vmem>>, vector<1x16xf32>,
        %parallel_loop3A_366 = vector.shape_cast %parallel_loop3A_365 : vector<1x16xf32> to vector<16xf32>
        %parallel_loop3A_367 = arith.addf %parallel_loop3A_362, %parallel_loop3A_366 : vector<16xf32>
        %parallel_loop3A_368 = arith.index_cast %parallel_loop3A_127 : i32 to index
        %parallel_loop3A_369 = arith.constant 304 : index
        %parallel_loop3A_370 = tpu.vector_load %arg9[%parallel_loop3A_368, %parallel_loop3A_369] {strides = array<i32>} : memref<16x1024xf32, #tpu.memory_space<vmem>>, vector<1x16xf32>,
        %parallel_loop3A_371 = vector.shape_cast %parallel_loop3A_370 : vector<1x16xf32> to vector<16xf32>
        %parallel_loop3A_372 = vector.shape_cast %parallel_loop3A_367 : vector<16xf32> to vector<1x16xf32>
        tpu.vector_store %arg9[%parallel_loop3A_368, %parallel_loop3A_369], %parallel_loop3A_372 {strides = array<i32>} : memref<16x1024xf32, #tpu.memory_space<vmem>>, vector<1x16xf32>,
        %parallel_loop3A_373 = arith.index_cast %parallel_loop3A_127 : i32 to index
        %parallel_loop3A_374 = arith.constant 560 : index
        %parallel_loop3A_375 = tpu.vector_load %arg9[%parallel_loop3A_373, %parallel_loop3A_374] {strides = array<i32>} : memref<16x1024xf32, #tpu.memory_space<vmem>>, vector<1x16xf32>,
        %parallel_loop3A_376 = vector.shape_cast %parallel_loop3A_375 : vector<1x16xf32> to vector<16xf32>
        %parallel_loop3A_377 = arith.index_cast %parallel_loop3A_160 : i32 to index
        %parallel_loop3A_378 = arith.constant 48 : index
        %parallel_loop3A_379 = tpu.vector_load %arg13[%parallel_loop3A_377, %parallel_loop3A_378] {strides = array<i32>} : memref<25x256xf32, #tpu.memory_space<vmem>>, vector<1x16xf32>,
        %parallel_loop3A_380 = vector.shape_cast %parallel_loop3A_379 : vector<1x16xf32> to vector<16xf32>
        %parallel_loop3A_381 = arith.addf %parallel_loop3A_376, %parallel_loop3A_380 : vector<16xf32>
        %parallel_loop3A_382 = arith.index_cast %parallel_loop3A_127 : i32 to index
        %parallel_loop3A_383 = arith.constant 560 : index
        %parallel_loop3A_384 = tpu.vector_load %arg9[%parallel_loop3A_382, %parallel_loop3A_383] {strides = array<i32>} : memref<16x1024xf32, #tpu.memory_space<vmem>>, vector<1x16xf32>,
        %parallel_loop3A_385 = vector.shape_cast %parallel_loop3A_384 : vector<1x16xf32> to vector<16xf32>
        %parallel_loop3A_386 = vector.shape_cast %parallel_loop3A_381 : vector<16xf32> to vector<1x16xf32>
        tpu.vector_store %arg9[%parallel_loop3A_382, %parallel_loop3A_383], %parallel_loop3A_386 {strides = array<i32>} : memref<16x1024xf32, #tpu.memory_space<vmem>>, vector<1x16xf32>,
        %parallel_loop3A_387 = arith.index_cast %parallel_loop3A_127 : i32 to index
        %parallel_loop3A_388 = arith.constant 816 : index
        %parallel_loop3A_389 = tpu.vector_load %arg9[%parallel_loop3A_387, %parallel_loop3A_388] {strides = array<i32>} : memref<16x1024xf32, #tpu.memory_space<vmem>>, vector<1x16xf32>,
        %parallel_loop3A_390 = vector.shape_cast %parallel_loop3A_389 : vector<1x16xf32> to vector<16xf32>
        %parallel_loop3A_391 = arith.index_cast %parallel_loop3A_176 : i32 to index
        %parallel_loop3A_392 = arith.constant 48 : index
        %parallel_loop3A_393 = tpu.vector_load %arg14[%parallel_loop3A_391, %parallel_loop3A_392] {strides = array<i32>} : memref<252x256xf32, #tpu.memory_space<vmem>>, vector<1x16xf32>,
        %parallel_loop3A_394 = vector.shape_cast %parallel_loop3A_393 : vector<1x16xf32> to vector<16xf32>
        %parallel_loop3A_395 = arith.addf %parallel_loop3A_390, %parallel_loop3A_394 : vector<16xf32>
        %parallel_loop3A_396 = arith.index_cast %parallel_loop3A_127 : i32 to index
        %parallel_loop3A_397 = arith.constant 816 : index
        %parallel_loop3A_398 = tpu.vector_load %arg9[%parallel_loop3A_396, %parallel_loop3A_397] {strides = array<i32>} : memref<16x1024xf32, #tpu.memory_space<vmem>>, vector<1x16xf32>,
        %parallel_loop3A_399 = vector.shape_cast %parallel_loop3A_398 : vector<1x16xf32> to vector<16xf32>
        %parallel_loop3A_400 = vector.shape_cast %parallel_loop3A_395 : vector<16xf32> to vector<1x16xf32>
        tpu.vector_store %arg9[%parallel_loop3A_396, %parallel_loop3A_397], %parallel_loop3A_400 {strides = array<i32>} : memref<16x1024xf32, #tpu.memory_space<vmem>>, vector<1x16xf32>,
        %parallel_loop3A_401 = arith.index_cast %parallel_loop3A_127 : i32 to index
        %parallel_loop3A_402 = arith.constant 64 : index
        %parallel_loop3A_403 = tpu.vector_load %arg9[%parallel_loop3A_401, %parallel_loop3A_402] {strides = array<i32>} : memref<16x1024xf32, #tpu.memory_space<vmem>>, vector<1x16xf32>,
        %parallel_loop3A_404 = vector.shape_cast %parallel_loop3A_403 : vector<1x16xf32> to vector<16xf32>
        %parallel_loop3A_405 = arith.index_cast %parallel_loop3A_127 : i32 to index
        %parallel_loop3A_406 = arith.constant 64 : index
        %parallel_loop3A_407 = tpu.vector_load %arg11[%parallel_loop3A_405, %parallel_loop3A_406] {strides = array<i32>} : memref<16x256xf32, #tpu.memory_space<vmem>>, vector<1x16xf32>,
        %parallel_loop3A_408 = vector.shape_cast %parallel_loop3A_407 : vector<1x16xf32> to vector<16xf32>
        %parallel_loop3A_409 = arith.addf %parallel_loop3A_404, %parallel_loop3A_408 : vector<16xf32>
        %parallel_loop3A_410 = arith.index_cast %parallel_loop3A_127 : i32 to index
        %parallel_loop3A_411 = arith.constant 64 : index
        %parallel_loop3A_412 = tpu.vector_load %arg9[%parallel_loop3A_410, %parallel_loop3A_411] {strides = array<i32>} : memref<16x1024xf32, #tpu.memory_space<vmem>>, vector<1x16xf32>,
        %parallel_loop3A_413 = vector.shape_cast %parallel_loop3A_412 : vector<1x16xf32> to vector<16xf32>
        %parallel_loop3A_414 = vector.shape_cast %parallel_loop3A_409 : vector<16xf32> to vector<1x16xf32>
        tpu.vector_store %arg9[%parallel_loop3A_410, %parallel_loop3A_411], %parallel_loop3A_414 {strides = array<i32>} : memref<16x1024xf32, #tpu.memory_space<vmem>>, vector<1x16xf32>,
        %parallel_loop3A_415 = arith.index_cast %parallel_loop3A_127 : i32 to index
        %parallel_loop3A_416 = arith.constant 320 : index
        %parallel_loop3A_417 = tpu.vector_load %arg9[%parallel_loop3A_415, %parallel_loop3A_416] {strides = array<i32>} : memref<16x1024xf32, #tpu.memory_space<vmem>>, vector<1x16xf32>,
        %parallel_loop3A_418 = vector.shape_cast %parallel_loop3A_417 : vector<1x16xf32> to vector<16xf32>
        %parallel_loop3A_419 = arith.index_cast %parallel_loop3A_144 : i32 to index
        %parallel_loop3A_420 = arith.constant 64 : index
        %parallel_loop3A_421 = tpu.vector_load %arg12[%parallel_loop3A_419, %parallel_loop3A_420] {strides = array<i32>} : memref<5x256xf32, #tpu.memory_space<vmem>>, vector<1x16xf32>,
        %parallel_loop3A_422 = vector.shape_cast %parallel_loop3A_421 : vector<1x16xf32> to vector<16xf32>
        %parallel_loop3A_423 = arith.addf %parallel_loop3A_418, %parallel_loop3A_422 : vector<16xf32>
        %parallel_loop3A_424 = arith.index_cast %parallel_loop3A_127 : i32 to index
        %parallel_loop3A_425 = arith.constant 320 : index
        %parallel_loop3A_426 = tpu.vector_load %arg9[%parallel_loop3A_424, %parallel_loop3A_425] {strides = array<i32>} : memref<16x1024xf32, #tpu.memory_space<vmem>>, vector<1x16xf32>,
        %parallel_loop3A_427 = vector.shape_cast %parallel_loop3A_426 : vector<1x16xf32> to vector<16xf32>
        %parallel_loop3A_428 = vector.shape_cast %parallel_loop3A_423 : vector<16xf32> to vector<1x16xf32>
        tpu.vector_store %arg9[%parallel_loop3A_424, %parallel_loop3A_425], %parallel_loop3A_428 {strides = array<i32>} : memref<16x1024xf32, #tpu.memory_space<vmem>>, vector<1x16xf32>,
        %parallel_loop3A_429 = arith.index_cast %parallel_loop3A_127 : i32 to index
        %parallel_loop3A_430 = arith.constant 576 : index
        %parallel_loop3A_431 = tpu.vector_load %arg9[%parallel_loop3A_429, %parallel_loop3A_430] {strides = array<i32>} : memref<16x1024xf32, #tpu.memory_space<vmem>>, vector<1x16xf32>,
        %parallel_loop3A_432 = vector.shape_cast %parallel_loop3A_431 : vector<1x16xf32> to vector<16xf32>
        %parallel_loop3A_433 = arith.index_cast %parallel_loop3A_160 : i32 to index
        %parallel_loop3A_434 = arith.constant 64 : index
        %parallel_loop3A_435 = tpu.vector_load %arg13[%parallel_loop3A_433, %parallel_loop3A_434] {strides = array<i32>} : memref<25x256xf32, #tpu.memory_space<vmem>>, vector<1x16xf32>,
        %parallel_loop3A_436 = vector.shape_cast %parallel_loop3A_435 : vector<1x16xf32> to vector<16xf32>
        %parallel_loop3A_437 = arith.addf %parallel_loop3A_432, %parallel_loop3A_436 : vector<16xf32>
        %parallel_loop3A_438 = arith.index_cast %parallel_loop3A_127 : i32 to index
        %parallel_loop3A_439 = arith.constant 576 : index
        %parallel_loop3A_440 = tpu.vector_load %arg9[%parallel_loop3A_438, %parallel_loop3A_439] {strides = array<i32>} : memref<16x1024xf32, #tpu.memory_space<vmem>>, vector<1x16xf32>,
        %parallel_loop3A_441 = vector.shape_cast %parallel_loop3A_440 : vector<1x16xf32> to vector<16xf32>
        %parallel_loop3A_442 = vector.shape_cast %parallel_loop3A_437 : vector<16xf32> to vector<1x16xf32>
        tpu.vector_store %arg9[%parallel_loop3A_438, %parallel_loop3A_439], %parallel_loop3A_442 {strides = array<i32>} : memref<16x1024xf32, #tpu.memory_space<vmem>>, vector<1x16xf32>,
        %parallel_loop3A_443 = arith.index_cast %parallel_loop3A_127 : i32 to index
        %parallel_loop3A_444 = arith.constant 832 : index
        %parallel_loop3A_445 = tpu.vector_load %arg9[%parallel_loop3A_443, %parallel_loop3A_444] {strides = array<i32>} : memref<16x1024xf32, #tpu.memory_space<vmem>>, vector<1x16xf32>,
        %parallel_loop3A_446 = vector.shape_cast %parallel_loop3A_445 : vector<1x16xf32> to vector<16xf32>
        %parallel_loop3A_447 = arith.index_cast %parallel_loop3A_176 : i32 to index
        %parallel_loop3A_448 = arith.constant 64 : index
        %parallel_loop3A_449 = tpu.vector_load %arg14[%parallel_loop3A_447, %parallel_loop3A_448] {strides = array<i32>} : memref<252x256xf32, #tpu.memory_space<vmem>>, vector<1x16xf32>,
        %parallel_loop3A_450 = vector.shape_cast %parallel_loop3A_449 : vector<1x16xf32> to vector<16xf32>
        %parallel_loop3A_451 = arith.addf %parallel_loop3A_446, %parallel_loop3A_450 : vector<16xf32>
        %parallel_loop3A_452 = arith.index_cast %parallel_loop3A_127 : i32 to index
        %parallel_loop3A_453 = arith.constant 832 : index
        %parallel_loop3A_454 = tpu.vector_load %arg9[%parallel_loop3A_452, %parallel_loop3A_453] {strides = array<i32>} : memref<16x1024xf32, #tpu.memory_space<vmem>>, vector<1x16xf32>,
        %parallel_loop3A_455 = vector.shape_cast %parallel_loop3A_454 : vector<1x16xf32> to vector<16xf32>
        %parallel_loop3A_456 = vector.shape_cast %parallel_loop3A_451 : vector<16xf32> to vector<1x16xf32>
        tpu.vector_store %arg9[%parallel_loop3A_452, %parallel_loop3A_453], %parallel_loop3A_456 {strides = array<i32>} : memref<16x1024xf32, #tpu.memory_space<vmem>>, vector<1x16xf32>,
        %parallel_loop3A_457 = arith.index_cast %parallel_loop3A_127 : i32 to index
        %parallel_loop3A_458 = arith.constant 80 : index
        %parallel_loop3A_459 = tpu.vector_load %arg9[%parallel_loop3A_457, %parallel_loop3A_458] {strides = array<i32>} : memref<16x1024xf32, #tpu.memory_space<vmem>>, vector<1x16xf32>,
        %parallel_loop3A_460 = vector.shape_cast %parallel_loop3A_459 : vector<1x16xf32> to vector<16xf32>
        %parallel_loop3A_461 = arith.index_cast %parallel_loop3A_127 : i32 to index
        %parallel_loop3A_462 = arith.constant 80 : index
        %parallel_loop3A_463 = tpu.vector_load %arg11[%parallel_loop3A_461, %parallel_loop3A_462] {strides = array<i32>} : memref<16x256xf32, #tpu.memory_space<vmem>>, vector<1x16xf32>,
        %parallel_loop3A_464 = vector.shape_cast %parallel_loop3A_463 : vector<1x16xf32> to vector<16xf32>
        %parallel_loop3A_465 = arith.addf %parallel_loop3A_460, %parallel_loop3A_464 : vector<16xf32>
        %parallel_loop3A_466 = arith.index_cast %parallel_loop3A_127 : i32 to index
        %parallel_loop3A_467 = arith.constant 80 : index
        %parallel_loop3A_468 = tpu.vector_load %arg9[%parallel_loop3A_466, %parallel_loop3A_467] {strides = array<i32>} : memref<16x1024xf32, #tpu.memory_space<vmem>>, vector<1x16xf32>,
        %parallel_loop3A_469 = vector.shape_cast %parallel_loop3A_468 : vector<1x16xf32> to vector<16xf32>
        %parallel_loop3A_470 = vector.shape_cast %parallel_loop3A_465 : vector<16xf32> to vector<1x16xf32>
        tpu.vector_store %arg9[%parallel_loop3A_466, %parallel_loop3A_467], %parallel_loop3A_470 {strides = array<i32>} : memref<16x1024xf32, #tpu.memory_space<vmem>>, vector<1x16xf32>,
        %parallel_loop3A_471 = arith.index_cast %parallel_loop3A_127 : i32 to index
        %parallel_loop3A_472 = arith.constant 336 : index
        %parallel_loop3A_473 = tpu.vector_load %arg9[%parallel_loop3A_471, %parallel_loop3A_472] {strides = array<i32>} : memref<16x1024xf32, #tpu.memory_space<vmem>>, vector<1x16xf32>,
        %parallel_loop3A_474 = vector.shape_cast %parallel_loop3A_473 : vector<1x16xf32> to vector<16xf32>
        %parallel_loop3A_475 = arith.index_cast %parallel_loop3A_144 : i32 to index
        %parallel_loop3A_476 = arith.constant 80 : index
        %parallel_loop3A_477 = tpu.vector_load %arg12[%parallel_loop3A_475, %parallel_loop3A_476] {strides = array<i32>} : memref<5x256xf32, #tpu.memory_space<vmem>>, vector<1x16xf32>,
        %parallel_loop3A_478 = vector.shape_cast %parallel_loop3A_477 : vector<1x16xf32> to vector<16xf32>
        %parallel_loop3A_479 = arith.addf %parallel_loop3A_474, %parallel_loop3A_478 : vector<16xf32>
        %parallel_loop3A_480 = arith.index_cast %parallel_loop3A_127 : i32 to index
        %parallel_loop3A_481 = arith.constant 336 : index
        %parallel_loop3A_482 = tpu.vector_load %arg9[%parallel_loop3A_480, %parallel_loop3A_481] {strides = array<i32>} : memref<16x1024xf32, #tpu.memory_space<vmem>>, vector<1x16xf32>,
        %parallel_loop3A_483 = vector.shape_cast %parallel_loop3A_482 : vector<1x16xf32> to vector<16xf32>
        %parallel_loop3A_484 = vector.shape_cast %parallel_loop3A_479 : vector<16xf32> to vector<1x16xf32>
        tpu.vector_store %arg9[%parallel_loop3A_480, %parallel_loop3A_481], %parallel_loop3A_484 {strides = array<i32>} : memref<16x1024xf32, #tpu.memory_space<vmem>>, vector<1x16xf32>,
        %parallel_loop3A_485 = arith.index_cast %parallel_loop3A_127 : i32 to index
        %parallel_loop3A_486 = arith.constant 592 : index
        %parallel_loop3A_487 = tpu.vector_load %arg9[%parallel_loop3A_485, %parallel_loop3A_486] {strides = array<i32>} : memref<16x1024xf32, #tpu.memory_space<vmem>>, vector<1x16xf32>,
        %parallel_loop3A_488 = vector.shape_cast %parallel_loop3A_487 : vector<1x16xf32> to vector<16xf32>
        %parallel_loop3A_489 = arith.index_cast %parallel_loop3A_160 : i32 to index
        %parallel_loop3A_490 = arith.constant 80 : index
        %parallel_loop3A_491 = tpu.vector_load %arg13[%parallel_loop3A_489, %parallel_loop3A_490] {strides = array<i32>} : memref<25x256xf32, #tpu.memory_space<vmem>>, vector<1x16xf32>,
        %parallel_loop3A_492 = vector.shape_cast %parallel_loop3A_491 : vector<1x16xf32> to vector<16xf32>
        %parallel_loop3A_493 = arith.addf %parallel_loop3A_488, %parallel_loop3A_492 : vector<16xf32>
        %parallel_loop3A_494 = arith.index_cast %parallel_loop3A_127 : i32 to index
        %parallel_loop3A_495 = arith.constant 592 : index
        %parallel_loop3A_496 = tpu.vector_load %arg9[%parallel_loop3A_494, %parallel_loop3A_495] {strides = array<i32>} : memref<16x1024xf32, #tpu.memory_space<vmem>>, vector<1x16xf32>,
        %parallel_loop3A_497 = vector.shape_cast %parallel_loop3A_496 : vector<1x16xf32> to vector<16xf32>
        %parallel_loop3A_498 = vector.shape_cast %parallel_loop3A_493 : vector<16xf32> to vector<1x16xf32>
        tpu.vector_store %arg9[%parallel_loop3A_494, %parallel_loop3A_495], %parallel_loop3A_498 {strides = array<i32>} : memref<16x1024xf32, #tpu.memory_space<vmem>>, vector<1x16xf32>,
        %parallel_loop3A_499 = arith.index_cast %parallel_loop3A_127 : i32 to index
        %parallel_loop3A_500 = arith.constant 848 : index
        %parallel_loop3A_501 = tpu.vector_load %arg9[%parallel_loop3A_499, %parallel_loop3A_500] {strides = array<i32>} : memref<16x1024xf32, #tpu.memory_space<vmem>>, vector<1x16xf32>,
        %parallel_loop3A_502 = vector.shape_cast %parallel_loop3A_501 : vector<1x16xf32> to vector<16xf32>
        %parallel_loop3A_503 = arith.index_cast %parallel_loop3A_176 : i32 to index
        %parallel_loop3A_504 = arith.constant 80 : index
        %parallel_loop3A_505 = tpu.vector_load %arg14[%parallel_loop3A_503, %parallel_loop3A_504] {strides = array<i32>} : memref<252x256xf32, #tpu.memory_space<vmem>>, vector<1x16xf32>,
        %parallel_loop3A_506 = vector.shape_cast %parallel_loop3A_505 : vector<1x16xf32> to vector<16xf32>
        %parallel_loop3A_507 = arith.addf %parallel_loop3A_502, %parallel_loop3A_506 : vector<16xf32>
        %parallel_loop3A_508 = arith.index_cast %parallel_loop3A_127 : i32 to index
        %parallel_loop3A_509 = arith.constant 848 : index
        %parallel_loop3A_510 = tpu.vector_load %arg9[%parallel_loop3A_508, %parallel_loop3A_509] {strides = array<i32>} : memref<16x1024xf32, #tpu.memory_space<vmem>>, vector<1x16xf32>,
        %parallel_loop3A_511 = vector.shape_cast %parallel_loop3A_510 : vector<1x16xf32> to vector<16xf32>
        %parallel_loop3A_512 = vector.shape_cast %parallel_loop3A_507 : vector<16xf32> to vector<1x16xf32>
        tpu.vector_store %arg9[%parallel_loop3A_508, %parallel_loop3A_509], %parallel_loop3A_512 {strides = array<i32>} : memref<16x1024xf32, #tpu.memory_space<vmem>>, vector<1x16xf32>,
        %parallel_loop3A_513 = arith.index_cast %parallel_loop3A_127 : i32 to index
        %parallel_loop3A_514 = arith.constant 96 : index
        %parallel_loop3A_515 = tpu.vector_load %arg9[%parallel_loop3A_513, %parallel_loop3A_514] {strides = array<i32>} : memref<16x1024xf32, #tpu.memory_space<vmem>>, vector<1x16xf32>,
        %parallel_loop3A_516 = vector.shape_cast %parallel_loop3A_515 : vector<1x16xf32> to vector<16xf32>
        %parallel_loop3A_517 = arith.index_cast %parallel_loop3A_127 : i32 to index
        %parallel_loop3A_518 = arith.constant 96 : index
        %parallel_loop3A_519 = tpu.vector_load %arg11[%parallel_loop3A_517, %parallel_loop3A_518] {strides = array<i32>} : memref<16x256xf32, #tpu.memory_space<vmem>>, vector<1x16xf32>,
        %parallel_loop3A_520 = vector.shape_cast %parallel_loop3A_519 : vector<1x16xf32> to vector<16xf32>
        %parallel_loop3A_521 = arith.addf %parallel_loop3A_516, %parallel_loop3A_520 : vector<16xf32>
        %parallel_loop3A_522 = arith.index_cast %parallel_loop3A_127 : i32 to index
        %parallel_loop3A_523 = arith.constant 96 : index
        %parallel_loop3A_524 = tpu.vector_load %arg9[%parallel_loop3A_522, %parallel_loop3A_523] {strides = array<i32>} : memref<16x1024xf32, #tpu.memory_space<vmem>>, vector<1x16xf32>,
        %parallel_loop3A_525 = vector.shape_cast %parallel_loop3A_524 : vector<1x16xf32> to vector<16xf32>
        %parallel_loop3A_526 = vector.shape_cast %parallel_loop3A_521 : vector<16xf32> to vector<1x16xf32>
        tpu.vector_store %arg9[%parallel_loop3A_522, %parallel_loop3A_523], %parallel_loop3A_526 {strides = array<i32>} : memref<16x1024xf32, #tpu.memory_space<vmem>>, vector<1x16xf32>,
        %parallel_loop3A_527 = arith.index_cast %parallel_loop3A_127 : i32 to index
        %parallel_loop3A_528 = arith.constant 352 : index
        %parallel_loop3A_529 = tpu.vector_load %arg9[%parallel_loop3A_527, %parallel_loop3A_528] {strides = array<i32>} : memref<16x1024xf32, #tpu.memory_space<vmem>>, vector<1x16xf32>,
        %parallel_loop3A_530 = vector.shape_cast %parallel_loop3A_529 : vector<1x16xf32> to vector<16xf32>
        %parallel_loop3A_531 = arith.index_cast %parallel_loop3A_144 : i32 to index
        %parallel_loop3A_532 = arith.constant 96 : index
        %parallel_loop3A_533 = tpu.vector_load %arg12[%parallel_loop3A_531, %parallel_loop3A_532] {strides = array<i32>} : memref<5x256xf32, #tpu.memory_space<vmem>>, vector<1x16xf32>,
        %parallel_loop3A_534 = vector.shape_cast %parallel_loop3A_533 : vector<1x16xf32> to vector<16xf32>
        %parallel_loop3A_535 = arith.addf %parallel_loop3A_530, %parallel_loop3A_534 : vector<16xf32>
        %parallel_loop3A_536 = arith.index_cast %parallel_loop3A_127 : i32 to index
        %parallel_loop3A_537 = arith.constant 352 : index
        %parallel_loop3A_538 = tpu.vector_load %arg9[%parallel_loop3A_536, %parallel_loop3A_537] {strides = array<i32>} : memref<16x1024xf32, #tpu.memory_space<vmem>>, vector<1x16xf32>,
        %parallel_loop3A_539 = vector.shape_cast %parallel_loop3A_538 : vector<1x16xf32> to vector<16xf32>
        %parallel_loop3A_540 = vector.shape_cast %parallel_loop3A_535 : vector<16xf32> to vector<1x16xf32>
        tpu.vector_store %arg9[%parallel_loop3A_536, %parallel_loop3A_537], %parallel_loop3A_540 {strides = array<i32>} : memref<16x1024xf32, #tpu.memory_space<vmem>>, vector<1x16xf32>,
        %parallel_loop3A_541 = arith.index_cast %parallel_loop3A_127 : i32 to index
        %parallel_loop3A_542 = arith.constant 608 : index
        %parallel_loop3A_543 = tpu.vector_load %arg9[%parallel_loop3A_541, %parallel_loop3A_542] {strides = array<i32>} : memref<16x1024xf32, #tpu.memory_space<vmem>>, vector<1x16xf32>,
        %parallel_loop3A_544 = vector.shape_cast %parallel_loop3A_543 : vector<1x16xf32> to vector<16xf32>
        %parallel_loop3A_545 = arith.index_cast %parallel_loop3A_160 : i32 to index
        %parallel_loop3A_546 = arith.constant 96 : index
        %parallel_loop3A_547 = tpu.vector_load %arg13[%parallel_loop3A_545, %parallel_loop3A_546] {strides = array<i32>} : memref<25x256xf32, #tpu.memory_space<vmem>>, vector<1x16xf32>,
        %parallel_loop3A_548 = vector.shape_cast %parallel_loop3A_547 : vector<1x16xf32> to vector<16xf32>
        %parallel_loop3A_549 = arith.addf %parallel_loop3A_544, %parallel_loop3A_548 : vector<16xf32>
        %parallel_loop3A_550 = arith.index_cast %parallel_loop3A_127 : i32 to index
        %parallel_loop3A_551 = arith.constant 608 : index
        %parallel_loop3A_552 = tpu.vector_load %arg9[%parallel_loop3A_550, %parallel_loop3A_551] {strides = array<i32>} : memref<16x1024xf32, #tpu.memory_space<vmem>>, vector<1x16xf32>,
        %parallel_loop3A_553 = vector.shape_cast %parallel_loop3A_552 : vector<1x16xf32> to vector<16xf32>
        %parallel_loop3A_554 = vector.shape_cast %parallel_loop3A_549 : vector<16xf32> to vector<1x16xf32>
        tpu.vector_store %arg9[%parallel_loop3A_550, %parallel_loop3A_551], %parallel_loop3A_554 {strides = array<i32>} : memref<16x1024xf32, #tpu.memory_space<vmem>>, vector<1x16xf32>,
        %parallel_loop3A_555 = arith.index_cast %parallel_loop3A_127 : i32 to index
        %parallel_loop3A_556 = arith.constant 864 : index
        %parallel_loop3A_557 = tpu.vector_load %arg9[%parallel_loop3A_555, %parallel_loop3A_556] {strides = array<i32>} : memref<16x1024xf32, #tpu.memory_space<vmem>>, vector<1x16xf32>,
        %parallel_loop3A_558 = vector.shape_cast %parallel_loop3A_557 : vector<1x16xf32> to vector<16xf32>
        %parallel_loop3A_559 = arith.index_cast %parallel_loop3A_176 : i32 to index
        %parallel_loop3A_560 = arith.constant 96 : index
        %parallel_loop3A_561 = tpu.vector_load %arg14[%parallel_loop3A_559, %parallel_loop3A_560] {strides = array<i32>} : memref<252x256xf32, #tpu.memory_space<vmem>>, vector<1x16xf32>,
        %parallel_loop3A_562 = vector.shape_cast %parallel_loop3A_561 : vector<1x16xf32> to vector<16xf32>
        %parallel_loop3A_563 = arith.addf %parallel_loop3A_558, %parallel_loop3A_562 : vector<16xf32>
        %parallel_loop3A_564 = arith.index_cast %parallel_loop3A_127 : i32 to index
        %parallel_loop3A_565 = arith.constant 864 : index
        %parallel_loop3A_566 = tpu.vector_load %arg9[%parallel_loop3A_564, %parallel_loop3A_565] {strides = array<i32>} : memref<16x1024xf32, #tpu.memory_space<vmem>>, vector<1x16xf32>,
        %parallel_loop3A_567 = vector.shape_cast %parallel_loop3A_566 : vector<1x16xf32> to vector<16xf32>
        %parallel_loop3A_568 = vector.shape_cast %parallel_loop3A_563 : vector<16xf32> to vector<1x16xf32>
        tpu.vector_store %arg9[%parallel_loop3A_564, %parallel_loop3A_565], %parallel_loop3A_568 {strides = array<i32>} : memref<16x1024xf32, #tpu.memory_space<vmem>>, vector<1x16xf32>,
        %parallel_loop3A_569 = arith.index_cast %parallel_loop3A_127 : i32 to index
        %parallel_loop3A_570 = arith.constant 112 : index
        %parallel_loop3A_571 = tpu.vector_load %arg9[%parallel_loop3A_569, %parallel_loop3A_570] {strides = array<i32>} : memref<16x1024xf32, #tpu.memory_space<vmem>>, vector<1x16xf32>,
        %parallel_loop3A_572 = vector.shape_cast %parallel_loop3A_571 : vector<1x16xf32> to vector<16xf32>
        %parallel_loop3A_573 = arith.index_cast %parallel_loop3A_127 : i32 to index
        %parallel_loop3A_574 = arith.constant 112 : index
        %parallel_loop3A_575 = tpu.vector_load %arg11[%parallel_loop3A_573, %parallel_loop3A_574] {strides = array<i32>} : memref<16x256xf32, #tpu.memory_space<vmem>>, vector<1x16xf32>,
        %parallel_loop3A_576 = vector.shape_cast %parallel_loop3A_575 : vector<1x16xf32> to vector<16xf32>
        %parallel_loop3A_577 = arith.addf %parallel_loop3A_572, %parallel_loop3A_576 : vector<16xf32>
        %parallel_loop3A_578 = arith.index_cast %parallel_loop3A_127 : i32 to index
        %parallel_loop3A_579 = arith.constant 112 : index
        %parallel_loop3A_580 = tpu.vector_load %arg9[%parallel_loop3A_578, %parallel_loop3A_579] {strides = array<i32>} : memref<16x1024xf32, #tpu.memory_space<vmem>>, vector<1x16xf32>,
        %parallel_loop3A_581 = vector.shape_cast %parallel_loop3A_580 : vector<1x16xf32> to vector<16xf32>
        %parallel_loop3A_582 = vector.shape_cast %parallel_loop3A_577 : vector<16xf32> to vector<1x16xf32>
        tpu.vector_store %arg9[%parallel_loop3A_578, %parallel_loop3A_579], %parallel_loop3A_582 {strides = array<i32>} : memref<16x1024xf32, #tpu.memory_space<vmem>>, vector<1x16xf32>,
        %parallel_loop3A_583 = arith.index_cast %parallel_loop3A_127 : i32 to index
        %parallel_loop3A_584 = arith.constant 368 : index
        %parallel_loop3A_585 = tpu.vector_load %arg9[%parallel_loop3A_583, %parallel_loop3A_584] {strides = array<i32>} : memref<16x1024xf32, #tpu.memory_space<vmem>>, vector<1x16xf32>,
        %parallel_loop3A_586 = vector.shape_cast %parallel_loop3A_585 : vector<1x16xf32> to vector<16xf32>
        %parallel_loop3A_587 = arith.index_cast %parallel_loop3A_144 : i32 to index
        %parallel_loop3A_588 = arith.constant 112 : index
        %parallel_loop3A_589 = tpu.vector_load %arg12[%parallel_loop3A_587, %parallel_loop3A_588] {strides = array<i32>} : memref<5x256xf32, #tpu.memory_space<vmem>>, vector<1x16xf32>,
        %parallel_loop3A_590 = vector.shape_cast %parallel_loop3A_589 : vector<1x16xf32> to vector<16xf32>
        %parallel_loop3A_591 = arith.addf %parallel_loop3A_586, %parallel_loop3A_590 : vector<16xf32>
        %parallel_loop3A_592 = arith.index_cast %parallel_loop3A_127 : i32 to index
        %parallel_loop3A_593 = arith.constant 368 : index
        %parallel_loop3A_594 = tpu.vector_load %arg9[%parallel_loop3A_592, %parallel_loop3A_593] {strides = array<i32>} : memref<16x1024xf32, #tpu.memory_space<vmem>>, vector<1x16xf32>,
        %parallel_loop3A_595 = vector.shape_cast %parallel_loop3A_594 : vector<1x16xf32> to vector<16xf32>
        %parallel_loop3A_596 = vector.shape_cast %parallel_loop3A_591 : vector<16xf32> to vector<1x16xf32>
        tpu.vector_store %arg9[%parallel_loop3A_592, %parallel_loop3A_593], %parallel_loop3A_596 {strides = array<i32>} : memref<16x1024xf32, #tpu.memory_space<vmem>>, vector<1x16xf32>,
        %parallel_loop3A_597 = arith.index_cast %parallel_loop3A_127 : i32 to index
        %parallel_loop3A_598 = arith.constant 624 : index
        %parallel_loop3A_599 = tpu.vector_load %arg9[%parallel_loop3A_597, %parallel_loop3A_598] {strides = array<i32>} : memref<16x1024xf32, #tpu.memory_space<vmem>>, vector<1x16xf32>,
        %parallel_loop3A_600 = vector.shape_cast %parallel_loop3A_599 : vector<1x16xf32> to vector<16xf32>
        %parallel_loop3A_601 = arith.index_cast %parallel_loop3A_160 : i32 to index
        %parallel_loop3A_602 = arith.constant 112 : index
        %parallel_loop3A_603 = tpu.vector_load %arg13[%parallel_loop3A_601, %parallel_loop3A_602] {strides = array<i32>} : memref<25x256xf32, #tpu.memory_space<vmem>>, vector<1x16xf32>,
        %parallel_loop3A_604 = vector.shape_cast %parallel_loop3A_603 : vector<1x16xf32> to vector<16xf32>
        %parallel_loop3A_605 = arith.addf %parallel_loop3A_600, %parallel_loop3A_604 : vector<16xf32>
        %parallel_loop3A_606 = arith.index_cast %parallel_loop3A_127 : i32 to index
        %parallel_loop3A_607 = arith.constant 624 : index
        %parallel_loop3A_608 = tpu.vector_load %arg9[%parallel_loop3A_606, %parallel_loop3A_607] {strides = array<i32>} : memref<16x1024xf32, #tpu.memory_space<vmem>>, vector<1x16xf32>,
        %parallel_loop3A_609 = vector.shape_cast %parallel_loop3A_608 : vector<1x16xf32> to vector<16xf32>
        %parallel_loop3A_610 = vector.shape_cast %parallel_loop3A_605 : vector<16xf32> to vector<1x16xf32>
        tpu.vector_store %arg9[%parallel_loop3A_606, %parallel_loop3A_607], %parallel_loop3A_610 {strides = array<i32>} : memref<16x1024xf32, #tpu.memory_space<vmem>>, vector<1x16xf32>,
        %parallel_loop3A_611 = arith.index_cast %parallel_loop3A_127 : i32 to index
        %parallel_loop3A_612 = arith.constant 880 : index
        %parallel_loop3A_613 = tpu.vector_load %arg9[%parallel_loop3A_611, %parallel_loop3A_612] {strides = array<i32>} : memref<16x1024xf32, #tpu.memory_space<vmem>>, vector<1x16xf32>,
        %parallel_loop3A_614 = vector.shape_cast %parallel_loop3A_613 : vector<1x16xf32> to vector<16xf32>
        %parallel_loop3A_615 = arith.index_cast %parallel_loop3A_176 : i32 to index
        %parallel_loop3A_616 = arith.constant 112 : index
        %parallel_loop3A_617 = tpu.vector_load %arg14[%parallel_loop3A_615, %parallel_loop3A_616] {strides = array<i32>} : memref<252x256xf32, #tpu.memory_space<vmem>>, vector<1x16xf32>,
        %parallel_loop3A_618 = vector.shape_cast %parallel_loop3A_617 : vector<1x16xf32> to vector<16xf32>
        %parallel_loop3A_619 = arith.addf %parallel_loop3A_614, %parallel_loop3A_618 : vector<16xf32>
        %parallel_loop3A_620 = arith.index_cast %parallel_loop3A_127 : i32 to index
        %parallel_loop3A_621 = arith.constant 880 : index
        %parallel_loop3A_622 = tpu.vector_load %arg9[%parallel_loop3A_620, %parallel_loop3A_621] {strides = array<i32>} : memref<16x1024xf32, #tpu.memory_space<vmem>>, vector<1x16xf32>,
        %parallel_loop3A_623 = vector.shape_cast %parallel_loop3A_622 : vector<1x16xf32> to vector<16xf32>
        %parallel_loop3A_624 = vector.shape_cast %parallel_loop3A_619 : vector<16xf32> to vector<1x16xf32>
        tpu.vector_store %arg9[%parallel_loop3A_620, %parallel_loop3A_621], %parallel_loop3A_624 {strides = array<i32>} : memref<16x1024xf32, #tpu.memory_space<vmem>>, vector<1x16xf32>,
        %parallel_loop3A_625 = arith.index_cast %parallel_loop3A_127 : i32 to index
        %parallel_loop3A_626 = arith.constant 128 : index
        %parallel_loop3A_627 = tpu.vector_load %arg9[%parallel_loop3A_625, %parallel_loop3A_626] {strides = array<i32>} : memref<16x1024xf32, #tpu.memory_space<vmem>>, vector<1x16xf32>,
        %parallel_loop3A_628 = vector.shape_cast %parallel_loop3A_627 : vector<1x16xf32> to vector<16xf32>
        %parallel_loop3A_629 = arith.index_cast %parallel_loop3A_127 : i32 to index
        %parallel_loop3A_630 = arith.constant 128 : index
        %parallel_loop3A_631 = tpu.vector_load %arg11[%parallel_loop3A_629, %parallel_loop3A_630] {strides = array<i32>} : memref<16x256xf32, #tpu.memory_space<vmem>>, vector<1x16xf32>,
        %parallel_loop3A_632 = vector.shape_cast %parallel_loop3A_631 : vector<1x16xf32> to vector<16xf32>
        %parallel_loop3A_633 = arith.addf %parallel_loop3A_628, %parallel_loop3A_632 : vector<16xf32>
        %parallel_loop3A_634 = arith.index_cast %parallel_loop3A_127 : i32 to index
        %parallel_loop3A_635 = arith.constant 128 : index
        %parallel_loop3A_636 = tpu.vector_load %arg9[%parallel_loop3A_634, %parallel_loop3A_635] {strides = array<i32>} : memref<16x1024xf32, #tpu.memory_space<vmem>>, vector<1x16xf32>,
        %parallel_loop3A_637 = vector.shape_cast %parallel_loop3A_636 : vector<1x16xf32> to vector<16xf32>
        %parallel_loop3A_638 = vector.shape_cast %parallel_loop3A_633 : vector<16xf32> to vector<1x16xf32>
        tpu.vector_store %arg9[%parallel_loop3A_634, %parallel_loop3A_635], %parallel_loop3A_638 {strides = array<i32>} : memref<16x1024xf32, #tpu.memory_space<vmem>>, vector<1x16xf32>,
        %parallel_loop3A_639 = arith.index_cast %parallel_loop3A_127 : i32 to index
        %parallel_loop3A_640 = arith.constant 384 : index
        %parallel_loop3A_641 = tpu.vector_load %arg9[%parallel_loop3A_639, %parallel_loop3A_640] {strides = array<i32>} : memref<16x1024xf32, #tpu.memory_space<vmem>>, vector<1x16xf32>,
        %parallel_loop3A_642 = vector.shape_cast %parallel_loop3A_641 : vector<1x16xf32> to vector<16xf32>
        %parallel_loop3A_643 = arith.index_cast %parallel_loop3A_144 : i32 to index
        %parallel_loop3A_644 = arith.constant 128 : index
        %parallel_loop3A_645 = tpu.vector_load %arg12[%parallel_loop3A_643, %parallel_loop3A_644] {strides = array<i32>} : memref<5x256xf32, #tpu.memory_space<vmem>>, vector<1x16xf32>,
        %parallel_loop3A_646 = vector.shape_cast %parallel_loop3A_645 : vector<1x16xf32> to vector<16xf32>
        %parallel_loop3A_647 = arith.addf %parallel_loop3A_642, %parallel_loop3A_646 : vector<16xf32>
        %parallel_loop3A_648 = arith.index_cast %parallel_loop3A_127 : i32 to index
        %parallel_loop3A_649 = arith.constant 384 : index
        %parallel_loop3A_650 = tpu.vector_load %arg9[%parallel_loop3A_648, %parallel_loop3A_649] {strides = array<i32>} : memref<16x1024xf32, #tpu.memory_space<vmem>>, vector<1x16xf32>,
        %parallel_loop3A_651 = vector.shape_cast %parallel_loop3A_650 : vector<1x16xf32> to vector<16xf32>
        %parallel_loop3A_652 = vector.shape_cast %parallel_loop3A_647 : vector<16xf32> to vector<1x16xf32>
        tpu.vector_store %arg9[%parallel_loop3A_648, %parallel_loop3A_649], %parallel_loop3A_652 {strides = array<i32>} : memref<16x1024xf32, #tpu.memory_space<vmem>>, vector<1x16xf32>,
        %parallel_loop3A_653 = arith.index_cast %parallel_loop3A_127 : i32 to index
        %parallel_loop3A_654 = arith.constant 640 : index
        %parallel_loop3A_655 = tpu.vector_load %arg9[%parallel_loop3A_653, %parallel_loop3A_654] {strides = array<i32>} : memref<16x1024xf32, #tpu.memory_space<vmem>>, vector<1x16xf32>,
        %parallel_loop3A_656 = vector.shape_cast %parallel_loop3A_655 : vector<1x16xf32> to vector<16xf32>
        %parallel_loop3A_657 = arith.index_cast %parallel_loop3A_160 : i32 to index
        %parallel_loop3A_658 = arith.constant 128 : index
        %parallel_loop3A_659 = tpu.vector_load %arg13[%parallel_loop3A_657, %parallel_loop3A_658] {strides = array<i32>} : memref<25x256xf32, #tpu.memory_space<vmem>>, vector<1x16xf32>,
        %parallel_loop3A_660 = vector.shape_cast %parallel_loop3A_659 : vector<1x16xf32> to vector<16xf32>
        %parallel_loop3A_661 = arith.addf %parallel_loop3A_656, %parallel_loop3A_660 : vector<16xf32>
        %parallel_loop3A_662 = arith.index_cast %parallel_loop3A_127 : i32 to index
        %parallel_loop3A_663 = arith.constant 640 : index
        %parallel_loop3A_664 = tpu.vector_load %arg9[%parallel_loop3A_662, %parallel_loop3A_663] {strides = array<i32>} : memref<16x1024xf32, #tpu.memory_space<vmem>>, vector<1x16xf32>,
        %parallel_loop3A_665 = vector.shape_cast %parallel_loop3A_664 : vector<1x16xf32> to vector<16xf32>
        %parallel_loop3A_666 = vector.shape_cast %parallel_loop3A_661 : vector<16xf32> to vector<1x16xf32>
        tpu.vector_store %arg9[%parallel_loop3A_662, %parallel_loop3A_663], %parallel_loop3A_666 {strides = array<i32>} : memref<16x1024xf32, #tpu.memory_space<vmem>>, vector<1x16xf32>,
        %parallel_loop3A_667 = arith.index_cast %parallel_loop3A_127 : i32 to index
        %parallel_loop3A_668 = arith.constant 896 : index
        %parallel_loop3A_669 = tpu.vector_load %arg9[%parallel_loop3A_667, %parallel_loop3A_668] {strides = array<i32>} : memref<16x1024xf32, #tpu.memory_space<vmem>>, vector<1x16xf32>,
        %parallel_loop3A_670 = vector.shape_cast %parallel_loop3A_669 : vector<1x16xf32> to vector<16xf32>
        %parallel_loop3A_671 = arith.index_cast %parallel_loop3A_176 : i32 to index
        %parallel_loop3A_672 = arith.constant 128 : index
        %parallel_loop3A_673 = tpu.vector_load %arg14[%parallel_loop3A_671, %parallel_loop3A_672] {strides = array<i32>} : memref<252x256xf32, #tpu.memory_space<vmem>>, vector<1x16xf32>,
        %parallel_loop3A_674 = vector.shape_cast %parallel_loop3A_673 : vector<1x16xf32> to vector<16xf32>
        %parallel_loop3A_675 = arith.addf %parallel_loop3A_670, %parallel_loop3A_674 : vector<16xf32>
        %parallel_loop3A_676 = arith.index_cast %parallel_loop3A_127 : i32 to index
        %parallel_loop3A_677 = arith.constant 896 : index
        %parallel_loop3A_678 = tpu.vector_load %arg9[%parallel_loop3A_676, %parallel_loop3A_677] {strides = array<i32>} : memref<16x1024xf32, #tpu.memory_space<vmem>>, vector<1x16xf32>,
        %parallel_loop3A_679 = vector.shape_cast %parallel_loop3A_678 : vector<1x16xf32> to vector<16xf32>
        %parallel_loop3A_680 = vector.shape_cast %parallel_loop3A_675 : vector<16xf32> to vector<1x16xf32>
        tpu.vector_store %arg9[%parallel_loop3A_676, %parallel_loop3A_677], %parallel_loop3A_680 {strides = array<i32>} : memref<16x1024xf32, #tpu.memory_space<vmem>>, vector<1x16xf32>,
        %parallel_loop3A_681 = arith.index_cast %parallel_loop3A_127 : i32 to index
        %parallel_loop3A_682 = arith.constant 144 : index
        %parallel_loop3A_683 = tpu.vector_load %arg9[%parallel_loop3A_681, %parallel_loop3A_682] {strides = array<i32>} : memref<16x1024xf32, #tpu.memory_space<vmem>>, vector<1x16xf32>,
        %parallel_loop3A_684 = vector.shape_cast %parallel_loop3A_683 : vector<1x16xf32> to vector<16xf32>
        %parallel_loop3A_685 = arith.index_cast %parallel_loop3A_127 : i32 to index
        %parallel_loop3A_686 = arith.constant 144 : index
        %parallel_loop3A_687 = tpu.vector_load %arg11[%parallel_loop3A_685, %parallel_loop3A_686] {strides = array<i32>} : memref<16x256xf32, #tpu.memory_space<vmem>>, vector<1x16xf32>,
        %parallel_loop3A_688 = vector.shape_cast %parallel_loop3A_687 : vector<1x16xf32> to vector<16xf32>
        %parallel_loop3A_689 = arith.addf %parallel_loop3A_684, %parallel_loop3A_688 : vector<16xf32>
        %parallel_loop3A_690 = arith.index_cast %parallel_loop3A_127 : i32 to index
        %parallel_loop3A_691 = arith.constant 144 : index
        %parallel_loop3A_692 = tpu.vector_load %arg9[%parallel_loop3A_690, %parallel_loop3A_691] {strides = array<i32>} : memref<16x1024xf32, #tpu.memory_space<vmem>>, vector<1x16xf32>,
        %parallel_loop3A_693 = vector.shape_cast %parallel_loop3A_692 : vector<1x16xf32> to vector<16xf32>
        %parallel_loop3A_694 = vector.shape_cast %parallel_loop3A_689 : vector<16xf32> to vector<1x16xf32>
        tpu.vector_store %arg9[%parallel_loop3A_690, %parallel_loop3A_691], %parallel_loop3A_694 {strides = array<i32>} : memref<16x1024xf32, #tpu.memory_space<vmem>>, vector<1x16xf32>,
        %parallel_loop3A_695 = arith.index_cast %parallel_loop3A_127 : i32 to index
        %parallel_loop3A_696 = arith.constant 400 : index
        %parallel_loop3A_697 = tpu.vector_load %arg9[%parallel_loop3A_695, %parallel_loop3A_696] {strides = array<i32>} : memref<16x1024xf32, #tpu.memory_space<vmem>>, vector<1x16xf32>,
        %parallel_loop3A_698 = vector.shape_cast %parallel_loop3A_697 : vector<1x16xf32> to vector<16xf32>
        %parallel_loop3A_699 = arith.index_cast %parallel_loop3A_144 : i32 to index
        %parallel_loop3A_700 = arith.constant 144 : index
        %parallel_loop3A_701 = tpu.vector_load %arg12[%parallel_loop3A_699, %parallel_loop3A_700] {strides = array<i32>} : memref<5x256xf32, #tpu.memory_space<vmem>>, vector<1x16xf32>,
        %parallel_loop3A_702 = vector.shape_cast %parallel_loop3A_701 : vector<1x16xf32> to vector<16xf32>
        %parallel_loop3A_703 = arith.addf %parallel_loop3A_698, %parallel_loop3A_702 : vector<16xf32>
        %parallel_loop3A_704 = arith.index_cast %parallel_loop3A_127 : i32 to index
        %parallel_loop3A_705 = arith.constant 400 : index
        %parallel_loop3A_706 = tpu.vector_load %arg9[%parallel_loop3A_704, %parallel_loop3A_705] {strides = array<i32>} : memref<16x1024xf32, #tpu.memory_space<vmem>>, vector<1x16xf32>,
        %parallel_loop3A_707 = vector.shape_cast %parallel_loop3A_706 : vector<1x16xf32> to vector<16xf32>
        %parallel_loop3A_708 = vector.shape_cast %parallel_loop3A_703 : vector<16xf32> to vector<1x16xf32>
        tpu.vector_store %arg9[%parallel_loop3A_704, %parallel_loop3A_705], %parallel_loop3A_708 {strides = array<i32>} : memref<16x1024xf32, #tpu.memory_space<vmem>>, vector<1x16xf32>,
        %parallel_loop3A_709 = arith.index_cast %parallel_loop3A_127 : i32 to index
        %parallel_loop3A_710 = arith.constant 656 : index
        %parallel_loop3A_711 = tpu.vector_load %arg9[%parallel_loop3A_709, %parallel_loop3A_710] {strides = array<i32>} : memref<16x1024xf32, #tpu.memory_space<vmem>>, vector<1x16xf32>,
        %parallel_loop3A_712 = vector.shape_cast %parallel_loop3A_711 : vector<1x16xf32> to vector<16xf32>
        %parallel_loop3A_713 = arith.index_cast %parallel_loop3A_160 : i32 to index
        %parallel_loop3A_714 = arith.constant 144 : index
        %parallel_loop3A_715 = tpu.vector_load %arg13[%parallel_loop3A_713, %parallel_loop3A_714] {strides = array<i32>} : memref<25x256xf32, #tpu.memory_space<vmem>>, vector<1x16xf32>,
        %parallel_loop3A_716 = vector.shape_cast %parallel_loop3A_715 : vector<1x16xf32> to vector<16xf32>
        %parallel_loop3A_717 = arith.addf %parallel_loop3A_712, %parallel_loop3A_716 : vector<16xf32>
        %parallel_loop3A_718 = arith.index_cast %parallel_loop3A_127 : i32 to index
        %parallel_loop3A_719 = arith.constant 656 : index
        %parallel_loop3A_720 = tpu.vector_load %arg9[%parallel_loop3A_718, %parallel_loop3A_719] {strides = array<i32>} : memref<16x1024xf32, #tpu.memory_space<vmem>>, vector<1x16xf32>,
        %parallel_loop3A_721 = vector.shape_cast %parallel_loop3A_720 : vector<1x16xf32> to vector<16xf32>
        %parallel_loop3A_722 = vector.shape_cast %parallel_loop3A_717 : vector<16xf32> to vector<1x16xf32>
        tpu.vector_store %arg9[%parallel_loop3A_718, %parallel_loop3A_719], %parallel_loop3A_722 {strides = array<i32>} : memref<16x1024xf32, #tpu.memory_space<vmem>>, vector<1x16xf32>,
        %parallel_loop3A_723 = arith.index_cast %parallel_loop3A_127 : i32 to index
        %parallel_loop3A_724 = arith.constant 912 : index
        %parallel_loop3A_725 = tpu.vector_load %arg9[%parallel_loop3A_723, %parallel_loop3A_724] {strides = array<i32>} : memref<16x1024xf32, #tpu.memory_space<vmem>>, vector<1x16xf32>,
        %parallel_loop3A_726 = vector.shape_cast %parallel_loop3A_725 : vector<1x16xf32> to vector<16xf32>
        %parallel_loop3A_727 = arith.index_cast %parallel_loop3A_176 : i32 to index
        %parallel_loop3A_728 = arith.constant 144 : index
        %parallel_loop3A_729 = tpu.vector_load %arg14[%parallel_loop3A_727, %parallel_loop3A_728] {strides = array<i32>} : memref<252x256xf32, #tpu.memory_space<vmem>>, vector<1x16xf32>,
        %parallel_loop3A_730 = vector.shape_cast %parallel_loop3A_729 : vector<1x16xf32> to vector<16xf32>
        %parallel_loop3A_731 = arith.addf %parallel_loop3A_726, %parallel_loop3A_730 : vector<16xf32>
        %parallel_loop3A_732 = arith.index_cast %parallel_loop3A_127 : i32 to index
        %parallel_loop3A_733 = arith.constant 912 : index
        %parallel_loop3A_734 = tpu.vector_load %arg9[%parallel_loop3A_732, %parallel_loop3A_733] {strides = array<i32>} : memref<16x1024xf32, #tpu.memory_space<vmem>>, vector<1x16xf32>,
        %parallel_loop3A_735 = vector.shape_cast %parallel_loop3A_734 : vector<1x16xf32> to vector<16xf32>
        %parallel_loop3A_736 = vector.shape_cast %parallel_loop3A_731 : vector<16xf32> to vector<1x16xf32>
        tpu.vector_store %arg9[%parallel_loop3A_732, %parallel_loop3A_733], %parallel_loop3A_736 {strides = array<i32>} : memref<16x1024xf32, #tpu.memory_space<vmem>>, vector<1x16xf32>,
        %parallel_loop3A_737 = arith.index_cast %parallel_loop3A_127 : i32 to index
        %parallel_loop3A_738 = arith.constant 160 : index
        %parallel_loop3A_739 = tpu.vector_load %arg9[%parallel_loop3A_737, %parallel_loop3A_738] {strides = array<i32>} : memref<16x1024xf32, #tpu.memory_space<vmem>>, vector<1x16xf32>,
        %parallel_loop3A_740 = vector.shape_cast %parallel_loop3A_739 : vector<1x16xf32> to vector<16xf32>
        %parallel_loop3A_741 = arith.index_cast %parallel_loop3A_127 : i32 to index
        %parallel_loop3A_742 = arith.constant 160 : index
        %parallel_loop3A_743 = tpu.vector_load %arg11[%parallel_loop3A_741, %parallel_loop3A_742] {strides = array<i32>} : memref<16x256xf32, #tpu.memory_space<vmem>>, vector<1x16xf32>,
        %parallel_loop3A_744 = vector.shape_cast %parallel_loop3A_743 : vector<1x16xf32> to vector<16xf32>
        %parallel_loop3A_745 = arith.addf %parallel_loop3A_740, %parallel_loop3A_744 : vector<16xf32>
        %parallel_loop3A_746 = arith.index_cast %parallel_loop3A_127 : i32 to index
        %parallel_loop3A_747 = arith.constant 160 : index
        %parallel_loop3A_748 = tpu.vector_load %arg9[%parallel_loop3A_746, %parallel_loop3A_747] {strides = array<i32>} : memref<16x1024xf32, #tpu.memory_space<vmem>>, vector<1x16xf32>,
        %parallel_loop3A_749 = vector.shape_cast %parallel_loop3A_748 : vector<1x16xf32> to vector<16xf32>
        %parallel_loop3A_750 = vector.shape_cast %parallel_loop3A_745 : vector<16xf32> to vector<1x16xf32>
        tpu.vector_store %arg9[%parallel_loop3A_746, %parallel_loop3A_747], %parallel_loop3A_750 {strides = array<i32>} : memref<16x1024xf32, #tpu.memory_space<vmem>>, vector<1x16xf32>,
        %parallel_loop3A_751 = arith.index_cast %parallel_loop3A_127 : i32 to index
        %parallel_loop3A_752 = arith.constant 416 : index
        %parallel_loop3A_753 = tpu.vector_load %arg9[%parallel_loop3A_751, %parallel_loop3A_752] {strides = array<i32>} : memref<16x1024xf32, #tpu.memory_space<vmem>>, vector<1x16xf32>,
        %parallel_loop3A_754 = vector.shape_cast %parallel_loop3A_753 : vector<1x16xf32> to vector<16xf32>
        %parallel_loop3A_755 = arith.index_cast %parallel_loop3A_144 : i32 to index
        %parallel_loop3A_756 = arith.constant 160 : index
        %parallel_loop3A_757 = tpu.vector_load %arg12[%parallel_loop3A_755, %parallel_loop3A_756] {strides = array<i32>} : memref<5x256xf32, #tpu.memory_space<vmem>>, vector<1x16xf32>,
        %parallel_loop3A_758 = vector.shape_cast %parallel_loop3A_757 : vector<1x16xf32> to vector<16xf32>
        %parallel_loop3A_759 = arith.addf %parallel_loop3A_754, %parallel_loop3A_758 : vector<16xf32>
        %parallel_loop3A_760 = arith.index_cast %parallel_loop3A_127 : i32 to index
        %parallel_loop3A_761 = arith.constant 416 : index
        %parallel_loop3A_762 = tpu.vector_load %arg9[%parallel_loop3A_760, %parallel_loop3A_761] {strides = array<i32>} : memref<16x1024xf32, #tpu.memory_space<vmem>>, vector<1x16xf32>,
        %parallel_loop3A_763 = vector.shape_cast %parallel_loop3A_762 : vector<1x16xf32> to vector<16xf32>
        %parallel_loop3A_764 = vector.shape_cast %parallel_loop3A_759 : vector<16xf32> to vector<1x16xf32>
        tpu.vector_store %arg9[%parallel_loop3A_760, %parallel_loop3A_761], %parallel_loop3A_764 {strides = array<i32>} : memref<16x1024xf32, #tpu.memory_space<vmem>>, vector<1x16xf32>,
        %parallel_loop3A_765 = arith.index_cast %parallel_loop3A_127 : i32 to index
        %parallel_loop3A_766 = arith.constant 672 : index
        %parallel_loop3A_767 = tpu.vector_load %arg9[%parallel_loop3A_765, %parallel_loop3A_766] {strides = array<i32>} : memref<16x1024xf32, #tpu.memory_space<vmem>>, vector<1x16xf32>,
        %parallel_loop3A_768 = vector.shape_cast %parallel_loop3A_767 : vector<1x16xf32> to vector<16xf32>
        %parallel_loop3A_769 = arith.index_cast %parallel_loop3A_160 : i32 to index
        %parallel_loop3A_770 = arith.constant 160 : index
        %parallel_loop3A_771 = tpu.vector_load %arg13[%parallel_loop3A_769, %parallel_loop3A_770] {strides = array<i32>} : memref<25x256xf32, #tpu.memory_space<vmem>>, vector<1x16xf32>,
        %parallel_loop3A_772 = vector.shape_cast %parallel_loop3A_771 : vector<1x16xf32> to vector<16xf32>
        %parallel_loop3A_773 = arith.addf %parallel_loop3A_768, %parallel_loop3A_772 : vector<16xf32>
        %parallel_loop3A_774 = arith.index_cast %parallel_loop3A_127 : i32 to index
        %parallel_loop3A_775 = arith.constant 672 : index
        %parallel_loop3A_776 = tpu.vector_load %arg9[%parallel_loop3A_774, %parallel_loop3A_775] {strides = array<i32>} : memref<16x1024xf32, #tpu.memory_space<vmem>>, vector<1x16xf32>,
        %parallel_loop3A_777 = vector.shape_cast %parallel_loop3A_776 : vector<1x16xf32> to vector<16xf32>
        %parallel_loop3A_778 = vector.shape_cast %parallel_loop3A_773 : vector<16xf32> to vector<1x16xf32>
        tpu.vector_store %arg9[%parallel_loop3A_774, %parallel_loop3A_775], %parallel_loop3A_778 {strides = array<i32>} : memref<16x1024xf32, #tpu.memory_space<vmem>>, vector<1x16xf32>,
        %parallel_loop3A_779 = arith.index_cast %parallel_loop3A_127 : i32 to index
        %parallel_loop3A_780 = arith.constant 928 : index
        %parallel_loop3A_781 = tpu.vector_load %arg9[%parallel_loop3A_779, %parallel_loop3A_780] {strides = array<i32>} : memref<16x1024xf32, #tpu.memory_space<vmem>>, vector<1x16xf32>,
        %parallel_loop3A_782 = vector.shape_cast %parallel_loop3A_781 : vector<1x16xf32> to vector<16xf32>
        %parallel_loop3A_783 = arith.index_cast %parallel_loop3A_176 : i32 to index
        %parallel_loop3A_784 = arith.constant 160 : index
        %parallel_loop3A_785 = tpu.vector_load %arg14[%parallel_loop3A_783, %parallel_loop3A_784] {strides = array<i32>} : memref<252x256xf32, #tpu.memory_space<vmem>>, vector<1x16xf32>,
        %parallel_loop3A_786 = vector.shape_cast %parallel_loop3A_785 : vector<1x16xf32> to vector<16xf32>
        %parallel_loop3A_787 = arith.addf %parallel_loop3A_782, %parallel_loop3A_786 : vector<16xf32>
        %parallel_loop3A_788 = arith.index_cast %parallel_loop3A_127 : i32 to index
        %parallel_loop3A_789 = arith.constant 928 : index
        %parallel_loop3A_790 = tpu.vector_load %arg9[%parallel_loop3A_788, %parallel_loop3A_789] {strides = array<i32>} : memref<16x1024xf32, #tpu.memory_space<vmem>>, vector<1x16xf32>,
        %parallel_loop3A_791 = vector.shape_cast %parallel_loop3A_790 : vector<1x16xf32> to vector<16xf32>
        %parallel_loop3A_792 = vector.shape_cast %parallel_loop3A_787 : vector<16xf32> to vector<1x16xf32>
        tpu.vector_store %arg9[%parallel_loop3A_788, %parallel_loop3A_789], %parallel_loop3A_792 {strides = array<i32>} : memref<16x1024xf32, #tpu.memory_space<vmem>>, vector<1x16xf32>,
        %parallel_loop3A_793 = arith.index_cast %parallel_loop3A_127 : i32 to index
        %parallel_loop3A_794 = arith.constant 176 : index
        %parallel_loop3A_795 = tpu.vector_load %arg9[%parallel_loop3A_793, %parallel_loop3A_794] {strides = array<i32>} : memref<16x1024xf32, #tpu.memory_space<vmem>>, vector<1x16xf32>,
        %parallel_loop3A_796 = vector.shape_cast %parallel_loop3A_795 : vector<1x16xf32> to vector<16xf32>
        %parallel_loop3A_797 = arith.index_cast %parallel_loop3A_127 : i32 to index
        %parallel_loop3A_798 = arith.constant 176 : index
        %parallel_loop3A_799 = tpu.vector_load %arg11[%parallel_loop3A_797, %parallel_loop3A_798] {strides = array<i32>} : memref<16x256xf32, #tpu.memory_space<vmem>>, vector<1x16xf32>,
        %parallel_loop3A_800 = vector.shape_cast %parallel_loop3A_799 : vector<1x16xf32> to vector<16xf32>
        %parallel_loop3A_801 = arith.addf %parallel_loop3A_796, %parallel_loop3A_800 : vector<16xf32>
        %parallel_loop3A_802 = arith.index_cast %parallel_loop3A_127 : i32 to index
        %parallel_loop3A_803 = arith.constant 176 : index
        %parallel_loop3A_804 = tpu.vector_load %arg9[%parallel_loop3A_802, %parallel_loop3A_803] {strides = array<i32>} : memref<16x1024xf32, #tpu.memory_space<vmem>>, vector<1x16xf32>,
        %parallel_loop3A_805 = vector.shape_cast %parallel_loop3A_804 : vector<1x16xf32> to vector<16xf32>
        %parallel_loop3A_806 = vector.shape_cast %parallel_loop3A_801 : vector<16xf32> to vector<1x16xf32>
        tpu.vector_store %arg9[%parallel_loop3A_802, %parallel_loop3A_803], %parallel_loop3A_806 {strides = array<i32>} : memref<16x1024xf32, #tpu.memory_space<vmem>>, vector<1x16xf32>,
        %parallel_loop3A_807 = arith.index_cast %parallel_loop3A_127 : i32 to index
        %parallel_loop3A_808 = arith.constant 432 : index
        %parallel_loop3A_809 = tpu.vector_load %arg9[%parallel_loop3A_807, %parallel_loop3A_808] {strides = array<i32>} : memref<16x1024xf32, #tpu.memory_space<vmem>>, vector<1x16xf32>,
        %parallel_loop3A_810 = vector.shape_cast %parallel_loop3A_809 : vector<1x16xf32> to vector<16xf32>
        %parallel_loop3A_811 = arith.index_cast %parallel_loop3A_144 : i32 to index
        %parallel_loop3A_812 = arith.constant 176 : index
        %parallel_loop3A_813 = tpu.vector_load %arg12[%parallel_loop3A_811, %parallel_loop3A_812] {strides = array<i32>} : memref<5x256xf32, #tpu.memory_space<vmem>>, vector<1x16xf32>,
        %parallel_loop3A_814 = vector.shape_cast %parallel_loop3A_813 : vector<1x16xf32> to vector<16xf32>
        %parallel_loop3A_815 = arith.addf %parallel_loop3A_810, %parallel_loop3A_814 : vector<16xf32>
        %parallel_loop3A_816 = arith.index_cast %parallel_loop3A_127 : i32 to index
        %parallel_loop3A_817 = arith.constant 432 : index
        %parallel_loop3A_818 = tpu.vector_load %arg9[%parallel_loop3A_816, %parallel_loop3A_817] {strides = array<i32>} : memref<16x1024xf32, #tpu.memory_space<vmem>>, vector<1x16xf32>,
        %parallel_loop3A_819 = vector.shape_cast %parallel_loop3A_818 : vector<1x16xf32> to vector<16xf32>
        %parallel_loop3A_820 = vector.shape_cast %parallel_loop3A_815 : vector<16xf32> to vector<1x16xf32>
        tpu.vector_store %arg9[%parallel_loop3A_816, %parallel_loop3A_817], %parallel_loop3A_820 {strides = array<i32>} : memref<16x1024xf32, #tpu.memory_space<vmem>>, vector<1x16xf32>,
        %parallel_loop3A_821 = arith.index_cast %parallel_loop3A_127 : i32 to index
        %parallel_loop3A_822 = arith.constant 688 : index
        %parallel_loop3A_823 = tpu.vector_load %arg9[%parallel_loop3A_821, %parallel_loop3A_822] {strides = array<i32>} : memref<16x1024xf32, #tpu.memory_space<vmem>>, vector<1x16xf32>,
        %parallel_loop3A_824 = vector.shape_cast %parallel_loop3A_823 : vector<1x16xf32> to vector<16xf32>
        %parallel_loop3A_825 = arith.index_cast %parallel_loop3A_160 : i32 to index
        %parallel_loop3A_826 = arith.constant 176 : index
        %parallel_loop3A_827 = tpu.vector_load %arg13[%parallel_loop3A_825, %parallel_loop3A_826] {strides = array<i32>} : memref<25x256xf32, #tpu.memory_space<vmem>>, vector<1x16xf32>,
        %parallel_loop3A_828 = vector.shape_cast %parallel_loop3A_827 : vector<1x16xf32> to vector<16xf32>
        %parallel_loop3A_829 = arith.addf %parallel_loop3A_824, %parallel_loop3A_828 : vector<16xf32>
        %parallel_loop3A_830 = arith.index_cast %parallel_loop3A_127 : i32 to index
        %parallel_loop3A_831 = arith.constant 688 : index
        %parallel_loop3A_832 = tpu.vector_load %arg9[%parallel_loop3A_830, %parallel_loop3A_831] {strides = array<i32>} : memref<16x1024xf32, #tpu.memory_space<vmem>>, vector<1x16xf32>,
        %parallel_loop3A_833 = vector.shape_cast %parallel_loop3A_832 : vector<1x16xf32> to vector<16xf32>
        %parallel_loop3A_834 = vector.shape_cast %parallel_loop3A_829 : vector<16xf32> to vector<1x16xf32>
        tpu.vector_store %arg9[%parallel_loop3A_830, %parallel_loop3A_831], %parallel_loop3A_834 {strides = array<i32>} : memref<16x1024xf32, #tpu.memory_space<vmem>>, vector<1x16xf32>,
        %parallel_loop3A_835 = arith.index_cast %parallel_loop3A_127 : i32 to index
        %parallel_loop3A_836 = arith.constant 944 : index
        %parallel_loop3A_837 = tpu.vector_load %arg9[%parallel_loop3A_835, %parallel_loop3A_836] {strides = array<i32>} : memref<16x1024xf32, #tpu.memory_space<vmem>>, vector<1x16xf32>,
        %parallel_loop3A_838 = vector.shape_cast %parallel_loop3A_837 : vector<1x16xf32> to vector<16xf32>
        %parallel_loop3A_839 = arith.index_cast %parallel_loop3A_176 : i32 to index
        %parallel_loop3A_840 = arith.constant 176 : index
        %parallel_loop3A_841 = tpu.vector_load %arg14[%parallel_loop3A_839, %parallel_loop3A_840] {strides = array<i32>} : memref<252x256xf32, #tpu.memory_space<vmem>>, vector<1x16xf32>,
        %parallel_loop3A_842 = vector.shape_cast %parallel_loop3A_841 : vector<1x16xf32> to vector<16xf32>
        %parallel_loop3A_843 = arith.addf %parallel_loop3A_838, %parallel_loop3A_842 : vector<16xf32>
        %parallel_loop3A_844 = arith.index_cast %parallel_loop3A_127 : i32 to index
        %parallel_loop3A_845 = arith.constant 944 : index
        %parallel_loop3A_846 = tpu.vector_load %arg9[%parallel_loop3A_844, %parallel_loop3A_845] {strides = array<i32>} : memref<16x1024xf32, #tpu.memory_space<vmem>>, vector<1x16xf32>,
        %parallel_loop3A_847 = vector.shape_cast %parallel_loop3A_846 : vector<1x16xf32> to vector<16xf32>
        %parallel_loop3A_848 = vector.shape_cast %parallel_loop3A_843 : vector<16xf32> to vector<1x16xf32>
        tpu.vector_store %arg9[%parallel_loop3A_844, %parallel_loop3A_845], %parallel_loop3A_848 {strides = array<i32>} : memref<16x1024xf32, #tpu.memory_space<vmem>>, vector<1x16xf32>,
        %parallel_loop3A_849 = arith.index_cast %parallel_loop3A_127 : i32 to index
        %parallel_loop3A_850 = arith.constant 192 : index
        %parallel_loop3A_851 = tpu.vector_load %arg9[%parallel_loop3A_849, %parallel_loop3A_850] {strides = array<i32>} : memref<16x1024xf32, #tpu.memory_space<vmem>>, vector<1x16xf32>,
        %parallel_loop3A_852 = vector.shape_cast %parallel_loop3A_851 : vector<1x16xf32> to vector<16xf32>
        %parallel_loop3A_853 = arith.index_cast %parallel_loop3A_127 : i32 to index
        %parallel_loop3A_854 = arith.constant 192 : index
        %parallel_loop3A_855 = tpu.vector_load %arg11[%parallel_loop3A_853, %parallel_loop3A_854] {strides = array<i32>} : memref<16x256xf32, #tpu.memory_space<vmem>>, vector<1x16xf32>,
        %parallel_loop3A_856 = vector.shape_cast %parallel_loop3A_855 : vector<1x16xf32> to vector<16xf32>
        %parallel_loop3A_857 = arith.addf %parallel_loop3A_852, %parallel_loop3A_856 : vector<16xf32>
        %parallel_loop3A_858 = arith.index_cast %parallel_loop3A_127 : i32 to index
        %parallel_loop3A_859 = arith.constant 192 : index
        %parallel_loop3A_860 = tpu.vector_load %arg9[%parallel_loop3A_858, %parallel_loop3A_859] {strides = array<i32>} : memref<16x1024xf32, #tpu.memory_space<vmem>>, vector<1x16xf32>,
        %parallel_loop3A_861 = vector.shape_cast %parallel_loop3A_860 : vector<1x16xf32> to vector<16xf32>
        %parallel_loop3A_862 = vector.shape_cast %parallel_loop3A_857 : vector<16xf32> to vector<1x16xf32>
        tpu.vector_store %arg9[%parallel_loop3A_858, %parallel_loop3A_859], %parallel_loop3A_862 {strides = array<i32>} : memref<16x1024xf32, #tpu.memory_space<vmem>>, vector<1x16xf32>,
        %parallel_loop3A_863 = arith.index_cast %parallel_loop3A_127 : i32 to index
        %parallel_loop3A_864 = arith.constant 448 : index
        %parallel_loop3A_865 = tpu.vector_load %arg9[%parallel_loop3A_863, %parallel_loop3A_864] {strides = array<i32>} : memref<16x1024xf32, #tpu.memory_space<vmem>>, vector<1x16xf32>,
        %parallel_loop3A_866 = vector.shape_cast %parallel_loop3A_865 : vector<1x16xf32> to vector<16xf32>
        %parallel_loop3A_867 = arith.index_cast %parallel_loop3A_144 : i32 to index
        %parallel_loop3A_868 = arith.constant 192 : index
        %parallel_loop3A_869 = tpu.vector_load %arg12[%parallel_loop3A_867, %parallel_loop3A_868] {strides = array<i32>} : memref<5x256xf32, #tpu.memory_space<vmem>>, vector<1x16xf32>,
        %parallel_loop3A_870 = vector.shape_cast %parallel_loop3A_869 : vector<1x16xf32> to vector<16xf32>
        %parallel_loop3A_871 = arith.addf %parallel_loop3A_866, %parallel_loop3A_870 : vector<16xf32>
        %parallel_loop3A_872 = arith.index_cast %parallel_loop3A_127 : i32 to index
        %parallel_loop3A_873 = arith.constant 448 : index
        %parallel_loop3A_874 = tpu.vector_load %arg9[%parallel_loop3A_872, %parallel_loop3A_873] {strides = array<i32>} : memref<16x1024xf32, #tpu.memory_space<vmem>>, vector<1x16xf32>,
        %parallel_loop3A_875 = vector.shape_cast %parallel_loop3A_874 : vector<1x16xf32> to vector<16xf32>
        %parallel_loop3A_876 = vector.shape_cast %parallel_loop3A_871 : vector<16xf32> to vector<1x16xf32>
        tpu.vector_store %arg9[%parallel_loop3A_872, %parallel_loop3A_873], %parallel_loop3A_876 {strides = array<i32>} : memref<16x1024xf32, #tpu.memory_space<vmem>>, vector<1x16xf32>,
        %parallel_loop3A_877 = arith.index_cast %parallel_loop3A_127 : i32 to index
        %parallel_loop3A_878 = arith.constant 704 : index
        %parallel_loop3A_879 = tpu.vector_load %arg9[%parallel_loop3A_877, %parallel_loop3A_878] {strides = array<i32>} : memref<16x1024xf32, #tpu.memory_space<vmem>>, vector<1x16xf32>,
        %parallel_loop3A_880 = vector.shape_cast %parallel_loop3A_879 : vector<1x16xf32> to vector<16xf32>
        %parallel_loop3A_881 = arith.index_cast %parallel_loop3A_160 : i32 to index
        %parallel_loop3A_882 = arith.constant 192 : index
        %parallel_loop3A_883 = tpu.vector_load %arg13[%parallel_loop3A_881, %parallel_loop3A_882] {strides = array<i32>} : memref<25x256xf32, #tpu.memory_space<vmem>>, vector<1x16xf32>,
        %parallel_loop3A_884 = vector.shape_cast %parallel_loop3A_883 : vector<1x16xf32> to vector<16xf32>
        %parallel_loop3A_885 = arith.addf %parallel_loop3A_880, %parallel_loop3A_884 : vector<16xf32>
        %parallel_loop3A_886 = arith.index_cast %parallel_loop3A_127 : i32 to index
        %parallel_loop3A_887 = arith.constant 704 : index
        %parallel_loop3A_888 = tpu.vector_load %arg9[%parallel_loop3A_886, %parallel_loop3A_887] {strides = array<i32>} : memref<16x1024xf32, #tpu.memory_space<vmem>>, vector<1x16xf32>,
        %parallel_loop3A_889 = vector.shape_cast %parallel_loop3A_888 : vector<1x16xf32> to vector<16xf32>
        %parallel_loop3A_890 = vector.shape_cast %parallel_loop3A_885 : vector<16xf32> to vector<1x16xf32>
        tpu.vector_store %arg9[%parallel_loop3A_886, %parallel_loop3A_887], %parallel_loop3A_890 {strides = array<i32>} : memref<16x1024xf32, #tpu.memory_space<vmem>>, vector<1x16xf32>,
        %parallel_loop3A_891 = arith.index_cast %parallel_loop3A_127 : i32 to index
        %parallel_loop3A_892 = arith.constant 960 : index
        %parallel_loop3A_893 = tpu.vector_load %arg9[%parallel_loop3A_891, %parallel_loop3A_892] {strides = array<i32>} : memref<16x1024xf32, #tpu.memory_space<vmem>>, vector<1x16xf32>,
        %parallel_loop3A_894 = vector.shape_cast %parallel_loop3A_893 : vector<1x16xf32> to vector<16xf32>
        %parallel_loop3A_895 = arith.index_cast %parallel_loop3A_176 : i32 to index
        %parallel_loop3A_896 = arith.constant 192 : index
        %parallel_loop3A_897 = tpu.vector_load %arg14[%parallel_loop3A_895, %parallel_loop3A_896] {strides = array<i32>} : memref<252x256xf32, #tpu.memory_space<vmem>>, vector<1x16xf32>,
        %parallel_loop3A_898 = vector.shape_cast %parallel_loop3A_897 : vector<1x16xf32> to vector<16xf32>
        %parallel_loop3A_899 = arith.addf %parallel_loop3A_894, %parallel_loop3A_898 : vector<16xf32>
        %parallel_loop3A_900 = arith.index_cast %parallel_loop3A_127 : i32 to index
        %parallel_loop3A_901 = arith.constant 960 : index
        %parallel_loop3A_902 = tpu.vector_load %arg9[%parallel_loop3A_900, %parallel_loop3A_901] {strides = array<i32>} : memref<16x1024xf32, #tpu.memory_space<vmem>>, vector<1x16xf32>,
        %parallel_loop3A_903 = vector.shape_cast %parallel_loop3A_902 : vector<1x16xf32> to vector<16xf32>
        %parallel_loop3A_904 = vector.shape_cast %parallel_loop3A_899 : vector<16xf32> to vector<1x16xf32>
        tpu.vector_store %arg9[%parallel_loop3A_900, %parallel_loop3A_901], %parallel_loop3A_904 {strides = array<i32>} : memref<16x1024xf32, #tpu.memory_space<vmem>>, vector<1x16xf32>,
        %parallel_loop3A_905 = arith.index_cast %parallel_loop3A_127 : i32 to index
        %parallel_loop3A_906 = arith.constant 208 : index
        %parallel_loop3A_907 = tpu.vector_load %arg9[%parallel_loop3A_905, %parallel_loop3A_906] {strides = array<i32>} : memref<16x1024xf32, #tpu.memory_space<vmem>>, vector<1x16xf32>,
        %parallel_loop3A_908 = vector.shape_cast %parallel_loop3A_907 : vector<1x16xf32> to vector<16xf32>
        %parallel_loop3A_909 = arith.index_cast %parallel_loop3A_127 : i32 to index
        %parallel_loop3A_910 = arith.constant 208 : index
        %parallel_loop3A_911 = tpu.vector_load %arg11[%parallel_loop3A_909, %parallel_loop3A_910] {strides = array<i32>} : memref<16x256xf32, #tpu.memory_space<vmem>>, vector<1x16xf32>,
        %parallel_loop3A_912 = vector.shape_cast %parallel_loop3A_911 : vector<1x16xf32> to vector<16xf32>
        %parallel_loop3A_913 = arith.addf %parallel_loop3A_908, %parallel_loop3A_912 : vector<16xf32>
        %parallel_loop3A_914 = arith.index_cast %parallel_loop3A_127 : i32 to index
        %parallel_loop3A_915 = arith.constant 208 : index
        %parallel_loop3A_916 = tpu.vector_load %arg9[%parallel_loop3A_914, %parallel_loop3A_915] {strides = array<i32>} : memref<16x1024xf32, #tpu.memory_space<vmem>>, vector<1x16xf32>,
        %parallel_loop3A_917 = vector.shape_cast %parallel_loop3A_916 : vector<1x16xf32> to vector<16xf32>
        %parallel_loop3A_918 = vector.shape_cast %parallel_loop3A_913 : vector<16xf32> to vector<1x16xf32>
        tpu.vector_store %arg9[%parallel_loop3A_914, %parallel_loop3A_915], %parallel_loop3A_918 {strides = array<i32>} : memref<16x1024xf32, #tpu.memory_space<vmem>>, vector<1x16xf32>,
        %parallel_loop3A_919 = arith.index_cast %parallel_loop3A_127 : i32 to index
        %parallel_loop3A_920 = arith.constant 464 : index
        %parallel_loop3A_921 = tpu.vector_load %arg9[%parallel_loop3A_919, %parallel_loop3A_920] {strides = array<i32>} : memref<16x1024xf32, #tpu.memory_space<vmem>>, vector<1x16xf32>,
        %parallel_loop3A_922 = vector.shape_cast %parallel_loop3A_921 : vector<1x16xf32> to vector<16xf32>
        %parallel_loop3A_923 = arith.index_cast %parallel_loop3A_144 : i32 to index
        %parallel_loop3A_924 = arith.constant 208 : index
        %parallel_loop3A_925 = tpu.vector_load %arg12[%parallel_loop3A_923, %parallel_loop3A_924] {strides = array<i32>} : memref<5x256xf32, #tpu.memory_space<vmem>>, vector<1x16xf32>,
        %parallel_loop3A_926 = vector.shape_cast %parallel_loop3A_925 : vector<1x16xf32> to vector<16xf32>
        %parallel_loop3A_927 = arith.addf %parallel_loop3A_922, %parallel_loop3A_926 : vector<16xf32>
        %parallel_loop3A_928 = arith.index_cast %parallel_loop3A_127 : i32 to index
        %parallel_loop3A_929 = arith.constant 464 : index
        %parallel_loop3A_930 = tpu.vector_load %arg9[%parallel_loop3A_928, %parallel_loop3A_929] {strides = array<i32>} : memref<16x1024xf32, #tpu.memory_space<vmem>>, vector<1x16xf32>,
        %parallel_loop3A_931 = vector.shape_cast %parallel_loop3A_930 : vector<1x16xf32> to vector<16xf32>
        %parallel_loop3A_932 = vector.shape_cast %parallel_loop3A_927 : vector<16xf32> to vector<1x16xf32>
        tpu.vector_store %arg9[%parallel_loop3A_928, %parallel_loop3A_929], %parallel_loop3A_932 {strides = array<i32>} : memref<16x1024xf32, #tpu.memory_space<vmem>>, vector<1x16xf32>,
        %parallel_loop3A_933 = arith.index_cast %parallel_loop3A_127 : i32 to index
        %parallel_loop3A_934 = arith.constant 720 : index
        %parallel_loop3A_935 = tpu.vector_load %arg9[%parallel_loop3A_933, %parallel_loop3A_934] {strides = array<i32>} : memref<16x1024xf32, #tpu.memory_space<vmem>>, vector<1x16xf32>,
        %parallel_loop3A_936 = vector.shape_cast %parallel_loop3A_935 : vector<1x16xf32> to vector<16xf32>
        %parallel_loop3A_937 = arith.index_cast %parallel_loop3A_160 : i32 to index
        %parallel_loop3A_938 = arith.constant 208 : index
        %parallel_loop3A_939 = tpu.vector_load %arg13[%parallel_loop3A_937, %parallel_loop3A_938] {strides = array<i32>} : memref<25x256xf32, #tpu.memory_space<vmem>>, vector<1x16xf32>,
        %parallel_loop3A_940 = vector.shape_cast %parallel_loop3A_939 : vector<1x16xf32> to vector<16xf32>
        %parallel_loop3A_941 = arith.addf %parallel_loop3A_936, %parallel_loop3A_940 : vector<16xf32>
        %parallel_loop3A_942 = arith.index_cast %parallel_loop3A_127 : i32 to index
        %parallel_loop3A_943 = arith.constant 720 : index
        %parallel_loop3A_944 = tpu.vector_load %arg9[%parallel_loop3A_942, %parallel_loop3A_943] {strides = array<i32>} : memref<16x1024xf32, #tpu.memory_space<vmem>>, vector<1x16xf32>,
        %parallel_loop3A_945 = vector.shape_cast %parallel_loop3A_944 : vector<1x16xf32> to vector<16xf32>
        %parallel_loop3A_946 = vector.shape_cast %parallel_loop3A_941 : vector<16xf32> to vector<1x16xf32>
        tpu.vector_store %arg9[%parallel_loop3A_942, %parallel_loop3A_943], %parallel_loop3A_946 {strides = array<i32>} : memref<16x1024xf32, #tpu.memory_space<vmem>>, vector<1x16xf32>,
        %parallel_loop3A_947 = arith.index_cast %parallel_loop3A_127 : i32 to index
        %parallel_loop3A_948 = arith.constant 976 : index
        %parallel_loop3A_949 = tpu.vector_load %arg9[%parallel_loop3A_947, %parallel_loop3A_948] {strides = array<i32>} : memref<16x1024xf32, #tpu.memory_space<vmem>>, vector<1x16xf32>,
        %parallel_loop3A_950 = vector.shape_cast %parallel_loop3A_949 : vector<1x16xf32> to vector<16xf32>
        %parallel_loop3A_951 = arith.index_cast %parallel_loop3A_176 : i32 to index
        %parallel_loop3A_952 = arith.constant 208 : index
        %parallel_loop3A_953 = tpu.vector_load %arg14[%parallel_loop3A_951, %parallel_loop3A_952] {strides = array<i32>} : memref<252x256xf32, #tpu.memory_space<vmem>>, vector<1x16xf32>,
        %parallel_loop3A_954 = vector.shape_cast %parallel_loop3A_953 : vector<1x16xf32> to vector<16xf32>
        %parallel_loop3A_955 = arith.addf %parallel_loop3A_950, %parallel_loop3A_954 : vector<16xf32>
        %parallel_loop3A_956 = arith.index_cast %parallel_loop3A_127 : i32 to index
        %parallel_loop3A_957 = arith.constant 976 : index
        %parallel_loop3A_958 = tpu.vector_load %arg9[%parallel_loop3A_956, %parallel_loop3A_957] {strides = array<i32>} : memref<16x1024xf32, #tpu.memory_space<vmem>>, vector<1x16xf32>,
        %parallel_loop3A_959 = vector.shape_cast %parallel_loop3A_958 : vector<1x16xf32> to vector<16xf32>
        %parallel_loop3A_960 = vector.shape_cast %parallel_loop3A_955 : vector<16xf32> to vector<1x16xf32>
        tpu.vector_store %arg9[%parallel_loop3A_956, %parallel_loop3A_957], %parallel_loop3A_960 {strides = array<i32>} : memref<16x1024xf32, #tpu.memory_space<vmem>>, vector<1x16xf32>,
        %parallel_loop3A_961 = arith.index_cast %parallel_loop3A_127 : i32 to index
        %parallel_loop3A_962 = arith.constant 224 : index
        %parallel_loop3A_963 = tpu.vector_load %arg9[%parallel_loop3A_961, %parallel_loop3A_962] {strides = array<i32>} : memref<16x1024xf32, #tpu.memory_space<vmem>>, vector<1x16xf32>,
        %parallel_loop3A_964 = vector.shape_cast %parallel_loop3A_963 : vector<1x16xf32> to vector<16xf32>
        %parallel_loop3A_965 = arith.index_cast %parallel_loop3A_127 : i32 to index
        %parallel_loop3A_966 = arith.constant 224 : index
        %parallel_loop3A_967 = tpu.vector_load %arg11[%parallel_loop3A_965, %parallel_loop3A_966] {strides = array<i32>} : memref<16x256xf32, #tpu.memory_space<vmem>>, vector<1x16xf32>,
        %parallel_loop3A_968 = vector.shape_cast %parallel_loop3A_967 : vector<1x16xf32> to vector<16xf32>
        %parallel_loop3A_969 = arith.addf %parallel_loop3A_964, %parallel_loop3A_968 : vector<16xf32>
        %parallel_loop3A_970 = arith.index_cast %parallel_loop3A_127 : i32 to index
        %parallel_loop3A_971 = arith.constant 224 : index
        %parallel_loop3A_972 = tpu.vector_load %arg9[%parallel_loop3A_970, %parallel_loop3A_971] {strides = array<i32>} : memref<16x1024xf32, #tpu.memory_space<vmem>>, vector<1x16xf32>,
        %parallel_loop3A_973 = vector.shape_cast %parallel_loop3A_972 : vector<1x16xf32> to vector<16xf32>
        %parallel_loop3A_974 = vector.shape_cast %parallel_loop3A_969 : vector<16xf32> to vector<1x16xf32>
        tpu.vector_store %arg9[%parallel_loop3A_970, %parallel_loop3A_971], %parallel_loop3A_974 {strides = array<i32>} : memref<16x1024xf32, #tpu.memory_space<vmem>>, vector<1x16xf32>,
        %parallel_loop3A_975 = arith.index_cast %parallel_loop3A_127 : i32 to index
        %parallel_loop3A_976 = arith.constant 480 : index
        %parallel_loop3A_977 = tpu.vector_load %arg9[%parallel_loop3A_975, %parallel_loop3A_976] {strides = array<i32>} : memref<16x1024xf32, #tpu.memory_space<vmem>>, vector<1x16xf32>,
        %parallel_loop3A_978 = vector.shape_cast %parallel_loop3A_977 : vector<1x16xf32> to vector<16xf32>
        %parallel_loop3A_979 = arith.index_cast %parallel_loop3A_144 : i32 to index
        %parallel_loop3A_980 = arith.constant 224 : index
        %parallel_loop3A_981 = tpu.vector_load %arg12[%parallel_loop3A_979, %parallel_loop3A_980] {strides = array<i32>} : memref<5x256xf32, #tpu.memory_space<vmem>>, vector<1x16xf32>,
        %parallel_loop3A_982 = vector.shape_cast %parallel_loop3A_981 : vector<1x16xf32> to vector<16xf32>
        %parallel_loop3A_983 = arith.addf %parallel_loop3A_978, %parallel_loop3A_982 : vector<16xf32>
        %parallel_loop3A_984 = arith.index_cast %parallel_loop3A_127 : i32 to index
        %parallel_loop3A_985 = arith.constant 480 : index
        %parallel_loop3A_986 = tpu.vector_load %arg9[%parallel_loop3A_984, %parallel_loop3A_985] {strides = array<i32>} : memref<16x1024xf32, #tpu.memory_space<vmem>>, vector<1x16xf32>,
        %parallel_loop3A_987 = vector.shape_cast %parallel_loop3A_986 : vector<1x16xf32> to vector<16xf32>
        %parallel_loop3A_988 = vector.shape_cast %parallel_loop3A_983 : vector<16xf32> to vector<1x16xf32>
        tpu.vector_store %arg9[%parallel_loop3A_984, %parallel_loop3A_985], %parallel_loop3A_988 {strides = array<i32>} : memref<16x1024xf32, #tpu.memory_space<vmem>>, vector<1x16xf32>,
        %parallel_loop3A_989 = arith.index_cast %parallel_loop3A_127 : i32 to index
        %parallel_loop3A_990 = arith.constant 736 : index
        %parallel_loop3A_991 = tpu.vector_load %arg9[%parallel_loop3A_989, %parallel_loop3A_990] {strides = array<i32>} : memref<16x1024xf32, #tpu.memory_space<vmem>>, vector<1x16xf32>,
        %parallel_loop3A_992 = vector.shape_cast %parallel_loop3A_991 : vector<1x16xf32> to vector<16xf32>
        %parallel_loop3A_993 = arith.index_cast %parallel_loop3A_160 : i32 to index
        %parallel_loop3A_994 = arith.constant 224 : index
        %parallel_loop3A_995 = tpu.vector_load %arg13[%parallel_loop3A_993, %parallel_loop3A_994] {strides = array<i32>} : memref<25x256xf32, #tpu.memory_space<vmem>>, vector<1x16xf32>,
        %parallel_loop3A_996 = vector.shape_cast %parallel_loop3A_995 : vector<1x16xf32> to vector<16xf32>
        %parallel_loop3A_997 = arith.addf %parallel_loop3A_992, %parallel_loop3A_996 : vector<16xf32>
        %parallel_loop3A_998 = arith.index_cast %parallel_loop3A_127 : i32 to index
        %parallel_loop3A_999 = arith.constant 736 : index
        %parallel_loop3A_1000 = tpu.vector_load %arg9[%parallel_loop3A_998, %parallel_loop3A_999] {strides = array<i32>} : memref<16x1024xf32, #tpu.memory_space<vmem>>, vector<1x16xf32>,
        %parallel_loop3A_1001 = vector.shape_cast %parallel_loop3A_1000 : vector<1x16xf32> to vector<16xf32>
        %parallel_loop3A_1002 = vector.shape_cast %parallel_loop3A_997 : vector<16xf32> to vector<1x16xf32>
        tpu.vector_store %arg9[%parallel_loop3A_998, %parallel_loop3A_999], %parallel_loop3A_1002 {strides = array<i32>} : memref<16x1024xf32, #tpu.memory_space<vmem>>, vector<1x16xf32>,
        %parallel_loop3A_1003 = arith.index_cast %parallel_loop3A_127 : i32 to index
        %parallel_loop3A_1004 = arith.constant 992 : index
        %parallel_loop3A_1005 = tpu.vector_load %arg9[%parallel_loop3A_1003, %parallel_loop3A_1004] {strides = array<i32>} : memref<16x1024xf32, #tpu.memory_space<vmem>>, vector<1x16xf32>,
        %parallel_loop3A_1006 = vector.shape_cast %parallel_loop3A_1005 : vector<1x16xf32> to vector<16xf32>
        %parallel_loop3A_1007 = arith.index_cast %parallel_loop3A_176 : i32 to index
        %parallel_loop3A_1008 = arith.constant 224 : index
        %parallel_loop3A_1009 = tpu.vector_load %arg14[%parallel_loop3A_1007, %parallel_loop3A_1008] {strides = array<i32>} : memref<252x256xf32, #tpu.memory_space<vmem>>, vector<1x16xf32>,
        %parallel_loop3A_1010 = vector.shape_cast %parallel_loop3A_1009 : vector<1x16xf32> to vector<16xf32>
        %parallel_loop3A_1011 = arith.addf %parallel_loop3A_1006, %parallel_loop3A_1010 : vector<16xf32>
        %parallel_loop3A_1012 = arith.index_cast %parallel_loop3A_127 : i32 to index
        %parallel_loop3A_1013 = arith.constant 992 : index
        %parallel_loop3A_1014 = tpu.vector_load %arg9[%parallel_loop3A_1012, %parallel_loop3A_1013] {strides = array<i32>} : memref<16x1024xf32, #tpu.memory_space<vmem>>, vector<1x16xf32>,
        %parallel_loop3A_1015 = vector.shape_cast %parallel_loop3A_1014 : vector<1x16xf32> to vector<16xf32>
        %parallel_loop3A_1016 = vector.shape_cast %parallel_loop3A_1011 : vector<16xf32> to vector<1x16xf32>
        tpu.vector_store %arg9[%parallel_loop3A_1012, %parallel_loop3A_1013], %parallel_loop3A_1016 {strides = array<i32>} : memref<16x1024xf32, #tpu.memory_space<vmem>>, vector<1x16xf32>,
        %parallel_loop3A_1017 = arith.index_cast %parallel_loop3A_127 : i32 to index
        %parallel_loop3A_1018 = arith.constant 240 : index
        %parallel_loop3A_1019 = tpu.vector_load %arg9[%parallel_loop3A_1017, %parallel_loop3A_1018] {strides = array<i32>} : memref<16x1024xf32, #tpu.memory_space<vmem>>, vector<1x16xf32>,
        %parallel_loop3A_1020 = vector.shape_cast %parallel_loop3A_1019 : vector<1x16xf32> to vector<16xf32>
        %parallel_loop3A_1021 = arith.index_cast %parallel_loop3A_127 : i32 to index
        %parallel_loop3A_1022 = arith.constant 240 : index
        %parallel_loop3A_1023 = tpu.vector_load %arg11[%parallel_loop3A_1021, %parallel_loop3A_1022] {strides = array<i32>} : memref<16x256xf32, #tpu.memory_space<vmem>>, vector<1x16xf32>,
        %parallel_loop3A_1024 = vector.shape_cast %parallel_loop3A_1023 : vector<1x16xf32> to vector<16xf32>
        %parallel_loop3A_1025 = arith.addf %parallel_loop3A_1020, %parallel_loop3A_1024 : vector<16xf32>
        %parallel_loop3A_1026 = arith.index_cast %parallel_loop3A_127 : i32 to index
        %parallel_loop3A_1027 = arith.constant 240 : index
        %parallel_loop3A_1028 = tpu.vector_load %arg9[%parallel_loop3A_1026, %parallel_loop3A_1027] {strides = array<i32>} : memref<16x1024xf32, #tpu.memory_space<vmem>>, vector<1x16xf32>,
        %parallel_loop3A_1029 = vector.shape_cast %parallel_loop3A_1028 : vector<1x16xf32> to vector<16xf32>
        %parallel_loop3A_1030 = vector.shape_cast %parallel_loop3A_1025 : vector<16xf32> to vector<1x16xf32>
        tpu.vector_store %arg9[%parallel_loop3A_1026, %parallel_loop3A_1027], %parallel_loop3A_1030 {strides = array<i32>} : memref<16x1024xf32, #tpu.memory_space<vmem>>, vector<1x16xf32>,
        %parallel_loop3A_1031 = arith.index_cast %parallel_loop3A_127 : i32 to index
        %parallel_loop3A_1032 = arith.constant 496 : index
        %parallel_loop3A_1033 = tpu.vector_load %arg9[%parallel_loop3A_1031, %parallel_loop3A_1032] {strides = array<i32>} : memref<16x1024xf32, #tpu.memory_space<vmem>>, vector<1x16xf32>,
        %parallel_loop3A_1034 = vector.shape_cast %parallel_loop3A_1033 : vector<1x16xf32> to vector<16xf32>
        %parallel_loop3A_1035 = arith.index_cast %parallel_loop3A_144 : i32 to index
        %parallel_loop3A_1036 = arith.constant 240 : index
        %parallel_loop3A_1037 = tpu.vector_load %arg12[%parallel_loop3A_1035, %parallel_loop3A_1036] {strides = array<i32>} : memref<5x256xf32, #tpu.memory_space<vmem>>, vector<1x16xf32>,
        %parallel_loop3A_1038 = vector.shape_cast %parallel_loop3A_1037 : vector<1x16xf32> to vector<16xf32>
        %parallel_loop3A_1039 = arith.addf %parallel_loop3A_1034, %parallel_loop3A_1038 : vector<16xf32>
        %parallel_loop3A_1040 = arith.index_cast %parallel_loop3A_127 : i32 to index
        %parallel_loop3A_1041 = arith.constant 496 : index
        %parallel_loop3A_1042 = tpu.vector_load %arg9[%parallel_loop3A_1040, %parallel_loop3A_1041] {strides = array<i32>} : memref<16x1024xf32, #tpu.memory_space<vmem>>, vector<1x16xf32>,
        %parallel_loop3A_1043 = vector.shape_cast %parallel_loop3A_1042 : vector<1x16xf32> to vector<16xf32>
        %parallel_loop3A_1044 = vector.shape_cast %parallel_loop3A_1039 : vector<16xf32> to vector<1x16xf32>
        tpu.vector_store %arg9[%parallel_loop3A_1040, %parallel_loop3A_1041], %parallel_loop3A_1044 {strides = array<i32>} : memref<16x1024xf32, #tpu.memory_space<vmem>>, vector<1x16xf32>,
        %parallel_loop3A_1045 = arith.index_cast %parallel_loop3A_127 : i32 to index
        %parallel_loop3A_1046 = arith.constant 752 : index
        %parallel_loop3A_1047 = tpu.vector_load %arg9[%parallel_loop3A_1045, %parallel_loop3A_1046] {strides = array<i32>} : memref<16x1024xf32, #tpu.memory_space<vmem>>, vector<1x16xf32>,
        %parallel_loop3A_1048 = vector.shape_cast %parallel_loop3A_1047 : vector<1x16xf32> to vector<16xf32>
        %parallel_loop3A_1049 = arith.index_cast %parallel_loop3A_160 : i32 to index
        %parallel_loop3A_1050 = arith.constant 240 : index
        %parallel_loop3A_1051 = tpu.vector_load %arg13[%parallel_loop3A_1049, %parallel_loop3A_1050] {strides = array<i32>} : memref<25x256xf32, #tpu.memory_space<vmem>>, vector<1x16xf32>,
        %parallel_loop3A_1052 = vector.shape_cast %parallel_loop3A_1051 : vector<1x16xf32> to vector<16xf32>
        %parallel_loop3A_1053 = arith.addf %parallel_loop3A_1048, %parallel_loop3A_1052 : vector<16xf32>
        %parallel_loop3A_1054 = arith.index_cast %parallel_loop3A_127 : i32 to index
        %parallel_loop3A_1055 = arith.constant 752 : index
        %parallel_loop3A_1056 = tpu.vector_load %arg9[%parallel_loop3A_1054, %parallel_loop3A_1055] {strides = array<i32>} : memref<16x1024xf32, #tpu.memory_space<vmem>>, vector<1x16xf32>,
        %parallel_loop3A_1057 = vector.shape_cast %parallel_loop3A_1056 : vector<1x16xf32> to vector<16xf32>
        %parallel_loop3A_1058 = vector.shape_cast %parallel_loop3A_1053 : vector<16xf32> to vector<1x16xf32>
        tpu.vector_store %arg9[%parallel_loop3A_1054, %parallel_loop3A_1055], %parallel_loop3A_1058 {strides = array<i32>} : memref<16x1024xf32, #tpu.memory_space<vmem>>, vector<1x16xf32>,
        %parallel_loop3A_1059 = arith.index_cast %parallel_loop3A_127 : i32 to index
        %parallel_loop3A_1060 = arith.constant 1008 : index
        %parallel_loop3A_1061 = tpu.vector_load %arg9[%parallel_loop3A_1059, %parallel_loop3A_1060] {strides = array<i32>} : memref<16x1024xf32, #tpu.memory_space<vmem>>, vector<1x16xf32>,
        %parallel_loop3A_1062 = vector.shape_cast %parallel_loop3A_1061 : vector<1x16xf32> to vector<16xf32>
        %parallel_loop3A_1063 = arith.index_cast %parallel_loop3A_176 : i32 to index
        %parallel_loop3A_1064 = arith.constant 240 : index
        %parallel_loop3A_1065 = tpu.vector_load %arg14[%parallel_loop3A_1063, %parallel_loop3A_1064] {strides = array<i32>} : memref<252x256xf32, #tpu.memory_space<vmem>>, vector<1x16xf32>,
        %parallel_loop3A_1066 = vector.shape_cast %parallel_loop3A_1065 : vector<1x16xf32> to vector<16xf32>
        %parallel_loop3A_1067 = arith.addf %parallel_loop3A_1062, %parallel_loop3A_1066 : vector<16xf32>
        %parallel_loop3A_1068 = arith.index_cast %parallel_loop3A_127 : i32 to index
        %parallel_loop3A_1069 = arith.constant 1008 : index
        %parallel_loop3A_1070 = tpu.vector_load %arg9[%parallel_loop3A_1068, %parallel_loop3A_1069] {strides = array<i32>} : memref<16x1024xf32, #tpu.memory_space<vmem>>, vector<1x16xf32>,
        %parallel_loop3A_1071 = vector.shape_cast %parallel_loop3A_1070 : vector<1x16xf32> to vector<16xf32>
        %parallel_loop3A_1072 = vector.shape_cast %parallel_loop3A_1067 : vector<16xf32> to vector<1x16xf32>
        tpu.vector_store %arg9[%parallel_loop3A_1068, %parallel_loop3A_1069], %parallel_loop3A_1072 {strides = array<i32>} : memref<16x1024xf32, #tpu.memory_space<vmem>>, vector<1x16xf32>,
      } {sc.loop_unroll_factor = 1 : i64, sc.parallel_access}
      %mul3A_119 = arith.constant 16 : i32
      %mul3A_120 = arith.muli %add3A_85, %mul3A_119 : i32
      %add3A_121 = arith.addi %mul3A_2, %mul3A_120 : i32
      %dma_start3A_122 = arith.constant 0 : i32
      %dma_start3A_123 = tpu.memref_slice %arg7[%add3A_121, %dma_start3A_122] : memref<16384x1024xf32, #tpu.memory_space<hbm>> -> memref<16x1024xf32, #tpu.memory_space<hbm>>
      %dma_start3A_124 = arith.constant 0 : i32
      %dma_start3A_125 = tpu.memref_slice %arg7[%add3A_121, %dma_start3A_124] : memref<16384x1024xf32, #tpu.memory_space<hbm>> -> memref<16x1024xf32, #tpu.memory_space<hbm>>
      tpu.enqueue_dma source(%arg9 : memref<16x1024xf32, #tpu.memory_space<vmem>>) target(%dma_start3A_125 : memref<16x1024xf32, #tpu.memory_space<hbm>>) target_semaphore(%arg19 : memref<!tpu.dma_semaphore, #tpu.memory_space<semaphore_mem>>)
      %scan3A_126 = arith.constant 0 : i32
      scf.yield %scan3A_126 : i32
    }
    %scan3A_28 = arith.constant 16 : i32
    %dma_wait3A = arith.constant 0 : i32
    %dma_wait3A_29 = arith.constant 0 : i32
    %dma_wait3A_30 = tpu.memref_slice %arg7[%dma_wait3A, %dma_wait3A_29] : memref<16384x1024xf32, #tpu.memory_space<hbm>> -> memref<16x1024xf32, #tpu.memory_space<hbm>>
    %dma_wait3A_31 = arith.constant 0 : i32
    %dma_wait3A_32 = arith.constant 0 : i32
    %dma_wait3A_33 = tpu.memref_slice %arg7[%dma_wait3A_31, %dma_wait3A_32] : memref<16384x1024xf32, #tpu.memory_space<hbm>> -> memref<16x1024xf32, #tpu.memory_space<hbm>>
    tpu.wait_dma2 semaphore(%arg18 : memref<!tpu.dma_semaphore, #tpu.memory_space<semaphore_mem>>) src(%arg8 : memref<16x1024xf32, #tpu.memory_space<vmem>>) dst(%dma_wait3A_33 : memref<16x1024xf32, #tpu.memory_space<hbm>>)
    %dma_wait3A_34 = arith.constant 0 : i32
    %dma_wait3A_35 = arith.constant 0 : i32
    %dma_wait3A_36 = tpu.memref_slice %arg7[%dma_wait3A_34, %dma_wait3A_35] : memref<16384x1024xf32, #tpu.memory_space<hbm>> -> memref<16x1024xf32, #tpu.memory_space<hbm>>
    %dma_wait3A_37 = arith.constant 0 : i32
    %dma_wait3A_38 = arith.constant 0 : i32
    %dma_wait3A_39 = tpu.memref_slice %arg7[%dma_wait3A_37, %dma_wait3A_38] : memref<16384x1024xf32, #tpu.memory_space<hbm>> -> memref<16x1024xf32, #tpu.memory_space<hbm>>
    tpu.wait_dma2 semaphore(%arg19 : memref<!tpu.dma_semaphore, #tpu.memory_space<semaphore_mem>>) src(%arg9 : memref<16x1024xf32, #tpu.memory_space<vmem>>) dst(%dma_wait3A_39 : memref<16x1024xf32, #tpu.memory_space<hbm>>)
    return
  }
}

</mosaic_0001>

<sc_bundles>
// kernel: kernel.3.cloned.1.call-start
scs
__scs_entry_jumppad:
0x0: {  	(pc) =	sbr.rel $0x88, $3  }
0x1: {  	(tag) =	ssettag $0x0;
	lr =	simm.s32 $0x1  }
0x2: {  	[smem:$0x3F9C] =	sst lr;
	_ =	strace $0xD0000000  }
0x3: {  	_ = 	snop  }
0x4: {  	_ = 	snop  }
0x5: {  	_ = 	snop  }
0x6: {  	_ = 	snop  }
0x7: {  	_ = 	snop  }
__scs_overlays_trampoline_lowered:
0x8: {  	[smem:$0x3FAB] =	sst s0  }
0x9: {  	[smem:$0x3FAC] =	sst s1  }
0xa: {  	[smem:$0x3FAD] =	sst s2  }
0xb: {  	[smem:$0x3FAE] =	sst s3  }
0xc: {  	[smem:$0x3FAF] =	sst s4  }
0xd: {  	[smem:$0x3FB0] =	sst s5  }
0xe: {  	[smem:$0x3FB1] =	sst s6  }
0xf: {  	[smem:$0x3FB2] =	sst s7  }
0x10: {  	[smem:$0x3FB3] =	sst s8  }
0x11: {  	[smem:$0x3FB4] =	sst s9;
	s0 =	simm.s32 @!p0 $0x0  }
0x12: {  	s1 =	sld [smem:$0x3F9A];
	s0 =	simm.s32 @p0 $0x1  }
0x13: {  	[smem:$0x3FB5] =	sst s0;
	s0 =	simm.s32 @!p1 $0x0  }
0x14: {  	s2 =	sld [smem:$0x3F99];
	s0 =	simm.s32 @p1 $0x1  }
0x15: {  	[smem:$0x3FB6] =	sst s0;
	s0 =	simm.s32 @!p2 $0x0  }
0x16: {  	s3 =	sld [smem:$0x3FDB];
	s0 =	simm.s32 @p2 $0x1  }
0x17: {  	s4 =	simm.s32 $0x1BF5;
	[smem:$0x3FB8] =	sst s0  }
0x18: {  	s0 =	sld [smem:$0x3F9B];
	_ =	swait.ge [sflag:s4], $0x0  }
0x19: {  	s7 =	sld [smem:$0x3F9C]  }
0x1a: {  	s8 =	sadd.s32 $0xFFFFE003, lr  }
0x1b: {  	s9 =	sadd.s32 $0xFFFFFEF7, lr;
	s5 =	simm.s32 $0xFFFFFFFF;
	p2 =	slt.u32 s8, $0xFFFFF086  }
0x1c: {  	p1 =	slt.u32 s9, $0xF7A;
	s5 =	simm.s32 @!p2 $0x0  }
0x1d: {  	s5 =	simm.s32 @p1 $0x1;
	p0 =	seq.s32 s7, s2  }
0x1e: {  	s7 =	smul.u32 @!p0 $0xF7A, s2;
	p2 =	seq.s32 @!p0 s5, $0x0  }
0x1f: {  	s9 =	smul.u32 $0xF7A, s1;
	s8 =	simm.s32 @!p0 $0x1BF5;
	p2 =	por !p2, p0  }
0x20: {  	[sflag:s8] =	ssyncset.s32 @!p0 $0xFFFFF086;
	s6 =	sadd.s32 @!p0 s3, s7;
	s7 =	simm.s32 @!p0 $0x108  }
0x21: {  	s3 =	sadd.s32 s3, s9;
	s6 =	sadd.s32 @!p0 $0x88, s6;
	s7 =	simm.s32 @p2 $0x1082  }
0x22: {  	[simem:s7], [sflag:s8] =	dma.local @!p0 [hbm:s6], $0xF7A  }
0x23: {  	s9 =	sor.u32 $0xD0000000, s2;
	s6 =	simm.s32 $0x108;
	_ =	swait.ge @!p0 [sflag:s8], $0x0  }
0x24: {  	s3 =	sadd.s32 $0x88, s3;
	s6 =	simm.s32 @!p1 $0x1082;
	[sflag:s4] =	ssyncset.s32 $0xFFFFF086  }
0x25: {  	[simem:s6], [sflag:s4] =	dma.local [hbm:s3], $0xF7A  }
0x26: {  	[smem:$0x3F9C] =	sst s1;
	(tag) =	ssettag s2;
	_ =	strace s9  }
0x27: {  	s1 =	sld [smem:$0x3FAC]  }
0x28: {  	s2 =	sld [smem:$0x3FAD]  }
0x29: {  	s4 =	sld [smem:$0x3FAF]  }
0x2a: {  	p0 =	seq.s32 s5, $0x0;
	s5 =	sld [smem:$0x3FB0]  }
0x2b: {  	s6 =	sld [smem:$0x3FB1]  }
0x2c: {  	s7 =	sld [smem:$0x3FB2]  }
0x2d: {  	s3 =	simm.s32 $0x108;
	s8 =	sld [smem:$0x3FB3]  }
0x2e: {  	s3 =	simm.s32 @!p0 $0x1082;
	s9 =	sld [smem:$0x3FB4]  }
0x2f: {  	lr =	sadd.s32 s0, s3;
	s0 =	sld [smem:$0x3FAB]  }
0x30: {  	s3 =	sld [smem:$0x3FAE]  }
0x31: {  	[smem:$0x3FB7] =	sst s10  }
0x32: {  	s10 =	sld [smem:$0x3FB5];
	_ =	sdelay $0x3  }
0x33: {  	p0 =	seq.s32 s10, $0x1;
	s10 =	sld [smem:$0x3FB7];
	_ =	sdelay $0x3  }
0x34: {  	[smem:$0x3FB7] =	sst s10  }
0x35: {  	s10 =	sld [smem:$0x3FB6];
	_ =	sdelay $0x3  }
0x36: {  	p1 =	seq.s32 s10, $0x1;
	s10 =	sld [smem:$0x3FB7];
	_ =	sdelay $0x3  }
0x37: {  	[smem:$0x3FB7] =	sst s10  }
0x38: {  	s10 =	sld [smem:$0x3FB8]  }
0x39: {  	_ = 	snop;
	(pc) =	sbr.ind lr, $3  }
0x3a: {  	_ = 	snop  }
0x3b: {  	_ = 	snop  }
0x3c: {  	p2 =	seq.s32 s10, $0x1;
	s10 =	sld [smem:$0x3FB7]  }
0x3d: {  	_ =	shalt  }
0x3e: {  	_ =	shalt  }
0x3f: {  	_ =	shalt  }
0x40: {  	_ =	shalt  }
0x41: {  	_ =	shalt  }
0x42: {  	_ =	shalt  }
0x43: {  	_ =	shalt  }
0x44: {  	_ =	shalt  }
0x45: {  	_ =	shalt  }
0x46: {  	_ =	shalt  }
0x47: {  	_ =	shalt  }
0x48: {  	_ =	shalt  }
0x49: {  	_ =	shalt  }
0x4a: {  	_ =	shalt  }
0x4b: {  	_ =	shalt  }
0x4c: {  	_ =	shalt  }
0x4d: {  	_ =	shalt  }
0x4e: {  	_ =	shalt  }
0x4f: {  	_ =	shalt  }
0x50: {  	_ =	shalt  }
0x51: {  	_ =	shalt  }
0x52: {  	_ =	shalt  }
0x53: {  	_ =	shalt  }
0x54: {  	_ =	shalt  }
0x55: {  	_ =	shalt  }
0x56: {  	_ =	shalt  }
0x57: {  	_ =	shalt  }
0x58: {  	_ =	shalt  }
0x59: {  	_ =	shalt  }
0x5a: {  	_ =	shalt  }
0x5b: {  	_ =	shalt  }
0x5c: {  	_ =	shalt  }
0x5d: {  	_ =	shalt  }
0x5e: {  	_ =	shalt  }
0x5f: {  	_ =	shalt  }
0x60: {  	_ =	shalt  }
0x61: {  	_ =	shalt  }
0x62: {  	_ =	shalt  }
0x63: {  	_ =	shalt  }
0x64: {  	_ =	shalt  }
0x65: {  	_ =	shalt  }
0x66: {  	_ =	shalt  }
0x67: {  	_ =	shalt  }
0x68: {  	_ =	shalt  }
0x69: {  	_ =	shalt  }
0x6a: {  	_ =	shalt  }
0x6b: {  	_ =	shalt  }
0x6c: {  	_ =	shalt  }
0x6d: {  	_ =	shalt  }
0x6e: {  	_ =	shalt  }
0x6f: {  	_ =	shalt  }
0x70: {  	_ =	shalt  }
0x71: {  	_ =	shalt  }
0x72: {  	_ =	shalt  }
0x73: {  	_ =	shalt  }
0x74: {  	_ =	shalt  }
0x75: {  	_ =	shalt  }
0x76: {  	_ =	shalt  }
0x77: {  	_ =	shalt  }
0x78: {  	_ =	shalt  }
0x79: {  	_ =	shalt  }
0x7a: {  	_ =	shalt  }
0x7b: {  	_ =	shalt  }
0x7c: {  	_ =	shalt  }
0x7d: {  	_ =	shalt  }
0x7e: {  	_ =	shalt  }
0x7f: {  	_ =	shalt  }
0x80: {  	_ =	shalt  }
0x81: {  	_ =	shalt  }
0x82: {  	_ =	shalt  }
0x83: {  	_ =	shalt  }
0x84: {  	_ =	shalt  }
0x85: {  	_ =	shalt  }
0x86: {  	_ =	shalt  }
0x87: {  	_ =	shalt  }
.Lfunc_end0:
.L_simem_size_0:
called_computation_lowered:
.L_overlay_start_0:
0x88: {  	s2 =	sld [smem:$0x3FD9]  }
0x89: {  	s3 =	sld [smem:$0x3FFE];
	_ =	sdelay $0x1  }
0x8a: {  	s1 =	srdreg.scid  }
0x8b: {  	s0 =	sand.u32 $0x1, s1  }
0x8c: {  	s18 =	sshll.u32 s0, $0xA;
	s2 =	sadd.s32 s3, s2  }
0x8d: {  	s2 =	sadd.s32 s2, s18  }
0x8e: {  	[smem:$0x3FC3] =	sst s2  }
0x8f: {  	_ = 	snop  }
0x90: {  	s2 =	sld [smem:$0x3FC9]  }
0x91: {  	s19 =	sld [smem:$0x3FC8]  }
0x92: {  	s4 =	sld [smem:$0x3FC7]  }
0x93: {  	s5 =	sld [smem:$0x3FC6]  }
0x94: {  	s6 =	sld [smem:$0x3FC5]  }
0x95: {  	s7 =	sld [smem:$0x3FD0];
	(tm) =	ssettm $0x1  }
0x96: {  	s8 =	sld [smem:$0x3FFB];
	_ =	sdelay $0x3  }
0x97: {  	_ =	strace s8  }
0x98: {  	s8 =	sld [smem:$0x3FFC];
	_ =	sdelay $0x3  }
0x99: {  	_ =	strace s8  }
0x9a: {  	s8 =	sld [smem:$0x3FFD];
	_ =	sdelay $0x3  }
0x9b: {  	_ =	strace s8  }
0x9c: {  	_ =	strace $0x8FFFFFFF  }
0x9d: {  	s20 =	sld [smem:$0x3FDB];
	_ =	sdelay $0x1  }
0x9e: {  	s9 =	simm.s32 $_scs_section_size  }
0x9f: {  	s10 =	simm.s32 $_size__tile_overlayer_lowered;
	s11 =	simm.s32 $_tile_overlayer_lowered  }
0xa0: {  	s23 =	simm.s32 $0x1BFF;
	s22 =	sshll.u32 s11, $0x1;
	s8 =	sadd.s32 s9, s20  }
0xa1: {  	s12 =	simm.s32 $0x0;
	s21 =	sshll.u32 s10, $0x1;
	s10 =	sadd.s32 s22, s8  }
0xa2: {  	[timem:s12], [sflag:s23] =	dma.local [hbm:s10], s21  }
0xa3: {  	_ =	swait.ge [sflag:s23], s21  }
0xa4: {  	s9 =	ssub.s32 $0x0, s21;
	[sflag:s23] =	ssyncset.done $0x0  }
0xa5: {  	[sflag:s23] =	ssyncadd.s32 s9;
	_ =	sdelay $0x1  }
0xa6: {  	s24 =	simm.s32 $0x1B8B  }
0xa7: {  	_ =	swait.ge [sflag:s24], $0x1  }
0xa8: {  	[sflag:s24] =	ssyncset.done $0x0  }
0xa9: {  	s25 =	simm.s32 $0x1B8E;
	[sflag:s24] =	ssyncadd.s32 $0xFFFFFFFF  }
0xaa: {  	s26 =	simm.s32 $execute0_lowered;
	[smem:$0x3FD2] =	sst s25  }
0xab: {  	s9 =	sshll.u32 s26, $0x1;
	_ =	strace $0x80000046;
	[dreg:$0x1] =	wrdreg $0xFFFFFFFF  }
0xac: {  	s28 =	simm.s32 $_size_execute0_lowered;
	s8 =	sadd.s32 s8, s9;
	[dreg:$0x0] =	wrdreg $0x0  }
0xad: {  	s9 =	sshll.u32 s28, $0x1;
	[dreg:$0x2] =	wrdreg s8  }
0xae: {  	[dreg:$0x3] =	wrdreg s9  }
0xaf: {  	[dreg:$0x4] =	wrdreg $0xC0  }
0xb0: {  	_ =	task [dreg:s12], $0x5FFFF  }
0xb1: {  	[dreg:$0x1] =	wrdreg $0xFFFFFFFF  }
0xb2: {  	[dreg:$0x0] =	wrdreg $0x60  }
0xb3: {  	[dreg:$0x2] =	wrdreg s2  }
0xb4: {  	[dreg:$0x3] =	wrdreg s19  }
0xb5: {  	[dreg:$0x4] =	wrdreg s4  }
0xb6: {  	[dreg:$0x5] =	wrdreg s5  }
0xb7: {  	[dreg:$0x6] =	wrdreg s6  }
0xb8: {  	[dreg:$0x7] =	wrdreg s7  }
0xb9: {  	[dreg:$0x8] =	wrdreg $0x9  }
0xba: {  	_ =	task.clear_ibuf [dreg:s12], $0x9FFFF;
	_ =	strace $0x90000046  }
0xbb: {  	s29 =	simm.s32 $0x9;
	_ =	strace $0x80000048  }
0xbc: {  	_ =	swait.ge [sflag:s29], $0x1  }
0xbd: {  	[sflag:s29] =	ssyncadd.s32 $0xFFFFFFFF  }
0xbe: {  	_ =	strace $0x90000048  }
0xbf: {  	_ =	sfence  }
0xc0: {  	s30 =	sld [smem:$0x0];
	_ =	sdelay $0x2  }
0xc1: {  	s31 =	sshll.u32 s1, $0xD;
	s1 =	sshrl.u32 s1, $0x2  }
0xc2: {  	s3 =	sand.u32 $0x4000, s31;
	s1 =	sadd.s32 s1, s30  }
0xc3: {  	s0 =	sor.u32 s3, s0;
	s1 =	sshll.u32 s1, $0x11  }
0xc4: {  	s0 =	sor.u32 s1, s0  }
0xc5: {  	s0 =	sadd.s32 $0x8F2B, s0  }
0xc6: {  	[sflag:s0] =	ssyncadd.remote.s32 $0x1  }
0xc7: {  	_ =	sfence.sel $0xFFFF  }
0xc8: {  	[dreg:$0x0] =	wrdreg $0xFFFFFFFF;
	(pc) =	sbr.abs _section_cstart, $3  }
0xc9: {  	[dreg:$0x1] =	wrdreg $0xFFFFFFFF  }
0xca: {  	_ =	task.clear_ibuf [dreg:s12], $0x2FFFF;
	_ =	strace $0x9FFFFFFF  }
0xcb: {  	(tm) =	ssettm $0x7FFFFFFF  }
tec
execute0_lowered:
.L_overlay_start_1:
0x0: {  	(tag) =	ssettag $0x1  }
0x1: {  	s4 =	rddreg [dreg:$0x0];
	s0 =	srdreg.scid  }
0x2: {  	s5 =	rddreg [dreg:$0x1];
	s2 =	stileid.u32;
	s0 =	sand.u32 $0x1, s0  }
0x3: {  	s3 =	simm.s32 $0x0;
	s2 =	sshll.u32 s2, $0xA;
	s1 =	ssub.s32 $0x2, s0  }
0x4: {  	[smem:$0x7FF] =	sst s3;
	s0 =	sshll.u32 s0, $0x9;
	s20 =	sshrl.u32 s1, $0x1  }
0x5: {  	_ =	strace $0x80000047;
	s6 =	sor.u32 s0, s2;
	s21 =	ssub.s32 s1, s20  }
0x6: {  	s2 =	sand.u32 $0xE00, s6;
	s22 =	sshll.u32 s6, $0x7;
	[dreg:$0x8] =	wrdreg s6  }
0x7: {  	s23 =	sshrl.u32 s6, $0x9;
	[dreg:$0x9] =	wrdreg s2;
	s1 =	sadd.s32 s4, s22  }
0x8: {  	s2 =	sshll.u32 s2, $0x5;
	s0 =	smax.u32 s21, $0x1;
	[dreg:$0xa] =	wrdreg s1  }
0x9: {  	s25 =	sand.u32 $0x7, s23;
	s24 =	sadd.s32 s5, s2;
	[dreg:$0xc] =	wrdreg s0  }
0xa: {  	s28 =	sshll.u32 s25, $0x12;
	[dreg:$0xb] =	wrdreg s24  }
0xb: {  	s26 =	sshll.u32 s25, $0x11;
	[dreg:$0x7] =	wrdreg s28  }
0xc: {  	s3 =	sshll.u32 s25, $0x9;
	[dreg:$0xd] =	wrdreg s26  }
0xd: {  	s1 =	sshll.u32 s25, $0x10;
	[dreg:$0xe] =	wrdreg s3  }
0xe: {  	s29 =	sor.u32 $0x1000, s26;
	[dreg:$0xf] =	wrdreg s1  }
0xf: {  	s30 =	sor.u32 $0x10, s3;
	[dreg:$0x10] =	wrdreg s29  }
0x10: {  	s31 =	sor.u32 $0x800, s1;
	[dreg:$0x11] =	wrdreg s30  }
0x11: {  	s2 =	simm.s32 $0x0;
	s3 =	simm.s32 $0x4000;
	[dreg:$0x12] =	wrdreg s31  }
.LBB2_1:
0x12: {  	[dreg:$0x13] =	wrdreg s2  }
0x13: {  	s0 =	rddreg [dreg:$0x2];
	s1 =	simm.s32 $0x0;
	s20 =	simm.s32 $0xA000  }
0x14: {  	[tilespmem:s20], [sflag:$0x1] =	stream.linear.gather [hbm4b:s0+s1], $0x800, $0x38;
	[tilespmem:$0x1C800] =	vst v63  }
0x15: {  	s21 =	rddreg [dreg:$0x3];
	s22 =	simm.s32 $0xA800  }
0x16: {  	[tilespmem:s22], [sflag:$0x1] =	stream.linear.gather [hbm4b:s21+s1], $0x2000, $0x38;
	[tilespmem:$0x1C800] =	vst v63  }
0x17: {  	s23 =	rddreg [dreg:$0x4];
	s24 =	simm.s32 $0xC800  }
0x18: {  	[tilespmem:s24], [sflag:$0x1] =	stream.linear.gather [hbm4b:s23+s1], $0x10000, $0x38;
	[tilespmem:$0x1C800] =	vst v63  }
0x19: {  	s25 =	rddreg [dreg:$0xa]  }
0x1a: {  	[tilespmem:s1], [sflag:$0x2] =	stream.linear.gather [hbm4b:s25+s1], $0x4000, $0x38;
	[tilespmem:$0x1C800] =	vst v63  }
0x1b: {  	s26 =	rddreg [dreg:$0xb];
	s28 =	simm.s32 $0x8000;
	s29 =	simm.s32 $0x1  }
0x1c: {  	[tilespmem:s28], [sflag:$0x2] =	stream.linear.gather [hbm4b:s26+s1], $0x1000, $0x38;
	[tilespmem:$0x1C800] =	vst v63  }
0x1d: {  	_ =	swait.ge [sflag:s29], $0x800  }
0x1e: {  	[sflag:s29] =	ssyncset.done $0x0  }
0x1f: {  	[sflag:s29] =	ssyncadd.s32 $0xFFFFF800  }
0x20: {  	_ =	swait.ge [sflag:s29], $0x2000  }
0x21: {  	[sflag:s29] =	ssyncset.done $0x0  }
0x22: {  	[sflag:s29] =	ssyncadd.s32 $0xFFFFE000  }
0x23: {  	_ =	swait.ge [sflag:s29], $0x10000  }
0x24: {  	s19 =	rddreg [dreg:$0x12]  }
0x25: {  	s30 =	rddreg [dreg:$0x11]  }
0x26: {  	s31 =	rddreg [dreg:$0x10]  }
0x27: {  	s16 =	rddreg [dreg:$0xf]  }
0x28: {  	s5 =	rddreg [dreg:$0xe]  }
0x29: {  	s7 =	rddreg [dreg:$0xd]  }
0x2a: {  	s4 =	simm.s32 $0x0;
	[sflag:s29] =	ssyncset.done $0x0;
	[dreg:$0x14] =	wrdreg s30  }
0x2b: {  	s1 =	simm.s32 $0x0;
	[sflag:s29] =	ssyncadd.s32 $0xFFFF0000;
	[dreg:$0x15] =	wrdreg s31  }
.LBB2_2:
0x2c: {  	p0 =	seq.s32 s1, $0x0;
	[dreg:$0x19] =	wrdreg s1;
	s24 =	sshll.u32 s1, $0x5  }
0x2d: {  	s0 =	simm.s32 @!p0 $0x5;
	[dreg:$0x1b] =	wrdreg s24  }
0x2e: {  	_ =	swait.ge @!p0 [sflag:s0], $0x4000  }
0x2f: {  	[sflag:s0] =	ssyncset.done @!p0 $0x0  }
0x30: {  	s1 =	sor.u32 $0x10, s24;
	s2 =	rddreg [dreg:$0x8];
	[sflag:s0] =	ssyncadd.s32 @!p0 $0xFFFFC000  }
0x31: {  	s2 =	sor.u32 s2, s1;
	s0 =	rddreg [dreg:$0x9]  }
0x32: {  	s2 =	sshll.u32 s2, $0x7;
	s25 =	rddreg [dreg:$0x0]  }
0x33: {  	s26 =	simm.s32 $0x0;
	s0 =	sor.u32 s0, s1;
	s1 =	sadd.s32 s25, s2  }
0x34: {  	[tilespmem:s3], [sflag:$0x3] =	stream.linear.gather [hbm4b:s1+s26], $0x4000, $0x38;
	[tilespmem:$0x1C800] =	vst v63  }
0x35: {  	s6 =	simm.s32 $0x9000;
	s0 =	sshll.u32 s0, $0x5;
	s3 =	rddreg [dreg:$0x1]  }
0x36: {  	s8 =	simm.s32 $0x2;
	[dreg:$0x1a] =	wrdreg s2;
	s0 =	sadd.s32 s3, s0  }
0x37: {  	[tilespmem:s6], [sflag:$0x3] =	stream.linear.gather [hbm4b:s0+s26], $0x1000, $0x38;
	[tilespmem:$0x1C800] =	vst v63  }
0x38: {  	_ =	swait.ge [sflag:s8], $0x4000  }
0x39: {  	[sflag:s8] =	ssyncset.done $0x0  }
0x3a: {  	[sflag:s8] =	ssyncadd.s32 $0xFFFFC000  }
0x3b: {  	s9 =	simm.s32 $0x0;
	s11 =	simm.s32 $0x0;
	_ =	swait.ge [sflag:s8], $0x1000  }
0x3c: {  	s10 =	sand.u32 $0x380, s26;
	s0 =	sand.u32 $0x3FFFE000, s9;
	[sflag:s8] =	ssyncset.done $0x0  }
0x3d: {  	s12 =	sand.u32 $0x3FFFF800, s11;
	s3 =	sor.u32 s10, s0;
	[sflag:s8] =	ssyncadd.s32 $0xFFFFF000  }
0x3e: {  	s13 =	smulhi.u32 $0xCCCCCCCD, s5;
	s29 =	sor.u32 s10, s12;
	v0 =	vld [tilespmem:s3+$0x0]  }
0x3f: {  	v1 =	vld [tilespmem:s29+$0x8000]  }
0x40: {  	s0 =	sshrl.u32 s13, $0x2  }
0x41: {  	s0 =	smul.u32 $0xFFFFF600, s0  }
0x42: {  	s14 =	rddreg [dreg:$0x7]  }
0x43: {  	s0 =	sshra.s32 s0, $0x2;
	s1 =	sshrl.u32 s14, $0x2  }
0x44: {  	s12 =	sshra.s32 s4, $0x2;
	s0 =	sadd.s32 s1, s0;
	v0 =	vadd.f32 v1, v0  }
0x45: {  	[dreg:$0x16] =	wrdreg s4;
	s0 =	sadd.s32 s12, s0  }
0x46: {  	s15 =	smulhi.u32 $0x51EB851F, s5;
	s28 =	sadd.s32 $0x0, s0;
	[tilespmem:s3+$0x0] =	vst v0;
	v0 =	vld [tilespmem:s3+$0x800]  }
0x47: {  	v1 =	vld [tilespmem:s28+$0xA000]  }
0x48: {  	s0 =	sshrl.u32 s15, $0x3  }
0x49: {  	s17 =	smul.u32 $0xC80, s0  }
0x4a: {  	s0 =	smul.u32 $0x1900, s0  }
0x4b: {  	s1 =	ssub.s32 s16, s17  }
0x4c: {  	s0 =	ssub.s32 s7, s0;
	s1 =	sadd.s32 $0x0, s1;
	v0 =	vadd.f32 v1, v0  }
0x4d: {  	s0 =	sand.u32 $0x1800, s0;
	s1 =	sand.u32 $0x380, s1  }
0x4e: {  	s18 =	sshrl.u32 s5, $0x2;
	s9 =	sor.u32 s1, s0;
	[tilespmem:s3+$0x800] =	vst v0;
	v0 =	vld [tilespmem:s3+$0x1000]  }
0x4f: {  	s0 =	smulhi.u32 $0x20820821, s18;
	v1 =	vld [tilespmem:s9+$0xA800];
	_ =	sdelay $0x1  }
0x50: {  	s0 =	sshrl.u32 s0, $0x3  }
0x51: {  	s20 =	sshll.u32 s0, $0x9  }
0x52: {  	s0 =	sshll.u32 s0, $0xA;
	s1 =	sadd.s32 s20, s16  }
0x53: {  	s0 =	sadd.s32 s0, s7;
	s1 =	sadd.s32 $0x0, s1;
	v0 =	vadd.f32 v1, v0  }
0x54: {  	s0 =	sand.u32 $0xF800, s0;
	s1 =	sand.u32 $0x380, s1  }
0x55: {  	s4 =	sor.u32 s1, s0;
	[tilespmem:s3+$0x1000] =	vst v0;
	v0 =	vld [tilespmem:s3+$0x1800]  }
0x56: {  	v1 =	vld [tilespmem:s4+$0xC800];
	_ =	sdelay $0x4  }
0x57: {  	v0 =	vadd.f32 v1, v0;
	_ =	sdelay $0x1  }
0x58: {  	[tilespmem:s3+$0x1800] =	vst v0;
	v0 =	vld [tilespmem:s3+$0x10]  }
0x59: {  	v1 =	vld [tilespmem:s29+$0x8010];
	_ =	sdelay $0x4  }
0x5a: {  	v0 =	vadd.f32 v1, v0;
	_ =	sdelay $0x1  }
0x5b: {  	[tilespmem:s3+$0x10] =	vst v0;
	v0 =	vld [tilespmem:s3+$0x810]  }
0x5c: {  	v1 =	vld [tilespmem:s28+$0xA010];
	_ =	sdelay $0x4  }
0x5d: {  	v0 =	vadd.f32 v1, v0;
	_ =	sdelay $0x1  }
0x5e: {  	[tilespmem:s3+$0x810] =	vst v0;
	v0 =	vld [tilespmem:s3+$0x1010]  }
0x5f: {  	v1 =	vld [tilespmem:s9+$0xA810];
	_ =	sdelay $0x4  }
0x60: {  	v0 =	vadd.f32 v1, v0;
	_ =	sdelay $0x1  }
0x61: {  	[tilespmem:s3+$0x1010] =	vst v0;
	v0 =	vld [tilespmem:s3+$0x1810]  }
0x62: {  	v1 =	vld [tilespmem:s4+$0xC810];
	_ =	sdelay $0x4  }
0x63: {  	v0 =	vadd.f32 v1, v0;
	_ =	sdelay $0x1  }
0x64: {  	[tilespmem:s3+$0x1810] =	vst v0;
	v0 =	vld [tilespmem:s3+$0x20]  }
0x65: {  	v1 =	vld [tilespmem:s29+$0x8020];
	_ =	sdelay $0x4  }
0x66: {  	v0 =	vadd.f32 v1, v0;
	_ =	sdelay $0x1  }
0x67: {  	[tilespmem:s3+$0x20] =	vst v0;
	v0 =	vld [tilespmem:s3+$0x820]  }
0x68: {  	v1 =	vld [tilespmem:s28+$0xA020];
	_ =	sdelay $0x4  }
0x69: {  	v0 =	vadd.f32 v1, v0;
	_ =	sdelay $0x1  }
0x6a: {  	[tilespmem:s3+$0x820] =	vst v0;
	v0 =	vld [tilespmem:s3+$0x1020]  }
0x6b: {  	v1 =	vld [tilespmem:s9+$0xA820];
	_ =	sdelay $0x4  }
0x6c: {  	v0 =	vadd.f32 v1, v0;
	_ =	sdelay $0x1  }
0x6d: {  	[tilespmem:s3+$0x1020] =	vst v0;
	v0 =	vld [tilespmem:s3+$0x1820]  }
0x6e: {  	v1 =	vld [tilespmem:s4+$0xC820];
	_ =	sdelay $0x4  }
0x6f: {  	v0 =	vadd.f32 v1, v0;
	_ =	sdelay $0x1  }
0x70: {  	[tilespmem:s3+$0x1820] =	vst v0;
	v0 =	vld [tilespmem:s3+$0x30]  }
0x71: {  	v1 =	vld [tilespmem:s29+$0x8030];
	_ =	sdelay $0x4  }
0x72: {  	v0 =	vadd.f32 v1, v0;
	_ =	sdelay $0x1  }
0x73: {  	[tilespmem:s3+$0x30] =	vst v0;
	v0 =	vld [tilespmem:s3+$0x830]  }
0x74: {  	v1 =	vld [tilespmem:s28+$0xA030];
	_ =	sdelay $0x4  }
0x75: {  	v0 =	vadd.f32 v1, v0;
	_ =	sdelay $0x1  }
0x76: {  	[tilespmem:s3+$0x830] =	vst v0;
	v0 =	vld [tilespmem:s3+$0x1030]  }
0x77: {  	v1 =	vld [tilespmem:s9+$0xA830];
	_ =	sdelay $0x4  }
0x78: {  	v0 =	vadd.f32 v1, v0;
	_ =	sdelay $0x1  }
0x79: {  	s21 =	simm.s32 $0x400;
	s22 =	simm.s32 $0x80;
	s23 =	simm.s32 $0x100;
	[tilespmem:s3+$0x1030] =	vst v0;
	v0 =	vld [tilespmem:s3+$0x1830]  }
0x7a: {  	s24 =	sadd.s32 $0x1, s5;
	s1 =	sand.u32 $0x380, s22;
	s0 =	sand.u32 $0x3FFFE000, s21;
	v1 =	vld [tilespmem:s4+$0xC830]  }
0x7b: {  	s2 =	sand.u32 $0x3FFFF800, s23;
	s6 =	sor.u32 s1, s0;
	[dreg:$0x17] =	wrdreg s5  }
0x7c: {  	s25 =	smulhi.u32 $0xCCCCCCCD, s24;
	s22 =	sor.u32 s1, s2;
	v2 =	vld [tilespmem:s6+$0x0]  }
0x7d: {  	v3 =	vld [tilespmem:s22+$0x8000]  }
0x7e: {  	s1 =	sshrl.u32 s25, $0x2  }
0x7f: {  	s1 =	smul.u32 $0xFFFFF600, s1;
	v0 =	vadd.f32 v1, v0  }
0x80: {  	s26 =	rddreg [dreg:$0x7]  }
0x81: {  	s2 =	sshrl.u32 s26, $0x2;
	s1 =	sshra.s32 s1, $0x2;
	v1 =	vld [tilespmem:s3+$0x40];
	[tilespmem:s3+$0x1830] =	vst v0  }
0x82: {  	s1 =	sadd.s32 s2, s1;
	v2 =	vadd.f32 v3, v2;
	v0 =	vld [tilespmem:s29+$0x8040]  }
0x83: {  	s1 =	sadd.s32 s12, s1  }
0x84: {  	s2 =	smulhi.u32 $0x51EB851F, s24;
	s21 =	sadd.s32 $0x80, s1;
	[tilespmem:s6+$0x0] =	vst v2;
	v2 =	vld [tilespmem:s6+$0x800]  }
0x85: {  	v3 =	vld [tilespmem:s21+$0xA000]  }
0x86: {  	s1 =	sshrl.u32 s2, $0x3  }
0x87: {  	s5 =	smul.u32 $0xC80, s1;
	v0 =	vadd.f32 v0, v1  }
0x88: {  	s8 =	smul.u32 $0x1900, s1;
	v1 =	vld [tilespmem:s3+$0x840];
	[dreg:$0x18] =	wrdreg s7  }
0x89: {  	s1 =	sadd.s32 $0x100, s7;
	s2 =	ssub.s32 s16, s5;
	[tilespmem:s3+$0x40] =	vst v0  }
0x8a: {  	s5 =	ssub.s32 s1, s8;
	s2 =	sadd.s32 $0x80, s2;
	v2 =	vadd.f32 v3, v2;
	v0 =	vld [tilespmem:s28+$0xA040]  }
0x8b: {  	s5 =	sand.u32 $0x1800, s5;
	s2 =	sand.u32 $0x380, s2  }
0x8c: {  	s10 =	sshrl.u32 s24, $0x2;
	s20 =	sor.u32 s2, s5;
	[tilespmem:s6+$0x800] =	vst v2;
	v2 =	vld [tilespmem:s6+$0x1000]  }
0x8d: {  	s2 =	smulhi.u32 $0x20820821, s10;
	v3 =	vld [tilespmem:s20+$0xA800];
	_ =	sdelay $0x1  }
0x8e: {  	s2 =	sshrl.u32 s2, $0x3;
	v0 =	vadd.f32 v0, v1  }
0x8f: {  	s11 =	sshll.u32 s2, $0x9  }
0x90: {  	s2 =	sshll.u32 s2, $0xA;
	s5 =	sadd.s32 s11, s16;
	v1 =	vld [tilespmem:s3+$0x1040];
	[tilespmem:s3+$0x840] =	vst v0  }
0x91: {  	s2 =	sadd.s32 s2, s1;
	s5 =	sadd.s32 $0x80, s5;
	v2 =	vadd.f32 v3, v2;
	v0 =	vld [tilespmem:s9+$0xA840]  }
0x92: {  	s2 =	sand.u32 $0xF800, s2;
	s5 =	sand.u32 $0x380, s5  }
0x93: {  	s30 =	sor.u32 s5, s2;
	[tilespmem:s6+$0x1000] =	vst v2;
	v2 =	vld [tilespmem:s6+$0x1800]  }
0x94: {  	v3 =	vld [tilespmem:s30+$0xC800];
	_ =	sdelay $0x1  }
0x95: {  	v0 =	vadd.f32 v0, v1;
	_ =	sdelay $0x1  }
0x96: {  	v1 =	vld [tilespmem:s3+$0x1840];
	[tilespmem:s3+$0x1040] =	vst v0  }
0x97: {  	v2 =	vadd.f32 v3, v2;
	v0 =	vld [tilespmem:s4+$0xC840];
	_ =	sdelay $0x1  }
0x98: {  	[tilespmem:s6+$0x1800] =	vst v2;
	v2 =	vld [tilespmem:s6+$0x10]  }
0x99: {  	v3 =	vld [tilespmem:s22+$0x8010];
	_ =	sdelay $0x1  }
0x9a: {  	v0 =	vadd.f32 v0, v1;
	_ =	sdelay $0x1  }
0x9b: {  	v1 =	vld [tilespmem:s3+$0x50];
	[tilespmem:s3+$0x1840] =	vst v0  }
0x9c: {  	v2 =	vadd.f32 v3, v2;
	v0 =	vld [tilespmem:s29+$0x8050];
	_ =	sdelay $0x1  }
0x9d: {  	[tilespmem:s6+$0x10] =	vst v2;
	v2 =	vld [tilespmem:s6+$0x810]  }
0x9e: {  	v3 =	vld [tilespmem:s21+$0xA010];
	_ =	sdelay $0x1  }
0x9f: {  	v0 =	vadd.f32 v0, v1;
	_ =	sdelay $0x1  }
0xa0: {  	v1 =	vld [tilespmem:s3+$0x850];
	[tilespmem:s3+$0x50] =	vst v0  }
0xa1: {  	v2 =	vadd.f32 v3, v2;
	v0 =	vld [tilespmem:s28+$0xA050];
	_ =	sdelay $0x1  }
0xa2: {  	[tilespmem:s6+$0x810] =	vst v2;
	v2 =	vld [tilespmem:s6+$0x1010]  }
0xa3: {  	v3 =	vld [tilespmem:s20+$0xA810];
	_ =	sdelay $0x1  }
0xa4: {  	v0 =	vadd.f32 v0, v1;
	_ =	sdelay $0x1  }
0xa5: {  	v1 =	vld [tilespmem:s3+$0x1050];
	[tilespmem:s3+$0x850] =	vst v0  }
0xa6: {  	v2 =	vadd.f32 v3, v2;
	v0 =	vld [tilespmem:s9+$0xA850];
	_ =	sdelay $0x1  }
0xa7: {  	[tilespmem:s6+$0x1010] =	vst v2;
	v2 =	vld [tilespmem:s6+$0x1810]  }
0xa8: {  	v3 =	vld [tilespmem:s30+$0xC810];
	_ =	sdelay $0x1  }
0xa9: {  	v0 =	vadd.f32 v0, v1;
	_ =	sdelay $0x1  }
0xaa: {  	v1 =	vld [tilespmem:s3+$0x1850];
	[tilespmem:s3+$0x1050] =	vst v0  }
0xab: {  	v2 =	vadd.f32 v3, v2;
	v0 =	vld [tilespmem:s4+$0xC850];
	_ =	sdelay $0x1  }
0xac: {  	[tilespmem:s6+$0x1810] =	vst v2;
	v2 =	vld [tilespmem:s6+$0x20]  }
0xad: {  	v3 =	vld [tilespmem:s22+$0x8020];
	_ =	sdelay $0x1  }
0xae: {  	v0 =	vadd.f32 v0, v1;
	_ =	sdelay $0x1  }
0xaf: {  	v1 =	vld [tilespmem:s3+$0x60];
	[tilespmem:s3+$0x1850] =	vst v0  }
0xb0: {  	v2 =	vadd.f32 v3, v2;
	v0 =	vld [tilespmem:s29+$0x8060];
	_ =	sdelay $0x1  }
0xb1: {  	[tilespmem:s6+$0x20] =	vst v2;
	v2 =	vld [tilespmem:s6+$0x820]  }
0xb2: {  	v3 =	vld [tilespmem:s21+$0xA020];
	_ =	sdelay $0x1  }
0xb3: {  	v0 =	vadd.f32 v0, v1;
	_ =	sdelay $0x1  }
0xb4: {  	v1 =	vld [tilespmem:s3+$0x860];
	[tilespmem:s3+$0x60] =	vst v0  }
0xb5: {  	v2 =	vadd.f32 v3, v2;
	v0 =	vld [tilespmem:s28+$0xA060];
	_ =	sdelay $0x1  }
0xb6: {  	[tilespmem:s6+$0x820] =	vst v2;
	v2 =	vld [tilespmem:s6+$0x1020]  }
0xb7: {  	v3 =	vld [tilespmem:s20+$0xA820];
	_ =	sdelay $0x1  }
0xb8: {  	v0 =	vadd.f32 v0, v1;
	_ =	sdelay $0x1  }
0xb9: {  	v1 =	vld [tilespmem:s3+$0x1060];
	[tilespmem:s3+$0x860] =	vst v0  }
0xba: {  	v0 =	vadd.f32 v3, v2;
	v2 =	vld [tilespmem:s9+$0xA860];
	_ =	sdelay $0x4  }
0xbb: {  	[tilespmem:s6+$0x1020] =	vst v0;
	v0 =	vld [tilespmem:s6+$0x1820];
	v1 =	vadd.f32 v2, v1  }
0xbc: {  	v3 =	vld [tilespmem:s30+$0xC820]  }
0xbd: {  	v2 =	vld [tilespmem:s3+$0x1860];
	[tilespmem:s3+$0x1060] =	vst v1  }
0xbe: {  	v1 =	vld [tilespmem:s4+$0xC860];
	_ =	sdelay $0x2  }
0xbf: {  	v0 =	vadd.f32 v3, v0;
	_ =	sdelay $0x1  }
0xc0: {  	[tilespmem:s6+$0x1820] =	vst v0;
	v0 =	vld [tilespmem:s6+$0x30];
	v1 =	vadd.f32 v1, v2  }
0xc1: {  	v3 =	vld [tilespmem:s22+$0x8030]  }
0xc2: {  	v2 =	vld [tilespmem:s3+$0x70];
	[tilespmem:s3+$0x1860] =	vst v1  }
0xc3: {  	v1 =	vld [tilespmem:s29+$0x8070];
	_ =	sdelay $0x2  }
0xc4: {  	v0 =	vadd.f32 v3, v0;
	_ =	sdelay $0x1  }
0xc5: {  	[tilespmem:s6+$0x30] =	vst v0;
	v0 =	vld [tilespmem:s6+$0x830];
	v1 =	vadd.f32 v1, v2  }
0xc6: {  	v2 =	vld [tilespmem:s21+$0xA030]  }
0xc7: {  	v3 =	vld [tilespmem:s3+$0x870];
	[tilespmem:s3+$0x70] =	vst v1  }
0xc8: {  	v1 =	vld [tilespmem:s28+$0xA070];
	_ =	sdelay $0x2  }
0xc9: {  	v0 =	vadd.f32 v2, v0;
	_ =	sdelay $0x1  }
0xca: {  	[tilespmem:s6+$0x830] =	vst v0;
	v0 =	vadd.f32 v1, v3;
	v1 =	vld [tilespmem:s6+$0x1030]  }
0xcb: {  	v3 =	vld [tilespmem:s20+$0xA830]  }
0xcc: {  	v2 =	vld [tilespmem:s3+$0x1070];
	[tilespmem:s3+$0x870] =	vst v0  }
0xcd: {  	v0 =	vld [tilespmem:s9+$0xA870];
	_ =	sdelay $0x2  }
0xce: {  	v1 =	vadd.f32 v3, v1;
	_ =	sdelay $0x1  }
0xcf: {  	[tilespmem:s6+$0x1030] =	vst v1;
	v1 =	vld [tilespmem:s6+$0x1830];
	v0 =	vadd.f32 v0, v2  }
0xd0: {  	s13 =	simm.s32 $0x800;
	s14 =	simm.s32 $0x100;
	v2 =	vld [tilespmem:s3+$0x1870]  }
0xd1: {  	s15 =	simm.s32 $0x200;
	s5 =	sand.u32 $0x380, s14;
	s2 =	sand.u32 $0x3FFFE000, s13;
	v3 =	vld [tilespmem:s30+$0xC830];
	[tilespmem:s3+$0x1070] =	vst v0  }
0xd2: {  	s17 =	sand.u32 $0x3FFFF800, s15;
	s18 =	sadd.s32 $0x1, s24;
	s31 =	sor.u32 s5, s2;
	v0 =	vld [tilespmem:s4+$0xC870]  }
0xd3: {  	s0 =	smulhi.u32 $0xCCCCCCCD, s18;
	s24 =	sor.u32 s5, s17;
	v4 =	vld [tilespmem:s31+$0x0]  }
0xd4: {  	v5 =	vld [tilespmem:s24+$0x8000]  }
0xd5: {  	s0 =	sshrl.u32 s0, $0x2  }
0xd6: {  	s0 =	smul.u32 $0xFFFFF600, s0;
	v1 =	vadd.f32 v3, v1  }
0xd7: {  	s23 =	rddreg [dreg:$0x7];
	v3 =	vld [tilespmem:s6+$0x40];
	v0 =	vadd.f32 v0, v2  }
0xd8: {  	s0 =	sshra.s32 s0, $0x2;
	s2 =	sshrl.u32 s23, $0x2;
	[tilespmem:s6+$0x1830] =	vst v1;
	v2 =	vld [tilespmem:s3+$0x400]  }
0xd9: {  	s0 =	sadd.s32 s2, s0;
	v1 =	vadd.f32 v5, v4;
	[tilespmem:s3+$0x1870] =	vst v0;
	v0 =	vld [tilespmem:s22+$0x8040]  }
0xda: {  	s0 =	sadd.s32 s12, s0;
	v4 =	vld [tilespmem:s29+$0x8400]  }
0xdb: {  	s0 =	sadd.s32 $0x100, s0;
	[tilespmem:s31+$0x0] =	vst v1;
	v1 =	vld [tilespmem:s31+$0x800]  }
0xdc: {  	v5 =	vld [tilespmem:s0+$0xA000]  }
0xdd: {  	s25 =	smulhi.u32 $0x51EB851F, s18  }
0xde: {  	v0 =	vadd.f32 v0, v3  }
0xdf: {  	s2 =	sshrl.u32 s25, $0x3;
	v3 =	vld [tilespmem:s6+$0x840];
	v2 =	vadd.f32 v4, v2  }
0xe0: {  	s26 =	smul.u32 $0xC80, s2;
	v4 =	vld [tilespmem:s3+$0xC00];
	[tilespmem:s6+$0x40] =	vst v0  }
0xe1: {  	s2 =	smul.u32 $0x1900, s2;
	v0 =	vadd.f32 v5, v1;
	v1 =	vld [tilespmem:s21+$0xA040];
	[tilespmem:s3+$0x400] =	vst v2  }
0xe2: {  	s5 =	sadd.s32 $0x100, s1;
	s8 =	ssub.s32 s16, s26;
	v2 =	vld [tilespmem:s28+$0xA400]  }
0xe3: {  	s1 =	ssub.s32 s5, s2;
	s8 =	sadd.s32 $0x100, s8  }
0xe4: {  	s1 =	sand.u32 $0x1800, s1;
	s2 =	sand.u32 $0x380, s8  }
0xe5: {  	s10 =	sshrl.u32 s18, $0x2;
	s26 =	sor.u32 s2, s1;
	[tilespmem:s31+$0x800] =	vst v0;
	v0 =	vld [tilespmem:s31+$0x1000]  }
0xe6: {  	s1 =	smulhi.u32 $0x20820821, s10;
	v5 =	vld [tilespmem:s26+$0xA800];
	v1 =	vadd.f32 v1, v3  }
0xe7: {  	v3 =	vld [tilespmem:s6+$0x1040];
	v2 =	vadd.f32 v2, v4  }
0xe8: {  	s1 =	sshrl.u32 s1, $0x3;
	v4 =	vld [tilespmem:s3+$0x1400];
	[tilespmem:s6+$0x840] =	vst v1  }
0xe9: {  	s11 =	sshll.u32 s1, $0x9;
	v1 =	vld [tilespmem:s20+$0xA840];
	[tilespmem:s3+$0xC00] =	vst v2  }
0xea: {  	s1 =	sshll.u32 s1, $0xA;
	s2 =	sadd.s32 s11, s16;
	v2 =	vld [tilespmem:s9+$0xAC00]  }
0xeb: {  	s1 =	sadd.s32 s1, s5;
	s2 =	sadd.s32 $0x100, s2;
	v0 =	vadd.f32 v5, v0  }
0xec: {  	s1 =	sand.u32 $0xF800, s1;
	s2 =	sand.u32 $0x380, s2  }
0xed: {  	s1 =	sor.u32 s2, s1;
	[tilespmem:s31+$0x1000] =	vst v0;
	v0 =	vld [tilespmem:s31+$0x1800]  }
0xee: {  	v5 =	vld [tilespmem:s1+$0xC800];
	v1 =	vadd.f32 v1, v3  }
0xef: {  	v3 =	vld [tilespmem:s6+$0x1840];
	v2 =	vadd.f32 v2, v4  }
0xf0: {  	v4 =	vld [tilespmem:s3+$0x1C00];
	[tilespmem:s6+$0x1040] =	vst v1  }
0xf1: {  	v1 =	vld [tilespmem:s30+$0xC840];
	[tilespmem:s3+$0x1400] =	vst v2  }
0xf2: {  	v2 =	vld [tilespmem:s4+$0xCC00]  }
0xf3: {  	v0 =	vadd.f32 v5, v0;
	_ =	sdelay $0x1  }
0xf4: {  	[tilespmem:s31+$0x1800] =	vst v0;
	v0 =	vld [tilespmem:s31+$0x10]  }
0xf5: {  	v5 =	vld [tilespmem:s24+$0x8010];
	v1 =	vadd.f32 v1, v3  }
0xf6: {  	v3 =	vld [tilespmem:s6+$0x50];
	v2 =	vadd.f32 v2, v4  }
0xf7: {  	v4 =	vld [tilespmem:s3+$0x410];
	[tilespmem:s6+$0x1840] =	vst v1  }
0xf8: {  	v1 =	vld [tilespmem:s22+$0x8050];
	[tilespmem:s3+$0x1C00] =	vst v2  }
0xf9: {  	v2 =	vld [tilespmem:s29+$0x8410]  }
0xfa: {  	v0 =	vadd.f32 v5, v0;
	_ =	sdelay $0x1  }
0xfb: {  	[tilespmem:s31+$0x10] =	vst v0;
	v0 =	vld [tilespmem:s31+$0x810]  }
0xfc: {  	v5 =	vld [tilespmem:s0+$0xA010];
	v1 =	vadd.f32 v1, v3  }
0xfd: {  	v3 =	vld [tilespmem:s6+$0x850];
	v2 =	vadd.f32 v2, v4  }
0xfe: {  	v4 =	vld [tilespmem:s3+$0xC10];
	[tilespmem:s6+$0x50] =	vst v1  }
0xff: {  	v1 =	vld [tilespmem:s21+$0xA050];
	[tilespmem:s3+$0x410] =	vst v2  }
0x100: {  	v2 =	vld [tilespmem:s28+$0xA410]  }
0x101: {  	v0 =	vadd.f32 v5, v0;
	_ =	sdelay $0x1  }
0x102: {  	[tilespmem:s31+$0x810] =	vst v0;
	v0 =	vld [tilespmem:s31+$0x1010]  }
0x103: {  	v5 =	vld [tilespmem:s26+$0xA810];
	v1 =	vadd.f32 v1, v3  }
0x104: {  	v3 =	vld [tilespmem:s6+$0x1050];
	v2 =	vadd.f32 v2, v4  }
0x105: {  	v4 =	vld [tilespmem:s3+$0x1410];
	[tilespmem:s6+$0x850] =	vst v1  }
0x106: {  	v1 =	vld [tilespmem:s20+$0xA850];
	[tilespmem:s3+$0xC10] =	vst v2  }
0x107: {  	v2 =	vld [tilespmem:s9+$0xAC10]  }
0x108: {  	v0 =	vadd.f32 v5, v0;
	_ =	sdelay $0x1  }
0x109: {  	[tilespmem:s31+$0x1010] =	vst v0;
	v0 =	vld [tilespmem:s31+$0x1810]  }
0x10a: {  	v5 =	vld [tilespmem:s1+$0xC810];
	v1 =	vadd.f32 v1, v3  }
0x10b: {  	v3 =	vld [tilespmem:s6+$0x1850];
	v2 =	vadd.f32 v2, v4  }
0x10c: {  	v4 =	vld [tilespmem:s3+$0x1C10];
	[tilespmem:s6+$0x1050] =	vst v1  }
0x10d: {  	v1 =	vld [tilespmem:s30+$0xC850];
	[tilespmem:s3+$0x1410] =	vst v2  }
0x10e: {  	v2 =	vld [tilespmem:s4+$0xCC10]  }
0x10f: {  	v0 =	vadd.f32 v5, v0;
	_ =	sdelay $0x1  }
0x110: {  	[tilespmem:s31+$0x1810] =	vst v0;
	v0 =	vld [tilespmem:s31+$0x20]  }
0x111: {  	v5 =	vld [tilespmem:s24+$0x8020];
	v1 =	vadd.f32 v1, v3  }
0x112: {  	v3 =	vld [tilespmem:s6+$0x60];
	v2 =	vadd.f32 v2, v4  }
0x113: {  	v4 =	vld [tilespmem:s3+$0x420];
	[tilespmem:s6+$0x1850] =	vst v1  }
0x114: {  	v1 =	vld [tilespmem:s22+$0x8060];
	[tilespmem:s3+$0x1C10] =	vst v2  }
0x115: {  	v2 =	vld [tilespmem:s29+$0x8420]  }
0x116: {  	v0 =	vadd.f32 v5, v0;
	_ =	sdelay $0x1  }
0x117: {  	[tilespmem:s31+$0x20] =	vst v0;
	v0 =	vld [tilespmem:s31+$0x820]  }
0x118: {  	v5 =	vld [tilespmem:s0+$0xA020];
	v1 =	vadd.f32 v1, v3  }
0x119: {  	v3 =	vld [tilespmem:s6+$0x860];
	v2 =	vadd.f32 v2, v4  }
0x11a: {  	v4 =	vld [tilespmem:s3+$0xC20];
	[tilespmem:s6+$0x60] =	vst v1  }
0x11b: {  	v1 =	vld [tilespmem:s21+$0xA060];
	[tilespmem:s3+$0x420] =	vst v2  }
0x11c: {  	v2 =	vld [tilespmem:s28+$0xA420]  }
0x11d: {  	v0 =	vadd.f32 v5, v0;
	_ =	sdelay $0x1  }
0x11e: {  	[tilespmem:s31+$0x820] =	vst v0;
	v0 =	vld [tilespmem:s31+$0x1020]  }
0x11f: {  	v5 =	vld [tilespmem:s26+$0xA820];
	v1 =	vadd.f32 v1, v3  }
0x120: {  	v3 =	vld [tilespmem:s6+$0x1060];
	v2 =	vadd.f32 v2, v4  }
0x121: {  	v4 =	vld [tilespmem:s3+$0x1420];
	[tilespmem:s6+$0x860] =	vst v1  }
0x122: {  	v1 =	vld [tilespmem:s20+$0xA860];
	[tilespmem:s3+$0xC20] =	vst v2  }
0x123: {  	v2 =	vld [tilespmem:s9+$0xAC20]  }
0x124: {  	v0 =	vadd.f32 v5, v0;
	_ =	sdelay $0x1  }
0x125: {  	[tilespmem:s31+$0x1020] =	vst v0;
	v0 =	vld [tilespmem:s31+$0x1820]  }
0x126: {  	v5 =	vld [tilespmem:s1+$0xC820];
	v1 =	vadd.f32 v1, v3  }
0x127: {  	v3 =	vld [tilespmem:s6+$0x1860];
	v2 =	vadd.f32 v2, v4  }
0x128: {  	v4 =	vld [tilespmem:s3+$0x1C20];
	[tilespmem:s6+$0x1060] =	vst v1  }
0x129: {  	v1 =	vld [tilespmem:s30+$0xC860];
	[tilespmem:s3+$0x1420] =	vst v2  }
0x12a: {  	v2 =	vld [tilespmem:s4+$0xCC20]  }
0x12b: {  	v0 =	vadd.f32 v5, v0;
	_ =	sdelay $0x1  }
0x12c: {  	[tilespmem:s31+$0x1820] =	vst v0;
	v0 =	vld [tilespmem:s31+$0x30]  }
0x12d: {  	v5 =	vld [tilespmem:s24+$0x8030];
	v1 =	vadd.f32 v1, v3  }
0x12e: {  	v3 =	vld [tilespmem:s6+$0x70];
	v2 =	vadd.f32 v2, v4  }
0x12f: {  	v4 =	vld [tilespmem:s3+$0x430];
	[tilespmem:s6+$0x1860] =	vst v1  }
0x130: {  	v1 =	vld [tilespmem:s22+$0x8070];
	[tilespmem:s3+$0x1C20] =	vst v2  }
0x131: {  	v2 =	vld [tilespmem:s29+$0x8430];
	_ =	sdelay $0x1  }
0x132: {  	v0 =	vadd.f32 v5, v0  }
0x133: {  	v5 =	vld [tilespmem:s6+$0x870]  }
0x134: {  	[tilespmem:s31+$0x30] =	vst v0;
	v0 =	vld [tilespmem:s31+$0x830];
	v1 =	vadd.f32 v1, v3  }
0x135: {  	v3 =	vld [tilespmem:s0+$0xA030];
	v2 =	vadd.f32 v2, v4  }
0x136: {  	v4 =	vld [tilespmem:s3+$0xC30];
	[tilespmem:s6+$0x70] =	vst v1  }
0x137: {  	v1 =	vld [tilespmem:s21+$0xA070];
	[tilespmem:s3+$0x430] =	vst v2  }
0x138: {  	v2 =	vld [tilespmem:s28+$0xA430];
	_ =	sdelay $0x1  }
0x139: {  	v0 =	vadd.f32 v3, v0  }
0x13a: {  	v3 =	vld [tilespmem:s6+$0x1070]  }
0x13b: {  	[tilespmem:s31+$0x830] =	vst v0;
	v0 =	vadd.f32 v1, v5;
	v1 =	vld [tilespmem:s31+$0x1030]  }
0x13c: {  	v5 =	vld [tilespmem:s3+$0x1430];
	v2 =	vadd.f32 v2, v4  }
0x13d: {  	v4 =	vld [tilespmem:s26+$0xA830];
	[tilespmem:s6+$0x870] =	vst v0  }
0x13e: {  	v0 =	vld [tilespmem:s20+$0xA870];
	[tilespmem:s3+$0xC30] =	vst v2  }
0x13f: {  	v2 =	vld [tilespmem:s9+$0xAC30];
	_ =	sdelay $0x2  }
0x140: {  	v1 =	vadd.f32 v4, v1;
	v4 =	vld [tilespmem:s3+$0x1C30]  }
0x141: {  	v0 =	vadd.f32 v0, v3;
	v3 =	vld [tilespmem:s6+$0x1870]  }
0x142: {  	[tilespmem:s31+$0x1030] =	vst v1;
	v1 =	vld [tilespmem:s31+$0x1830];
	v2 =	vadd.f32 v2, v5  }
0x143: {  	s14 =	simm.s32 $0x180;
	s10 =	simm.s32 $0x300;
	v5 =	vld [tilespmem:s1+$0xC830];
	[tilespmem:s6+$0x1070] =	vst v0  }
0x144: {  	s13 =	simm.s32 $0xC00;
	s8 =	sand.u32 $0x380, s14;
	s10 =	sand.u32 $0x3FFFF800, s10;
	v0 =	vld [tilespmem:s30+$0xC870];
	[tilespmem:s3+$0x1430] =	vst v2  }
0x145: {  	s7 =	sor.u32 s8, s10;
	s2 =	sand.u32 $0x3FFFE000, s13;
	s13 =	sadd.s32 $0x1, s18;
	v2 =	vld [tilespmem:s4+$0xCC30]  }
0x146: {  	v7 =	vld [tilespmem:s7+$0x8000];
	s2 =	sor.u32 s8, s2;
	s15 =	smulhi.u32 $0xCCCCCCCD, s13  }
0x147: {  	v6 =	vld [tilespmem:s2+$0x0]  }
0x148: {  	s8 =	sshrl.u32 s15, $0x2;
	v8 =	vld [tilespmem:s3+$0x440];
	v1 =	vadd.f32 v5, v1  }
0x149: {  	s8 =	smul.u32 $0xFFFFF600, s8;
	v5 =	vld [tilespmem:s31+$0x40];
	v0 =	vadd.f32 v0, v3  }
0x14a: {  	s17 =	rddreg [dreg:$0x7];
	v3 =	vld [tilespmem:s6+$0x400];
	[tilespmem:s31+$0x1830] =	vst v1;
	v1 =	vadd.f32 v2, v4  }
0x14b: {  	s10 =	sshrl.u32 s17, $0x2;
	s8 =	sshra.s32 s8, $0x2;
	[tilespmem:s6+$0x1870] =	vst v0;
	v0 =	vld [tilespmem:s24+$0x8040]  }
0x14c: {  	s8 =	sadd.s32 s10, s8;
	v2 =	vadd.f32 v7, v6;
	[tilespmem:s3+$0x1C30] =	vst v1;
	v1 =	vld [tilespmem:s22+$0x8400]  }
0x14d: {  	s8 =	sadd.s32 s12, s8;
	v4 =	vld [tilespmem:s29+$0x8440]  }
0x14e: {  	s25 =	sadd.s32 $0x180, s8;
	[tilespmem:s2+$0x0] =	vst v2;
	v2 =	vld [tilespmem:s2+$0x800]  }
0x14f: {  	s18 =	smulhi.u32 $0x51EB851F, s13;
	v6 =	vld [tilespmem:s25+$0xA000]  }
0x150: {  	v7 =	vld [tilespmem:s3+$0xC40];
	v0 =	vadd.f32 v0, v5  }
0x151: {  	s8 =	sshrl.u32 s18, $0x3;
	v5 =	vld [tilespmem:s31+$0x840];
	v1 =	vadd.f32 v1, v3  }
0x152: {  	s23 =	smul.u32 $0xC80, s8;
	v3 =	vld [tilespmem:s6+$0xC00];
	[tilespmem:s31+$0x40] =	vst v0;
	v0 =	vadd.f32 v4, v8  }
0x153: {  	s8 =	smul.u32 $0x1900, s8;
	v4 =	vld [tilespmem:s0+$0xA040];
	[tilespmem:s6+$0x400] =	vst v1  }
0x154: {  	s11 =	sadd.s32 $0x100, s5;
	s10 =	ssub.s32 s16, s23;
	v1 =	vadd.f32 v6, v2;
	v2 =	vld [tilespmem:s21+$0xA400];
	[tilespmem:s3+$0x440] =	vst v0  }
0x155: {  	s5 =	ssub.s32 s11, s8;
	s10 =	sadd.s32 $0x180, s10;
	v0 =	vld [tilespmem:s28+$0xA440]  }
0x156: {  	s5 =	sand.u32 $0x1800, s5;
	s8 =	sand.u32 $0x380, s10;
	v8 =	vld [tilespmem:s3+$0x1440]  }
0x157: {  	s14 =	sshrl.u32 s13, $0x2;
	s8 =	sor.u32 s8, s5;
	[tilespmem:s2+$0x800] =	vst v1;
	v1 =	vld [tilespmem:s2+$0x1000]  }
0x158: {  	s5 =	smulhi.u32 $0x20820821, s14;
	v6 =	vld [tilespmem:s8+$0xA800];
	v4 =	vadd.f32 v4, v5  }
0x159: {  	v5 =	vld [tilespmem:s31+$0x1040];
	v2 =	vadd.f32 v2, v3  }
0x15a: {  	s5 =	sshrl.u32 s5, $0x3;
	v3 =	vld [tilespmem:s6+$0x1400];
	[tilespmem:s31+$0x840] =	vst v4;
	v0 =	vadd.f32 v0, v7  }
0x15b: {  	s15 =	sshll.u32 s5, $0x9;
	v4 =	vld [tilespmem:s26+$0xA840];
	[tilespmem:s6+$0xC00] =	vst v2  }
0x15c: {  	s5 =	sshll.u32 s5, $0xA;
	s10 =	sadd.s32 s15, s16;
	v2 =	vld [tilespmem:s20+$0xAC00];
	[tilespmem:s3+$0xC40] =	vst v0  }
0x15d: {  	s5 =	sadd.s32 s5, s11;
	s10 =	sadd.s32 $0x180, s10;
	v1 =	vadd.f32 v6, v1;
	v0 =	vld [tilespmem:s9+$0xAC40]  }
0x15e: {  	s5 =	sand.u32 $0xF800, s5;
	s10 =	sand.u32 $0x380, s10;
	v7 =	vld [tilespmem:s3+$0x1C40]  }
0x15f: {  	s10 =	sor.u32 s10, s5;
	[tilespmem:s2+$0x1000] =	vst v1;
	v1 =	vld [tilespmem:s2+$0x1800]  }
0x160: {  	v6 =	vld [tilespmem:s10+$0xC800];
	v4 =	vadd.f32 v4, v5  }
0x161: {  	v5 =	vld [tilespmem:s31+$0x1840];
	v2 =	vadd.f32 v2, v3  }
0x162: {  	v3 =	vld [tilespmem:s6+$0x1C00];
	[tilespmem:s31+$0x1040] =	vst v4;
	v0 =	vadd.f32 v0, v8  }
0x163: {  	v4 =	vld [tilespmem:s1+$0xC840];
	[tilespmem:s6+$0x1400] =	vst v2  }
0x164: {  	v2 =	vld [tilespmem:s30+$0xCC00];
	[tilespmem:s3+$0x1440] =	vst v0  }
0x165: {  	v1 =	vadd.f32 v6, v1;
	v0 =	vld [tilespmem:s4+$0xCC40]  }
0x166: {  	v8 =	vld [tilespmem:s3+$0x450]  }
0x167: {  	[tilespmem:s2+$0x1800] =	vst v1;
	v1 =	vld [tilespmem:s2+$0x10]  }
0x168: {  	v6 =	vld [tilespmem:s7+$0x8010];
	v4 =	vadd.f32 v4, v5  }
0x169: {  	v5 =	vld [tilespmem:s31+$0x50];
	v2 =	vadd.f32 v2, v3  }
0x16a: {  	v3 =	vld [tilespmem:s6+$0x410];
	[tilespmem:s31+$0x1840] =	vst v4;
	v0 =	vadd.f32 v0, v7  }
0x16b: {  	v4 =	vld [tilespmem:s24+$0x8050];
	[tilespmem:s6+$0x1C00] =	vst v2  }
0x16c: {  	v2 =	vld [tilespmem:s22+$0x8410];
	[tilespmem:s3+$0x1C40] =	vst v0  }
0x16d: {  	v1 =	vadd.f32 v6, v1;
	v0 =	vld [tilespmem:s29+$0x8450]  }
0x16e: {  	v7 =	vld [tilespmem:s3+$0xC50]  }
0x16f: {  	[tilespmem:s2+$0x10] =	vst v1;
	v1 =	vld [tilespmem:s2+$0x810]  }
0x170: {  	v6 =	vld [tilespmem:s25+$0xA010];
	v4 =	vadd.f32 v4, v5  }
0x171: {  	v5 =	vld [tilespmem:s31+$0x850];
	v2 =	vadd.f32 v2, v3  }
0x172: {  	v3 =	vld [tilespmem:s6+$0xC10];
	[tilespmem:s31+$0x50] =	vst v4;
	v0 =	vadd.f32 v0, v8  }
0x173: {  	v4 =	vld [tilespmem:s0+$0xA050];
	[tilespmem:s6+$0x410] =	vst v2  }
0x174: {  	v2 =	vld [tilespmem:s21+$0xA410];
	[tilespmem:s3+$0x450] =	vst v0  }
0x175: {  	v1 =	vadd.f32 v6, v1;
	v0 =	vld [tilespmem:s28+$0xA450]  }
0x176: {  	v8 =	vld [tilespmem:s3+$0x1450]  }
0x177: {  	[tilespmem:s2+$0x810] =	vst v1;
	v1 =	vld [tilespmem:s2+$0x1010]  }
0x178: {  	v6 =	vld [tilespmem:s8+$0xA810];
	v4 =	vadd.f32 v4, v5  }
0x179: {  	v5 =	vld [tilespmem:s31+$0x1050];
	v2 =	vadd.f32 v2, v3  }
0x17a: {  	v3 =	vld [tilespmem:s6+$0x1410];
	[tilespmem:s31+$0x850] =	vst v4;
	v0 =	vadd.f32 v0, v7  }
0x17b: {  	v4 =	vld [tilespmem:s26+$0xA850];
	[tilespmem:s6+$0xC10] =	vst v2  }
0x17c: {  	v2 =	vld [tilespmem:s20+$0xAC10];
	[tilespmem:s3+$0xC50] =	vst v0  }
0x17d: {  	v1 =	vadd.f32 v6, v1;
	v0 =	vld [tilespmem:s9+$0xAC50]  }
0x17e: {  	v7 =	vld [tilespmem:s3+$0x1C50]  }
0x17f: {  	[tilespmem:s2+$0x1010] =	vst v1;
	v1 =	vld [tilespmem:s2+$0x1810]  }
0x180: {  	v6 =	vld [tilespmem:s10+$0xC810];
	v4 =	vadd.f32 v4, v5  }
0x181: {  	v5 =	vld [tilespmem:s31+$0x1850];
	v2 =	vadd.f32 v2, v3  }
0x182: {  	v3 =	vld [tilespmem:s6+$0x1C10];
	[tilespmem:s31+$0x1050] =	vst v4;
	v0 =	vadd.f32 v0, v8  }
0x183: {  	v4 =	vld [tilespmem:s1+$0xC850];
	[tilespmem:s6+$0x1410] =	vst v2  }
0x184: {  	v2 =	vld [tilespmem:s30+$0xCC10];
	[tilespmem:s3+$0x1450] =	vst v0  }
0x185: {  	v1 =	vadd.f32 v6, v1;
	v0 =	vld [tilespmem:s4+$0xCC50]  }
0x186: {  	v8 =	vld [tilespmem:s3+$0x460]  }
0x187: {  	[tilespmem:s2+$0x1810] =	vst v1;
	v1 =	vld [tilespmem:s2+$0x20]  }
0x188: {  	v6 =	vld [tilespmem:s7+$0x8020];
	v4 =	vadd.f32 v4, v5  }
0x189: {  	v5 =	vld [tilespmem:s31+$0x60];
	v2 =	vadd.f32 v2, v3  }
0x18a: {  	v3 =	vld [tilespmem:s6+$0x420];
	[tilespmem:s31+$0x1850] =	vst v4;
	v0 =	vadd.f32 v0, v7  }
0x18b: {  	v4 =	vld [tilespmem:s24+$0x8060];
	[tilespmem:s6+$0x1C10] =	vst v2  }
0x18c: {  	v2 =	vld [tilespmem:s22+$0x8420];
	[tilespmem:s3+$0x1C50] =	vst v0  }
0x18d: {  	v1 =	vadd.f32 v6, v1;
	v0 =	vld [tilespmem:s29+$0x8460]  }
0x18e: {  	v7 =	vld [tilespmem:s3+$0xC60]  }
0x18f: {  	[tilespmem:s2+$0x20] =	vst v1;
	v1 =	vld [tilespmem:s2+$0x820]  }
0x190: {  	v6 =	vld [tilespmem:s25+$0xA020];
	v4 =	vadd.f32 v4, v5  }
0x191: {  	v5 =	vld [tilespmem:s31+$0x860];
	v2 =	vadd.f32 v2, v3  }
0x192: {  	v3 =	vld [tilespmem:s6+$0xC20];
	[tilespmem:s31+$0x60] =	vst v4;
	v0 =	vadd.f32 v0, v8  }
0x193: {  	v4 =	vld [tilespmem:s0+$0xA060];
	[tilespmem:s6+$0x420] =	vst v2  }
0x194: {  	v2 =	vld [tilespmem:s21+$0xA420];
	[tilespmem:s3+$0x460] =	vst v0  }
0x195: {  	v1 =	vadd.f32 v6, v1;
	v0 =	vld [tilespmem:s28+$0xA460]  }
0x196: {  	v8 =	vld [tilespmem:s3+$0x1460]  }
0x197: {  	[tilespmem:s2+$0x820] =	vst v1;
	v1 =	vld [tilespmem:s2+$0x1020]  }
0x198: {  	v6 =	vld [tilespmem:s8+$0xA820];
	v4 =	vadd.f32 v4, v5  }
0x199: {  	v5 =	vld [tilespmem:s31+$0x1060];
	v2 =	vadd.f32 v2, v3  }
0x19a: {  	v3 =	vld [tilespmem:s6+$0x1420];
	[tilespmem:s31+$0x860] =	vst v4;
	v0 =	vadd.f32 v0, v7  }
0x19b: {  	v4 =	vld [tilespmem:s26+$0xA860];
	[tilespmem:s6+$0xC20] =	vst v2  }
0x19c: {  	v2 =	vld [tilespmem:s20+$0xAC20];
	[tilespmem:s3+$0xC60] =	vst v0  }
0x19d: {  	v1 =	vadd.f32 v6, v1;
	v0 =	vld [tilespmem:s9+$0xAC60]  }
0x19e: {  	v7 =	vld [tilespmem:s3+$0x1C60]  }
0x19f: {  	[tilespmem:s2+$0x1020] =	vst v1;
	v1 =	vld [tilespmem:s2+$0x1820]  }
0x1a0: {  	v6 =	vld [tilespmem:s10+$0xC820];
	v4 =	vadd.f32 v4, v5  }
0x1a1: {  	v5 =	vld [tilespmem:s31+$0x1860];
	v2 =	vadd.f32 v2, v3  }
0x1a2: {  	v3 =	vld [tilespmem:s6+$0x1C20];
	[tilespmem:s31+$0x1060] =	vst v4;
	v0 =	vadd.f32 v0, v8  }
0x1a3: {  	v4 =	vld [tilespmem:s1+$0xC860];
	[tilespmem:s6+$0x1420] =	vst v2  }
0x1a4: {  	v2 =	vld [tilespmem:s30+$0xCC20];
	[tilespmem:s3+$0x1460] =	vst v0  }
0x1a5: {  	v1 =	vadd.f32 v6, v1;
	v0 =	vld [tilespmem:s4+$0xCC60]  }
0x1a6: {  	v8 =	vld [tilespmem:s3+$0x470]  }
0x1a7: {  	[tilespmem:s2+$0x1820] =	vst v1;
	v1 =	vld [tilespmem:s2+$0x30]  }
0x1a8: {  	v6 =	vld [tilespmem:s7+$0x8030];
	v4 =	vadd.f32 v4, v5  }
0x1a9: {  	v5 =	vld [tilespmem:s31+$0x70];
	v2 =	vadd.f32 v2, v3  }
0x1aa: {  	v3 =	vld [tilespmem:s6+$0x430];
	[tilespmem:s31+$0x1860] =	vst v4;
	v0 =	vadd.f32 v0, v7  }
0x1ab: {  	v4 =	vld [tilespmem:s24+$0x8070];
	[tilespmem:s6+$0x1C20] =	vst v2  }
0x1ac: {  	v2 =	vld [tilespmem:s22+$0x8430];
	[tilespmem:s3+$0x1C60] =	vst v0  }
0x1ad: {  	v0 =	vadd.f32 v6, v1;
	v1 =	vld [tilespmem:s29+$0x8470]  }
0x1ae: {  	v7 =	vld [tilespmem:s31+$0x870]  }
0x1af: {  	v6 =	vld [tilespmem:s3+$0xC70]  }
0x1b0: {  	[tilespmem:s2+$0x30] =	vst v0;
	v0 =	vld [tilespmem:s2+$0x830];
	v4 =	vadd.f32 v4, v5  }
0x1b1: {  	v5 =	vld [tilespmem:s25+$0xA030];
	v2 =	vadd.f32 v2, v3  }
0x1b2: {  	v3 =	vld [tilespmem:s6+$0xC30];
	[tilespmem:s31+$0x70] =	vst v4;
	v1 =	vadd.f32 v1, v8  }
0x1b3: {  	v4 =	vld [tilespmem:s0+$0xA070];
	[tilespmem:s6+$0x430] =	vst v2  }
0x1b4: {  	v2 =	vld [tilespmem:s21+$0xA430];
	[tilespmem:s3+$0x470] =	vst v1  }
0x1b5: {  	v1 =	vld [tilespmem:s28+$0xA470]  }
0x1b6: {  	v8 =	vld [tilespmem:s31+$0x1070];
	v0 =	vadd.f32 v5, v0  }
0x1b7: {  	v5 =	vld [tilespmem:s3+$0x1470]  }
0x1b8: {  	[tilespmem:s2+$0x830] =	vst v0;
	v0 =	vadd.f32 v4, v7;
	v4 =	vld [tilespmem:s2+$0x1030]  }
0x1b9: {  	v7 =	vld [tilespmem:s6+$0x1430];
	v2 =	vadd.f32 v2, v3  }
0x1ba: {  	v3 =	vld [tilespmem:s8+$0xA830];
	[tilespmem:s31+$0x870] =	vst v0;
	v0 =	vadd.f32 v1, v6  }
0x1bb: {  	v1 =	vld [tilespmem:s26+$0xA870];
	[tilespmem:s6+$0xC30] =	vst v2  }
0x1bc: {  	v2 =	vld [tilespmem:s20+$0xAC30];
	[tilespmem:s3+$0xC70] =	vst v0  }
0x1bd: {  	v0 =	vld [tilespmem:s9+$0xAC70]  }
0x1be: {  	v9 =	vld [tilespmem:s3+$0x1C70]  }
0x1bf: {  	v6 =	vld [tilespmem:s6+$0x1C30];
	v3 =	vadd.f32 v3, v4  }
0x1c0: {  	v1 =	vadd.f32 v1, v8;
	v8 =	vld [tilespmem:s31+$0x1870]  }
0x1c1: {  	[tilespmem:s2+$0x1030] =	vst v3;
	v3 =	vld [tilespmem:s2+$0x1830];
	v2 =	vadd.f32 v2, v7  }
0x1c2: {  	v4 =	vld [tilespmem:s10+$0xC830];
	[tilespmem:s31+$0x1070] =	vst v1;
	v0 =	vadd.f32 v0, v5  }
0x1c3: {  	v5 =	vld [tilespmem:s1+$0xC870];
	[tilespmem:s6+$0x1430] =	vst v2  }
0x1c4: {  	v2 =	vld [tilespmem:s30+$0xCC30];
	[tilespmem:s3+$0x1470] =	vst v0  }
0x1c5: {  	v0 =	vld [tilespmem:s4+$0xCC70]  }
0x1c6: {  	s17 =	simm.s32 $0x1000;
	s5 =	simm.s32 $0x200;
	v1 =	vld [tilespmem:s6+$0x440]  }
0x1c7: {  	s14 =	simm.s32 $0x400;
	s18 =	sand.u32 $0x380, s5;
	s4 =	sand.u32 $0x3FFFE000, s17;
	v7 =	vadd.f32 v4, v3;
	v3 =	vld [tilespmem:s31+$0x400]  }
0x1c8: {  	s23 =	sand.u32 $0x3FFFF800, s14;
	s28 =	sor.u32 s18, s4;
	v4 =	vld [tilespmem:s2+$0x40];
	v8 =	vadd.f32 v5, v8  }
0x1c9: {  	s13 =	sadd.s32 $0x1, s13;
	s29 =	simm.s32 $0x800;
	s9 =	sor.u32 s18, s23;
	v5 =	vld [tilespmem:s28+$0x0];
	[tilespmem:s2+$0x1830] =	vst v7  }
0x1ca: {  	s17 =	simm.s32 $0xA00;
	s4 =	simm.s32 $0x4;
	s18 =	smulhi.u32 $0xCCCCCCCD, s13;
	v2 =	vadd.f32 v2, v6;
	v6 =	vld [tilespmem:s9+$0x8000];
	[tilespmem:s31+$0x1870] =	vst v8;
	v0 =	vadd.f32 v0, v9  }
.LBB2_3:
0x1cb: {  	_ = 	snop  }
0x1cc: {  	v7 =	vld [tilespmem:s7+$0x8040];
	s14 =	sshrl.u32 s18, $0x2;
	[tilespmem:s6+$0x1C30] =	vst v2  }
0x1cd: {  	s14 =	smul.u32 $0xFFFFF600, s14;
	v2 =	vld [tilespmem:s24+$0x8400];
	[tilespmem:s3+$0x1C70] =	vst v0  }
0x1ce: {  	s23 =	rddreg [dreg:$0x7];
	s3 =	smov.u32 s6;
	v0 =	vld [tilespmem:s22+$0x8440]  }
0x1cf: {  	s18 =	sshrl.u32 s23, $0x2;
	s6 =	smov.u32 s31;
	v8 =	vld [tilespmem:s3+$0xC40];
	s14 =	sshra.s32 s14, $0x2  }
0x1d0: {  	s31 =	smov.u32 s2;
	v5 =	vadd.f32 v6, v5;
	v6 =	vld [tilespmem:s6+$0xC00];
	s14 =	sadd.s32 s18, s14  }
0x1d1: {  	s15 =	sshra.s32 s29, $0x2;
	s2 =	smov.u32 s28;
	v4 =	vadd.f32 v7, v4;
	v7 =	vld [tilespmem:s31+$0x840];
	s14 =	sadd.s32 s12, s14  }
0x1d2: {  	s28 =	smulhi.u32 $0x51EB851F, s13;
	[tilespmem:s2+$0x0] =	vst v5;
	v5 =	vld [tilespmem:s2+$0x800];
	s23 =	sadd.s32 s15, s14;
	v2 =	vadd.f32 v2, v3  }
0x1d3: {  	v3 =	vld [tilespmem:s23+$0xA000];
	[tilespmem:s31+$0x40] =	vst v4;
	v0 =	vadd.f32 v0, v1  }
0x1d4: {  	s18 =	sshrl.u32 s28, $0x3;
	v1 =	vld [tilespmem:s25+$0xA040];
	[tilespmem:s6+$0x400] =	vst v2  }
0x1d5: {  	s15 =	smul.u32 $0xC80, s18;
	v2 =	vld [tilespmem:s0+$0xA400];
	[tilespmem:s3+$0x440] =	vst v0  }
0x1d6: {  	s14 =	smul.u32 $0x1900, s18;
	v0 =	vld [tilespmem:s21+$0xA440]  }
0x1d7: {  	s11 =	sadd.s32 $0x100, s11;
	v4 =	vld [tilespmem:s3+$0x1440];
	s18 =	ssub.s32 s16, s15  }
0x1d8: {  	s14 =	ssub.s32 s11, s14;
	s18 =	sadd.s32 s18, s5;
	v3 =	vadd.f32 v3, v5;
	v5 =	vld [tilespmem:s6+$0x1400]  }
0x1d9: {  	s14 =	sand.u32 $0x1800, s14;
	s18 =	sand.u32 $0x380, s18;
	v1 =	vadd.f32 v1, v7;
	v7 =	vld [tilespmem:s31+$0x1040]  }
0x1da: {  	s15 =	sshrl.u32 s13, $0x2;
	s28 =	sor.u32 s18, s14;
	[tilespmem:s2+$0x800] =	vst v3;
	v3 =	vld [tilespmem:s2+$0x1000];
	v2 =	vadd.f32 v2, v6  }
0x1db: {  	s15 =	smulhi.u32 $0x20820821, s15;
	v6 =	vld [tilespmem:s28+$0xA800];
	[tilespmem:s31+$0x840] =	vst v1;
	v0 =	vadd.f32 v0, v8  }
0x1dc: {  	v1 =	vld [tilespmem:s8+$0xA840];
	[tilespmem:s6+$0xC00] =	vst v2  }
0x1dd: {  	s14 =	sshrl.u32 s15, $0x3;
	v2 =	vld [tilespmem:s26+$0xAC00];
	[tilespmem:s3+$0xC40] =	vst v0  }
0x1de: {  	s18 =	sshll.u32 s14, $0x9;
	v0 =	vld [tilespmem:s20+$0xAC40]  }
0x1df: {  	s14 =	sshll.u32 s14, $0xA;
	s15 =	sadd.s32 s18, s16;
	v8 =	vld [tilespmem:s3+$0x1C40]  }
0x1e0: {  	s14 =	sadd.s32 s14, s11;
	s15 =	sadd.s32 s15, s5;
	v3 =	vadd.f32 v6, v3;
	v6 =	vld [tilespmem:s6+$0x1C00]  }
0x1e1: {  	s14 =	sand.u32 $0xF800, s14;
	s15 =	sand.u32 $0x380, s15;
	v1 =	vadd.f32 v1, v7;
	v7 =	vld [tilespmem:s31+$0x1840]  }
0x1e2: {  	s14 =	sor.u32 s15, s14;
	[tilespmem:s2+$0x1000] =	vst v3;
	v3 =	vld [tilespmem:s2+$0x1800];
	v2 =	vadd.f32 v2, v5  }
0x1e3: {  	v5 =	vld [tilespmem:s14+$0xC800];
	[tilespmem:s31+$0x1040] =	vst v1;
	v0 =	vadd.f32 v0, v4  }
0x1e4: {  	v1 =	vld [tilespmem:s10+$0xC840];
	[tilespmem:s6+$0x1400] =	vst v2  }
0x1e5: {  	v2 =	vld [tilespmem:s1+$0xCC00];
	[tilespmem:s3+$0x1440] =	vst v0  }
0x1e6: {  	v0 =	vld [tilespmem:s30+$0xCC40]  }
0x1e7: {  	v4 =	vld [tilespmem:s3+$0x450]  }
0x1e8: {  	v3 =	vadd.f32 v5, v3;
	v5 =	vld [tilespmem:s6+$0x410]  }
0x1e9: {  	v1 =	vadd.f32 v1, v7;
	v7 =	vld [tilespmem:s31+$0x50]  }
0x1ea: {  	[tilespmem:s2+$0x1800] =	vst v3;
	v3 =	vld [tilespmem:s2+$0x10];
	v2 =	vadd.f32 v2, v6  }
0x1eb: {  	v6 =	vld [tilespmem:s9+$0x8010];
	[tilespmem:s31+$0x1840] =	vst v1;
	v0 =	vadd.f32 v0, v8  }
0x1ec: {  	v1 =	vld [tilespmem:s7+$0x8050];
	[tilespmem:s6+$0x1C00] =	vst v2  }
0x1ed: {  	v2 =	vld [tilespmem:s24+$0x8410];
	[tilespmem:s3+$0x1C40] =	vst v0  }
0x1ee: {  	v0 =	vld [tilespmem:s22+$0x8450]  }
0x1ef: {  	v8 =	vld [tilespmem:s3+$0xC50]  }
0x1f0: {  	v3 =	vadd.f32 v6, v3;
	v6 =	vld [tilespmem:s6+$0xC10]  }
0x1f1: {  	v1 =	vadd.f32 v1, v7;
	v7 =	vld [tilespmem:s31+$0x850]  }
0x1f2: {  	[tilespmem:s2+$0x10] =	vst v3;
	v3 =	vld [tilespmem:s2+$0x810];
	v2 =	vadd.f32 v2, v5  }
0x1f3: {  	v5 =	vld [tilespmem:s23+$0xA010];
	[tilespmem:s31+$0x50] =	vst v1;
	v0 =	vadd.f32 v0, v4  }
0x1f4: {  	v1 =	vld [tilespmem:s25+$0xA050];
	[tilespmem:s6+$0x410] =	vst v2  }
0x1f5: {  	v2 =	vld [tilespmem:s0+$0xA410];
	[tilespmem:s3+$0x450] =	vst v0  }
0x1f6: {  	v0 =	vld [tilespmem:s21+$0xA450]  }
0x1f7: {  	v4 =	vld [tilespmem:s3+$0x1450]  }
0x1f8: {  	v3 =	vadd.f32 v5, v3;
	v5 =	vld [tilespmem:s6+$0x1410]  }
0x1f9: {  	v1 =	vadd.f32 v1, v7;
	v7 =	vld [tilespmem:s31+$0x1050]  }
0x1fa: {  	[tilespmem:s2+$0x810] =	vst v3;
	v3 =	vld [tilespmem:s2+$0x1010];
	v2 =	vadd.f32 v2, v6  }
0x1fb: {  	v6 =	vld [tilespmem:s28+$0xA810];
	[tilespmem:s31+$0x850] =	vst v1;
	v0 =	vadd.f32 v0, v8  }
0x1fc: {  	v1 =	vld [tilespmem:s8+$0xA850];
	[tilespmem:s6+$0xC10] =	vst v2  }
0x1fd: {  	v2 =	vld [tilespmem:s26+$0xAC10];
	[tilespmem:s3+$0xC50] =	vst v0  }
0x1fe: {  	v0 =	vld [tilespmem:s20+$0xAC50]  }
0x1ff: {  	v8 =	vld [tilespmem:s3+$0x1C50]  }
0x200: {  	v3 =	vadd.f32 v6, v3;
	v6 =	vld [tilespmem:s6+$0x1C10]  }
0x201: {  	v1 =	vadd.f32 v1, v7;
	v7 =	vld [tilespmem:s31+$0x1850]  }
0x202: {  	[tilespmem:s2+$0x1010] =	vst v3;
	v3 =	vld [tilespmem:s2+$0x1810];
	v2 =	vadd.f32 v2, v5  }
0x203: {  	v5 =	vld [tilespmem:s14+$0xC810];
	[tilespmem:s31+$0x1050] =	vst v1;
	v0 =	vadd.f32 v0, v4  }
0x204: {  	v1 =	vld [tilespmem:s10+$0xC850];
	[tilespmem:s6+$0x1410] =	vst v2  }
0x205: {  	v2 =	vld [tilespmem:s1+$0xCC10];
	[tilespmem:s3+$0x1450] =	vst v0  }
0x206: {  	v0 =	vld [tilespmem:s30+$0xCC50]  }
0x207: {  	v4 =	vld [tilespmem:s3+$0x460]  }
0x208: {  	v3 =	vadd.f32 v5, v3;
	v5 =	vld [tilespmem:s6+$0x420]  }
0x209: {  	v1 =	vadd.f32 v1, v7;
	v7 =	vld [tilespmem:s31+$0x60]  }
0x20a: {  	[tilespmem:s2+$0x1810] =	vst v3;
	v3 =	vld [tilespmem:s2+$0x20];
	v2 =	vadd.f32 v2, v6  }
0x20b: {  	v6 =	vld [tilespmem:s9+$0x8020];
	[tilespmem:s31+$0x1850] =	vst v1;
	v0 =	vadd.f32 v0, v8  }
0x20c: {  	v1 =	vld [tilespmem:s7+$0x8060];
	[tilespmem:s6+$0x1C10] =	vst v2  }
0x20d: {  	v2 =	vld [tilespmem:s24+$0x8420];
	[tilespmem:s3+$0x1C50] =	vst v0  }
0x20e: {  	v0 =	vld [tilespmem:s22+$0x8460]  }
0x20f: {  	v8 =	vld [tilespmem:s3+$0xC60]  }
0x210: {  	v3 =	vadd.f32 v6, v3;
	v6 =	vld [tilespmem:s6+$0xC20]  }
0x211: {  	v1 =	vadd.f32 v1, v7;
	v7 =	vld [tilespmem:s31+$0x860]  }
0x212: {  	[tilespmem:s2+$0x20] =	vst v3;
	v3 =	vld [tilespmem:s2+$0x820];
	v2 =	vadd.f32 v2, v5  }
0x213: {  	v5 =	vld [tilespmem:s23+$0xA020];
	[tilespmem:s31+$0x60] =	vst v1;
	v0 =	vadd.f32 v0, v4  }
0x214: {  	v1 =	vld [tilespmem:s25+$0xA060];
	[tilespmem:s6+$0x420] =	vst v2  }
0x215: {  	v2 =	vld [tilespmem:s0+$0xA420];
	[tilespmem:s3+$0x460] =	vst v0  }
0x216: {  	v0 =	vld [tilespmem:s21+$0xA460]  }
0x217: {  	v4 =	vld [tilespmem:s3+$0x1460]  }
0x218: {  	v3 =	vadd.f32 v5, v3;
	v5 =	vld [tilespmem:s6+$0x1420]  }
0x219: {  	v1 =	vadd.f32 v1, v7;
	v7 =	vld [tilespmem:s31+$0x1060]  }
0x21a: {  	[tilespmem:s2+$0x820] =	vst v3;
	v3 =	vld [tilespmem:s2+$0x1020];
	v2 =	vadd.f32 v2, v6  }
0x21b: {  	v6 =	vld [tilespmem:s28+$0xA820];
	[tilespmem:s31+$0x860] =	vst v1;
	v0 =	vadd.f32 v0, v8  }
0x21c: {  	v1 =	vld [tilespmem:s8+$0xA860];
	[tilespmem:s6+$0xC20] =	vst v2  }
0x21d: {  	v2 =	vld [tilespmem:s26+$0xAC20];
	[tilespmem:s3+$0xC60] =	vst v0  }
0x21e: {  	v0 =	vld [tilespmem:s20+$0xAC60]  }
0x21f: {  	v8 =	vld [tilespmem:s3+$0x1C60]  }
0x220: {  	v3 =	vadd.f32 v6, v3;
	v6 =	vld [tilespmem:s6+$0x1C20]  }
0x221: {  	v1 =	vadd.f32 v1, v7;
	v7 =	vld [tilespmem:s31+$0x1860]  }
0x222: {  	[tilespmem:s2+$0x1020] =	vst v3;
	v3 =	vld [tilespmem:s2+$0x1820];
	v2 =	vadd.f32 v2, v5  }
0x223: {  	v5 =	vld [tilespmem:s14+$0xC820];
	[tilespmem:s31+$0x1060] =	vst v1;
	v0 =	vadd.f32 v0, v4  }
0x224: {  	v1 =	vld [tilespmem:s10+$0xC860];
	[tilespmem:s6+$0x1420] =	vst v2  }
0x225: {  	v2 =	vld [tilespmem:s1+$0xCC20];
	[tilespmem:s3+$0x1460] =	vst v0  }
0x226: {  	v0 =	vld [tilespmem:s30+$0xCC60]  }
0x227: {  	v4 =	vld [tilespmem:s3+$0x470]  }
0x228: {  	v3 =	vadd.f32 v5, v3;
	v5 =	vld [tilespmem:s6+$0x430]  }
0x229: {  	v1 =	vadd.f32 v1, v7;
	v7 =	vld [tilespmem:s31+$0x70]  }
0x22a: {  	[tilespmem:s2+$0x1820] =	vst v3;
	v3 =	vld [tilespmem:s2+$0x30];
	v2 =	vadd.f32 v2, v6  }
0x22b: {  	v6 =	vld [tilespmem:s9+$0x8030];
	[tilespmem:s31+$0x1860] =	vst v1;
	v0 =	vadd.f32 v0, v8  }
0x22c: {  	v1 =	vld [tilespmem:s7+$0x8070];
	[tilespmem:s6+$0x1C20] =	vst v2  }
0x22d: {  	v2 =	vld [tilespmem:s24+$0x8430];
	[tilespmem:s3+$0x1C60] =	vst v0  }
0x22e: {  	v0 =	vld [tilespmem:s22+$0x8470]  }
0x22f: {  	v8 =	vld [tilespmem:s3+$0xC70]  }
0x230: {  	v3 =	vadd.f32 v6, v3;
	v6 =	vld [tilespmem:s6+$0xC30]  }
0x231: {  	v1 =	vadd.f32 v1, v7;
	v7 =	vld [tilespmem:s31+$0x870]  }
0x232: {  	[tilespmem:s2+$0x30] =	vst v3;
	v3 =	vld [tilespmem:s2+$0x830];
	v2 =	vadd.f32 v2, v5  }
0x233: {  	v5 =	vld [tilespmem:s23+$0xA030];
	[tilespmem:s31+$0x70] =	vst v1;
	v0 =	vadd.f32 v0, v4  }
0x234: {  	v1 =	vld [tilespmem:s25+$0xA070];
	[tilespmem:s6+$0x430] =	vst v2  }
0x235: {  	v2 =	vld [tilespmem:s0+$0xA430];
	[tilespmem:s3+$0x470] =	vst v0  }
0x236: {  	v0 =	vld [tilespmem:s21+$0xA470]  }
0x237: {  	v4 =	vld [tilespmem:s3+$0x1470]  }
0x238: {  	v3 =	vadd.f32 v5, v3;
	v5 =	vld [tilespmem:s6+$0x1430]  }
0x239: {  	v1 =	vadd.f32 v1, v7;
	v7 =	vld [tilespmem:s31+$0x1070]  }
0x23a: {  	[tilespmem:s2+$0x830] =	vst v3;
	v3 =	vld [tilespmem:s2+$0x1030];
	v2 =	vadd.f32 v2, v6  }
0x23b: {  	v6 =	vld [tilespmem:s28+$0xA830];
	[tilespmem:s31+$0x870] =	vst v1;
	v0 =	vadd.f32 v0, v8  }
0x23c: {  	v1 =	vld [tilespmem:s8+$0xA870];
	[tilespmem:s6+$0xC30] =	vst v2  }
0x23d: {  	v2 =	vld [tilespmem:s26+$0xAC30];
	[tilespmem:s3+$0xC70] =	vst v0  }
0x23e: {  	v0 =	vld [tilespmem:s20+$0xAC70]  }
0x23f: {  	v8 =	vld [tilespmem:s3+$0x1C70]  }
0x240: {  	v3 =	vadd.f32 v6, v3;
	v6 =	vld [tilespmem:s6+$0x1C30]  }
0x241: {  	v1 =	vadd.f32 v1, v7;
	v7 =	vld [tilespmem:s31+$0x1870]  }
0x242: {  	s4 =	sadd.s32 $0x1, s4;
	[tilespmem:s2+$0x1030] =	vst v3;
	v3 =	vld [tilespmem:s2+$0x1830];
	v2 =	vadd.f32 v2, v5  }
0x243: {  	p0 =	sne.s32 s17, $0x1E00;
	s18 =	sshll.u32 s4, $0x8;
	v5 =	vld [tilespmem:s14+$0xC830];
	[tilespmem:s31+$0x1070] =	vst v1;
	v0 =	vadd.f32 v0, v4  }
0x244: {  	s5 =	sadd.s32 $0x80, s5;
	s15 =	sshll.u32 s4, $0xA;
	s22 =	smov.u32 s24;
	v9 =	vld [tilespmem:s10+$0xC870];
	[tilespmem:s6+$0x1430] =	vst v2  }
0x245: {  	s24 =	smov.u32 s7;
	s7 =	smov.u32 s9;
	s9 =	sand.u32 $0x3FFFE000, s15;
	v2 =	vld [tilespmem:s1+$0xCC30];
	[tilespmem:s3+$0x1470] =	vst v0  }
0x246: {  	s21 =	smov.u32 s0;
	s0 =	smov.u32 s25;
	s25 =	smov.u32 s23;
	v0 =	vld [tilespmem:s30+$0xCC70]  }
.Ltmp0:
0x247: {  	s23 =	sand.u32 $0x3FFFF800, s18;
	s20 =	smov.u32 s26;
	v1 =	vld [tilespmem:s6+$0x440];
	(pc) =	sbr.rel @p0 .LBB2_3-.Ltmp0, $4  }
0x248: {  	v4 =	vld [tilespmem:s2+$0x40];
	s30 =	smov.u32 s1;
	s1 =	smov.u32 s10;
	s10 =	sand.u32 $0x380, s5;
	v10 =	vadd.f32 v5, v3  }
0x249: {  	s26 =	smov.u32 s8;
	s8 =	smov.u32 s28;
	s28 =	sor.u32 s10, s9;
	v3 =	vld [tilespmem:s31+$0x400];
	v7 =	vadd.f32 v9, v7  }
0x24a: {  	s29 =	smov.u32 s17;
	s13 =	sadd.s32 $0x1, s13;
	s9 =	sor.u32 s10, s23;
	v5 =	vld [tilespmem:s28+$0x0];
	[tilespmem:s2+$0x1830] =	vst v10  }
0x24b: {  	s17 =	sadd.s32 $0x200, s17;
	s18 =	smulhi.u32 $0xCCCCCCCD, s13;
	s10 =	smov.u32 s14;
	v2 =	vadd.f32 v2, v6;
	v6 =	vld [tilespmem:s9+$0x8000];
	[tilespmem:s31+$0x1870] =	vst v7;
	v0 =	vadd.f32 v0, v8  }
0x24c: {  	_ = 	snop  }
0x24d: {  	s4 =	sshrl.u32 s18, $0x2  }
0x24e: {  	s4 =	smul.u32 $0xFFFFF600, s4  }
0x24f: {  	s14 =	rddreg [dreg:$0x7]  }
0x250: {  	s15 =	sshra.s32 s4, $0x2;
	s4 =	sshrl.u32 s14, $0x2  }
0x251: {  	v5 =	vadd.f32 v6, v5;
	s14 =	sadd.s32 s4, s15  }
0x252: {  	s23 =	sshra.s32 s29, $0x2;
	s14 =	sadd.s32 s12, s14  }
0x253: {  	s17 =	smulhi.u32 $0x51EB851F, s13;
	[tilespmem:s28+$0x0] =	vst v5;
	v5 =	vld [tilespmem:s28+$0x800];
	s29 =	sadd.s32 s23, s14  }
0x254: {  	v6 =	vld [tilespmem:s29+$0xA000]  }
0x255: {  	s14 =	sshrl.u32 s17, $0x3  }
0x256: {  	s18 =	smul.u32 $0xC80, s14  }
0x257: {  	s14 =	smul.u32 $0x1900, s14  }
0x258: {  	s17 =	sadd.s32 $0x100, s11;
	s15 =	ssub.s32 s16, s18  }
0x259: {  	s11 =	ssub.s32 s17, s14;
	s23 =	sadd.s32 s15, s5;
	v5 =	vadd.f32 v6, v5  }
0x25a: {  	s11 =	sand.u32 $0x1800, s11;
	s14 =	sand.u32 $0x380, s23  }
0x25b: {  	s15 =	sshrl.u32 s13, $0x2;
	s11 =	sor.u32 s14, s11;
	[tilespmem:s28+$0x800] =	vst v5;
	v5 =	vld [tilespmem:s28+$0x1000]  }
0x25c: {  	s13 =	smulhi.u32 $0x20820821, s15;
	v6 =	vld [tilespmem:s11+$0xA800];
	_ =	sdelay $0x1  }
0x25d: {  	s13 =	sshrl.u32 s13, $0x3  }
0x25e: {  	s18 =	sshll.u32 s13, $0x9  }
0x25f: {  	s13 =	sshll.u32 s13, $0xA;
	s14 =	sadd.s32 s18, s16  }
0x260: {  	s13 =	sadd.s32 s13, s17;
	s23 =	sadd.s32 s14, s5;
	v5 =	vadd.f32 v6, v5  }
0x261: {  	s13 =	sand.u32 $0xF800, s13;
	s5 =	sand.u32 $0x380, s23  }
0x262: {  	s5 =	sor.u32 s5, s13;
	[tilespmem:s28+$0x1000] =	vst v5;
	v5 =	vld [tilespmem:s28+$0x1800]  }
0x263: {  	v6 =	vld [tilespmem:s5+$0xC800];
	_ =	sdelay $0x4  }
0x264: {  	v5 =	vadd.f32 v6, v5;
	_ =	sdelay $0x1  }
0x265: {  	[tilespmem:s28+$0x1800] =	vst v5;
	v5 =	vld [tilespmem:s28+$0x10]  }
0x266: {  	v6 =	vld [tilespmem:s9+$0x8010];
	_ =	sdelay $0x4  }
0x267: {  	v5 =	vadd.f32 v6, v5;
	_ =	sdelay $0x1  }
0x268: {  	[tilespmem:s28+$0x10] =	vst v5;
	v5 =	vld [tilespmem:s28+$0x810]  }
0x269: {  	v6 =	vld [tilespmem:s29+$0xA010];
	_ =	sdelay $0x4  }
0x26a: {  	v5 =	vadd.f32 v6, v5;
	_ =	sdelay $0x1  }
0x26b: {  	[tilespmem:s28+$0x810] =	vst v5;
	v5 =	vld [tilespmem:s28+$0x1010]  }
0x26c: {  	v6 =	vld [tilespmem:s11+$0xA810];
	_ =	sdelay $0x4  }
0x26d: {  	v5 =	vadd.f32 v6, v5;
	_ =	sdelay $0x1  }
0x26e: {  	[tilespmem:s28+$0x1010] =	vst v5;
	v5 =	vld [tilespmem:s28+$0x1810]  }
0x26f: {  	v6 =	vld [tilespmem:s5+$0xC810];
	_ =	sdelay $0x4  }
0x270: {  	v5 =	vadd.f32 v6, v5;
	_ =	sdelay $0x1  }
0x271: {  	[tilespmem:s28+$0x1810] =	vst v5;
	v5 =	vld [tilespmem:s28+$0x20]  }
0x272: {  	v6 =	vld [tilespmem:s9+$0x8020];
	_ =	sdelay $0x4  }
0x273: {  	v5 =	vadd.f32 v6, v5;
	_ =	sdelay $0x1  }
0x274: {  	[tilespmem:s28+$0x20] =	vst v5;
	v5 =	vld [tilespmem:s28+$0x820]  }
0x275: {  	v6 =	vld [tilespmem:s29+$0xA020];
	_ =	sdelay $0x4  }
0x276: {  	v5 =	vadd.f32 v6, v5;
	_ =	sdelay $0x1  }
0x277: {  	[tilespmem:s28+$0x820] =	vst v5;
	v5 =	vld [tilespmem:s28+$0x1020]  }
0x278: {  	v6 =	vld [tilespmem:s11+$0xA820];
	_ =	sdelay $0x4  }
0x279: {  	v5 =	vadd.f32 v6, v5;
	_ =	sdelay $0x1  }
0x27a: {  	[tilespmem:s28+$0x1020] =	vst v5;
	v5 =	vld [tilespmem:s28+$0x1820]  }
0x27b: {  	v6 =	vld [tilespmem:s5+$0xC820];
	_ =	sdelay $0x4  }
0x27c: {  	v5 =	vadd.f32 v6, v5;
	_ =	sdelay $0x1  }
0x27d: {  	[tilespmem:s28+$0x1820] =	vst v5;
	v5 =	vld [tilespmem:s28+$0x30]  }
0x27e: {  	v6 =	vld [tilespmem:s9+$0x8030];
	_ =	sdelay $0x4  }
0x27f: {  	v5 =	vadd.f32 v6, v5  }
0x280: {  	v6 =	vld [tilespmem:s7+$0x8040]  }
0x281: {  	[tilespmem:s28+$0x30] =	vst v5;
	v5 =	vld [tilespmem:s28+$0x830]  }
0x282: {  	v7 =	vld [tilespmem:s29+$0xA030];
	_ =	sdelay $0x2  }
0x283: {  	v4 =	vadd.f32 v6, v4;
	_ =	sdelay $0x1  }
0x284: {  	v6 =	vld [tilespmem:s2+$0x840];
	[tilespmem:s2+$0x40] =	vst v4;
	v5 =	vadd.f32 v7, v5  }
0x285: {  	v4 =	vld [tilespmem:s25+$0xA040]  }
0x286: {  	[tilespmem:s28+$0x830] =	vst v5;
	v5 =	vld [tilespmem:s28+$0x1030]  }
0x287: {  	v7 =	vld [tilespmem:s11+$0xA830];
	_ =	sdelay $0x2  }
0x288: {  	v4 =	vadd.f32 v4, v6;
	_ =	sdelay $0x1  }
0x289: {  	v6 =	vld [tilespmem:s2+$0x1040];
	[tilespmem:s2+$0x840] =	vst v4;
	v5 =	vadd.f32 v7, v5  }
0x28a: {  	v4 =	vld [tilespmem:s8+$0xA840]  }
0x28b: {  	[tilespmem:s28+$0x1030] =	vst v5;
	v5 =	vld [tilespmem:s28+$0x1830]  }
0x28c: {  	v7 =	vld [tilespmem:s5+$0xC830];
	_ =	sdelay $0x3  }
0x28d: {  	v4 =	vadd.f32 v4, v6  }
0x28e: {  	v6 =	vld [tilespmem:s2+$0x1840];
	v5 =	vadd.f32 v7, v5  }
0x28f: {  	[tilespmem:s2+$0x1040] =	vst v4;
	v4 =	vld [tilespmem:s28+$0x40]  }
0x290: {  	v7 =	vld [tilespmem:s10+$0xC840];
	[tilespmem:s28+$0x1830] =	vst v5  }
0x291: {  	v5 =	vld [tilespmem:s9+$0x8040];
	_ =	sdelay $0x3  }
0x292: {  	v6 =	vadd.f32 v7, v6  }
0x293: {  	v7 =	vld [tilespmem:s2+$0x50];
	v4 =	vadd.f32 v5, v4  }
0x294: {  	[tilespmem:s2+$0x1840] =	vst v6;
	v5 =	vld [tilespmem:s28+$0x840]  }
0x295: {  	v6 =	vld [tilespmem:s7+$0x8050];
	[tilespmem:s28+$0x40] =	vst v4  }
0x296: {  	v4 =	vld [tilespmem:s29+$0xA040];
	_ =	sdelay $0x3  }
0x297: {  	v6 =	vadd.f32 v6, v7  }
0x298: {  	v7 =	vld [tilespmem:s2+$0x850];
	v4 =	vadd.f32 v4, v5  }
0x299: {  	[tilespmem:s2+$0x50] =	vst v6;
	v5 =	vld [tilespmem:s28+$0x1040]  }
0x29a: {  	v6 =	vld [tilespmem:s25+$0xA050];
	[tilespmem:s28+$0x840] =	vst v4  }
0x29b: {  	v4 =	vld [tilespmem:s11+$0xA840];
	_ =	sdelay $0x3  }
0x29c: {  	v6 =	vadd.f32 v6, v7  }
0x29d: {  	v7 =	vld [tilespmem:s2+$0x1050];
	v4 =	vadd.f32 v4, v5  }
0x29e: {  	[tilespmem:s2+$0x850] =	vst v6;
	v5 =	vld [tilespmem:s28+$0x1840]  }
0x29f: {  	v6 =	vld [tilespmem:s8+$0xA850];
	[tilespmem:s28+$0x1040] =	vst v4  }
0x2a0: {  	v4 =	vld [tilespmem:s5+$0xC840];
	_ =	sdelay $0x3  }
0x2a1: {  	v6 =	vadd.f32 v6, v7  }
0x2a2: {  	v7 =	vld [tilespmem:s2+$0x1850];
	v4 =	vadd.f32 v4, v5  }
0x2a3: {  	[tilespmem:s2+$0x1050] =	vst v6;
	v5 =	vld [tilespmem:s28+$0x50]  }
0x2a4: {  	v6 =	vld [tilespmem:s10+$0xC850];
	[tilespmem:s28+$0x1840] =	vst v4  }
0x2a5: {  	v4 =	vld [tilespmem:s9+$0x8050];
	_ =	sdelay $0x3  }
0x2a6: {  	v6 =	vadd.f32 v6, v7  }
0x2a7: {  	v7 =	vld [tilespmem:s2+$0x60];
	v4 =	vadd.f32 v4, v5  }
0x2a8: {  	[tilespmem:s2+$0x1850] =	vst v6;
	v5 =	vld [tilespmem:s28+$0x850]  }
0x2a9: {  	v6 =	vld [tilespmem:s7+$0x8060];
	[tilespmem:s28+$0x50] =	vst v4  }
0x2aa: {  	v4 =	vld [tilespmem:s29+$0xA050];
	_ =	sdelay $0x3  }
0x2ab: {  	v6 =	vadd.f32 v6, v7  }
0x2ac: {  	v7 =	vld [tilespmem:s2+$0x860];
	v4 =	vadd.f32 v4, v5  }
0x2ad: {  	[tilespmem:s2+$0x60] =	vst v6;
	v5 =	vld [tilespmem:s28+$0x1050]  }
0x2ae: {  	v6 =	vld [tilespmem:s25+$0xA060];
	[tilespmem:s28+$0x850] =	vst v4  }
0x2af: {  	v4 =	vld [tilespmem:s11+$0xA850];
	_ =	sdelay $0x3  }
0x2b0: {  	v6 =	vadd.f32 v6, v7  }
0x2b1: {  	v7 =	vld [tilespmem:s2+$0x1060];
	v4 =	vadd.f32 v4, v5  }
0x2b2: {  	[tilespmem:s2+$0x860] =	vst v6;
	v5 =	vld [tilespmem:s28+$0x1850]  }
0x2b3: {  	v6 =	vld [tilespmem:s8+$0xA860];
	[tilespmem:s28+$0x1050] =	vst v4  }
0x2b4: {  	v4 =	vld [tilespmem:s5+$0xC850];
	_ =	sdelay $0x3  }
0x2b5: {  	v6 =	vadd.f32 v6, v7  }
0x2b6: {  	v7 =	vld [tilespmem:s2+$0x1860];
	v4 =	vadd.f32 v4, v5  }
0x2b7: {  	[tilespmem:s2+$0x1060] =	vst v6;
	v5 =	vld [tilespmem:s28+$0x60]  }
0x2b8: {  	v6 =	vld [tilespmem:s10+$0xC860];
	[tilespmem:s28+$0x1850] =	vst v4  }
0x2b9: {  	v4 =	vld [tilespmem:s9+$0x8060];
	_ =	sdelay $0x3  }
0x2ba: {  	v6 =	vadd.f32 v6, v7  }
0x2bb: {  	v7 =	vld [tilespmem:s2+$0x70];
	v4 =	vadd.f32 v4, v5  }
0x2bc: {  	[tilespmem:s2+$0x1860] =	vst v6;
	v5 =	vld [tilespmem:s28+$0x860]  }
0x2bd: {  	v6 =	vld [tilespmem:s7+$0x8070];
	[tilespmem:s28+$0x60] =	vst v4  }
0x2be: {  	v4 =	vld [tilespmem:s29+$0xA060];
	_ =	sdelay $0x3  }
0x2bf: {  	v6 =	vadd.f32 v6, v7  }
0x2c0: {  	v7 =	vld [tilespmem:s2+$0x870];
	v4 =	vadd.f32 v4, v5  }
0x2c1: {  	[tilespmem:s2+$0x70] =	vst v6;
	v5 =	vld [tilespmem:s28+$0x1060]  }
0x2c2: {  	v6 =	vld [tilespmem:s25+$0xA070];
	[tilespmem:s28+$0x860] =	vst v4  }
0x2c3: {  	v4 =	vld [tilespmem:s11+$0xA860];
	_ =	sdelay $0x3  }
0x2c4: {  	v6 =	vadd.f32 v6, v7  }
0x2c5: {  	v7 =	vld [tilespmem:s2+$0x1070];
	v4 =	vadd.f32 v4, v5  }
0x2c6: {  	[tilespmem:s2+$0x870] =	vst v6;
	v5 =	vld [tilespmem:s28+$0x1860]  }
0x2c7: {  	v6 =	vld [tilespmem:s8+$0xA870];
	[tilespmem:s28+$0x1060] =	vst v4  }
0x2c8: {  	v4 =	vld [tilespmem:s5+$0xC860];
	_ =	sdelay $0x3  }
0x2c9: {  	v6 =	vadd.f32 v6, v7  }
0x2ca: {  	v7 =	vld [tilespmem:s2+$0x1870];
	v4 =	vadd.f32 v4, v5  }
0x2cb: {  	[tilespmem:s2+$0x1070] =	vst v6;
	v5 =	vld [tilespmem:s28+$0x70]  }
0x2cc: {  	v6 =	vld [tilespmem:s10+$0xC870];
	[tilespmem:s28+$0x1860] =	vst v4  }
0x2cd: {  	v4 =	vld [tilespmem:s9+$0x8070];
	_ =	sdelay $0x3  }
0x2ce: {  	v8 =	vld [tilespmem:s24+$0x8400];
	v6 =	vadd.f32 v6, v7  }
0x2cf: {  	v7 =	vld [tilespmem:s2+$0x400];
	v4 =	vadd.f32 v4, v5  }
0x2d0: {  	[tilespmem:s2+$0x1870] =	vst v6;
	v5 =	vld [tilespmem:s28+$0x870]  }
0x2d1: {  	v6 =	vld [tilespmem:s7+$0x8400];
	[tilespmem:s28+$0x70] =	vst v4  }
0x2d2: {  	v4 =	vld [tilespmem:s29+$0xA070]  }
0x2d3: {  	v3 =	vadd.f32 v8, v3;
	_ =	sdelay $0x1  }
0x2d4: {  	v8 =	vld [tilespmem:s31+$0xC00];
	[tilespmem:s31+$0x400] =	vst v3  }
0x2d5: {  	v3 =	vld [tilespmem:s0+$0xA400];
	v6 =	vadd.f32 v6, v7  }
0x2d6: {  	v7 =	vld [tilespmem:s2+$0xC00];
	v4 =	vadd.f32 v4, v5  }
0x2d7: {  	[tilespmem:s2+$0x400] =	vst v6;
	v5 =	vld [tilespmem:s28+$0x1070]  }
0x2d8: {  	v6 =	vld [tilespmem:s25+$0xA400];
	[tilespmem:s28+$0x870] =	vst v4  }
0x2d9: {  	v4 =	vld [tilespmem:s11+$0xA870]  }
0x2da: {  	v3 =	vadd.f32 v3, v8;
	_ =	sdelay $0x1  }
0x2db: {  	v8 =	vld [tilespmem:s31+$0x1400];
	[tilespmem:s31+$0xC00] =	vst v3  }
0x2dc: {  	v3 =	vld [tilespmem:s26+$0xAC00];
	v6 =	vadd.f32 v6, v7  }
0x2dd: {  	v7 =	vld [tilespmem:s2+$0x1400];
	v4 =	vadd.f32 v4, v5  }
0x2de: {  	[tilespmem:s2+$0xC00] =	vst v6;
	v5 =	vld [tilespmem:s28+$0x1870]  }
0x2df: {  	v6 =	vld [tilespmem:s8+$0xAC00];
	[tilespmem:s28+$0x1070] =	vst v4  }
0x2e0: {  	v4 =	vld [tilespmem:s5+$0xC870]  }
0x2e1: {  	v3 =	vadd.f32 v3, v8;
	_ =	sdelay $0x1  }
0x2e2: {  	v8 =	vld [tilespmem:s31+$0x1C00];
	[tilespmem:s31+$0x1400] =	vst v3  }
0x2e3: {  	v3 =	vld [tilespmem:s1+$0xCC00];
	v6 =	vadd.f32 v6, v7  }
0x2e4: {  	v7 =	vld [tilespmem:s2+$0x1C00];
	v4 =	vadd.f32 v4, v5  }
0x2e5: {  	[tilespmem:s2+$0x1400] =	vst v6;
	v5 =	vld [tilespmem:s28+$0x400]  }
0x2e6: {  	v6 =	vld [tilespmem:s10+$0xCC00];
	[tilespmem:s28+$0x1870] =	vst v4  }
0x2e7: {  	v4 =	vld [tilespmem:s9+$0x8400]  }
0x2e8: {  	v3 =	vadd.f32 v3, v8;
	_ =	sdelay $0x1  }
0x2e9: {  	v8 =	vld [tilespmem:s31+$0x410];
	[tilespmem:s31+$0x1C00] =	vst v3  }
0x2ea: {  	v3 =	vld [tilespmem:s24+$0x8410];
	v6 =	vadd.f32 v6, v7  }
0x2eb: {  	v7 =	vld [tilespmem:s2+$0x410];
	v4 =	vadd.f32 v4, v5  }
0x2ec: {  	[tilespmem:s2+$0x1C00] =	vst v6;
	v5 =	vld [tilespmem:s28+$0xC00]  }
0x2ed: {  	v6 =	vld [tilespmem:s7+$0x8410];
	[tilespmem:s28+$0x400] =	vst v4  }
0x2ee: {  	v4 =	vld [tilespmem:s29+$0xA400]  }
0x2ef: {  	v3 =	vadd.f32 v3, v8;
	_ =	sdelay $0x1  }
0x2f0: {  	v8 =	vld [tilespmem:s31+$0xC10];
	[tilespmem:s31+$0x410] =	vst v3  }
0x2f1: {  	v3 =	vld [tilespmem:s0+$0xA410];
	v6 =	vadd.f32 v6, v7  }
0x2f2: {  	v7 =	vld [tilespmem:s2+$0xC10];
	v4 =	vadd.f32 v4, v5  }
0x2f3: {  	[tilespmem:s2+$0x410] =	vst v6;
	v5 =	vld [tilespmem:s28+$0x1400]  }
0x2f4: {  	v6 =	vld [tilespmem:s25+$0xA410];
	[tilespmem:s28+$0xC00] =	vst v4  }
0x2f5: {  	v4 =	vld [tilespmem:s11+$0xAC00]  }
0x2f6: {  	v3 =	vadd.f32 v3, v8;
	_ =	sdelay $0x1  }
0x2f7: {  	v8 =	vld [tilespmem:s31+$0x1410];
	[tilespmem:s31+$0xC10] =	vst v3  }
0x2f8: {  	v3 =	vld [tilespmem:s26+$0xAC10];
	v6 =	vadd.f32 v6, v7  }
0x2f9: {  	v7 =	vld [tilespmem:s2+$0x1410];
	v4 =	vadd.f32 v4, v5  }
0x2fa: {  	[tilespmem:s2+$0xC10] =	vst v6;
	v5 =	vld [tilespmem:s28+$0x1C00]  }
0x2fb: {  	v6 =	vld [tilespmem:s8+$0xAC10];
	[tilespmem:s28+$0x1400] =	vst v4  }
0x2fc: {  	v4 =	vld [tilespmem:s5+$0xCC00]  }
0x2fd: {  	v3 =	vadd.f32 v3, v8;
	_ =	sdelay $0x1  }
0x2fe: {  	v8 =	vld [tilespmem:s31+$0x1C10];
	[tilespmem:s31+$0x1410] =	vst v3  }
0x2ff: {  	v3 =	vld [tilespmem:s1+$0xCC10];
	v6 =	vadd.f32 v6, v7  }
0x300: {  	v7 =	vld [tilespmem:s2+$0x1C10];
	v4 =	vadd.f32 v4, v5  }
0x301: {  	[tilespmem:s2+$0x1410] =	vst v6;
	v5 =	vld [tilespmem:s28+$0x410]  }
0x302: {  	v6 =	vld [tilespmem:s10+$0xCC10];
	[tilespmem:s28+$0x1C00] =	vst v4  }
0x303: {  	v4 =	vld [tilespmem:s9+$0x8410]  }
0x304: {  	v3 =	vadd.f32 v3, v8;
	_ =	sdelay $0x1  }
0x305: {  	v8 =	vld [tilespmem:s31+$0x420];
	[tilespmem:s31+$0x1C10] =	vst v3  }
0x306: {  	v3 =	vld [tilespmem:s24+$0x8420];
	v6 =	vadd.f32 v6, v7  }
0x307: {  	v7 =	vld [tilespmem:s2+$0x420];
	v4 =	vadd.f32 v4, v5  }
0x308: {  	[tilespmem:s2+$0x1C10] =	vst v6;
	v5 =	vld [tilespmem:s28+$0xC10]  }
0x309: {  	v6 =	vld [tilespmem:s7+$0x8420];
	[tilespmem:s28+$0x410] =	vst v4  }
0x30a: {  	v4 =	vld [tilespmem:s29+$0xA410]  }
0x30b: {  	v3 =	vadd.f32 v3, v8;
	_ =	sdelay $0x1  }
0x30c: {  	v8 =	vld [tilespmem:s31+$0xC20];
	[tilespmem:s31+$0x420] =	vst v3  }
0x30d: {  	v3 =	vld [tilespmem:s0+$0xA420];
	v6 =	vadd.f32 v6, v7  }
0x30e: {  	v7 =	vld [tilespmem:s2+$0xC20];
	v4 =	vadd.f32 v4, v5  }
0x30f: {  	[tilespmem:s2+$0x420] =	vst v6;
	v5 =	vld [tilespmem:s28+$0x1410]  }
0x310: {  	v6 =	vld [tilespmem:s25+$0xA420];
	[tilespmem:s28+$0xC10] =	vst v4  }
0x311: {  	v4 =	vld [tilespmem:s11+$0xAC10]  }
0x312: {  	v3 =	vadd.f32 v3, v8;
	_ =	sdelay $0x1  }
0x313: {  	v8 =	vld [tilespmem:s31+$0x1420];
	[tilespmem:s31+$0xC20] =	vst v3  }
0x314: {  	v3 =	vld [tilespmem:s26+$0xAC20];
	v6 =	vadd.f32 v6, v7  }
0x315: {  	v7 =	vld [tilespmem:s2+$0x1420];
	v4 =	vadd.f32 v4, v5  }
0x316: {  	[tilespmem:s2+$0xC20] =	vst v6;
	v5 =	vld [tilespmem:s28+$0x1C10]  }
0x317: {  	v6 =	vld [tilespmem:s8+$0xAC20];
	[tilespmem:s28+$0x1410] =	vst v4  }
0x318: {  	v4 =	vld [tilespmem:s5+$0xCC10]  }
0x319: {  	v3 =	vadd.f32 v3, v8;
	_ =	sdelay $0x1  }
0x31a: {  	v8 =	vld [tilespmem:s31+$0x1C20];
	[tilespmem:s31+$0x1420] =	vst v3  }
0x31b: {  	v3 =	vld [tilespmem:s1+$0xCC20];
	v6 =	vadd.f32 v6, v7  }
0x31c: {  	v7 =	vld [tilespmem:s2+$0x1C20];
	v4 =	vadd.f32 v4, v5  }
0x31d: {  	[tilespmem:s2+$0x1420] =	vst v6;
	v5 =	vld [tilespmem:s28+$0x420]  }
0x31e: {  	v6 =	vld [tilespmem:s10+$0xCC20];
	[tilespmem:s28+$0x1C10] =	vst v4  }
0x31f: {  	v4 =	vld [tilespmem:s9+$0x8420]  }
0x320: {  	v3 =	vadd.f32 v3, v8;
	_ =	sdelay $0x1  }
0x321: {  	v8 =	vld [tilespmem:s31+$0x430];
	[tilespmem:s31+$0x1C20] =	vst v3  }
0x322: {  	v3 =	vld [tilespmem:s24+$0x8430];
	v6 =	vadd.f32 v6, v7  }
0x323: {  	v7 =	vld [tilespmem:s2+$0x430];
	v4 =	vadd.f32 v4, v5  }
0x324: {  	[tilespmem:s2+$0x1C20] =	vst v6;
	v5 =	vld [tilespmem:s28+$0xC20]  }
0x325: {  	v6 =	vld [tilespmem:s7+$0x8430];
	[tilespmem:s28+$0x420] =	vst v4  }
0x326: {  	v4 =	vld [tilespmem:s29+$0xA420]  }
0x327: {  	v3 =	vadd.f32 v3, v8;
	_ =	sdelay $0x1  }
0x328: {  	v8 =	vld [tilespmem:s31+$0xC30];
	[tilespmem:s31+$0x430] =	vst v3  }
0x329: {  	v3 =	vld [tilespmem:s0+$0xA430];
	v6 =	vadd.f32 v6, v7  }
0x32a: {  	v7 =	vld [tilespmem:s2+$0xC30];
	v4 =	vadd.f32 v4, v5  }
0x32b: {  	[tilespmem:s2+$0x430] =	vst v6;
	v5 =	vld [tilespmem:s28+$0x1420]  }
0x32c: {  	v6 =	vld [tilespmem:s25+$0xA430];
	[tilespmem:s28+$0xC20] =	vst v4  }
0x32d: {  	v4 =	vld [tilespmem:s11+$0xAC20]  }
0x32e: {  	v3 =	vadd.f32 v3, v8;
	_ =	sdelay $0x1  }
0x32f: {  	v8 =	vld [tilespmem:s31+$0x1430];
	[tilespmem:s31+$0xC30] =	vst v3  }
0x330: {  	v3 =	vld [tilespmem:s26+$0xAC30];
	v6 =	vadd.f32 v6, v7  }
0x331: {  	v7 =	vld [tilespmem:s2+$0x1430];
	v4 =	vadd.f32 v4, v5  }
0x332: {  	[tilespmem:s2+$0xC30] =	vst v6;
	v5 =	vld [tilespmem:s28+$0x1C20]  }
0x333: {  	v6 =	vld [tilespmem:s8+$0xAC30];
	[tilespmem:s28+$0x1420] =	vst v4  }
0x334: {  	v4 =	vld [tilespmem:s5+$0xCC20]  }
0x335: {  	v3 =	vadd.f32 v3, v8;
	_ =	sdelay $0x1  }
0x336: {  	v8 =	vld [tilespmem:s31+$0x1C30];
	[tilespmem:s31+$0x1430] =	vst v3  }
0x337: {  	v3 =	vld [tilespmem:s1+$0xCC30];
	v6 =	vadd.f32 v6, v7  }
0x338: {  	v7 =	vld [tilespmem:s2+$0x1C30];
	v4 =	vadd.f32 v4, v5  }
0x339: {  	[tilespmem:s2+$0x1430] =	vst v6;
	v5 =	vld [tilespmem:s28+$0x430]  }
0x33a: {  	v6 =	vld [tilespmem:s10+$0xCC30];
	[tilespmem:s28+$0x1C20] =	vst v4  }
0x33b: {  	v4 =	vld [tilespmem:s9+$0x8430]  }
0x33c: {  	v3 =	vadd.f32 v3, v8  }
0x33d: {  	[tilespmem:s6+$0x1C30] =	vst v2;
	v2 =	vld [tilespmem:s31+$0x440]  }
0x33e: {  	v8 =	vld [tilespmem:s22+$0x8440];
	[tilespmem:s31+$0x1C30] =	vst v3  }
0x33f: {  	v3 =	vld [tilespmem:s24+$0x8440];
	v6 =	vadd.f32 v6, v7  }
0x340: {  	v7 =	vld [tilespmem:s2+$0x440];
	v4 =	vadd.f32 v4, v5  }
0x341: {  	[tilespmem:s2+$0x1C30] =	vst v6;
	v5 =	vld [tilespmem:s28+$0xC30]  }
0x342: {  	v6 =	vld [tilespmem:s7+$0x8440];
	[tilespmem:s28+$0x430] =	vst v4  }
0x343: {  	v1 =	vadd.f32 v8, v1;
	v4 =	vld [tilespmem:s29+$0xA430]  }
0x344: {  	v2 =	vadd.f32 v3, v2  }
0x345: {  	[tilespmem:s6+$0x440] =	vst v1  }
0x346: {  	v1 =	vld [tilespmem:s31+$0xC40];
	[tilespmem:s31+$0x440] =	vst v2  }
0x347: {  	v2 =	vld [tilespmem:s0+$0xA440];
	v6 =	vadd.f32 v6, v7  }
0x348: {  	v7 =	vld [tilespmem:s2+$0xC40];
	v4 =	vadd.f32 v4, v5  }
0x349: {  	[tilespmem:s2+$0x440] =	vst v6;
	v5 =	vld [tilespmem:s28+$0x1430]  }
0x34a: {  	v6 =	vld [tilespmem:s25+$0xA440];
	[tilespmem:s28+$0xC30] =	vst v4  }
0x34b: {  	v4 =	vld [tilespmem:s11+$0xAC30]  }
0x34c: {  	v1 =	vadd.f32 v2, v1;
	_ =	sdelay $0x1  }
0x34d: {  	v2 =	vld [tilespmem:s31+$0x1440];
	[tilespmem:s31+$0xC40] =	vst v1  }
0x34e: {  	v1 =	vld [tilespmem:s26+$0xAC40];
	v6 =	vadd.f32 v6, v7  }
0x34f: {  	v7 =	vld [tilespmem:s2+$0x1440];
	v4 =	vadd.f32 v4, v5  }
0x350: {  	[tilespmem:s2+$0xC40] =	vst v6;
	v5 =	vld [tilespmem:s28+$0x1C30]  }
0x351: {  	v6 =	vld [tilespmem:s8+$0xAC40];
	[tilespmem:s28+$0x1430] =	vst v4  }
0x352: {  	v4 =	vld [tilespmem:s5+$0xCC30]  }
0x353: {  	v1 =	vadd.f32 v1, v2;
	_ =	sdelay $0x1  }
0x354: {  	v2 =	vld [tilespmem:s31+$0x1C40];
	[tilespmem:s31+$0x1440] =	vst v1  }
0x355: {  	v1 =	vld [tilespmem:s1+$0xCC40];
	v6 =	vadd.f32 v6, v7  }
0x356: {  	v7 =	vld [tilespmem:s2+$0x1C40];
	v4 =	vadd.f32 v4, v5  }
0x357: {  	[tilespmem:s2+$0x1440] =	vst v6;
	v5 =	vld [tilespmem:s28+$0x440]  }
0x358: {  	v6 =	vld [tilespmem:s10+$0xCC40];
	[tilespmem:s28+$0x1C30] =	vst v4  }
0x359: {  	v4 =	vld [tilespmem:s9+$0x8440]  }
0x35a: {  	v8 =	vld [tilespmem:s6+$0xC40];
	v1 =	vadd.f32 v1, v2  }
0x35b: {  	v3 =	vld [tilespmem:s21+$0xA440]  }
0x35c: {  	v2 =	vld [tilespmem:s31+$0x450];
	[tilespmem:s31+$0x1C40] =	vst v1  }
0x35d: {  	v1 =	vld [tilespmem:s24+$0x8450];
	v6 =	vadd.f32 v6, v7  }
0x35e: {  	v7 =	vld [tilespmem:s2+$0x450];
	v4 =	vadd.f32 v4, v5  }
0x35f: {  	[tilespmem:s2+$0x1C40] =	vst v6;
	v5 =	vld [tilespmem:s28+$0xC40]  }
0x360: {  	v3 =	vadd.f32 v3, v8;
	v6 =	vld [tilespmem:s7+$0x8450];
	[tilespmem:s28+$0x440] =	vst v4  }
0x361: {  	v4 =	vld [tilespmem:s29+$0xA440]  }
0x362: {  	v8 =	vld [tilespmem:s6+$0x1440];
	[tilespmem:s6+$0xC40] =	vst v3;
	v1 =	vadd.f32 v1, v2  }
0x363: {  	v3 =	vld [tilespmem:s20+$0xAC40]  }
0x364: {  	v2 =	vld [tilespmem:s31+$0xC50];
	[tilespmem:s31+$0x450] =	vst v1  }
0x365: {  	v1 =	vld [tilespmem:s0+$0xA450];
	v6 =	vadd.f32 v6, v7  }
0x366: {  	v7 =	vld [tilespmem:s2+$0xC50];
	v4 =	vadd.f32 v4, v5  }
0x367: {  	[tilespmem:s2+$0x450] =	vst v6;
	v5 =	vld [tilespmem:s28+$0x1440]  }
0x368: {  	v3 =	vadd.f32 v3, v8;
	v6 =	vld [tilespmem:s25+$0xA450];
	[tilespmem:s28+$0xC40] =	vst v4  }
0x369: {  	v4 =	vld [tilespmem:s11+$0xAC40]  }
0x36a: {  	v8 =	vld [tilespmem:s6+$0x1C40];
	[tilespmem:s6+$0x1440] =	vst v3;
	v1 =	vadd.f32 v1, v2  }
0x36b: {  	v3 =	vld [tilespmem:s30+$0xCC40]  }
0x36c: {  	v2 =	vld [tilespmem:s31+$0x1450];
	[tilespmem:s31+$0xC50] =	vst v1  }
0x36d: {  	v1 =	vld [tilespmem:s26+$0xAC50];
	v6 =	vadd.f32 v6, v7  }
0x36e: {  	v7 =	vld [tilespmem:s2+$0x1450];
	v4 =	vadd.f32 v4, v5  }
0x36f: {  	[tilespmem:s2+$0xC50] =	vst v6;
	v5 =	vld [tilespmem:s28+$0x1C40]  }
0x370: {  	v3 =	vadd.f32 v3, v8;
	v6 =	vld [tilespmem:s8+$0xAC50];
	[tilespmem:s28+$0x1440] =	vst v4  }
0x371: {  	v4 =	vld [tilespmem:s5+$0xCC40]  }
0x372: {  	v8 =	vld [tilespmem:s6+$0x450];
	[tilespmem:s6+$0x1C40] =	vst v3;
	v1 =	vadd.f32 v1, v2  }
0x373: {  	v3 =	vld [tilespmem:s22+$0x8450]  }
0x374: {  	v2 =	vld [tilespmem:s31+$0x1C50];
	[tilespmem:s31+$0x1450] =	vst v1  }
0x375: {  	v1 =	vld [tilespmem:s1+$0xCC50];
	v6 =	vadd.f32 v6, v7  }
0x376: {  	v7 =	vld [tilespmem:s2+$0x1C50];
	v4 =	vadd.f32 v4, v5  }
0x377: {  	[tilespmem:s2+$0x1450] =	vst v6;
	v5 =	vld [tilespmem:s28+$0x450]  }
0x378: {  	v3 =	vadd.f32 v3, v8;
	v6 =	vld [tilespmem:s10+$0xCC50];
	[tilespmem:s28+$0x1C40] =	vst v4  }
0x379: {  	v4 =	vld [tilespmem:s9+$0x8450]  }
0x37a: {  	v8 =	vld [tilespmem:s6+$0xC50];
	[tilespmem:s6+$0x450] =	vst v3;
	v1 =	vadd.f32 v1, v2  }
0x37b: {  	v3 =	vld [tilespmem:s21+$0xA450]  }
0x37c: {  	v2 =	vld [tilespmem:s31+$0x460];
	[tilespmem:s31+$0x1C50] =	vst v1  }
0x37d: {  	v1 =	vld [tilespmem:s24+$0x8460];
	v6 =	vadd.f32 v6, v7  }
0x37e: {  	v7 =	vld [tilespmem:s2+$0x460];
	v4 =	vadd.f32 v4, v5  }
0x37f: {  	[tilespmem:s2+$0x1C50] =	vst v6;
	v5 =	vld [tilespmem:s28+$0xC50]  }
0x380: {  	v3 =	vadd.f32 v3, v8;
	v6 =	vld [tilespmem:s7+$0x8460];
	[tilespmem:s28+$0x450] =	vst v4  }
0x381: {  	v4 =	vld [tilespmem:s29+$0xA450]  }
0x382: {  	v8 =	vld [tilespmem:s6+$0x1450];
	[tilespmem:s6+$0xC50] =	vst v3;
	v1 =	vadd.f32 v1, v2  }
0x383: {  	v3 =	vld [tilespmem:s20+$0xAC50]  }
0x384: {  	v2 =	vld [tilespmem:s31+$0xC60];
	[tilespmem:s31+$0x460] =	vst v1  }
0x385: {  	v1 =	vld [tilespmem:s0+$0xA460];
	v6 =	vadd.f32 v6, v7  }
0x386: {  	v7 =	vld [tilespmem:s2+$0xC60];
	v4 =	vadd.f32 v4, v5  }
0x387: {  	[tilespmem:s2+$0x460] =	vst v6;
	v5 =	vld [tilespmem:s28+$0x1450]  }
0x388: {  	v3 =	vadd.f32 v3, v8;
	v6 =	vld [tilespmem:s25+$0xA460];
	[tilespmem:s28+$0xC50] =	vst v4  }
0x389: {  	v4 =	vld [tilespmem:s11+$0xAC50]  }
0x38a: {  	v8 =	vld [tilespmem:s6+$0x1C50];
	[tilespmem:s6+$0x1450] =	vst v3;
	v1 =	vadd.f32 v1, v2  }
0x38b: {  	v3 =	vld [tilespmem:s30+$0xCC50]  }
0x38c: {  	v2 =	vld [tilespmem:s31+$0x1460];
	[tilespmem:s31+$0xC60] =	vst v1  }
0x38d: {  	v1 =	vld [tilespmem:s26+$0xAC60];
	v6 =	vadd.f32 v6, v7  }
0x38e: {  	v7 =	vld [tilespmem:s2+$0x1460];
	v4 =	vadd.f32 v4, v5  }
0x38f: {  	[tilespmem:s2+$0xC60] =	vst v6;
	v5 =	vld [tilespmem:s28+$0x1C50]  }
0x390: {  	v3 =	vadd.f32 v3, v8;
	v6 =	vld [tilespmem:s8+$0xAC60];
	[tilespmem:s28+$0x1450] =	vst v4  }
0x391: {  	v4 =	vld [tilespmem:s5+$0xCC50]  }
0x392: {  	v8 =	vld [tilespmem:s6+$0x460];
	[tilespmem:s6+$0x1C50] =	vst v3;
	v1 =	vadd.f32 v1, v2  }
0x393: {  	v3 =	vld [tilespmem:s22+$0x8460]  }
0x394: {  	v2 =	vld [tilespmem:s31+$0x1C60];
	[tilespmem:s31+$0x1460] =	vst v1  }
0x395: {  	v1 =	vld [tilespmem:s1+$0xCC60];
	v6 =	vadd.f32 v6, v7  }
0x396: {  	v7 =	vld [tilespmem:s2+$0x1C60];
	v4 =	vadd.f32 v4, v5  }
0x397: {  	[tilespmem:s2+$0x1460] =	vst v6;
	v5 =	vld [tilespmem:s28+$0x460]  }
0x398: {  	v3 =	vadd.f32 v3, v8;
	v6 =	vld [tilespmem:s10+$0xCC60];
	[tilespmem:s28+$0x1C50] =	vst v4  }
0x399: {  	v4 =	vld [tilespmem:s9+$0x8460]  }
0x39a: {  	v8 =	vld [tilespmem:s6+$0xC60];
	[tilespmem:s6+$0x460] =	vst v3;
	v1 =	vadd.f32 v1, v2  }
0x39b: {  	v3 =	vld [tilespmem:s21+$0xA460]  }
0x39c: {  	v2 =	vld [tilespmem:s31+$0x470];
	[tilespmem:s31+$0x1C60] =	vst v1  }
0x39d: {  	v1 =	vld [tilespmem:s24+$0x8470];
	v6 =	vadd.f32 v6, v7  }
0x39e: {  	v7 =	vld [tilespmem:s2+$0x470];
	v4 =	vadd.f32 v4, v5  }
0x39f: {  	[tilespmem:s2+$0x1C60] =	vst v6;
	v5 =	vld [tilespmem:s28+$0xC60]  }
0x3a0: {  	v3 =	vadd.f32 v3, v8;
	v6 =	vld [tilespmem:s7+$0x8470];
	[tilespmem:s28+$0x460] =	vst v4  }
0x3a1: {  	v4 =	vld [tilespmem:s29+$0xA460]  }
0x3a2: {  	v8 =	vld [tilespmem:s6+$0x1460];
	[tilespmem:s6+$0xC60] =	vst v3;
	v1 =	vadd.f32 v1, v2  }
0x3a3: {  	v3 =	vld [tilespmem:s20+$0xAC60]  }
0x3a4: {  	v2 =	vld [tilespmem:s31+$0xC70];
	[tilespmem:s31+$0x470] =	vst v1  }
0x3a5: {  	v1 =	vld [tilespmem:s0+$0xA470];
	v6 =	vadd.f32 v6, v7  }
0x3a6: {  	v7 =	vld [tilespmem:s2+$0xC70];
	v4 =	vadd.f32 v4, v5  }
0x3a7: {  	[tilespmem:s2+$0x470] =	vst v6;
	v5 =	vld [tilespmem:s28+$0x1460]  }
0x3a8: {  	v3 =	vadd.f32 v3, v8;
	v6 =	vld [tilespmem:s25+$0xA470];
	[tilespmem:s28+$0xC60] =	vst v4  }
0x3a9: {  	v4 =	vld [tilespmem:s11+$0xAC60]  }
0x3aa: {  	v8 =	vld [tilespmem:s6+$0x1C60];
	[tilespmem:s6+$0x1460] =	vst v3;
	v1 =	vadd.f32 v1, v2  }
0x3ab: {  	v3 =	vld [tilespmem:s30+$0xCC60]  }
0x3ac: {  	v2 =	vld [tilespmem:s31+$0x1470];
	[tilespmem:s31+$0xC70] =	vst v1  }
0x3ad: {  	v1 =	vld [tilespmem:s26+$0xAC70];
	v6 =	vadd.f32 v6, v7  }
0x3ae: {  	v7 =	vld [tilespmem:s2+$0x1470];
	v4 =	vadd.f32 v4, v5  }
0x3af: {  	[tilespmem:s2+$0xC70] =	vst v6;
	v5 =	vld [tilespmem:s28+$0x1C60]  }
0x3b0: {  	v3 =	vadd.f32 v3, v8;
	v6 =	vld [tilespmem:s8+$0xAC70];
	[tilespmem:s28+$0x1460] =	vst v4  }
0x3b1: {  	v4 =	vld [tilespmem:s5+$0xCC60]  }
0x3b2: {  	v8 =	vld [tilespmem:s6+$0x470];
	[tilespmem:s6+$0x1C60] =	vst v3;
	v1 =	vadd.f32 v1, v2  }
0x3b3: {  	v3 =	vld [tilespmem:s22+$0x8470]  }
0x3b4: {  	v2 =	vld [tilespmem:s31+$0x1C70];
	[tilespmem:s31+$0x1470] =	vst v1  }
0x3b5: {  	v1 =	vld [tilespmem:s1+$0xCC70];
	v6 =	vadd.f32 v6, v7  }
0x3b6: {  	v7 =	vld [tilespmem:s2+$0x1C70];
	v4 =	vadd.f32 v4, v5  }
0x3b7: {  	[tilespmem:s2+$0x1470] =	vst v6;
	v5 =	vld [tilespmem:s28+$0x470]  }
0x3b8: {  	v6 =	vld [tilespmem:s10+$0xCC70];
	[tilespmem:s28+$0x1C60] =	vst v4  }
0x3b9: {  	v4 =	vld [tilespmem:s9+$0x8470];
	_ =	sdelay $0x1  }
0x3ba: {  	v3 =	vadd.f32 v3, v8  }
0x3bb: {  	[tilespmem:s3+$0x1C70] =	vst v0;
	v0 =	vadd.f32 v1, v2  }
0x3bc: {  	[tilespmem:s6+$0x470] =	vst v3;
	v1 =	vadd.f32 v6, v7  }
0x3bd: {  	v8 =	vld [tilespmem:s6+$0xC70];
	[tilespmem:s31+$0x1C70] =	vst v0;
	v0 =	vadd.f32 v4, v5  }
0x3be: {  	v3 =	vld [tilespmem:s21+$0xA470];
	[tilespmem:s2+$0x1C70] =	vst v1  }
0x3bf: {  	v1 =	vld [tilespmem:s28+$0xC70];
	[tilespmem:s28+$0x470] =	vst v0  }
0x3c0: {  	v0 =	vld [tilespmem:s29+$0xA470];
	_ =	sdelay $0x2  }
0x3c1: {  	v3 =	vadd.f32 v3, v8;
	_ =	sdelay $0x1  }
0x3c2: {  	v8 =	vld [tilespmem:s6+$0x1470];
	[tilespmem:s6+$0xC70] =	vst v3;
	v0 =	vadd.f32 v0, v1  }
0x3c3: {  	v3 =	vld [tilespmem:s20+$0xAC70]  }
0x3c4: {  	v1 =	vld [tilespmem:s28+$0x1470];
	[tilespmem:s28+$0xC70] =	vst v0  }
0x3c5: {  	v0 =	vld [tilespmem:s11+$0xAC70];
	_ =	sdelay $0x2  }
0x3c6: {  	v3 =	vadd.f32 v3, v8;
	_ =	sdelay $0x1  }
0x3c7: {  	v8 =	vld [tilespmem:s6+$0x1C70];
	[tilespmem:s6+$0x1470] =	vst v3;
	v0 =	vadd.f32 v0, v1  }
0x3c8: {  	v3 =	vld [tilespmem:s30+$0xCC70]  }
0x3c9: {  	v1 =	vld [tilespmem:s28+$0x1C70];
	[tilespmem:s28+$0x1470] =	vst v0  }
0x3ca: {  	v0 =	vld [tilespmem:s5+$0xCC70];
	_ =	sdelay $0x2  }
0x3cb: {  	v3 =	vadd.f32 v3, v8;
	_ =	sdelay $0x1  }
0x3cc: {  	[tilespmem:s6+$0x1C70] =	vst v3;
	v0 =	vadd.f32 v0, v1  }
0x3cd: {  	s2 =	rddreg [dreg:$0x8]  }
0x3ce: {  	s3 =	rddreg [dreg:$0x1b];
	[tilespmem:s28+$0x1C70] =	vst v0  }
0x3cf: {  	s10 =	sadd.s32 s2, s3;
	s11 =	rddreg [dreg:$0x5]  }
0x3d0: {  	s0 =	sshll.u32 s10, $0x7;
	s14 =	rddreg [dreg:$0x19]  }
0x3d1: {  	s13 =	simm.s32 $0x0;
	s0 =	sadd.s32 s11, s0;
	p0 =	seq.s32 s14, $0xF  }
0x3d2: {  	[hbm4b:s0+s13] =	stream.linear.scatter [tilespmem:s13], [sflag:$0x4], $0x4000, $0x38;
	[tilespmem:$0x1C800] =	vst v63  }
0x3d3: {  	s0 =	simm.s32 @!p0 $0x4  }
0x3d4: {  	s1 =	sadd.s32 @!p0 $0x20, s3;
	_ =	swait.ge @!p0 [sflag:s0], $0x4000  }
0x3d5: {  	s2 =	sadd.s32 @!p0 s2, s1;
	[sflag:s0] =	ssyncset.done @!p0 $0x0  }
0x3d6: {  	[sflag:s0] =	ssyncadd.s32 @!p0 $0xFFFFC000;
	s0 =	sshll.u32 @!p0 s2, $0x7;
	s2 =	rddreg [dreg:$0x9]  }
0x3d7: {  	s1 =	sadd.s32 @!p0 s2, s1;
	s2 =	rddreg [dreg:$0x0]  }
0x3d8: {  	s0 =	sadd.s32 @!p0 s2, s0;
	s2 =	simm.s32 @!p0 $0x0  }
0x3d9: {  	[tilespmem:s2], [sflag:$0x2] =	stream.linear.gather @!p0 [hbm4b:s0+s2], $0x4000, $0x38;
	[tilespmem:$0x1C800] =	vst v63  }
0x3da: {  	s0 =	sshll.u32 @!p0 s1, $0x5;
	s1 =	rddreg [dreg:$0x1]  }
0x3db: {  	s15 =	simm.s32 $0x3;
	s0 =	sadd.s32 @!p0 s1, s0;
	s1 =	simm.s32 @!p0 $0x8000  }
0x3dc: {  	[tilespmem:s1], [sflag:$0x2] =	stream.linear.gather @!p0 [hbm4b:s0+s2], $0x1000, $0x38;
	[tilespmem:$0x1C800] =	vst v63  }
0x3dd: {  	_ =	swait.ge [sflag:s15], $0x4000  }
0x3de: {  	[sflag:s15] =	ssyncset.done $0x0  }
0x3df: {  	s17 =	simm.s32 $0x0;
	s20 =	simm.s32 $0x0;
	[sflag:s15] =	ssyncadd.s32 $0xFFFFC000  }
0x3e0: {  	s18 =	simm.s32 $0x0;
	s21 =	sand.u32 $0x3FFFF800, s20;
	_ =	swait.ge [sflag:s15], $0x1000  }
0x3e1: {  	s0 =	sand.u32 $0x380, s17;
	s1 =	sand.u32 $0x3FFFE000, s18;
	[sflag:s15] =	ssyncset.done $0x0  }
0x3e2: {  	s3 =	sor.u32 s0, s1;
	s22 =	rddreg [dreg:$0x14];
	[sflag:s15] =	ssyncadd.s32 $0xFFFFF000  }
0x3e3: {  	s29 =	sor.u32 s0, s21;
	s23 =	smulhi.u32 $0xCCCCCCCD, s22;
	v0 =	vld [tilespmem:s3+$0x4000]  }
0x3e4: {  	v1 =	vld [tilespmem:s29+$0x9000]  }
0x3e5: {  	s0 =	sshrl.u32 s23, $0x2  }
0x3e6: {  	s0 =	smul.u32 $0xFFFFF600, s0;
	_ =	sdelay $0x1  }
0x3e7: {  	s0 =	sshra.s32 s0, $0x2  }
0x3e8: {  	v0 =	vadd.f32 v1, v0;
	s0 =	sadd.s32 s4, s0  }
0x3e9: {  	s0 =	sadd.s32 s12, s0  }
0x3ea: {  	s24 =	smulhi.u32 $0x51EB851F, s22;
	[tilespmem:s3+$0x4000] =	vst v0;
	v0 =	vld [tilespmem:s3+$0x4800];
	s28 =	sadd.s32 $0x0, s0  }
0x3eb: {  	v1 =	vld [tilespmem:s28+$0xA800]  }
0x3ec: {  	s0 =	sshrl.u32 s24, $0x3  }
0x3ed: {  	s25 =	smul.u32 $0xC80, s0  }
0x3ee: {  	s0 =	smul.u32 $0x1900, s0  }
0x3ef: {  	s26 =	rddreg [dreg:$0x15];
	s1 =	ssub.s32 s19, s25  }
0x3f0: {  	s0 =	ssub.s32 s26, s0;
	s1 =	sadd.s32 $0x0, s1;
	v0 =	vadd.f32 v1, v0  }
0x3f1: {  	s0 =	sand.u32 $0x1800, s0;
	s1 =	sand.u32 $0x380, s1  }
0x3f2: {  	s8 =	sshrl.u32 s22, $0x2;
	s10 =	sor.u32 s1, s0;
	[tilespmem:s3+$0x4800] =	vst v0;
	v0 =	vld [tilespmem:s3+$0x5000]  }
0x3f3: {  	s0 =	smulhi.u32 $0x20820821, s8;
	v1 =	vld [tilespmem:s10+$0xA800];
	_ =	sdelay $0x1  }
0x3f4: {  	s0 =	sshrl.u32 s0, $0x3  }
0x3f5: {  	s9 =	sshll.u32 s0, $0x9  }
0x3f6: {  	s0 =	sshll.u32 s0, $0xA;
	s1 =	sadd.s32 s9, s19  }
0x3f7: {  	s0 =	sadd.s32 s0, s26;
	s1 =	sadd.s32 $0x0, s1;
	v0 =	vadd.f32 v1, v0  }
0x3f8: {  	s0 =	sand.u32 $0xF800, s0;
	s1 =	sand.u32 $0x380, s1  }
0x3f9: {  	s9 =	sor.u32 s1, s0;
	[tilespmem:s3+$0x5000] =	vst v0;
	v0 =	vld [tilespmem:s3+$0x5800]  }
0x3fa: {  	v1 =	vld [tilespmem:s9+$0xC800];
	_ =	sdelay $0x4  }
0x3fb: {  	v0 =	vadd.f32 v1, v0;
	_ =	sdelay $0x1  }
0x3fc: {  	[tilespmem:s3+$0x5800] =	vst v0;
	v0 =	vld [tilespmem:s3+$0x4010]  }
0x3fd: {  	v1 =	vld [tilespmem:s29+$0x9010];
	_ =	sdelay $0x4  }
0x3fe: {  	v0 =	vadd.f32 v1, v0;
	_ =	sdelay $0x1  }
0x3ff: {  	[tilespmem:s3+$0x4010] =	vst v0;
	v0 =	vld [tilespmem:s3+$0x4810]  }
0x400: {  	v1 =	vld [tilespmem:s28+$0xA810];
	_ =	sdelay $0x4  }
0x401: {  	v0 =	vadd.f32 v1, v0;
	_ =	sdelay $0x1  }
0x402: {  	[tilespmem:s3+$0x4810] =	vst v0;
	v0 =	vld [tilespmem:s3+$0x5010]  }
0x403: {  	v1 =	vld [tilespmem:s10+$0xA810];
	_ =	sdelay $0x4  }
0x404: {  	v0 =	vadd.f32 v1, v0;
	_ =	sdelay $0x1  }
0x405: {  	[tilespmem:s3+$0x5010] =	vst v0;
	v0 =	vld [tilespmem:s3+$0x5810]  }
0x406: {  	v1 =	vld [tilespmem:s9+$0xC810];
	_ =	sdelay $0x4  }
0x407: {  	v0 =	vadd.f32 v1, v0;
	_ =	sdelay $0x1  }
0x408: {  	[tilespmem:s3+$0x5810] =	vst v0;
	v0 =	vld [tilespmem:s3+$0x4020]  }
0x409: {  	v1 =	vld [tilespmem:s29+$0x9020];
	_ =	sdelay $0x4  }
0x40a: {  	v0 =	vadd.f32 v1, v0;
	_ =	sdelay $0x1  }
0x40b: {  	[tilespmem:s3+$0x4020] =	vst v0;
	v0 =	vld [tilespmem:s3+$0x4820]  }
0x40c: {  	v1 =	vld [tilespmem:s28+$0xA820];
	_ =	sdelay $0x4  }
0x40d: {  	v0 =	vadd.f32 v1, v0;
	_ =	sdelay $0x1  }
0x40e: {  	[tilespmem:s3+$0x4820] =	vst v0;
	v0 =	vld [tilespmem:s3+$0x5020]  }
0x40f: {  	v1 =	vld [tilespmem:s10+$0xA820];
	_ =	sdelay $0x4  }
0x410: {  	v0 =	vadd.f32 v1, v0;
	_ =	sdelay $0x1  }
0x411: {  	[tilespmem:s3+$0x5020] =	vst v0;
	v0 =	vld [tilespmem:s3+$0x5820]  }
0x412: {  	v1 =	vld [tilespmem:s9+$0xC820];
	_ =	sdelay $0x4  }
0x413: {  	v0 =	vadd.f32 v1, v0;
	_ =	sdelay $0x1  }
0x414: {  	[tilespmem:s3+$0x5820] =	vst v0;
	v0 =	vld [tilespmem:s3+$0x4030]  }
0x415: {  	v1 =	vld [tilespmem:s29+$0x9030];
	_ =	sdelay $0x4  }
0x416: {  	v0 =	vadd.f32 v1, v0;
	_ =	sdelay $0x1  }
0x417: {  	[tilespmem:s3+$0x4030] =	vst v0;
	v0 =	vld [tilespmem:s3+$0x4830]  }
0x418: {  	v1 =	vld [tilespmem:s28+$0xA830];
	_ =	sdelay $0x4  }
0x419: {  	v0 =	vadd.f32 v1, v0;
	_ =	sdelay $0x1  }
0x41a: {  	[tilespmem:s3+$0x4830] =	vst v0;
	v0 =	vld [tilespmem:s3+$0x5030]  }
0x41b: {  	v1 =	vld [tilespmem:s10+$0xA830];
	_ =	sdelay $0x4  }
0x41c: {  	v0 =	vadd.f32 v1, v0;
	_ =	sdelay $0x1  }
0x41d: {  	s13 =	simm.s32 $0x80;
	s15 =	simm.s32 $0x100;
	[tilespmem:s3+$0x5030] =	vst v0;
	v0 =	vld [tilespmem:s3+$0x5830]  }
0x41e: {  	s11 =	simm.s32 $0x400;
	s14 =	sand.u32 $0x380, s13;
	s17 =	sand.u32 $0x3FFFF800, s15;
	v1 =	vld [tilespmem:s9+$0xC830]  }
0x41f: {  	s18 =	sadd.s32 $0x1, s22;
	s22 =	sor.u32 s14, s17;
	s0 =	sand.u32 $0x3FFFE000, s11  }
0x420: {  	s21 =	smulhi.u32 $0xCCCCCCCD, s18;
	v3 =	vld [tilespmem:s22+$0x9000];
	s13 =	sor.u32 s14, s0  }
0x421: {  	v2 =	vld [tilespmem:s13+$0x4000]  }
0x422: {  	s0 =	sshrl.u32 s21, $0x2  }
0x423: {  	s0 =	smul.u32 $0xFFFFF600, s0;
	v0 =	vadd.f32 v1, v0;
	_ =	sdelay $0x1  }
0x424: {  	s0 =	sshra.s32 s0, $0x2;
	v1 =	vld [tilespmem:s3+$0x4040];
	[tilespmem:s3+$0x5830] =	vst v0  }
0x425: {  	s0 =	sadd.s32 s4, s0;
	v2 =	vadd.f32 v3, v2;
	v0 =	vld [tilespmem:s29+$0x9040]  }
0x426: {  	s0 =	sadd.s32 s12, s0  }
0x427: {  	s23 =	smulhi.u32 $0x51EB851F, s18;
	s6 =	sadd.s32 $0x80, s0;
	[tilespmem:s13+$0x4000] =	vst v2;
	v2 =	vld [tilespmem:s13+$0x4800]  }
0x428: {  	v3 =	vld [tilespmem:s6+$0xA800]  }
0x429: {  	s0 =	sshrl.u32 s23, $0x3  }
0x42a: {  	s24 =	smul.u32 $0xC80, s0;
	v0 =	vadd.f32 v0, v1  }
0x42b: {  	s25 =	smul.u32 $0x1900, s0  }
0x42c: {  	s26 =	sadd.s32 $0x100, s26;
	s2 =	ssub.s32 s19, s24;
	v1 =	vld [tilespmem:s3+$0x4840];
	[tilespmem:s3+$0x4040] =	vst v0  }
0x42d: {  	s5 =	ssub.s32 s26, s25;
	s2 =	sadd.s32 $0x80, s2;
	v2 =	vadd.f32 v3, v2;
	v0 =	vld [tilespmem:s28+$0xA840]  }
0x42e: {  	s5 =	sand.u32 $0x1800, s5;
	s2 =	sand.u32 $0x380, s2  }
0x42f: {  	s21 =	sor.u32 s2, s5;
	s5 =	sshrl.u32 s18, $0x2;
	[tilespmem:s13+$0x4800] =	vst v2;
	v2 =	vld [tilespmem:s13+$0x5000]  }
0x430: {  	s2 =	smulhi.u32 $0x20820821, s5;
	v3 =	vld [tilespmem:s21+$0xA800];
	_ =	sdelay $0x1  }
0x431: {  	s2 =	sshrl.u32 s2, $0x3;
	v0 =	vadd.f32 v0, v1  }
0x432: {  	s7 =	sshll.u32 s2, $0x9  }
0x433: {  	s2 =	sshll.u32 s2, $0xA;
	s5 =	sadd.s32 s7, s19;
	v1 =	vld [tilespmem:s3+$0x5040];
	[tilespmem:s3+$0x4840] =	vst v0  }
0x434: {  	s2 =	sadd.s32 s2, s26;
	s5 =	sadd.s32 $0x80, s5;
	v2 =	vadd.f32 v3, v2;
	v0 =	vld [tilespmem:s10+$0xA840]  }
0x435: {  	s2 =	sand.u32 $0xF800, s2;
	s5 =	sand.u32 $0x380, s5  }
0x436: {  	s20 =	sor.u32 s5, s2;
	[tilespmem:s13+$0x5000] =	vst v2;
	v2 =	vld [tilespmem:s13+$0x5800]  }
0x437: {  	v3 =	vld [tilespmem:s20+$0xC800];
	_ =	sdelay $0x1  }
0x438: {  	v0 =	vadd.f32 v0, v1;
	_ =	sdelay $0x1  }
0x439: {  	v1 =	vld [tilespmem:s3+$0x5840];
	[tilespmem:s3+$0x5040] =	vst v0  }
0x43a: {  	v2 =	vadd.f32 v3, v2;
	v0 =	vld [tilespmem:s9+$0xC840];
	_ =	sdelay $0x1  }
0x43b: {  	[tilespmem:s13+$0x5800] =	vst v2;
	v2 =	vld [tilespmem:s13+$0x4010]  }
0x43c: {  	v3 =	vld [tilespmem:s22+$0x9010];
	_ =	sdelay $0x1  }
0x43d: {  	v0 =	vadd.f32 v0, v1;
	_ =	sdelay $0x1  }
0x43e: {  	v1 =	vld [tilespmem:s3+$0x4050];
	[tilespmem:s3+$0x5840] =	vst v0  }
0x43f: {  	v2 =	vadd.f32 v3, v2;
	v0 =	vld [tilespmem:s29+$0x9050];
	_ =	sdelay $0x1  }
0x440: {  	[tilespmem:s13+$0x4010] =	vst v2;
	v2 =	vld [tilespmem:s13+$0x4810]  }
0x441: {  	v3 =	vld [tilespmem:s6+$0xA810];
	_ =	sdelay $0x1  }
0x442: {  	v0 =	vadd.f32 v0, v1;
	_ =	sdelay $0x1  }
0x443: {  	v1 =	vld [tilespmem:s3+$0x4850];
	[tilespmem:s3+$0x4050] =	vst v0  }
0x444: {  	v2 =	vadd.f32 v3, v2;
	v0 =	vld [tilespmem:s28+$0xA850];
	_ =	sdelay $0x1  }
0x445: {  	[tilespmem:s13+$0x4810] =	vst v2;
	v2 =	vld [tilespmem:s13+$0x5010]  }
0x446: {  	v3 =	vld [tilespmem:s21+$0xA810];
	_ =	sdelay $0x1  }
0x447: {  	v0 =	vadd.f32 v0, v1;
	_ =	sdelay $0x1  }
0x448: {  	v1 =	vld [tilespmem:s3+$0x5050];
	[tilespmem:s3+$0x4850] =	vst v0  }
0x449: {  	v2 =	vadd.f32 v3, v2;
	v0 =	vld [tilespmem:s10+$0xA850];
	_ =	sdelay $0x1  }
0x44a: {  	[tilespmem:s13+$0x5010] =	vst v2;
	v2 =	vld [tilespmem:s13+$0x5810]  }
0x44b: {  	v3 =	vld [tilespmem:s20+$0xC810];
	_ =	sdelay $0x1  }
0x44c: {  	v0 =	vadd.f32 v0, v1;
	_ =	sdelay $0x1  }
0x44d: {  	v1 =	vld [tilespmem:s3+$0x5850];
	[tilespmem:s3+$0x5050] =	vst v0  }
0x44e: {  	v2 =	vadd.f32 v3, v2;
	v0 =	vld [tilespmem:s9+$0xC850];
	_ =	sdelay $0x1  }
0x44f: {  	[tilespmem:s13+$0x5810] =	vst v2;
	v2 =	vld [tilespmem:s13+$0x4020]  }
0x450: {  	v3 =	vld [tilespmem:s22+$0x9020];
	_ =	sdelay $0x1  }
0x451: {  	v0 =	vadd.f32 v0, v1;
	_ =	sdelay $0x1  }
0x452: {  	v1 =	vld [tilespmem:s3+$0x4060];
	[tilespmem:s3+$0x5850] =	vst v0  }
0x453: {  	v2 =	vadd.f32 v3, v2;
	v0 =	vld [tilespmem:s29+$0x9060];
	_ =	sdelay $0x1  }
0x454: {  	[tilespmem:s13+$0x4020] =	vst v2;
	v2 =	vld [tilespmem:s13+$0x4820]  }
0x455: {  	v3 =	vld [tilespmem:s6+$0xA820];
	_ =	sdelay $0x1  }
0x456: {  	v0 =	vadd.f32 v0, v1;
	_ =	sdelay $0x1  }
0x457: {  	v1 =	vld [tilespmem:s3+$0x4860];
	[tilespmem:s3+$0x4060] =	vst v0  }
0x458: {  	v2 =	vadd.f32 v3, v2;
	v0 =	vld [tilespmem:s28+$0xA860];
	_ =	sdelay $0x1  }
0x459: {  	[tilespmem:s13+$0x4820] =	vst v2;
	v2 =	vld [tilespmem:s13+$0x5020]  }
0x45a: {  	v3 =	vld [tilespmem:s21+$0xA820];
	_ =	sdelay $0x1  }
0x45b: {  	v0 =	vadd.f32 v0, v1;
	_ =	sdelay $0x1  }
0x45c: {  	v1 =	vld [tilespmem:s3+$0x5060];
	[tilespmem:s3+$0x4860] =	vst v0  }
0x45d: {  	v0 =	vadd.f32 v3, v2;
	v2 =	vld [tilespmem:s10+$0xA860];
	_ =	sdelay $0x4  }
0x45e: {  	[tilespmem:s13+$0x5020] =	vst v0;
	v0 =	vld [tilespmem:s13+$0x5820];
	v1 =	vadd.f32 v2, v1  }
0x45f: {  	v3 =	vld [tilespmem:s20+$0xC820]  }
0x460: {  	v2 =	vld [tilespmem:s3+$0x5860];
	[tilespmem:s3+$0x5060] =	vst v1  }
0x461: {  	v1 =	vld [tilespmem:s9+$0xC860];
	_ =	sdelay $0x2  }
0x462: {  	v0 =	vadd.f32 v3, v0;
	_ =	sdelay $0x1  }
0x463: {  	[tilespmem:s13+$0x5820] =	vst v0;
	v0 =	vld [tilespmem:s13+$0x4030];
	v1 =	vadd.f32 v1, v2  }
0x464: {  	v3 =	vld [tilespmem:s22+$0x9030]  }
0x465: {  	v2 =	vld [tilespmem:s3+$0x4070];
	[tilespmem:s3+$0x5860] =	vst v1  }
0x466: {  	v1 =	vld [tilespmem:s29+$0x9070];
	_ =	sdelay $0x2  }
0x467: {  	v0 =	vadd.f32 v3, v0;
	_ =	sdelay $0x1  }
0x468: {  	[tilespmem:s13+$0x4030] =	vst v0;
	v0 =	vld [tilespmem:s13+$0x4830];
	v1 =	vadd.f32 v1, v2  }
0x469: {  	v2 =	vld [tilespmem:s6+$0xA830]  }
0x46a: {  	v3 =	vld [tilespmem:s3+$0x4870];
	[tilespmem:s3+$0x4070] =	vst v1  }
0x46b: {  	v1 =	vld [tilespmem:s28+$0xA870];
	_ =	sdelay $0x2  }
0x46c: {  	v0 =	vadd.f32 v2, v0;
	_ =	sdelay $0x1  }
0x46d: {  	[tilespmem:s13+$0x4830] =	vst v0;
	v0 =	vadd.f32 v1, v3;
	v1 =	vld [tilespmem:s13+$0x5030]  }
0x46e: {  	v3 =	vld [tilespmem:s21+$0xA830]  }
0x46f: {  	v2 =	vld [tilespmem:s3+$0x5070];
	[tilespmem:s3+$0x4870] =	vst v0  }
0x470: {  	v0 =	vld [tilespmem:s10+$0xA870];
	_ =	sdelay $0x2  }
0x471: {  	v1 =	vadd.f32 v3, v1;
	_ =	sdelay $0x1  }
0x472: {  	[tilespmem:s13+$0x5030] =	vst v1;
	v1 =	vld [tilespmem:s13+$0x5830];
	v0 =	vadd.f32 v0, v2  }
0x473: {  	s8 =	simm.s32 $0x800;
	s11 =	simm.s32 $0x100;
	v2 =	vld [tilespmem:s3+$0x5870]  }
0x474: {  	s14 =	simm.s32 $0x200;
	s5 =	sand.u32 $0x380, s11;
	s2 =	sand.u32 $0x3FFFE000, s8;
	v3 =	vld [tilespmem:s20+$0xC830];
	[tilespmem:s3+$0x5070] =	vst v0  }
0x475: {  	s7 =	sand.u32 $0x3FFFF800, s14;
	s30 =	sor.u32 s5, s2;
	s2 =	sadd.s32 $0x1, s18;
	v0 =	vld [tilespmem:s9+$0xC870]  }
0x476: {  	s31 =	sor.u32 s5, s7;
	v4 =	vld [tilespmem:s30+$0x4000];
	s1 =	smulhi.u32 $0xCCCCCCCD, s2  }
0x477: {  	v5 =	vld [tilespmem:s31+$0x9000]  }
0x478: {  	s1 =	sshrl.u32 s1, $0x2  }
0x479: {  	s1 =	smul.u32 $0xFFFFF600, s1;
	v1 =	vadd.f32 v3, v1  }
0x47a: {  	v3 =	vld [tilespmem:s13+$0x4040];
	v0 =	vadd.f32 v0, v2  }
0x47b: {  	s1 =	sshra.s32 s1, $0x2;
	[tilespmem:s13+$0x5830] =	vst v1;
	v2 =	vld [tilespmem:s3+$0x4400]  }
0x47c: {  	s1 =	sadd.s32 s4, s1;
	v1 =	vadd.f32 v5, v4;
	[tilespmem:s3+$0x5870] =	vst v0;
	v0 =	vld [tilespmem:s22+$0x9040]  }
0x47d: {  	s1 =	sadd.s32 s12, s1;
	v4 =	vld [tilespmem:s29+$0x9400]  }
0x47e: {  	s24 =	sadd.s32 $0x100, s1;
	[tilespmem:s30+$0x4000] =	vst v1;
	v1 =	vld [tilespmem:s30+$0x4800]  }
0x47f: {  	v5 =	vld [tilespmem:s24+$0xA800]  }
0x480: {  	s15 =	smulhi.u32 $0x51EB851F, s2  }
0x481: {  	v0 =	vadd.f32 v0, v3  }
0x482: {  	s1 =	sshrl.u32 s15, $0x3;
	v3 =	vld [tilespmem:s13+$0x4840];
	v2 =	vadd.f32 v4, v2  }
0x483: {  	s17 =	smul.u32 $0xC80, s1;
	v4 =	vld [tilespmem:s3+$0x4C00];
	[tilespmem:s13+$0x4040] =	vst v0  }
0x484: {  	s1 =	smul.u32 $0x1900, s1;
	v0 =	vadd.f32 v5, v1;
	v1 =	vld [tilespmem:s6+$0xA840];
	[tilespmem:s3+$0x4400] =	vst v2  }
0x485: {  	s5 =	sadd.s32 $0x100, s26;
	s18 =	ssub.s32 s19, s17;
	v2 =	vld [tilespmem:s28+$0xAC00]  }
0x486: {  	s0 =	ssub.s32 s5, s1;
	s23 =	sadd.s32 $0x100, s18  }
0x487: {  	s0 =	sand.u32 $0x1800, s0;
	s1 =	sand.u32 $0x380, s23  }
0x488: {  	s25 =	sshrl.u32 s2, $0x2;
	s0 =	sor.u32 s1, s0;
	[tilespmem:s30+$0x4800] =	vst v0;
	v0 =	vld [tilespmem:s30+$0x5000]  }
0x489: {  	s1 =	smulhi.u32 $0x20820821, s25;
	v5 =	vld [tilespmem:s0+$0xA800];
	v1 =	vadd.f32 v1, v3  }
0x48a: {  	v3 =	vld [tilespmem:s13+$0x5040];
	v2 =	vadd.f32 v2, v4  }
0x48b: {  	s1 =	sshrl.u32 s1, $0x3;
	v4 =	vld [tilespmem:s3+$0x5400];
	[tilespmem:s13+$0x4840] =	vst v1  }
0x48c: {  	s26 =	sshll.u32 s1, $0x9;
	v1 =	vld [tilespmem:s21+$0xA840];
	[tilespmem:s3+$0x4C00] =	vst v2  }
0x48d: {  	s1 =	sshll.u32 s1, $0xA;
	s7 =	sadd.s32 s26, s19;
	v2 =	vld [tilespmem:s10+$0xAC00]  }
0x48e: {  	s1 =	sadd.s32 s1, s5;
	s7 =	sadd.s32 $0x100, s7;
	v0 =	vadd.f32 v5, v0  }
0x48f: {  	s1 =	sand.u32 $0xF800, s1;
	s7 =	sand.u32 $0x380, s7  }
0x490: {  	s26 =	sor.u32 s7, s1;
	[tilespmem:s30+$0x5000] =	vst v0;
	v0 =	vld [tilespmem:s30+$0x5800]  }
0x491: {  	v5 =	vld [tilespmem:s26+$0xC800];
	v1 =	vadd.f32 v1, v3  }
0x492: {  	v3 =	vld [tilespmem:s13+$0x5840];
	v2 =	vadd.f32 v2, v4  }
0x493: {  	v4 =	vld [tilespmem:s3+$0x5C00];
	[tilespmem:s13+$0x5040] =	vst v1  }
0x494: {  	v1 =	vld [tilespmem:s20+$0xC840];
	[tilespmem:s3+$0x5400] =	vst v2  }
0x495: {  	v2 =	vld [tilespmem:s9+$0xCC00]  }
0x496: {  	v0 =	vadd.f32 v5, v0;
	_ =	sdelay $0x1  }
0x497: {  	[tilespmem:s30+$0x5800] =	vst v0;
	v0 =	vld [tilespmem:s30+$0x4010]  }
0x498: {  	v5 =	vld [tilespmem:s31+$0x9010];
	v1 =	vadd.f32 v1, v3  }
0x499: {  	v3 =	vld [tilespmem:s13+$0x4050];
	v2 =	vadd.f32 v2, v4  }
0x49a: {  	v4 =	vld [tilespmem:s3+$0x4410];
	[tilespmem:s13+$0x5840] =	vst v1  }
0x49b: {  	v1 =	vld [tilespmem:s22+$0x9050];
	[tilespmem:s3+$0x5C00] =	vst v2  }
0x49c: {  	v2 =	vld [tilespmem:s29+$0x9410]  }
0x49d: {  	v0 =	vadd.f32 v5, v0;
	_ =	sdelay $0x1  }
0x49e: {  	[tilespmem:s30+$0x4010] =	vst v0;
	v0 =	vld [tilespmem:s30+$0x4810]  }
0x49f: {  	v5 =	vld [tilespmem:s24+$0xA810];
	v1 =	vadd.f32 v1, v3  }
0x4a0: {  	v3 =	vld [tilespmem:s13+$0x4850];
	v2 =	vadd.f32 v2, v4  }
0x4a1: {  	v4 =	vld [tilespmem:s3+$0x4C10];
	[tilespmem:s13+$0x4050] =	vst v1  }
0x4a2: {  	v1 =	vld [tilespmem:s6+$0xA850];
	[tilespmem:s3+$0x4410] =	vst v2  }
0x4a3: {  	v2 =	vld [tilespmem:s28+$0xAC10]  }
0x4a4: {  	v0 =	vadd.f32 v5, v0;
	_ =	sdelay $0x1  }
0x4a5: {  	[tilespmem:s30+$0x4810] =	vst v0;
	v0 =	vld [tilespmem:s30+$0x5010]  }
0x4a6: {  	v5 =	vld [tilespmem:s0+$0xA810];
	v1 =	vadd.f32 v1, v3  }
0x4a7: {  	v3 =	vld [tilespmem:s13+$0x5050];
	v2 =	vadd.f32 v2, v4  }
0x4a8: {  	v4 =	vld [tilespmem:s3+$0x5410];
	[tilespmem:s13+$0x4850] =	vst v1  }
0x4a9: {  	v1 =	vld [tilespmem:s21+$0xA850];
	[tilespmem:s3+$0x4C10] =	vst v2  }
0x4aa: {  	v2 =	vld [tilespmem:s10+$0xAC10]  }
0x4ab: {  	v0 =	vadd.f32 v5, v0;
	_ =	sdelay $0x1  }
0x4ac: {  	[tilespmem:s30+$0x5010] =	vst v0;
	v0 =	vld [tilespmem:s30+$0x5810]  }
0x4ad: {  	v5 =	vld [tilespmem:s26+$0xC810];
	v1 =	vadd.f32 v1, v3  }
0x4ae: {  	v3 =	vld [tilespmem:s13+$0x5850];
	v2 =	vadd.f32 v2, v4  }
0x4af: {  	v4 =	vld [tilespmem:s3+$0x5C10];
	[tilespmem:s13+$0x5050] =	vst v1  }
0x4b0: {  	v1 =	vld [tilespmem:s20+$0xC850];
	[tilespmem:s3+$0x5410] =	vst v2  }
0x4b1: {  	v2 =	vld [tilespmem:s9+$0xCC10]  }
0x4b2: {  	v0 =	vadd.f32 v5, v0;
	_ =	sdelay $0x1  }
0x4b3: {  	[tilespmem:s30+$0x5810] =	vst v0;
	v0 =	vld [tilespmem:s30+$0x4020]  }
0x4b4: {  	v5 =	vld [tilespmem:s31+$0x9020];
	v1 =	vadd.f32 v1, v3  }
0x4b5: {  	v3 =	vld [tilespmem:s13+$0x4060];
	v2 =	vadd.f32 v2, v4  }
0x4b6: {  	v4 =	vld [tilespmem:s3+$0x4420];
	[tilespmem:s13+$0x5850] =	vst v1  }
0x4b7: {  	v1 =	vld [tilespmem:s22+$0x9060];
	[tilespmem:s3+$0x5C10] =	vst v2  }
0x4b8: {  	v2 =	vld [tilespmem:s29+$0x9420]  }
0x4b9: {  	v0 =	vadd.f32 v5, v0;
	_ =	sdelay $0x1  }
0x4ba: {  	[tilespmem:s30+$0x4020] =	vst v0;
	v0 =	vld [tilespmem:s30+$0x4820]  }
0x4bb: {  	v5 =	vld [tilespmem:s24+$0xA820];
	v1 =	vadd.f32 v1, v3  }
0x4bc: {  	v3 =	vld [tilespmem:s13+$0x4860];
	v2 =	vadd.f32 v2, v4  }
0x4bd: {  	v4 =	vld [tilespmem:s3+$0x4C20];
	[tilespmem:s13+$0x4060] =	vst v1  }
0x4be: {  	v1 =	vld [tilespmem:s6+$0xA860];
	[tilespmem:s3+$0x4420] =	vst v2  }
0x4bf: {  	v2 =	vld [tilespmem:s28+$0xAC20]  }
0x4c0: {  	v0 =	vadd.f32 v5, v0;
	_ =	sdelay $0x1  }
0x4c1: {  	[tilespmem:s30+$0x4820] =	vst v0;
	v0 =	vld [tilespmem:s30+$0x5020]  }
0x4c2: {  	v5 =	vld [tilespmem:s0+$0xA820];
	v1 =	vadd.f32 v1, v3  }
0x4c3: {  	v3 =	vld [tilespmem:s13+$0x5060];
	v2 =	vadd.f32 v2, v4  }
0x4c4: {  	v4 =	vld [tilespmem:s3+$0x5420];
	[tilespmem:s13+$0x4860] =	vst v1  }
0x4c5: {  	v1 =	vld [tilespmem:s21+$0xA860];
	[tilespmem:s3+$0x4C20] =	vst v2  }
0x4c6: {  	v2 =	vld [tilespmem:s10+$0xAC20]  }
0x4c7: {  	v0 =	vadd.f32 v5, v0;
	_ =	sdelay $0x1  }
0x4c8: {  	[tilespmem:s30+$0x5020] =	vst v0;
	v0 =	vld [tilespmem:s30+$0x5820]  }
0x4c9: {  	v5 =	vld [tilespmem:s26+$0xC820];
	v1 =	vadd.f32 v1, v3  }
0x4ca: {  	v3 =	vld [tilespmem:s13+$0x5860];
	v2 =	vadd.f32 v2, v4  }
0x4cb: {  	v4 =	vld [tilespmem:s3+$0x5C20];
	[tilespmem:s13+$0x5060] =	vst v1  }
0x4cc: {  	v1 =	vld [tilespmem:s20+$0xC860];
	[tilespmem:s3+$0x5420] =	vst v2  }
0x4cd: {  	v2 =	vld [tilespmem:s9+$0xCC20]  }
0x4ce: {  	v0 =	vadd.f32 v5, v0;
	_ =	sdelay $0x1  }
0x4cf: {  	[tilespmem:s30+$0x5820] =	vst v0;
	v0 =	vld [tilespmem:s30+$0x4030]  }
0x4d0: {  	v5 =	vld [tilespmem:s31+$0x9030];
	v1 =	vadd.f32 v1, v3  }
0x4d1: {  	v3 =	vld [tilespmem:s13+$0x4070];
	v2 =	vadd.f32 v2, v4  }
0x4d2: {  	v4 =	vld [tilespmem:s3+$0x4430];
	[tilespmem:s13+$0x5860] =	vst v1  }
0x4d3: {  	v1 =	vld [tilespmem:s22+$0x9070];
	[tilespmem:s3+$0x5C20] =	vst v2  }
0x4d4: {  	v2 =	vld [tilespmem:s29+$0x9430];
	_ =	sdelay $0x1  }
0x4d5: {  	v0 =	vadd.f32 v5, v0  }
0x4d6: {  	v5 =	vld [tilespmem:s13+$0x4870]  }
0x4d7: {  	[tilespmem:s30+$0x4030] =	vst v0;
	v0 =	vld [tilespmem:s30+$0x4830];
	v1 =	vadd.f32 v1, v3  }
0x4d8: {  	v3 =	vld [tilespmem:s24+$0xA830];
	v2 =	vadd.f32 v2, v4  }
0x4d9: {  	v4 =	vld [tilespmem:s3+$0x4C30];
	[tilespmem:s13+$0x4070] =	vst v1  }
0x4da: {  	v1 =	vld [tilespmem:s6+$0xA870];
	[tilespmem:s3+$0x4430] =	vst v2  }
0x4db: {  	v2 =	vld [tilespmem:s28+$0xAC30];
	_ =	sdelay $0x1  }
0x4dc: {  	v0 =	vadd.f32 v3, v0  }
0x4dd: {  	v3 =	vld [tilespmem:s13+$0x5070]  }
0x4de: {  	[tilespmem:s30+$0x4830] =	vst v0;
	v0 =	vadd.f32 v1, v5;
	v1 =	vld [tilespmem:s30+$0x5030]  }
0x4df: {  	v5 =	vld [tilespmem:s3+$0x5430];
	v2 =	vadd.f32 v2, v4  }
0x4e0: {  	v4 =	vld [tilespmem:s0+$0xA830];
	[tilespmem:s13+$0x4870] =	vst v0  }
0x4e1: {  	v0 =	vld [tilespmem:s21+$0xA870];
	[tilespmem:s3+$0x4C30] =	vst v2  }
0x4e2: {  	v2 =	vld [tilespmem:s10+$0xAC30];
	_ =	sdelay $0x2  }
0x4e3: {  	v1 =	vadd.f32 v4, v1;
	v4 =	vld [tilespmem:s3+$0x5C30]  }
0x4e4: {  	v0 =	vadd.f32 v0, v3;
	v3 =	vld [tilespmem:s13+$0x5870]  }
0x4e5: {  	[tilespmem:s30+$0x5030] =	vst v1;
	v1 =	vld [tilespmem:s30+$0x5830];
	v2 =	vadd.f32 v2, v5  }
0x4e6: {  	s8 =	simm.s32 $0xC00;
	s11 =	simm.s32 $0x180;
	v5 =	vld [tilespmem:s26+$0xC830];
	[tilespmem:s13+$0x5070] =	vst v0  }
0x4e7: {  	s14 =	simm.s32 $0x300;
	s7 =	sand.u32 $0x380, s11;
	s1 =	sand.u32 $0x3FFFE000, s8;
	v0 =	vld [tilespmem:s20+$0xC870];
	[tilespmem:s3+$0x5430] =	vst v2  }
0x4e8: {  	s8 =	sand.u32 $0x3FFFF800, s14;
	s14 =	sadd.s32 $0x1, s2;
	s1 =	sor.u32 s7, s1;
	v2 =	vld [tilespmem:s9+$0xCC30]  }
0x4e9: {  	s2 =	sor.u32 s7, s8;
	s15 =	smulhi.u32 $0xCCCCCCCD, s14;
	v6 =	vld [tilespmem:s1+$0x4000]  }
0x4ea: {  	v7 =	vld [tilespmem:s2+$0x9000]  }
0x4eb: {  	s7 =	sshrl.u32 s15, $0x2;
	v8 =	vld [tilespmem:s3+$0x4440];
	v1 =	vadd.f32 v5, v1  }
0x4ec: {  	s7 =	smul.u32 $0xFFFFF600, s7;
	v5 =	vld [tilespmem:s30+$0x4040];
	v0 =	vadd.f32 v0, v3  }
0x4ed: {  	v3 =	vld [tilespmem:s13+$0x4400];
	[tilespmem:s30+$0x5830] =	vst v1;
	v1 =	vadd.f32 v2, v4  }
0x4ee: {  	s7 =	sshra.s32 s7, $0x2;
	[tilespmem:s13+$0x5870] =	vst v0;
	v0 =	vld [tilespmem:s31+$0x9040]  }
0x4ef: {  	s7 =	sadd.s32 s4, s7;
	v2 =	vadd.f32 v7, v6;
	[tilespmem:s3+$0x5C30] =	vst v1;
	v1 =	vld [tilespmem:s22+$0x9400]  }
0x4f0: {  	s7 =	sadd.s32 s12, s7;
	v4 =	vld [tilespmem:s29+$0x9440]  }
0x4f1: {  	s7 =	sadd.s32 $0x180, s7;
	[tilespmem:s1+$0x4000] =	vst v2;
	v2 =	vld [tilespmem:s1+$0x4800]  }
0x4f2: {  	s17 =	smulhi.u32 $0x51EB851F, s14;
	v6 =	vld [tilespmem:s7+$0xA800]  }
0x4f3: {  	v7 =	vld [tilespmem:s3+$0x4C40];
	v0 =	vadd.f32 v0, v5  }
0x4f4: {  	s8 =	sshrl.u32 s17, $0x3;
	v5 =	vld [tilespmem:s30+$0x4840];
	v1 =	vadd.f32 v1, v3  }
0x4f5: {  	s18 =	smul.u32 $0xC80, s8;
	v3 =	vld [tilespmem:s13+$0x4C00];
	[tilespmem:s30+$0x4040] =	vst v0;
	v0 =	vadd.f32 v4, v8  }
0x4f6: {  	s8 =	smul.u32 $0x1900, s8;
	v4 =	vld [tilespmem:s24+$0xA840];
	[tilespmem:s13+$0x4400] =	vst v1  }
0x4f7: {  	s11 =	sadd.s32 $0x100, s5;
	s23 =	ssub.s32 s19, s18;
	v1 =	vadd.f32 v6, v2;
	v2 =	vld [tilespmem:s6+$0xAC00];
	[tilespmem:s3+$0x4440] =	vst v0  }
0x4f8: {  	s5 =	ssub.s32 s11, s8;
	s25 =	sadd.s32 $0x180, s23;
	v0 =	vld [tilespmem:s28+$0xAC40]  }
0x4f9: {  	s5 =	sand.u32 $0x1800, s5;
	s8 =	sand.u32 $0x380, s25;
	v8 =	vld [tilespmem:s3+$0x5440]  }
0x4fa: {  	s25 =	sor.u32 s8, s5;
	s8 =	sshrl.u32 s14, $0x2;
	[tilespmem:s1+$0x4800] =	vst v1;
	v1 =	vld [tilespmem:s1+$0x5000]  }
0x4fb: {  	s5 =	smulhi.u32 $0x20820821, s8;
	v6 =	vld [tilespmem:s25+$0xA800];
	v4 =	vadd.f32 v4, v5  }
0x4fc: {  	v5 =	vld [tilespmem:s30+$0x5040];
	v2 =	vadd.f32 v2, v3  }
0x4fd: {  	s5 =	sshrl.u32 s5, $0x3;
	v3 =	vld [tilespmem:s13+$0x5400];
	[tilespmem:s30+$0x4840] =	vst v4;
	v0 =	vadd.f32 v0, v7  }
0x4fe: {  	s15 =	sshll.u32 s5, $0x9;
	v4 =	vld [tilespmem:s0+$0xA840];
	[tilespmem:s13+$0x4C00] =	vst v2  }
0x4ff: {  	s5 =	sshll.u32 s5, $0xA;
	s8 =	sadd.s32 s15, s19;
	v2 =	vld [tilespmem:s21+$0xAC00];
	[tilespmem:s3+$0x4C40] =	vst v0  }
0x500: {  	s5 =	sadd.s32 s5, s11;
	s8 =	sadd.s32 $0x180, s8;
	v1 =	vadd.f32 v6, v1;
	v0 =	vld [tilespmem:s10+$0xAC40]  }
0x501: {  	s5 =	sand.u32 $0xF800, s5;
	s8 =	sand.u32 $0x380, s8;
	v7 =	vld [tilespmem:s3+$0x5C40]  }
0x502: {  	s8 =	sor.u32 s8, s5;
	[tilespmem:s1+$0x5000] =	vst v1;
	v1 =	vld [tilespmem:s1+$0x5800]  }
0x503: {  	v6 =	vld [tilespmem:s8+$0xC800];
	v4 =	vadd.f32 v4, v5  }
0x504: {  	v5 =	vld [tilespmem:s30+$0x5840];
	v2 =	vadd.f32 v2, v3  }
0x505: {  	v3 =	vld [tilespmem:s13+$0x5C00];
	[tilespmem:s30+$0x5040] =	vst v4;
	v0 =	vadd.f32 v0, v8  }
0x506: {  	v4 =	vld [tilespmem:s26+$0xC840];
	[tilespmem:s13+$0x5400] =	vst v2  }
0x507: {  	v2 =	vld [tilespmem:s20+$0xCC00];
	[tilespmem:s3+$0x5440] =	vst v0  }
0x508: {  	v1 =	vadd.f32 v6, v1;
	v0 =	vld [tilespmem:s9+$0xCC40]  }
0x509: {  	v8 =	vld [tilespmem:s3+$0x4450]  }
0x50a: {  	[tilespmem:s1+$0x5800] =	vst v1;
	v1 =	vld [tilespmem:s1+$0x4010]  }
0x50b: {  	v6 =	vld [tilespmem:s2+$0x9010];
	v4 =	vadd.f32 v4, v5  }
0x50c: {  	v5 =	vld [tilespmem:s30+$0x4050];
	v2 =	vadd.f32 v2, v3  }
0x50d: {  	v3 =	vld [tilespmem:s13+$0x4410];
	[tilespmem:s30+$0x5840] =	vst v4;
	v0 =	vadd.f32 v0, v7  }
0x50e: {  	v4 =	vld [tilespmem:s31+$0x9050];
	[tilespmem:s13+$0x5C00] =	vst v2  }
0x50f: {  	v2 =	vld [tilespmem:s22+$0x9410];
	[tilespmem:s3+$0x5C40] =	vst v0  }
0x510: {  	v1 =	vadd.f32 v6, v1;
	v0 =	vld [tilespmem:s29+$0x9450]  }
0x511: {  	v7 =	vld [tilespmem:s3+$0x4C50]  }
0x512: {  	[tilespmem:s1+$0x4010] =	vst v1;
	v1 =	vld [tilespmem:s1+$0x4810]  }
0x513: {  	v6 =	vld [tilespmem:s7+$0xA810];
	v4 =	vadd.f32 v4, v5  }
0x514: {  	v5 =	vld [tilespmem:s30+$0x4850];
	v2 =	vadd.f32 v2, v3  }
0x515: {  	v3 =	vld [tilespmem:s13+$0x4C10];
	[tilespmem:s30+$0x4050] =	vst v4;
	v0 =	vadd.f32 v0, v8  }
0x516: {  	v4 =	vld [tilespmem:s24+$0xA850];
	[tilespmem:s13+$0x4410] =	vst v2  }
0x517: {  	v2 =	vld [tilespmem:s6+$0xAC10];
	[tilespmem:s3+$0x4450] =	vst v0  }
0x518: {  	v1 =	vadd.f32 v6, v1;
	v0 =	vld [tilespmem:s28+$0xAC50]  }
0x519: {  	v8 =	vld [tilespmem:s3+$0x5450]  }
0x51a: {  	[tilespmem:s1+$0x4810] =	vst v1;
	v1 =	vld [tilespmem:s1+$0x5010]  }
0x51b: {  	v6 =	vld [tilespmem:s25+$0xA810];
	v4 =	vadd.f32 v4, v5  }
0x51c: {  	v5 =	vld [tilespmem:s30+$0x5050];
	v2 =	vadd.f32 v2, v3  }
0x51d: {  	v3 =	vld [tilespmem:s13+$0x5410];
	[tilespmem:s30+$0x4850] =	vst v4;
	v0 =	vadd.f32 v0, v7  }
0x51e: {  	v4 =	vld [tilespmem:s0+$0xA850];
	[tilespmem:s13+$0x4C10] =	vst v2  }
0x51f: {  	v2 =	vld [tilespmem:s21+$0xAC10];
	[tilespmem:s3+$0x4C50] =	vst v0  }
0x520: {  	v1 =	vadd.f32 v6, v1;
	v0 =	vld [tilespmem:s10+$0xAC50]  }
0x521: {  	v7 =	vld [tilespmem:s3+$0x5C50]  }
0x522: {  	[tilespmem:s1+$0x5010] =	vst v1;
	v1 =	vld [tilespmem:s1+$0x5810]  }
0x523: {  	v6 =	vld [tilespmem:s8+$0xC810];
	v4 =	vadd.f32 v4, v5  }
0x524: {  	v5 =	vld [tilespmem:s30+$0x5850];
	v2 =	vadd.f32 v2, v3  }
0x525: {  	v3 =	vld [tilespmem:s13+$0x5C10];
	[tilespmem:s30+$0x5050] =	vst v4;
	v0 =	vadd.f32 v0, v8  }
0x526: {  	v4 =	vld [tilespmem:s26+$0xC850];
	[tilespmem:s13+$0x5410] =	vst v2  }
0x527: {  	v2 =	vld [tilespmem:s20+$0xCC10];
	[tilespmem:s3+$0x5450] =	vst v0  }
0x528: {  	v1 =	vadd.f32 v6, v1;
	v0 =	vld [tilespmem:s9+$0xCC50]  }
0x529: {  	v8 =	vld [tilespmem:s3+$0x4460]  }
0x52a: {  	[tilespmem:s1+$0x5810] =	vst v1;
	v1 =	vld [tilespmem:s1+$0x4020]  }
0x52b: {  	v6 =	vld [tilespmem:s2+$0x9020];
	v4 =	vadd.f32 v4, v5  }
0x52c: {  	v5 =	vld [tilespmem:s30+$0x4060];
	v2 =	vadd.f32 v2, v3  }
0x52d: {  	v3 =	vld [tilespmem:s13+$0x4420];
	[tilespmem:s30+$0x5850] =	vst v4;
	v0 =	vadd.f32 v0, v7  }
0x52e: {  	v4 =	vld [tilespmem:s31+$0x9060];
	[tilespmem:s13+$0x5C10] =	vst v2  }
0x52f: {  	v2 =	vld [tilespmem:s22+$0x9420];
	[tilespmem:s3+$0x5C50] =	vst v0  }
0x530: {  	v1 =	vadd.f32 v6, v1;
	v0 =	vld [tilespmem:s29+$0x9460]  }
0x531: {  	v7 =	vld [tilespmem:s3+$0x4C60]  }
0x532: {  	[tilespmem:s1+$0x4020] =	vst v1;
	v1 =	vld [tilespmem:s1+$0x4820]  }
0x533: {  	v6 =	vld [tilespmem:s7+$0xA820];
	v4 =	vadd.f32 v4, v5  }
0x534: {  	v5 =	vld [tilespmem:s30+$0x4860];
	v2 =	vadd.f32 v2, v3  }
0x535: {  	v3 =	vld [tilespmem:s13+$0x4C20];
	[tilespmem:s30+$0x4060] =	vst v4;
	v0 =	vadd.f32 v0, v8  }
0x536: {  	v4 =	vld [tilespmem:s24+$0xA860];
	[tilespmem:s13+$0x4420] =	vst v2  }
0x537: {  	v2 =	vld [tilespmem:s6+$0xAC20];
	[tilespmem:s3+$0x4460] =	vst v0  }
0x538: {  	v1 =	vadd.f32 v6, v1;
	v0 =	vld [tilespmem:s28+$0xAC60]  }
0x539: {  	v8 =	vld [tilespmem:s3+$0x5460]  }
0x53a: {  	[tilespmem:s1+$0x4820] =	vst v1;
	v1 =	vld [tilespmem:s1+$0x5020]  }
0x53b: {  	v6 =	vld [tilespmem:s25+$0xA820];
	v4 =	vadd.f32 v4, v5  }
0x53c: {  	v5 =	vld [tilespmem:s30+$0x5060];
	v2 =	vadd.f32 v2, v3  }
0x53d: {  	v3 =	vld [tilespmem:s13+$0x5420];
	[tilespmem:s30+$0x4860] =	vst v4;
	v0 =	vadd.f32 v0, v7  }
0x53e: {  	v4 =	vld [tilespmem:s0+$0xA860];
	[tilespmem:s13+$0x4C20] =	vst v2  }
0x53f: {  	v2 =	vld [tilespmem:s21+$0xAC20];
	[tilespmem:s3+$0x4C60] =	vst v0  }
0x540: {  	v1 =	vadd.f32 v6, v1;
	v0 =	vld [tilespmem:s10+$0xAC60]  }
0x541: {  	v7 =	vld [tilespmem:s3+$0x5C60]  }
0x542: {  	[tilespmem:s1+$0x5020] =	vst v1;
	v1 =	vld [tilespmem:s1+$0x5820]  }
0x543: {  	v6 =	vld [tilespmem:s8+$0xC820];
	v4 =	vadd.f32 v4, v5  }
0x544: {  	v5 =	vld [tilespmem:s30+$0x5860];
	v2 =	vadd.f32 v2, v3  }
0x545: {  	v3 =	vld [tilespmem:s13+$0x5C20];
	[tilespmem:s30+$0x5060] =	vst v4;
	v0 =	vadd.f32 v0, v8  }
0x546: {  	v4 =	vld [tilespmem:s26+$0xC860];
	[tilespmem:s13+$0x5420] =	vst v2  }
0x547: {  	v2 =	vld [tilespmem:s20+$0xCC20];
	[tilespmem:s3+$0x5460] =	vst v0  }
0x548: {  	v1 =	vadd.f32 v6, v1;
	v0 =	vld [tilespmem:s9+$0xCC60]  }
0x549: {  	v8 =	vld [tilespmem:s3+$0x4470]  }
0x54a: {  	[tilespmem:s1+$0x5820] =	vst v1;
	v1 =	vld [tilespmem:s1+$0x4030]  }
0x54b: {  	v6 =	vld [tilespmem:s2+$0x9030];
	v4 =	vadd.f32 v4, v5  }
0x54c: {  	v5 =	vld [tilespmem:s30+$0x4070];
	v2 =	vadd.f32 v2, v3  }
0x54d: {  	v3 =	vld [tilespmem:s13+$0x4430];
	[tilespmem:s30+$0x5860] =	vst v4;
	v0 =	vadd.f32 v0, v7  }
0x54e: {  	v4 =	vld [tilespmem:s31+$0x9070];
	[tilespmem:s13+$0x5C20] =	vst v2  }
0x54f: {  	v2 =	vld [tilespmem:s22+$0x9430];
	[tilespmem:s3+$0x5C60] =	vst v0  }
0x550: {  	v0 =	vadd.f32 v6, v1;
	v1 =	vld [tilespmem:s29+$0x9470]  }
0x551: {  	v7 =	vld [tilespmem:s30+$0x4870]  }
0x552: {  	v6 =	vld [tilespmem:s3+$0x4C70]  }
0x553: {  	[tilespmem:s1+$0x4030] =	vst v0;
	v0 =	vld [tilespmem:s1+$0x4830];
	v4 =	vadd.f32 v4, v5  }
0x554: {  	v5 =	vld [tilespmem:s7+$0xA830];
	v2 =	vadd.f32 v2, v3  }
0x555: {  	v3 =	vld [tilespmem:s13+$0x4C30];
	[tilespmem:s30+$0x4070] =	vst v4;
	v1 =	vadd.f32 v1, v8  }
0x556: {  	v4 =	vld [tilespmem:s24+$0xA870];
	[tilespmem:s13+$0x4430] =	vst v2  }
0x557: {  	v2 =	vld [tilespmem:s6+$0xAC30];
	[tilespmem:s3+$0x4470] =	vst v1  }
0x558: {  	v1 =	vld [tilespmem:s28+$0xAC70]  }
0x559: {  	v8 =	vld [tilespmem:s30+$0x5070];
	v0 =	vadd.f32 v5, v0  }
0x55a: {  	v5 =	vld [tilespmem:s3+$0x5470]  }
0x55b: {  	[tilespmem:s1+$0x4830] =	vst v0;
	v0 =	vadd.f32 v4, v7;
	v4 =	vld [tilespmem:s1+$0x5030]  }
0x55c: {  	v7 =	vld [tilespmem:s13+$0x5430];
	v2 =	vadd.f32 v2, v3  }
0x55d: {  	v3 =	vld [tilespmem:s25+$0xA830];
	[tilespmem:s30+$0x4870] =	vst v0;
	v0 =	vadd.f32 v1, v6  }
0x55e: {  	v1 =	vld [tilespmem:s0+$0xA870];
	[tilespmem:s13+$0x4C30] =	vst v2  }
0x55f: {  	v2 =	vld [tilespmem:s21+$0xAC30];
	[tilespmem:s3+$0x4C70] =	vst v0  }
0x560: {  	v0 =	vld [tilespmem:s10+$0xAC70]  }
0x561: {  	v9 =	vld [tilespmem:s3+$0x5C70]  }
0x562: {  	v6 =	vld [tilespmem:s13+$0x5C30];
	v3 =	vadd.f32 v3, v4  }
0x563: {  	v1 =	vadd.f32 v1, v8;
	v8 =	vld [tilespmem:s30+$0x5870]  }
0x564: {  	[tilespmem:s1+$0x5030] =	vst v3;
	v3 =	vld [tilespmem:s1+$0x5830];
	v2 =	vadd.f32 v2, v7  }
0x565: {  	v4 =	vld [tilespmem:s8+$0xC830];
	[tilespmem:s30+$0x5070] =	vst v1;
	v0 =	vadd.f32 v0, v5  }
0x566: {  	v5 =	vld [tilespmem:s26+$0xC870];
	[tilespmem:s13+$0x5430] =	vst v2  }
0x567: {  	v2 =	vld [tilespmem:s20+$0xCC30];
	[tilespmem:s3+$0x5470] =	vst v0  }
0x568: {  	v0 =	vld [tilespmem:s9+$0xCC70]  }
0x569: {  	s17 =	simm.s32 $0x1000;
	s28 =	simm.s32 $0x200;
	v1 =	vld [tilespmem:s13+$0x4440]  }
0x56a: {  	s23 =	simm.s32 $0x400;
	s5 =	sand.u32 $0x3FFFE000, s17;
	s18 =	sand.u32 $0x380, s28;
	v7 =	vadd.f32 v4, v3;
	v3 =	vld [tilespmem:s30+$0x4400]  }
0x56b: {  	s15 =	sand.u32 $0x3FFFF800, s23;
	s29 =	sadd.s32 $0x1, s14;
	s10 =	sor.u32 s18, s5;
	v4 =	vld [tilespmem:s1+$0x4040];
	v8 =	vadd.f32 v5, v8  }
0x56c: {  	s9 =	sor.u32 s18, s15;
	s18 =	smulhi.u32 $0xCCCCCCCD, s29;
	v5 =	vld [tilespmem:s10+$0x4000];
	[tilespmem:s1+$0x5830] =	vst v7;
	v2 =	vadd.f32 v2, v6  }
0x56d: {  	s17 =	simm.s32 $0x4;
	s14 =	simm.s32 $0xA00;
	s5 =	simm.s32 $0x800;
	v6 =	vld [tilespmem:s9+$0x9000];
	[tilespmem:s30+$0x5870] =	vst v8;
	v0 =	vadd.f32 v0, v9  }
.LBB2_5:
0x56e: {  	p0 =	sne.s32 s14, $0x1E00;
	s15 =	sshrl.u32 s18, $0x2;
	v7 =	vld [tilespmem:s2+$0x9040];
	[tilespmem:s13+$0x5C30] =	vst v2  }
0x56f: {  	s15 =	smul.u32 $0xFFFFF600, s15;
	v2 =	vld [tilespmem:s31+$0x9400];
	[tilespmem:s3+$0x5C70] =	vst v0;
	s3 =	smov.u32 s13;
	s13 =	smov.u32 s30  }
0x570: {  	s30 =	smov.u32 s1;
	s1 =	smov.u32 s10;
	v0 =	vld [tilespmem:s22+$0x9440]  }
0x571: {  	s10 =	sshra.s32 s15, $0x2;
	v8 =	vld [tilespmem:s3+$0x4C40]  }
0x572: {  	s10 =	sadd.s32 s4, s10;
	v5 =	vadd.f32 v6, v5;
	v6 =	vld [tilespmem:s13+$0x4C00]  }
0x573: {  	s15 =	sshra.s32 s5, $0x2;
	s5 =	smov.u32 s14;
	s10 =	sadd.s32 s12, s10;
	v4 =	vadd.f32 v7, v4;
	v7 =	vld [tilespmem:s30+$0x4840]  }
0x574: {  	s18 =	smulhi.u32 $0x51EB851F, s29;
	[tilespmem:s1+$0x4000] =	vst v5;
	v5 =	vld [tilespmem:s1+$0x4800];
	s10 =	sadd.s32 s15, s10;
	v2 =	vadd.f32 v2, v3  }
0x575: {  	v3 =	vld [tilespmem:s10+$0xA800];
	[tilespmem:s30+$0x4040] =	vst v4;
	v0 =	vadd.f32 v0, v1  }
0x576: {  	s15 =	sshrl.u32 s18, $0x3;
	v1 =	vld [tilespmem:s7+$0xA840];
	[tilespmem:s13+$0x4400] =	vst v2  }
0x577: {  	s18 =	smul.u32 $0xC80, s15;
	v2 =	vld [tilespmem:s24+$0xAC00];
	[tilespmem:s3+$0x4440] =	vst v0  }
0x578: {  	s15 =	smul.u32 $0x1900, s15;
	v0 =	vld [tilespmem:s6+$0xAC40]  }
0x579: {  	s11 =	sadd.s32 $0x100, s11;
	s18 =	ssub.s32 s19, s18;
	v4 =	vld [tilespmem:s3+$0x5440]  }
0x57a: {  	s15 =	ssub.s32 s11, s15;
	s18 =	sadd.s32 s18, s28;
	v3 =	vadd.f32 v3, v5;
	v5 =	vld [tilespmem:s13+$0x5400]  }
0x57b: {  	s15 =	sand.u32 $0x1800, s15;
	s18 =	sand.u32 $0x380, s18;
	v1 =	vadd.f32 v1, v7;
	v7 =	vld [tilespmem:s30+$0x5040]  }
0x57c: {  	s23 =	sshrl.u32 s29, $0x2;
	s18 =	sor.u32 s18, s15;
	[tilespmem:s1+$0x4800] =	vst v3;
	v3 =	vld [tilespmem:s1+$0x5000];
	v2 =	vadd.f32 v2, v6  }
0x57d: {  	s15 =	smulhi.u32 $0x20820821, s23;
	v6 =	vld [tilespmem:s18+$0xA800];
	[tilespmem:s30+$0x4840] =	vst v1;
	v0 =	vadd.f32 v0, v8  }
0x57e: {  	v1 =	vld [tilespmem:s25+$0xA840];
	[tilespmem:s13+$0x4C00] =	vst v2  }
0x57f: {  	s15 =	sshrl.u32 s15, $0x3;
	v2 =	vld [tilespmem:s0+$0xAC00];
	[tilespmem:s3+$0x4C40] =	vst v0  }
0x580: {  	s23 =	sshll.u32 s15, $0x9;
	v0 =	vld [tilespmem:s21+$0xAC40]  }
0x581: {  	s15 =	sshll.u32 s15, $0xA;
	s23 =	sadd.s32 s23, s19;
	v8 =	vld [tilespmem:s3+$0x5C40]  }
0x582: {  	s15 =	sadd.s32 s15, s11;
	s23 =	sadd.s32 s23, s28;
	v3 =	vadd.f32 v6, v3;
	v6 =	vld [tilespmem:s13+$0x5C00]  }
0x583: {  	s15 =	sand.u32 $0xF800, s15;
	s23 =	sand.u32 $0x380, s23;
	v1 =	vadd.f32 v1, v7;
	v7 =	vld [tilespmem:s30+$0x5840]  }
0x584: {  	s23 =	sor.u32 s23, s15;
	[tilespmem:s1+$0x5000] =	vst v3;
	v3 =	vld [tilespmem:s1+$0x5800];
	v2 =	vadd.f32 v2, v5  }
0x585: {  	v5 =	vld [tilespmem:s23+$0xC800];
	[tilespmem:s30+$0x5040] =	vst v1;
	v0 =	vadd.f32 v0, v4  }
0x586: {  	v1 =	vld [tilespmem:s8+$0xC840];
	[tilespmem:s13+$0x5400] =	vst v2  }
0x587: {  	v2 =	vld [tilespmem:s26+$0xCC00];
	[tilespmem:s3+$0x5440] =	vst v0  }
0x588: {  	v0 =	vld [tilespmem:s20+$0xCC40]  }
0x589: {  	v4 =	vld [tilespmem:s3+$0x4450]  }
0x58a: {  	v3 =	vadd.f32 v5, v3;
	v5 =	vld [tilespmem:s13+$0x4410]  }
0x58b: {  	v1 =	vadd.f32 v1, v7;
	v7 =	vld [tilespmem:s30+$0x4050]  }
0x58c: {  	[tilespmem:s1+$0x5800] =	vst v3;
	v3 =	vld [tilespmem:s1+$0x4010];
	v2 =	vadd.f32 v2, v6  }
0x58d: {  	v6 =	vld [tilespmem:s9+$0x9010];
	[tilespmem:s30+$0x5840] =	vst v1;
	v0 =	vadd.f32 v0, v8  }
0x58e: {  	v1 =	vld [tilespmem:s2+$0x9050];
	[tilespmem:s13+$0x5C00] =	vst v2  }
0x58f: {  	v2 =	vld [tilespmem:s31+$0x9410];
	[tilespmem:s3+$0x5C40] =	vst v0  }
0x590: {  	v0 =	vld [tilespmem:s22+$0x9450]  }
0x591: {  	v8 =	vld [tilespmem:s3+$0x4C50]  }
0x592: {  	v3 =	vadd.f32 v6, v3;
	v6 =	vld [tilespmem:s13+$0x4C10]  }
0x593: {  	v1 =	vadd.f32 v1, v7;
	v7 =	vld [tilespmem:s30+$0x4850]  }
0x594: {  	[tilespmem:s1+$0x4010] =	vst v3;
	v3 =	vld [tilespmem:s1+$0x4810];
	v2 =	vadd.f32 v2, v5  }
0x595: {  	v5 =	vld [tilespmem:s10+$0xA810];
	[tilespmem:s30+$0x4050] =	vst v1;
	v0 =	vadd.f32 v0, v4  }
0x596: {  	v1 =	vld [tilespmem:s7+$0xA850];
	[tilespmem:s13+$0x4410] =	vst v2  }
0x597: {  	v2 =	vld [tilespmem:s24+$0xAC10];
	[tilespmem:s3+$0x4450] =	vst v0  }
0x598: {  	v0 =	vld [tilespmem:s6+$0xAC50]  }
0x599: {  	v4 =	vld [tilespmem:s3+$0x5450]  }
0x59a: {  	v3 =	vadd.f32 v5, v3;
	v5 =	vld [tilespmem:s13+$0x5410]  }
0x59b: {  	v1 =	vadd.f32 v1, v7;
	v7 =	vld [tilespmem:s30+$0x5050]  }
0x59c: {  	[tilespmem:s1+$0x4810] =	vst v3;
	v3 =	vld [tilespmem:s1+$0x5010];
	v2 =	vadd.f32 v2, v6  }
0x59d: {  	v6 =	vld [tilespmem:s18+$0xA810];
	[tilespmem:s30+$0x4850] =	vst v1;
	v0 =	vadd.f32 v0, v8  }
0x59e: {  	v1 =	vld [tilespmem:s25+$0xA850];
	[tilespmem:s13+$0x4C10] =	vst v2  }
0x59f: {  	v2 =	vld [tilespmem:s0+$0xAC10];
	[tilespmem:s3+$0x4C50] =	vst v0  }
0x5a0: {  	v0 =	vld [tilespmem:s21+$0xAC50]  }
0x5a1: {  	v8 =	vld [tilespmem:s3+$0x5C50]  }
0x5a2: {  	v3 =	vadd.f32 v6, v3;
	v6 =	vld [tilespmem:s13+$0x5C10]  }
0x5a3: {  	v1 =	vadd.f32 v1, v7;
	v7 =	vld [tilespmem:s30+$0x5850]  }
0x5a4: {  	[tilespmem:s1+$0x5010] =	vst v3;
	v3 =	vld [tilespmem:s1+$0x5810];
	v2 =	vadd.f32 v2, v5  }
0x5a5: {  	v5 =	vld [tilespmem:s23+$0xC810];
	[tilespmem:s30+$0x5050] =	vst v1;
	v0 =	vadd.f32 v0, v4  }
0x5a6: {  	v1 =	vld [tilespmem:s8+$0xC850];
	[tilespmem:s13+$0x5410] =	vst v2  }
0x5a7: {  	v2 =	vld [tilespmem:s26+$0xCC10];
	[tilespmem:s3+$0x5450] =	vst v0  }
0x5a8: {  	v0 =	vld [tilespmem:s20+$0xCC50]  }
0x5a9: {  	v4 =	vld [tilespmem:s3+$0x4460]  }
0x5aa: {  	v3 =	vadd.f32 v5, v3;
	v5 =	vld [tilespmem:s13+$0x4420]  }
0x5ab: {  	v1 =	vadd.f32 v1, v7;
	v7 =	vld [tilespmem:s30+$0x4060]  }
0x5ac: {  	[tilespmem:s1+$0x5810] =	vst v3;
	v3 =	vld [tilespmem:s1+$0x4020];
	v2 =	vadd.f32 v2, v6  }
0x5ad: {  	v6 =	vld [tilespmem:s9+$0x9020];
	[tilespmem:s30+$0x5850] =	vst v1;
	v0 =	vadd.f32 v0, v8  }
0x5ae: {  	v1 =	vld [tilespmem:s2+$0x9060];
	[tilespmem:s13+$0x5C10] =	vst v2  }
0x5af: {  	v2 =	vld [tilespmem:s31+$0x9420];
	[tilespmem:s3+$0x5C50] =	vst v0  }
0x5b0: {  	v0 =	vld [tilespmem:s22+$0x9460]  }
0x5b1: {  	v8 =	vld [tilespmem:s3+$0x4C60]  }
0x5b2: {  	v3 =	vadd.f32 v6, v3;
	v6 =	vld [tilespmem:s13+$0x4C20]  }
0x5b3: {  	v1 =	vadd.f32 v1, v7;
	v7 =	vld [tilespmem:s30+$0x4860]  }
0x5b4: {  	[tilespmem:s1+$0x4020] =	vst v3;
	v3 =	vld [tilespmem:s1+$0x4820];
	v2 =	vadd.f32 v2, v5  }
0x5b5: {  	v5 =	vld [tilespmem:s10+$0xA820];
	[tilespmem:s30+$0x4060] =	vst v1;
	v0 =	vadd.f32 v0, v4  }
0x5b6: {  	v1 =	vld [tilespmem:s7+$0xA860];
	[tilespmem:s13+$0x4420] =	vst v2  }
0x5b7: {  	v2 =	vld [tilespmem:s24+$0xAC20];
	[tilespmem:s3+$0x4460] =	vst v0  }
0x5b8: {  	v0 =	vld [tilespmem:s6+$0xAC60]  }
0x5b9: {  	v4 =	vld [tilespmem:s3+$0x5460]  }
0x5ba: {  	v3 =	vadd.f32 v5, v3;
	v5 =	vld [tilespmem:s13+$0x5420]  }
0x5bb: {  	v1 =	vadd.f32 v1, v7;
	v7 =	vld [tilespmem:s30+$0x5060]  }
0x5bc: {  	[tilespmem:s1+$0x4820] =	vst v3;
	v3 =	vld [tilespmem:s1+$0x5020];
	v2 =	vadd.f32 v2, v6  }
0x5bd: {  	v6 =	vld [tilespmem:s18+$0xA820];
	[tilespmem:s30+$0x4860] =	vst v1;
	v0 =	vadd.f32 v0, v8  }
0x5be: {  	v1 =	vld [tilespmem:s25+$0xA860];
	[tilespmem:s13+$0x4C20] =	vst v2  }
0x5bf: {  	v2 =	vld [tilespmem:s0+$0xAC20];
	[tilespmem:s3+$0x4C60] =	vst v0  }
0x5c0: {  	v0 =	vld [tilespmem:s21+$0xAC60]  }
0x5c1: {  	v8 =	vld [tilespmem:s3+$0x5C60]  }
0x5c2: {  	v3 =	vadd.f32 v6, v3;
	v6 =	vld [tilespmem:s13+$0x5C20]  }
0x5c3: {  	v1 =	vadd.f32 v1, v7;
	v7 =	vld [tilespmem:s30+$0x5860]  }
0x5c4: {  	[tilespmem:s1+$0x5020] =	vst v3;
	v3 =	vld [tilespmem:s1+$0x5820];
	v2 =	vadd.f32 v2, v5  }
0x5c5: {  	v5 =	vld [tilespmem:s23+$0xC820];
	[tilespmem:s30+$0x5060] =	vst v1;
	v0 =	vadd.f32 v0, v4  }
0x5c6: {  	v1 =	vld [tilespmem:s8+$0xC860];
	[tilespmem:s13+$0x5420] =	vst v2  }
0x5c7: {  	v2 =	vld [tilespmem:s26+$0xCC20];
	[tilespmem:s3+$0x5460] =	vst v0  }
0x5c8: {  	v0 =	vld [tilespmem:s20+$0xCC60]  }
0x5c9: {  	v4 =	vld [tilespmem:s3+$0x4470]  }
0x5ca: {  	v3 =	vadd.f32 v5, v3;
	v5 =	vld [tilespmem:s13+$0x4430]  }
0x5cb: {  	v1 =	vadd.f32 v1, v7;
	v7 =	vld [tilespmem:s30+$0x4070]  }
0x5cc: {  	[tilespmem:s1+$0x5820] =	vst v3;
	v3 =	vld [tilespmem:s1+$0x4030];
	v2 =	vadd.f32 v2, v6  }
0x5cd: {  	v6 =	vld [tilespmem:s9+$0x9030];
	[tilespmem:s30+$0x5860] =	vst v1;
	v0 =	vadd.f32 v0, v8  }
0x5ce: {  	v1 =	vld [tilespmem:s2+$0x9070];
	[tilespmem:s13+$0x5C20] =	vst v2  }
0x5cf: {  	v2 =	vld [tilespmem:s31+$0x9430];
	[tilespmem:s3+$0x5C60] =	vst v0  }
0x5d0: {  	v0 =	vld [tilespmem:s22+$0x9470];
	s22 =	smov.u32 s31;
	s31 =	smov.u32 s2;
	s2 =	smov.u32 s9  }
0x5d1: {  	v8 =	vld [tilespmem:s3+$0x4C70]  }
0x5d2: {  	v3 =	vadd.f32 v6, v3;
	v6 =	vld [tilespmem:s13+$0x4C30]  }
0x5d3: {  	v1 =	vadd.f32 v1, v7;
	v7 =	vld [tilespmem:s30+$0x4870]  }
0x5d4: {  	[tilespmem:s1+$0x4030] =	vst v3;
	v3 =	vld [tilespmem:s1+$0x4830];
	v2 =	vadd.f32 v2, v5  }
0x5d5: {  	v5 =	vld [tilespmem:s10+$0xA830];
	[tilespmem:s30+$0x4070] =	vst v1;
	v0 =	vadd.f32 v0, v4  }
0x5d6: {  	v1 =	vld [tilespmem:s7+$0xA870];
	[tilespmem:s13+$0x4430] =	vst v2  }
0x5d7: {  	v2 =	vld [tilespmem:s24+$0xAC30];
	[tilespmem:s3+$0x4470] =	vst v0  }
0x5d8: {  	v0 =	vld [tilespmem:s6+$0xAC70];
	s6 =	smov.u32 s24;
	s24 =	smov.u32 s7;
	s7 =	smov.u32 s10  }
0x5d9: {  	v4 =	vld [tilespmem:s3+$0x5470]  }
0x5da: {  	v3 =	vadd.f32 v5, v3;
	v5 =	vld [tilespmem:s13+$0x5430]  }
0x5db: {  	v1 =	vadd.f32 v1, v7;
	v7 =	vld [tilespmem:s30+$0x5070]  }
0x5dc: {  	[tilespmem:s1+$0x4830] =	vst v3;
	v3 =	vld [tilespmem:s1+$0x5030];
	v2 =	vadd.f32 v2, v6  }
0x5dd: {  	v6 =	vld [tilespmem:s18+$0xA830];
	[tilespmem:s30+$0x4870] =	vst v1;
	v0 =	vadd.f32 v0, v8  }
0x5de: {  	v1 =	vld [tilespmem:s25+$0xA870];
	[tilespmem:s13+$0x4C30] =	vst v2  }
0x5df: {  	v2 =	vld [tilespmem:s0+$0xAC30];
	[tilespmem:s3+$0x4C70] =	vst v0  }
0x5e0: {  	v0 =	vld [tilespmem:s21+$0xAC70];
	s21 =	smov.u32 s0;
	s0 =	smov.u32 s25;
	s25 =	smov.u32 s18  }
0x5e1: {  	v8 =	vld [tilespmem:s3+$0x5C70]  }
0x5e2: {  	v3 =	vadd.f32 v6, v3;
	v6 =	vld [tilespmem:s13+$0x5C30]  }
0x5e3: {  	v1 =	vadd.f32 v1, v7;
	v7 =	vld [tilespmem:s30+$0x5870]  }
0x5e4: {  	[tilespmem:s1+$0x5030] =	vst v3;
	v3 =	vld [tilespmem:s1+$0x5830];
	v2 =	vadd.f32 v2, v5  }
0x5e5: {  	v5 =	vld [tilespmem:s23+$0xC830];
	[tilespmem:s30+$0x5070] =	vst v1;
	v0 =	vadd.f32 v0, v4  }
0x5e6: {  	v9 =	vld [tilespmem:s8+$0xC870];
	[tilespmem:s13+$0x5430] =	vst v2  }
0x5e7: {  	v2 =	vld [tilespmem:s26+$0xCC30];
	[tilespmem:s3+$0x5470] =	vst v0  }
0x5e8: {  	s17 =	sadd.s32 $0x1, s17;
	v0 =	vld [tilespmem:s20+$0xCC70];
	s20 =	smov.u32 s26;
	s26 =	smov.u32 s8  }
.Ltmp1:
0x5e9: {  	s28 =	sadd.s32 $0x80, s28;
	s8 =	sshll.u32 s17, $0xA;
	v1 =	vld [tilespmem:s13+$0x4440];
	(pc) =	sbr.rel @p0 .LBB2_5-.Ltmp1, $4  }
0x5ea: {  	s15 =	sshll.u32 s17, $0x8;
	s9 =	sand.u32 $0x380, s28;
	s8 =	sand.u32 $0x3FFFE000, s8;
	v10 =	vadd.f32 v5, v3;
	v3 =	vld [tilespmem:s30+$0x4400]  }
0x5eb: {  	s29 =	sadd.s32 $0x1, s29;
	s10 =	sor.u32 s9, s8;
	s8 =	sand.u32 $0x3FFFF800, s15;
	v4 =	vld [tilespmem:s1+$0x4040];
	v7 =	vadd.f32 v9, v7  }
0x5ec: {  	s18 =	smulhi.u32 $0xCCCCCCCD, s29;
	s9 =	sor.u32 s9, s8;
	s8 =	smov.u32 s23;
	v5 =	vld [tilespmem:s10+$0x4000];
	[tilespmem:s1+$0x5830] =	vst v10;
	v2 =	vadd.f32 v2, v6  }
0x5ed: {  	s14 =	sadd.s32 $0x200, s14;
	v6 =	vld [tilespmem:s9+$0x9000];
	[tilespmem:s30+$0x5870] =	vst v7;
	v0 =	vadd.f32 v0, v8  }
0x5ee: {  	s14 =	sshrl.u32 s18, $0x2  }
0x5ef: {  	s14 =	smul.u32 $0xFFFFF600, s14;
	_ =	sdelay $0x1  }
0x5f0: {  	s14 =	sshra.s32 s14, $0x2  }
0x5f1: {  	v5 =	vadd.f32 v6, v5;
	s4 =	sadd.s32 s4, s14  }
0x5f2: {  	s5 =	sshra.s32 s5, $0x2;
	s4 =	sadd.s32 s12, s4  }
0x5f3: {  	v46 =	vld [tilespmem:s10+$0x4800];
	[tilespmem:s10+$0x4000] =	vst v5;
	s12 =	sadd.s32 s5, s4;
	s5 =	smulhi.u32 $0x51EB851F, s29  }
0x5f4: {  	v47 =	vld [tilespmem:s12+$0xA800]  }
0x5f5: {  	s4 =	sshrl.u32 s5, $0x3  }
0x5f6: {  	s14 =	smul.u32 $0xC80, s4  }
0x5f7: {  	s4 =	smul.u32 $0x1900, s4  }
0x5f8: {  	s11 =	sadd.s32 $0x100, s11;
	s5 =	ssub.s32 s19, s14  }
0x5f9: {  	s4 =	ssub.s32 s11, s4;
	v5 =	vadd.f32 v47, v46;
	s5 =	sadd.s32 s5, s28  }
0x5fa: {  	s4 =	sand.u32 $0x1800, s4;
	s5 =	sand.u32 $0x380, s5  }
0x5fb: {  	v48 =	vld [tilespmem:s10+$0x5000];
	s15 =	sshrl.u32 s29, $0x2;
	[tilespmem:s10+$0x4800] =	vst v5;
	s5 =	sor.u32 s5, s4  }
0x5fc: {  	s4 =	smulhi.u32 $0x20820821, s15;
	v49 =	vld [tilespmem:s5+$0xA800];
	_ =	sdelay $0x1  }
0x5fd: {  	s4 =	sshrl.u32 s4, $0x3  }
0x5fe: {  	s17 =	sshll.u32 s4, $0x9  }
0x5ff: {  	s4 =	sshll.u32 s4, $0xA;
	s14 =	sadd.s32 s17, s19  }
0x600: {  	s4 =	sadd.s32 s4, s11;
	s18 =	sadd.s32 s14, s28;
	v5 =	vadd.f32 v49, v48  }
0x601: {  	s4 =	sand.u32 $0xF800, s4;
	s11 =	sand.u32 $0x380, s18  }
0x602: {  	v50 =	vld [tilespmem:s10+$0x5800];
	s4 =	sor.u32 s11, s4;
	[tilespmem:s10+$0x5000] =	vst v5  }
0x603: {  	v51 =	vld [tilespmem:s4+$0xC800];
	_ =	sdelay $0x4  }
0x604: {  	v5 =	vadd.f32 v51, v50;
	_ =	sdelay $0x1  }
0x605: {  	v52 =	vld [tilespmem:s10+$0x4010];
	[tilespmem:s10+$0x5800] =	vst v5  }
0x606: {  	v53 =	vld [tilespmem:s9+$0x9010];
	_ =	sdelay $0x4  }
0x607: {  	v5 =	vadd.f32 v53, v52;
	_ =	sdelay $0x1  }
0x608: {  	v54 =	vld [tilespmem:s10+$0x4810];
	[tilespmem:s10+$0x4010] =	vst v5  }
0x609: {  	v55 =	vld [tilespmem:s12+$0xA810];
	_ =	sdelay $0x4  }
0x60a: {  	v5 =	vadd.f32 v55, v54;
	_ =	sdelay $0x1  }
0x60b: {  	v56 =	vld [tilespmem:s10+$0x5010];
	[tilespmem:s10+$0x4810] =	vst v5  }
0x60c: {  	v57 =	vld [tilespmem:s5+$0xA810];
	_ =	sdelay $0x4  }
0x60d: {  	v5 =	vadd.f32 v57, v56;
	_ =	sdelay $0x1  }
0x60e: {  	v58 =	vld [tilespmem:s10+$0x5810];
	[tilespmem:s10+$0x5010] =	vst v5  }
0x60f: {  	v59 =	vld [tilespmem:s4+$0xC810];
	_ =	sdelay $0x4  }
0x610: {  	v5 =	vadd.f32 v59, v58;
	_ =	sdelay $0x1  }
0x611: {  	v60 =	vld [tilespmem:s10+$0x4020];
	[tilespmem:s10+$0x5810] =	vst v5  }
0x612: {  	v61 =	vld [tilespmem:s9+$0x9020];
	_ =	sdelay $0x4  }
0x613: {  	v5 =	vadd.f32 v61, v60;
	_ =	sdelay $0x1  }
0x614: {  	v62 =	vld [tilespmem:s10+$0x4820];
	[tilespmem:s10+$0x4020] =	vst v5  }
0x615: {  	v63 =	vld [tilespmem:s12+$0xA820];
	_ =	sdelay $0x4  }
0x616: {  	v5 =	vadd.f32 v63, v62;
	_ =	sdelay $0x1  }
0x617: {  	v9 =	vld [tilespmem:s10+$0x5020];
	[tilespmem:s10+$0x4820] =	vst v5  }
0x618: {  	v10 =	vld [tilespmem:s5+$0xA820];
	_ =	sdelay $0x4  }
0x619: {  	v5 =	vadd.f32 v10, v9;
	_ =	sdelay $0x1  }
0x61a: {  	v11 =	vld [tilespmem:s10+$0x5820];
	[tilespmem:s10+$0x5020] =	vst v5  }
0x61b: {  	v12 =	vld [tilespmem:s4+$0xC820];
	_ =	sdelay $0x4  }
0x61c: {  	v5 =	vadd.f32 v12, v11;
	_ =	sdelay $0x1  }
0x61d: {  	v13 =	vld [tilespmem:s10+$0x4030];
	[tilespmem:s10+$0x5820] =	vst v5  }
0x61e: {  	v14 =	vld [tilespmem:s9+$0x9030];
	_ =	sdelay $0x4  }
0x61f: {  	v5 =	vadd.f32 v14, v13;
	_ =	sdelay $0x1  }
0x620: {  	v15 =	vld [tilespmem:s10+$0x4830];
	[tilespmem:s10+$0x4030] =	vst v5  }
0x621: {  	v16 =	vld [tilespmem:s12+$0xA830];
	_ =	sdelay $0x4  }
0x622: {  	v5 =	vadd.f32 v16, v15;
	_ =	sdelay $0x1  }
0x623: {  	v17 =	vld [tilespmem:s10+$0x5030];
	[tilespmem:s10+$0x4830] =	vst v5  }
0x624: {  	v18 =	vld [tilespmem:s5+$0xA830];
	_ =	sdelay $0x4  }
0x625: {  	v5 =	vadd.f32 v18, v17;
	_ =	sdelay $0x1  }
0x626: {  	v19 =	vld [tilespmem:s10+$0x5830];
	[tilespmem:s10+$0x5030] =	vst v5  }
0x627: {  	v20 =	vld [tilespmem:s4+$0xC830];
	_ =	sdelay $0x2  }
0x628: {  	v7 =	vld [tilespmem:s2+$0x9040];
	_ =	sdelay $0x1  }
0x629: {  	v5 =	vadd.f32 v20, v19;
	_ =	sdelay $0x1  }
0x62a: {  	v21 =	vld [tilespmem:s10+$0x4040];
	[tilespmem:s10+$0x5830] =	vst v5  }
0x62b: {  	v4 =	vadd.f32 v7, v4;
	v5 =	vld [tilespmem:s9+$0x9040];
	_ =	sdelay $0x1  }
0x62c: {  	v22 =	vld [tilespmem:s1+$0x4840];
	[tilespmem:s1+$0x4040] =	vst v4  }
0x62d: {  	v24 =	vld [tilespmem:s7+$0xA840];
	_ =	sdelay $0x1  }
0x62e: {  	v5 =	vadd.f32 v5, v21;
	_ =	sdelay $0x1  }
0x62f: {  	v23 =	vld [tilespmem:s10+$0x4840];
	[tilespmem:s10+$0x4040] =	vst v5  }
0x630: {  	v6 =	vadd.f32 v24, v22;
	v5 =	vld [tilespmem:s12+$0xA840];
	_ =	sdelay $0x1  }
0x631: {  	v25 =	vld [tilespmem:s1+$0x5040];
	[tilespmem:s1+$0x4840] =	vst v6  }
0x632: {  	v6 =	vld [tilespmem:s25+$0xA840];
	_ =	sdelay $0x1  }
0x633: {  	v4 =	vadd.f32 v5, v23;
	_ =	sdelay $0x1  }
0x634: {  	v26 =	vld [tilespmem:s10+$0x5040];
	[tilespmem:s10+$0x4840] =	vst v4  }
0x635: {  	v6 =	vadd.f32 v6, v25;
	v4 =	vld [tilespmem:s5+$0xA840];
	_ =	sdelay $0x1  }
0x636: {  	v27 =	vld [tilespmem:s1+$0x5840];
	[tilespmem:s1+$0x5040] =	vst v6  }
0x637: {  	v6 =	vld [tilespmem:s8+$0xC840];
	_ =	sdelay $0x1  }
0x638: {  	v4 =	vadd.f32 v4, v26;
	_ =	sdelay $0x1  }
0x639: {  	v28 =	vld [tilespmem:s10+$0x5840];
	[tilespmem:s10+$0x5040] =	vst v4  }
0x63a: {  	v6 =	vadd.f32 v6, v27;
	v4 =	vld [tilespmem:s4+$0xC840];
	_ =	sdelay $0x1  }
0x63b: {  	v29 =	vld [tilespmem:s1+$0x4050];
	[tilespmem:s1+$0x5840] =	vst v6  }
0x63c: {  	v6 =	vld [tilespmem:s2+$0x9050];
	_ =	sdelay $0x1  }
0x63d: {  	v4 =	vadd.f32 v4, v28;
	_ =	sdelay $0x1  }
0x63e: {  	v30 =	vld [tilespmem:s10+$0x4050];
	[tilespmem:s10+$0x5840] =	vst v4  }
0x63f: {  	v6 =	vadd.f32 v6, v29;
	v4 =	vld [tilespmem:s9+$0x9050];
	_ =	sdelay $0x1  }
0x640: {  	v31 =	vld [tilespmem:s1+$0x4850];
	[tilespmem:s1+$0x4050] =	vst v6  }
0x641: {  	v6 =	vld [tilespmem:s7+$0xA850];
	_ =	sdelay $0x1  }
0x642: {  	v4 =	vadd.f32 v4, v30;
	_ =	sdelay $0x1  }
0x643: {  	v32 =	vld [tilespmem:s10+$0x4850];
	[tilespmem:s10+$0x4050] =	vst v4  }
0x644: {  	v6 =	vadd.f32 v6, v31;
	v4 =	vld [tilespmem:s12+$0xA850];
	_ =	sdelay $0x1  }
0x645: {  	v33 =	vld [tilespmem:s1+$0x5050];
	[tilespmem:s1+$0x4850] =	vst v6  }
0x646: {  	v6 =	vld [tilespmem:s25+$0xA850];
	_ =	sdelay $0x1  }
0x647: {  	v4 =	vadd.f32 v4, v32;
	_ =	sdelay $0x1  }
0x648: {  	v34 =	vld [tilespmem:s10+$0x5050];
	[tilespmem:s10+$0x4850] =	vst v4  }
0x649: {  	v6 =	vadd.f32 v6, v33;
	v4 =	vld [tilespmem:s5+$0xA850];
	_ =	sdelay $0x1  }
0x64a: {  	v35 =	vld [tilespmem:s1+$0x5850];
	[tilespmem:s1+$0x5050] =	vst v6  }
0x64b: {  	v6 =	vld [tilespmem:s8+$0xC850];
	_ =	sdelay $0x1  }
0x64c: {  	v4 =	vadd.f32 v4, v34;
	_ =	sdelay $0x1  }
0x64d: {  	v36 =	vld [tilespmem:s10+$0x5850];
	[tilespmem:s10+$0x5050] =	vst v4  }
0x64e: {  	v6 =	vadd.f32 v6, v35;
	v4 =	vld [tilespmem:s4+$0xC850];
	_ =	sdelay $0x1  }
0x64f: {  	v37 =	vld [tilespmem:s1+$0x4060];
	[tilespmem:s1+$0x5850] =	vst v6  }
0x650: {  	v6 =	vld [tilespmem:s2+$0x9060];
	_ =	sdelay $0x1  }
0x651: {  	v4 =	vadd.f32 v4, v36;
	_ =	sdelay $0x1  }
0x652: {  	v38 =	vld [tilespmem:s10+$0x4060];
	[tilespmem:s10+$0x5850] =	vst v4  }
0x653: {  	v6 =	vadd.f32 v6, v37;
	v4 =	vld [tilespmem:s9+$0x9060];
	_ =	sdelay $0x1  }
0x654: {  	v39 =	vld [tilespmem:s1+$0x4860];
	[tilespmem:s1+$0x4060] =	vst v6  }
0x655: {  	v6 =	vld [tilespmem:s7+$0xA860];
	_ =	sdelay $0x1  }
0x656: {  	v4 =	vadd.f32 v4, v38;
	_ =	sdelay $0x1  }
0x657: {  	v40 =	vld [tilespmem:s10+$0x4860];
	[tilespmem:s10+$0x4060] =	vst v4  }
0x658: {  	v6 =	vadd.f32 v6, v39;
	v4 =	vld [tilespmem:s12+$0xA860];
	_ =	sdelay $0x1  }
0x659: {  	v41 =	vld [tilespmem:s1+$0x5060];
	[tilespmem:s1+$0x4860] =	vst v6  }
0x65a: {  	v6 =	vld [tilespmem:s25+$0xA860];
	_ =	sdelay $0x1  }
0x65b: {  	v4 =	vadd.f32 v4, v40;
	_ =	sdelay $0x1  }
0x65c: {  	v42 =	vld [tilespmem:s10+$0x5060];
	[tilespmem:s10+$0x4860] =	vst v4  }
0x65d: {  	v6 =	vadd.f32 v6, v41;
	v4 =	vld [tilespmem:s5+$0xA860];
	_ =	sdelay $0x1  }
0x65e: {  	v43 =	vld [tilespmem:s1+$0x5860];
	[tilespmem:s1+$0x5060] =	vst v6  }
0x65f: {  	v6 =	vld [tilespmem:s8+$0xC860];
	_ =	sdelay $0x1  }
0x660: {  	v4 =	vadd.f32 v4, v42;
	_ =	sdelay $0x1  }
0x661: {  	v44 =	vld [tilespmem:s10+$0x5860];
	[tilespmem:s10+$0x5060] =	vst v4  }
0x662: {  	v6 =	vadd.f32 v6, v43;
	v4 =	vld [tilespmem:s4+$0xC860];
	_ =	sdelay $0x1  }
0x663: {  	v45 =	vld [tilespmem:s1+$0x4070];
	[tilespmem:s1+$0x5860] =	vst v6  }
0x664: {  	v6 =	vld [tilespmem:s2+$0x9070];
	_ =	sdelay $0x1  }
0x665: {  	v4 =	vadd.f32 v4, v44;
	_ =	sdelay $0x1  }
0x666: {  	v46 =	vld [tilespmem:s10+$0x4070];
	[tilespmem:s10+$0x5860] =	vst v4  }
0x667: {  	v6 =	vadd.f32 v6, v45;
	v4 =	vld [tilespmem:s9+$0x9070];
	_ =	sdelay $0x1  }
0x668: {  	v47 =	vld [tilespmem:s1+$0x4870];
	[tilespmem:s1+$0x4070] =	vst v6  }
0x669: {  	v6 =	vld [tilespmem:s7+$0xA870];
	_ =	sdelay $0x1  }
0x66a: {  	v4 =	vadd.f32 v4, v46;
	_ =	sdelay $0x1  }
0x66b: {  	v48 =	vld [tilespmem:s10+$0x4870];
	[tilespmem:s10+$0x4070] =	vst v4  }
0x66c: {  	v6 =	vadd.f32 v6, v47;
	v4 =	vld [tilespmem:s12+$0xA870];
	_ =	sdelay $0x1  }
0x66d: {  	v49 =	vld [tilespmem:s1+$0x5070];
	[tilespmem:s1+$0x4870] =	vst v6  }
0x66e: {  	v6 =	vld [tilespmem:s25+$0xA870];
	_ =	sdelay $0x1  }
0x66f: {  	v8 =	vld [tilespmem:s31+$0x9400];
	v4 =	vadd.f32 v4, v48;
	_ =	sdelay $0x1  }
0x670: {  	v50 =	vld [tilespmem:s10+$0x5070];
	[tilespmem:s10+$0x4870] =	vst v4  }
0x671: {  	v6 =	vadd.f32 v6, v49;
	v4 =	vld [tilespmem:s5+$0xA870];
	_ =	sdelay $0x1  }
0x672: {  	v3 =	vadd.f32 v8, v3;
	v51 =	vld [tilespmem:s1+$0x5870];
	[tilespmem:s1+$0x5070] =	vst v6  }
0x673: {  	v6 =	vld [tilespmem:s8+$0xC870]  }
0x674: {  	[tilespmem:s30+$0x4400] =	vst v3  }
0x675: {  	v3 =	vld [tilespmem:s24+$0xAC00];
	v4 =	vadd.f32 v4, v50  }
0x676: {  	v55 =	vld [tilespmem:s30+$0x4C00]  }
0x677: {  	v52 =	vld [tilespmem:s10+$0x5870];
	[tilespmem:s10+$0x5070] =	vst v4  }
0x678: {  	v6 =	vadd.f32 v6, v51;
	v4 =	vld [tilespmem:s4+$0xC870];
	_ =	sdelay $0x1  }
0x679: {  	v53 =	vld [tilespmem:s1+$0x4400];
	[tilespmem:s1+$0x5870] =	vst v6  }
0x67a: {  	v3 =	vadd.f32 v3, v55;
	v6 =	vld [tilespmem:s2+$0x9400];
	_ =	sdelay $0x1  }
0x67b: {  	v54 =	vld [tilespmem:s10+$0x4400];
	[tilespmem:s30+$0x4C00] =	vst v3;
	v4 =	vadd.f32 v4, v52  }
0x67c: {  	v3 =	vld [tilespmem:s0+$0xAC00]  }
0x67d: {  	v58 =	vld [tilespmem:s30+$0x5400];
	[tilespmem:s10+$0x5870] =	vst v4  }
0x67e: {  	v6 =	vadd.f32 v6, v53;
	v4 =	vld [tilespmem:s9+$0x9400];
	_ =	sdelay $0x1  }
0x67f: {  	v56 =	vld [tilespmem:s1+$0x4C00];
	[tilespmem:s1+$0x4400] =	vst v6  }
0x680: {  	v6 =	vld [tilespmem:s7+$0xAC00]  }
0x681: {  	v3 =	vadd.f32 v3, v58  }
0x682: {  	v57 =	vld [tilespmem:s10+$0x4C00];
	v4 =	vadd.f32 v4, v54  }
0x683: {  	[tilespmem:s30+$0x5400] =	vst v3;
	v61 =	vld [tilespmem:s30+$0x5C00]  }
0x684: {  	v3 =	vld [tilespmem:s26+$0xCC00];
	[tilespmem:s10+$0x4400] =	vst v4  }
0x685: {  	v6 =	vadd.f32 v6, v56;
	v4 =	vld [tilespmem:s12+$0xAC00];
	_ =	sdelay $0x1  }
0x686: {  	v59 =	vld [tilespmem:s1+$0x5400];
	[tilespmem:s1+$0x4C00] =	vst v6  }
0x687: {  	v6 =	vld [tilespmem:s25+$0xAC00]  }
0x688: {  	v3 =	vadd.f32 v3, v61  }
0x689: {  	v4 =	vadd.f32 v4, v57  }
0x68a: {  	v60 =	vld [tilespmem:s10+$0x5400];
	[tilespmem:s30+$0x5C00] =	vst v3  }
0x68b: {  	v3 =	vld [tilespmem:s31+$0x9410];
	[tilespmem:s10+$0x4C00] =	vst v4  }
0x68c: {  	v6 =	vadd.f32 v6, v59;
	v4 =	vld [tilespmem:s5+$0xAC00]  }
0x68d: {  	v12 =	vld [tilespmem:s30+$0x4410]  }
0x68e: {  	v62 =	vld [tilespmem:s1+$0x5C00];
	[tilespmem:s1+$0x5400] =	vst v6  }
0x68f: {  	v6 =	vld [tilespmem:s8+$0xCC00];
	_ =	sdelay $0x1  }
0x690: {  	v4 =	vadd.f32 v4, v60  }
0x691: {  	v63 =	vld [tilespmem:s10+$0x5C00];
	v3 =	vadd.f32 v3, v12  }
0x692: {  	v13 =	vld [tilespmem:s1+$0x4410];
	[tilespmem:s10+$0x5400] =	vst v4  }
0x693: {  	[tilespmem:s30+$0x4410] =	vst v3;
	v6 =	vadd.f32 v6, v62;
	v4 =	vld [tilespmem:s4+$0xCC00]  }
0x694: {  	v3 =	vld [tilespmem:s24+$0xAC10]  }
0x695: {  	v15 =	vld [tilespmem:s30+$0x4C10];
	[tilespmem:s1+$0x5C00] =	vst v6  }
0x696: {  	v6 =	vld [tilespmem:s2+$0x9410];
	_ =	sdelay $0x1  }
0x697: {  	v4 =	vadd.f32 v4, v63  }
0x698: {  	v14 =	vld [tilespmem:s10+$0x4410]  }
0x699: {  	v16 =	vld [tilespmem:s1+$0x4C10];
	v3 =	vadd.f32 v3, v15;
	[tilespmem:s10+$0x5C00] =	vst v4  }
0x69a: {  	v6 =	vadd.f32 v6, v13;
	v4 =	vld [tilespmem:s9+$0x9410]  }
0x69b: {  	[tilespmem:s30+$0x4C10] =	vst v3;
	v18 =	vld [tilespmem:s30+$0x5410]  }
0x69c: {  	v3 =	vld [tilespmem:s0+$0xAC10];
	[tilespmem:s1+$0x4410] =	vst v6  }
0x69d: {  	v6 =	vld [tilespmem:s7+$0xAC10];
	_ =	sdelay $0x1  }
0x69e: {  	v4 =	vadd.f32 v4, v14;
	_ =	sdelay $0x1  }
0x69f: {  	v17 =	vld [tilespmem:s10+$0x4C10];
	v3 =	vadd.f32 v3, v18;
	[tilespmem:s10+$0x4410] =	vst v4  }
0x6a0: {  	v6 =	vadd.f32 v6, v16;
	v4 =	vld [tilespmem:s12+$0xAC10]  }
0x6a1: {  	[tilespmem:s30+$0x5410] =	vst v3;
	v19 =	vld [tilespmem:s1+$0x5410]  }
0x6a2: {  	v3 =	vld [tilespmem:s26+$0xCC10];
	[tilespmem:s1+$0x4C10] =	vst v6  }
0x6a3: {  	v6 =	vld [tilespmem:s25+$0xAC10]  }
0x6a4: {  	v21 =	vld [tilespmem:s30+$0x5C10]  }
0x6a5: {  	v4 =	vadd.f32 v4, v17;
	_ =	sdelay $0x1  }
0x6a6: {  	v20 =	vld [tilespmem:s10+$0x5410];
	[tilespmem:s10+$0x4C10] =	vst v4  }
0x6a7: {  	v6 =	vadd.f32 v6, v19;
	v4 =	vld [tilespmem:s5+$0xAC10]  }
0x6a8: {  	v22 =	vld [tilespmem:s1+$0x5C10];
	v3 =	vadd.f32 v3, v21  }
0x6a9: {  	v24 =	vld [tilespmem:s30+$0x4420];
	[tilespmem:s1+$0x5410] =	vst v6  }
0x6aa: {  	[tilespmem:s30+$0x5C10] =	vst v3;
	v6 =	vld [tilespmem:s8+$0xCC10]  }
0x6ab: {  	v3 =	vld [tilespmem:s31+$0x9420]  }
0x6ac: {  	v4 =	vadd.f32 v4, v20;
	_ =	sdelay $0x1  }
0x6ad: {  	v23 =	vld [tilespmem:s10+$0x5C10];
	[tilespmem:s10+$0x5410] =	vst v4  }
0x6ae: {  	v6 =	vadd.f32 v6, v22;
	v4 =	vld [tilespmem:s4+$0xCC10]  }
0x6af: {  	v25 =	vld [tilespmem:s1+$0x4420];
	v3 =	vadd.f32 v3, v24  }
0x6b0: {  	v27 =	vld [tilespmem:s30+$0x4C20];
	[tilespmem:s1+$0x5C10] =	vst v6  }
0x6b1: {  	[tilespmem:s30+$0x4420] =	vst v3;
	v6 =	vld [tilespmem:s2+$0x9420]  }
0x6b2: {  	v3 =	vld [tilespmem:s24+$0xAC20]  }
0x6b3: {  	v4 =	vadd.f32 v4, v23;
	_ =	sdelay $0x1  }
0x6b4: {  	v26 =	vld [tilespmem:s10+$0x4420];
	[tilespmem:s10+$0x5C10] =	vst v4  }
0x6b5: {  	v6 =	vadd.f32 v6, v25;
	v4 =	vld [tilespmem:s9+$0x9420]  }
0x6b6: {  	v3 =	vadd.f32 v3, v27  }
0x6b7: {  	v28 =	vld [tilespmem:s1+$0x4C20];
	[tilespmem:s1+$0x4420] =	vst v6  }
0x6b8: {  	[tilespmem:s30+$0x4C20] =	vst v3;
	v6 =	vld [tilespmem:s7+$0xAC20]  }
0x6b9: {  	v3 =	vld [tilespmem:s0+$0xAC20]  }
0x6ba: {  	v30 =	vld [tilespmem:s30+$0x5420];
	v4 =	vadd.f32 v4, v26;
	_ =	sdelay $0x1  }
0x6bb: {  	v29 =	vld [tilespmem:s10+$0x4C20];
	[tilespmem:s10+$0x4420] =	vst v4  }
0x6bc: {  	v6 =	vadd.f32 v6, v28;
	v4 =	vld [tilespmem:s12+$0xAC20];
	_ =	sdelay $0x1  }
0x6bd: {  	v31 =	vld [tilespmem:s1+$0x5420];
	v3 =	vadd.f32 v3, v30;
	[tilespmem:s1+$0x4C20] =	vst v6  }
0x6be: {  	v6 =	vld [tilespmem:s25+$0xAC20]  }
0x6bf: {  	v33 =	vld [tilespmem:s30+$0x5C20];
	[tilespmem:s30+$0x5420] =	vst v3  }
0x6c0: {  	v3 =	vld [tilespmem:s26+$0xCC20];
	v4 =	vadd.f32 v4, v29;
	_ =	sdelay $0x1  }
0x6c1: {  	v32 =	vld [tilespmem:s10+$0x5420];
	[tilespmem:s10+$0x4C20] =	vst v4  }
0x6c2: {  	v6 =	vadd.f32 v6, v31;
	v4 =	vld [tilespmem:s5+$0xAC20];
	_ =	sdelay $0x1  }
0x6c3: {  	v3 =	vadd.f32 v3, v33;
	v34 =	vld [tilespmem:s1+$0x5C20];
	[tilespmem:s1+$0x5420] =	vst v6  }
0x6c4: {  	v6 =	vld [tilespmem:s8+$0xCC20]  }
0x6c5: {  	[tilespmem:s30+$0x5C20] =	vst v3  }
0x6c6: {  	v3 =	vld [tilespmem:s31+$0x9430];
	v4 =	vadd.f32 v4, v32  }
0x6c7: {  	v36 =	vld [tilespmem:s30+$0x4430]  }
0x6c8: {  	v35 =	vld [tilespmem:s10+$0x5C20];
	[tilespmem:s10+$0x5420] =	vst v4  }
0x6c9: {  	v6 =	vadd.f32 v6, v34;
	v4 =	vld [tilespmem:s4+$0xCC20];
	_ =	sdelay $0x1  }
0x6ca: {  	v37 =	vld [tilespmem:s1+$0x4430];
	[tilespmem:s1+$0x5C20] =	vst v6  }
0x6cb: {  	v3 =	vadd.f32 v3, v36;
	v6 =	vld [tilespmem:s2+$0x9430];
	_ =	sdelay $0x1  }
0x6cc: {  	v39 =	vld [tilespmem:s30+$0x4C30];
	[tilespmem:s30+$0x4430] =	vst v3;
	v4 =	vadd.f32 v4, v35  }
0x6cd: {  	v3 =	vld [tilespmem:s24+$0xAC30]  }
0x6ce: {  	v38 =	vld [tilespmem:s10+$0x4430];
	[tilespmem:s10+$0x5C20] =	vst v4  }
0x6cf: {  	v6 =	vadd.f32 v6, v37;
	v4 =	vld [tilespmem:s9+$0x9430];
	_ =	sdelay $0x1  }
0x6d0: {  	v40 =	vld [tilespmem:s1+$0x4C30];
	[tilespmem:s1+$0x4430] =	vst v6  }
0x6d1: {  	v3 =	vadd.f32 v3, v39;
	v6 =	vld [tilespmem:s7+$0xAC30];
	_ =	sdelay $0x1  }
0x6d2: {  	v41 =	vld [tilespmem:s10+$0x4C30];
	[tilespmem:s30+$0x4C30] =	vst v3;
	v4 =	vadd.f32 v4, v38  }
0x6d3: {  	v3 =	vld [tilespmem:s0+$0xAC30]  }
0x6d4: {  	v42 =	vld [tilespmem:s30+$0x5430];
	[tilespmem:s10+$0x4430] =	vst v4  }
0x6d5: {  	v6 =	vadd.f32 v6, v40;
	v4 =	vld [tilespmem:s12+$0xAC30];
	_ =	sdelay $0x1  }
0x6d6: {  	v43 =	vld [tilespmem:s1+$0x5430];
	[tilespmem:s1+$0x4C30] =	vst v6  }
0x6d7: {  	v6 =	vld [tilespmem:s25+$0xAC30]  }
0x6d8: {  	v3 =	vadd.f32 v3, v42  }
0x6d9: {  	v45 =	vld [tilespmem:s30+$0x5C30];
	v4 =	vadd.f32 v4, v41  }
0x6da: {  	[tilespmem:s30+$0x5430] =	vst v3;
	v44 =	vld [tilespmem:s10+$0x5430]  }
0x6db: {  	v3 =	vld [tilespmem:s26+$0xCC30];
	[tilespmem:s10+$0x4C30] =	vst v4  }
0x6dc: {  	v6 =	vadd.f32 v6, v43;
	v4 =	vld [tilespmem:s5+$0xAC30];
	_ =	sdelay $0x1  }
0x6dd: {  	v46 =	vld [tilespmem:s1+$0x5C30];
	[tilespmem:s1+$0x5430] =	vst v6  }
0x6de: {  	v6 =	vld [tilespmem:s8+$0xCC30]  }
0x6df: {  	[tilespmem:s13+$0x5C30] =	vst v2;
	v3 =	vadd.f32 v3, v45  }
0x6e0: {  	v49 =	vld [tilespmem:s22+$0x9440];
	v4 =	vadd.f32 v4, v44  }
0x6e1: {  	v47 =	vld [tilespmem:s10+$0x5C30];
	[tilespmem:s30+$0x5C30] =	vst v3  }
0x6e2: {  	v3 =	vld [tilespmem:s31+$0x9440];
	[tilespmem:s10+$0x5430] =	vst v4  }
0x6e3: {  	v6 =	vadd.f32 v6, v46;
	v4 =	vld [tilespmem:s4+$0xCC30]  }
0x6e4: {  	v48 =	vld [tilespmem:s30+$0x4440]  }
0x6e5: {  	v50 =	vld [tilespmem:s1+$0x4440];
	[tilespmem:s1+$0x5C30] =	vst v6  }
0x6e6: {  	v6 =	vld [tilespmem:s2+$0x9440]  }
0x6e7: {  	v55 =	vld [tilespmem:s1+$0x4C40]  }
0x6e8: {  	v53 =	vld [tilespmem:s30+$0x4C40];
	v4 =	vadd.f32 v4, v47  }
0x6e9: {  	v1 =	vadd.f32 v49, v1;
	v51 =	vld [tilespmem:s10+$0x4440]  }
0x6ea: {  	v2 =	vadd.f32 v3, v48;
	v52 =	vld [tilespmem:s13+$0x4C40];
	[tilespmem:s10+$0x5C30] =	vst v4  }
0x6eb: {  	[tilespmem:s13+$0x4440] =	vst v1;
	v6 =	vadd.f32 v6, v50;
	v4 =	vld [tilespmem:s9+$0x9440]  }
0x6ec: {  	[tilespmem:s30+$0x4440] =	vst v2;
	v54 =	vld [tilespmem:s6+$0xAC40]  }
0x6ed: {  	v2 =	vld [tilespmem:s24+$0xAC40];
	[tilespmem:s1+$0x4440] =	vst v6  }
0x6ee: {  	v6 =	vld [tilespmem:s7+$0xAC40]  }
0x6ef: {  	v58 =	vld [tilespmem:s30+$0x5440]  }
0x6f0: {  	v59 =	vld [tilespmem:s1+$0x5440];
	v4 =	vadd.f32 v4, v51  }
0x6f1: {  	v56 =	vld [tilespmem:s10+$0x4C40];
	v3 =	vadd.f32 v54, v52  }
0x6f2: {  	v1 =	vadd.f32 v2, v53;
	v57 =	vld [tilespmem:s13+$0x5440];
	[tilespmem:s10+$0x4440] =	vst v4  }
0x6f3: {  	[tilespmem:s13+$0x4C40] =	vst v3;
	v6 =	vadd.f32 v6, v55;
	v4 =	vld [tilespmem:s12+$0xAC40]  }
0x6f4: {  	[tilespmem:s30+$0x4C40] =	vst v1;
	v3 =	vld [tilespmem:s21+$0xAC40]  }
0x6f5: {  	v1 =	vld [tilespmem:s0+$0xAC40];
	[tilespmem:s1+$0x4C40] =	vst v6  }
0x6f6: {  	v6 =	vld [tilespmem:s25+$0xAC40];
	_ =	sdelay $0x1  }
0x6f7: {  	v61 =	vld [tilespmem:s13+$0x5C40];
	v4 =	vadd.f32 v4, v56  }
0x6f8: {  	v62 =	vld [tilespmem:s30+$0x5C40];
	v3 =	vadd.f32 v3, v57  }
0x6f9: {  	v1 =	vadd.f32 v1, v58;
	v60 =	vld [tilespmem:s10+$0x5440];
	[tilespmem:s10+$0x4C40] =	vst v4  }
0x6fa: {  	[tilespmem:s13+$0x5440] =	vst v3;
	v6 =	vadd.f32 v6, v59;
	v4 =	vld [tilespmem:s5+$0xAC40]  }
0x6fb: {  	[tilespmem:s30+$0x5440] =	vst v1;
	v3 =	vld [tilespmem:s20+$0xCC40]  }
0x6fc: {  	v1 =	vld [tilespmem:s26+$0xCC40];
	[tilespmem:s1+$0x5440] =	vst v6  }
0x6fd: {  	v6 =	vld [tilespmem:s8+$0xCC40]  }
0x6fe: {  	v63 =	vld [tilespmem:s1+$0x5C40]  }
0x6ff: {  	v15 =	vld [tilespmem:s1+$0x4450];
	v4 =	vadd.f32 v4, v60  }
0x700: {  	v13 =	vld [tilespmem:s13+$0x4450];
	v3 =	vadd.f32 v3, v61  }
0x701: {  	v12 =	vld [tilespmem:s10+$0x5C40];
	v1 =	vadd.f32 v1, v62;
	[tilespmem:s10+$0x5440] =	vst v4  }
0x702: {  	[tilespmem:s13+$0x5C40] =	vst v3;
	v4 =	vld [tilespmem:s4+$0xCC40]  }
0x703: {  	[tilespmem:s30+$0x5C40] =	vst v1;
	v3 =	vld [tilespmem:s22+$0x9450];
	v6 =	vadd.f32 v6, v63  }
0x704: {  	v1 =	vld [tilespmem:s31+$0x9450]  }
0x705: {  	[tilespmem:s1+$0x5C40] =	vst v6;
	v14 =	vld [tilespmem:s30+$0x4450]  }
0x706: {  	v6 =	vld [tilespmem:s2+$0x9450]  }
0x707: {  	v18 =	vld [tilespmem:s30+$0x4C50];
	v4 =	vadd.f32 v4, v12  }
0x708: {  	v19 =	vld [tilespmem:s1+$0x4C50];
	v3 =	vadd.f32 v3, v13  }
0x709: {  	v16 =	vld [tilespmem:s10+$0x4450];
	[tilespmem:s10+$0x5C40] =	vst v4  }
0x70a: {  	[tilespmem:s13+$0x4450] =	vst v3;
	v1 =	vadd.f32 v1, v14;
	v4 =	vld [tilespmem:s9+$0x9450]  }
0x70b: {  	v3 =	vld [tilespmem:s6+$0xAC50];
	v6 =	vadd.f32 v6, v15  }
0x70c: {  	[tilespmem:s30+$0x4450] =	vst v1;
	v17 =	vld [tilespmem:s13+$0x4C50]  }
0x70d: {  	[tilespmem:s1+$0x4450] =	vst v6;
	v1 =	vld [tilespmem:s24+$0xAC50]  }
0x70e: {  	v6 =	vld [tilespmem:s7+$0xAC50]  }
0x70f: {  	v4 =	vadd.f32 v4, v16  }
0x710: {  	v21 =	vld [tilespmem:s13+$0x5450]  }
0x711: {  	v3 =	vadd.f32 v3, v17;
	v20 =	vld [tilespmem:s10+$0x4C50];
	[tilespmem:s10+$0x4450] =	vst v4  }
0x712: {  	v1 =	vadd.f32 v1, v18;
	v4 =	vld [tilespmem:s12+$0xAC50]  }
0x713: {  	v22 =	vld [tilespmem:s30+$0x5450];
	v6 =	vadd.f32 v6, v19;
	[tilespmem:s13+$0x4C50] =	vst v3  }
0x714: {  	[tilespmem:s30+$0x4C50] =	vst v1;
	v3 =	vld [tilespmem:s21+$0xAC50]  }
0x715: {  	[tilespmem:s1+$0x4C50] =	vst v6;
	v1 =	vld [tilespmem:s0+$0xAC50]  }
0x716: {  	v6 =	vld [tilespmem:s25+$0xAC50]  }
0x717: {  	v23 =	vld [tilespmem:s1+$0x5450];
	v4 =	vadd.f32 v4, v20  }
0x718: {  	v27 =	vld [tilespmem:s1+$0x5C50]  }
0x719: {  	v24 =	vld [tilespmem:s10+$0x5450];
	v3 =	vadd.f32 v3, v21;
	[tilespmem:s10+$0x4C50] =	vst v4  }
0x71a: {  	v1 =	vadd.f32 v1, v22;
	v4 =	vld [tilespmem:s5+$0xAC50]  }
0x71b: {  	v25 =	vld [tilespmem:s13+$0x5C50];
	[tilespmem:s13+$0x5450] =	vst v3  }
0x71c: {  	[tilespmem:s30+$0x5450] =	vst v1;
	v3 =	vld [tilespmem:s20+$0xCC50];
	v6 =	vadd.f32 v6, v23  }
0x71d: {  	v1 =	vld [tilespmem:s26+$0xCC50]  }
0x71e: {  	[tilespmem:s1+$0x5450] =	vst v6;
	v26 =	vld [tilespmem:s30+$0x5C50]  }
0x71f: {  	v6 =	vld [tilespmem:s8+$0xCC50];
	v4 =	vadd.f32 v4, v24  }
0x720: {  	v30 =	vld [tilespmem:s30+$0x4460]  }
0x721: {  	v28 =	vld [tilespmem:s10+$0x5C50];
	v3 =	vadd.f32 v3, v25;
	[tilespmem:s10+$0x5450] =	vst v4  }
0x722: {  	v4 =	vld [tilespmem:s4+$0xCC50]  }
0x723: {  	v31 =	vld [tilespmem:s1+$0x4460];
	[tilespmem:s13+$0x5C50] =	vst v3;
	v1 =	vadd.f32 v1, v26  }
0x724: {  	v3 =	vld [tilespmem:s22+$0x9460];
	v6 =	vadd.f32 v6, v27  }
0x725: {  	[tilespmem:s30+$0x5C50] =	vst v1;
	v29 =	vld [tilespmem:s13+$0x4460]  }
0x726: {  	[tilespmem:s1+$0x5C50] =	vst v6;
	v1 =	vld [tilespmem:s31+$0x9460]  }
0x727: {  	v6 =	vld [tilespmem:s2+$0x9460];
	v4 =	vadd.f32 v4, v28;
	_ =	sdelay $0x1  }
0x728: {  	v32 =	vld [tilespmem:s10+$0x4460];
	[tilespmem:s10+$0x5C50] =	vst v4  }
0x729: {  	v3 =	vadd.f32 v3, v29;
	v4 =	vld [tilespmem:s9+$0x9460]  }
0x72a: {  	v33 =	vld [tilespmem:s13+$0x4C60];
	v1 =	vadd.f32 v1, v30  }
0x72b: {  	v34 =	vld [tilespmem:s30+$0x4C60];
	v6 =	vadd.f32 v6, v31;
	[tilespmem:s13+$0x4460] =	vst v3  }
0x72c: {  	[tilespmem:s30+$0x4460] =	vst v1;
	v3 =	vld [tilespmem:s6+$0xAC60]  }
0x72d: {  	[tilespmem:s1+$0x4460] =	vst v6;
	v1 =	vld [tilespmem:s24+$0xAC60]  }
0x72e: {  	v6 =	vld [tilespmem:s7+$0xAC60];
	v4 =	vadd.f32 v4, v32  }
0x72f: {  	v35 =	vld [tilespmem:s1+$0x4C60]  }
0x730: {  	v36 =	vld [tilespmem:s10+$0x4C60];
	[tilespmem:s10+$0x4460] =	vst v4  }
0x731: {  	v3 =	vadd.f32 v3, v33;
	v4 =	vld [tilespmem:s12+$0xAC60]  }
0x732: {  	v39 =	vld [tilespmem:s1+$0x5460];
	v1 =	vadd.f32 v1, v34  }
0x733: {  	v37 =	vld [tilespmem:s13+$0x5460];
	[tilespmem:s13+$0x4C60] =	vst v3  }
0x734: {  	[tilespmem:s30+$0x4C60] =	vst v1;
	v3 =	vld [tilespmem:s21+$0xAC60];
	v6 =	vadd.f32 v6, v35  }
0x735: {  	v1 =	vld [tilespmem:s0+$0xAC60]  }
0x736: {  	[tilespmem:s1+$0x4C60] =	vst v6;
	v38 =	vld [tilespmem:s30+$0x5460];
	v4 =	vadd.f32 v4, v36  }
0x737: {  	v6 =	vld [tilespmem:s25+$0xAC60]  }
0x738: {  	v40 =	vld [tilespmem:s10+$0x5460];
	[tilespmem:s10+$0x4C60] =	vst v4  }
0x739: {  	v3 =	vadd.f32 v3, v37;
	v4 =	vld [tilespmem:s5+$0xAC60]  }
0x73a: {  	v42 =	vld [tilespmem:s30+$0x5C60]  }
0x73b: {  	v43 =	vld [tilespmem:s1+$0x5C60];
	[tilespmem:s13+$0x5460] =	vst v3;
	v1 =	vadd.f32 v1, v38  }
0x73c: {  	v3 =	vld [tilespmem:s20+$0xCC60];
	v6 =	vadd.f32 v6, v39  }
0x73d: {  	[tilespmem:s30+$0x5460] =	vst v1;
	v41 =	vld [tilespmem:s13+$0x5C60]  }
0x73e: {  	[tilespmem:s1+$0x5460] =	vst v6;
	v1 =	vld [tilespmem:s26+$0xCC60];
	v4 =	vadd.f32 v4, v40  }
0x73f: {  	v6 =	vld [tilespmem:s8+$0xCC60]  }
0x740: {  	v44 =	vld [tilespmem:s10+$0x5C60];
	[tilespmem:s10+$0x5460] =	vst v4  }
0x741: {  	v4 =	vld [tilespmem:s4+$0xCC60]  }
0x742: {  	v45 =	vld [tilespmem:s13+$0x4470];
	v3 =	vadd.f32 v3, v41  }
0x743: {  	v46 =	vld [tilespmem:s30+$0x4470];
	v1 =	vadd.f32 v1, v42  }
0x744: {  	v48 =	vld [tilespmem:s10+$0x4470];
	v6 =	vadd.f32 v6, v43;
	[tilespmem:s13+$0x5C60] =	vst v3  }
0x745: {  	[tilespmem:s30+$0x5C60] =	vst v1;
	v3 =	vld [tilespmem:s22+$0x9470]  }
0x746: {  	[tilespmem:s1+$0x5C60] =	vst v6;
	v1 =	vld [tilespmem:s31+$0x9470];
	v4 =	vadd.f32 v4, v44  }
0x747: {  	v6 =	vld [tilespmem:s2+$0x9470]  }
0x748: {  	v47 =	vld [tilespmem:s1+$0x4470];
	[tilespmem:s10+$0x5C60] =	vst v4  }
0x749: {  	v4 =	vld [tilespmem:s9+$0x9470]  }
0x74a: {  	v49 =	vld [tilespmem:s13+$0x4C70];
	v3 =	vadd.f32 v3, v45  }
0x74b: {  	v50 =	vld [tilespmem:s30+$0x4C70];
	v1 =	vadd.f32 v1, v46  }
0x74c: {  	v52 =	vld [tilespmem:s10+$0x4C70];
	[tilespmem:s13+$0x4470] =	vst v3  }
0x74d: {  	[tilespmem:s30+$0x4470] =	vst v1;
	v3 =	vld [tilespmem:s6+$0xAC70];
	v6 =	vadd.f32 v6, v47  }
0x74e: {  	v1 =	vld [tilespmem:s24+$0xAC70];
	v4 =	vadd.f32 v4, v48  }
0x74f: {  	[tilespmem:s1+$0x4470] =	vst v6;
	v51 =	vld [tilespmem:s1+$0x4C70]  }
0x750: {  	v6 =	vld [tilespmem:s7+$0xAC70];
	[tilespmem:s10+$0x4470] =	vst v4  }
0x751: {  	v4 =	vld [tilespmem:s12+$0xAC70]  }
0x752: {  	v53 =	vld [tilespmem:s13+$0x5470];
	v3 =	vadd.f32 v3, v49  }
0x753: {  	v54 =	vld [tilespmem:s30+$0x5470];
	v1 =	vadd.f32 v1, v50  }
0x754: {  	v55 =	vld [tilespmem:s1+$0x5470];
	[tilespmem:s13+$0x4C70] =	vst v3  }
0x755: {  	[tilespmem:s30+$0x4C70] =	vst v1;
	v3 =	vld [tilespmem:s21+$0xAC70];
	v6 =	vadd.f32 v6, v51  }
0x756: {  	v1 =	vld [tilespmem:s0+$0xAC70];
	v4 =	vadd.f32 v4, v52  }
0x757: {  	[tilespmem:s1+$0x4C70] =	vst v6;
	v56 =	vld [tilespmem:s10+$0x5470]  }
0x758: {  	v6 =	vld [tilespmem:s25+$0xAC70];
	[tilespmem:s10+$0x4C70] =	vst v4  }
0x759: {  	v4 =	vld [tilespmem:s5+$0xAC70]  }
0x75a: {  	v58 =	vld [tilespmem:s30+$0x5C70];
	v3 =	vadd.f32 v3, v53  }
0x75b: {  	v57 =	vld [tilespmem:s13+$0x5C70];
	v1 =	vadd.f32 v1, v54  }
0x75c: {  	v59 =	vld [tilespmem:s1+$0x5C70];
	[tilespmem:s13+$0x5470] =	vst v3  }
0x75d: {  	[tilespmem:s30+$0x5470] =	vst v1;
	v3 =	vld [tilespmem:s20+$0xCC70];
	v6 =	vadd.f32 v6, v55  }
0x75e: {  	v1 =	vld [tilespmem:s26+$0xCC70];
	v4 =	vadd.f32 v4, v56  }
0x75f: {  	[tilespmem:s1+$0x5470] =	vst v6;
	v60 =	vld [tilespmem:s10+$0x5C70]  }
0x760: {  	v6 =	vld [tilespmem:s8+$0xCC70];
	[tilespmem:s10+$0x5470] =	vst v4  }
0x761: {  	v4 =	vld [tilespmem:s4+$0xCC70];
	_ =	sdelay $0x1  }
0x762: {  	v3 =	vadd.f32 v3, v57  }
0x763: {  	[tilespmem:s3+$0x5C70] =	vst v0;
	v61 =	vadd.f32 v1, v58  }
0x764: {  	[tilespmem:s13+$0x5C70] =	vst v3;
	v62 =	vadd.f32 v6, v59  }
0x765: {  	[tilespmem:s30+$0x5C70] =	vst v61;
	v63 =	vadd.f32 v4, v60  }
0x766: {  	[tilespmem:s1+$0x5C70] =	vst v62  }
0x767: {  	s23 =	rddreg [dreg:$0x5];
	[tilespmem:s10+$0x5C70] =	vst v63  }
0x768: {  	s1 =	rddreg [dreg:$0x1a]  }
0x769: {  	s25 =	rddreg [dreg:$0x19]  }
0x76a: {  	s16 =	sadd.s32 $0x1000, s16;
	s26 =	rddreg [dreg:$0x18]  }
0x76b: {  	s28 =	rddreg [dreg:$0x17];
	s0 =	sadd.s32 s23, s1;
	s1 =	sadd.s32 $0x1, s25  }
0x76c: {  	s3 =	simm.s32 $0x4000;
	s29 =	rddreg [dreg:$0x16];
	p0 =	sne.s32 s1, $0x10  }
.Ltmp2:
0x76d: {  	s24 =	simm.s32 $0x0;
	s30 =	rddreg [dreg:$0x15];
	(pc) =	sbr.rel @p0 .LBB2_2-.Ltmp2, $4  }
0x76e: {  	[hbm4b:s0+s24] =	stream.linear.scatter [tilespmem:s3], [sflag:$0x5], $0x4000, $0x38;
	[tilespmem:$0x1C800] =	vst v63  }
0x76f: {  	s19 =	sadd.s32 $0x1000, s19;
	s31 =	rddreg [dreg:$0x14];
	s0 =	sadd.s32 $0x2000, s30  }
0x770: {  	s7 =	sadd.s32 $0x2000, s26;
	[dreg:$0x15] =	wrdreg s0;
	s0 =	sadd.s32 $0x20, s31  }
0x771: {  	s5 =	sadd.s32 $0x20, s28;
	s4 =	sadd.s32 $0x4000, s29;
	[dreg:$0x14] =	wrdreg s0  }
0x772: {  	s0 =	simm.s32 $0x4  }
0x773: {  	_ =	swait.ge [sflag:s0], $0x4000  }
0x774: {  	[sflag:s0] =	ssyncset.done $0x0  }
0x775: {  	s1 =	simm.s32 $0x5;
	[sflag:s0] =	ssyncadd.s32 $0xFFFFC000  }
0x776: {  	_ =	swait.ge [sflag:s1], $0x4000  }
0x777: {  	s2 =	rddreg [dreg:$0x13]  }
0x778: {  	s31 =	rddreg [dreg:$0xc];
	s2 =	sadd.s32 $0x1, s2  }
0x779: {  	p0 =	sne.s32 s2, s31  }
.Ltmp3:
0x77a: {  	_ = 	snop;
	(pc) =	sbr.rel @p0 .LBB2_1-.Ltmp3, $3  }
0x77b: {  	_ =	sdelay $0x1  }
0x77c: {  	[sflag:s1] =	ssyncset.done $0x0  }
0x77d: {  	[sflag:s1] =	ssyncadd.s32 $0xFFFFC000  }
0x77e: {  	_ =	sfence.sel $0x180000  }
0x77f: {  	[bflag:$0x0] =	sbarrier.arrive $0xFFFF  }
0x780: {  	_ =	strace $0x90000047  }
0x781: {  	s0 =	stileid.u32;
	[bflag:$0x2] =	sbarrier.arrive $0xFFFF  }
0x782: {  	p0 =	sne.s32 s0, $0x0;
	s0 =	rddreg [dreg:$0x6]  }
0x783: {  	s0 =	sadd.s32 @!p0 $0x100000, s0  }
0x784: {  	[sflag:s0] =	ssyncadd.tile.s32 @!p0 $0x1;
	_ =	shalt  }
.Lfunc_end2:
_tile_overlayer_lowered:
.L_overlay_start_2:
0x785: {  	(tag) =	ssettag $0x2  }
0x786: {  	s0 =	rddreg [dreg:$0x0];
	s2 =	stileid.u32  }
0x787: {  	s1 =	rddreg [dreg:$0x1];
	p0 =	sne.s32 s2, $0x0  }
0x788: {  	s3 =	rddreg [dreg:$0x2];
	[bflag:$0x3] =	sbarrier.arrive $0xFFFF;
	s2 =	simm.s32 @!p0 $0x1C06  }
0x789: {  	[timem:s3], [sflag:s2] =	dma.local @!p0 [hbm:s0], s1  }
0x78a: {  	s0 =	simm.s32 @!p0 $0x6  }
0x78b: {  	_ =	swait.ge @!p0 [sflag:s0], s1  }
0x78c: {  	s1 =	ssub.s32 @!p0 $0x0, s1;
	[sflag:s0] =	ssyncset.done @!p0 $0x0  }
0x78d: {  	[sflag:s0] =	ssyncadd.s32 @!p0 s1  }
0x78e: {  	[bflag:$0x3] =	sbarrier.arrive $0xFFFF  }
0x78f: {  	_ =	shalt  }

</sc_bundles>
